<compile_context>
chip_gen: v7x
topology: tpu7x:2x2x1
jax: 0.10.2.dev20260603
libtpu: 0.0.44.dev20260713+nightly
codegen_flags: <defaults>
</compile_context>

<pallas_src>
import functools

import jax
import jax.numpy as jnp
from jax import lax
from jax.experimental import pallas as pl
from jax.experimental.pallas import tpu as pltpu
from jax.experimental.pallas import tpu_sc as plsc

NC = 2
NS = 16
NW = NC * NS

IDX_ROW = 512
CHUNK_ROWS = 1
CHUNK = IDX_ROW * CHUNK_ROWS
CBLK = CHUNK // 128


def _gather_body(table_hbm, idx_hbm, out_hbm,
                 idx_v, rows_v, tbuf, isem0, isem1, gsem0, gsem1,
                 osem0, osem1):
    D = table_hbm.shape[1]
    n_rows = idx_hbm.shape[0]
    rows_per_w = n_rows // NW
    chunks = rows_per_w // CHUNK_ROWS
    isems = (isem0, isem1)
    gsems = (gsem0, gsem1)
    osems = (osem0, osem1)

    wid = lax.axis_index("s") * NC + lax.axis_index("c")
    row0 = wid * rows_per_w
    iota16 = lax.iota(jnp.int32, 16)

    def idx_dma(c, b):
        pltpu.async_copy(
            idx_hbm.at[pl.ds(row0 + c * CHUNK_ROWS, CHUNK_ROWS)],
            idx_v.at[b], isems[b])

    def idx_start(c, b):
        @pl.when(c < chunks)
        def _():
            idx_dma(c, b)

    def idx_wait(b):
        pltpu.make_async_copy(
            idx_hbm.at[pl.ds(0, CHUNK_ROWS)], idx_v.at[b], isems[b]).wait()

    def fire_gathers(b):
        for j in range(CHUNK_ROWS):
            pltpu.async_copy(
                table_hbm.at[idx_v.at[b].at[j]],
                rows_v.at[b].at[pl.ds(j * IDX_ROW, IDX_ROW)], gsems[b])

    def wait_gathers(b):
        for j in range(CHUNK_ROWS):
            pltpu.make_async_copy(
                table_hbm.at[idx_v.at[b].at[j]],
                rows_v.at[b].at[pl.ds(j * IDX_ROW, IDX_ROW)], gsems[b]).wait()

    dcolv, octv, subv = [], [], []
    for c0 in (0, 16):
        for d0 in range(16):
            dc = lax.bitwise_and(iota16 + d0, 15) + c0
            dcolv.append(dc)
            octv.append(lax.shift_right_logical(dc, 3))
            subv.append(lax.bitwise_and(dc, 7))

    def transpose(b, tp):
        rows_buf = rows_v.at[b]
        tdst = tbuf.at[tp]

        def q_body(q, carry):
            cc = lax.shift_right_logical(q, 3)
            ccv = jnp.full((16,), 0, jnp.int32) + cc
            lvec = iota16 + 16 * lax.bitwise_and(q, 7)
            ivec = lvec + cc * 128
            for t in range(2 * 16):
                v = plsc.load_gather(rows_buf, [ivec, dcolv[t]])
                plsc.store_scatter(tdst, [octv[t], ccv, subv[t], lvec], v)
            return carry

        lax.fori_loop(0, CBLK * 8, q_body, 0)

    def out_pos(c):
        p0 = row0 * IDX_ROW + c * CHUNK
        jcol = lax.shift_right_logical(p0, 14)
        cblk = lax.shift_right_logical(
            lax.bitwise_and(p0, 16383), 7)
        return jcol, cblk

    def wb_start(c, tp):
        jcol, cblk = out_pos(c)
        pltpu.async_copy(
            tbuf.at[tp], out_hbm.at[jcol].at[:, pl.ds(cblk, CBLK)],
            osems[tp])

    def wb_wait(tp):
        pltpu.make_async_copy(
            tbuf.at[tp], out_hbm.at[0].at[:, pl.ds(0, CBLK)],
            osems[tp]).wait()

    idx_dma(0, 0)
    idx_dma(1, 1)
    idx_wait(0)
    fire_gathers(0)
    idx_wait(1)
    fire_gathers(1)
    wait_gathers(0)
    idx_start(2, 0)
    transpose(0, 0)
    wb_start(0, 0)

    def step(g, carry):
        for b in (0, 1):
            c = g * 2 + b
            idx_wait(b)
            fire_gathers(b)
            wait_gathers(1 - b)
            idx_start(c + 1, 1 - b)
            if b == 0:
                @pl.when(g >= 2)
                def _():
                    wb_wait(1)
            else:
                wb_wait(0)
            transpose(1 - b, 1 - b)
            wb_start(c - 1, 1 - b)
        return carry

    lax.fori_loop(1, chunks // 2, step, 0)

    wait_gathers(1)
    wb_wait(1)
    transpose(1, 1)
    wb_start(chunks - 1, 1)
    wb_wait(0)
    wb_wait(1)


@functools.partial(jax.jit, static_argnames=())
def kernel(input, embeddings):
    n_i, n_j = input.shape
    D = embeddings.shape[1]
    flat_idx = input.T.reshape(-1).astype(jnp.int32)
    B = flat_idx.shape[0]
    idx2d = flat_idx.reshape(B // IDX_ROW, IDX_ROW)

    mesh = plsc.VectorSubcoreMesh(
        core_axis_name="c", subcore_axis_name="s",
        num_cores=NC, num_subcores=NS,
    )
    out5 = pl.kernel(
        _gather_body,
        out_type=jax.ShapeDtypeStruct(
            (n_j, D // 8, n_i // 128, 8, 128), jnp.float32),
        mesh=mesh,
        scratch_types=[
            pltpu.VMEM((2, CHUNK_ROWS, IDX_ROW), jnp.int32),
            pltpu.VMEM((2, CHUNK, D), jnp.float32),
            pltpu.VMEM((2, D // 8, CBLK, 8, 128), jnp.float32),
            pltpu.SemaphoreType.DMA,
            pltpu.SemaphoreType.DMA,
            pltpu.SemaphoreType.DMA,
            pltpu.SemaphoreType.DMA,
            pltpu.SemaphoreType.DMA,
            pltpu.SemaphoreType.DMA,
        ],
        compiler_params=pltpu.CompilerParams(
            use_tc_tiling_on_sc=False, needs_layout_passes=False),
    )(embeddings, idx2d)
    return out5.transpose(2, 4, 0, 1, 3).reshape(n_i, n_j, D)

# --- scband reference (transcript-rebuilt; emitter-appended) ---
"""Pipeline reference for scband-embedding-8787503088080 (READ-ONLY COPY).

The authoritative reference and input builder live on the scoring server;
editing this copy changes nothing except your own understanding.
"""

import jax, jax.numpy as jnp
import numpy as np

NUM_EMBEDDINGS = 1000000
EMBEDDING_DIM = 32

def setup_inputs(seed: int = 0) -> dict:
    key = jax.random.key(seed)
    k_idx, k_w = jax.random.split(key)
    input_ids = jax.random.randint(k_idx, (16384, 50), 0, NUM_EMBEDDINGS, dtype=jnp.int64 if jax.config.jax_enable_x64 else jnp.int32)
    # trunc_normal init: mean=0, std=1, clipped to [-3, 3]
    w = jax.random.truncated_normal(k_w, -3.0, 3.0, (NUM_EMBEDDINGS, EMBEDDING_DIM), dtype=jnp.float32)
    return {"input": input_ids, "embeddings": w}

def reference(input, embeddings):
    # Faithful translation of: return self.embeddings[input]
    return jnp.take(embeddings, input, axis=0)

if __name__ == "__main__":
    import jax
    _d = setup_inputs()
    print(jax.jit(kernel)(*tuple(_d.values())))

</pallas_src>

<mosaic_0001>
#map = affine_map<(d0, d1) -> (0, 0)>
#map1 = affine_map<(d0, d1) -> (0, 0, 0, 0, 0)>
module attributes {stable_mosaic.version = 14 : i64} {
  func.func @_gather_body(%arg0: i32, %arg1: i32, %arg2: memref<1000000x32xf32, #tpu.memory_space<hbm>>, %arg3: memref<1600x512xi32, #tpu.memory_space<hbm>>, %arg4: memref<50x4x128x8x128xf32, #tpu.memory_space<hbm>>, %arg5: memref<2x1x512xi32, #tpu.memory_space<vmem>>, %arg6: memref<2x512x32xf32, #tpu.memory_space<vmem>>, %arg7: memref<2x4x4x8x128xf32, #tpu.memory_space<vmem>>, %arg8: memref<!tpu.dma_semaphore, #tpu.memory_space<semaphore_mem>>, %arg9: memref<!tpu.dma_semaphore, #tpu.memory_space<semaphore_mem>>, %arg10: memref<!tpu.dma_semaphore, #tpu.memory_space<semaphore_mem>>, %arg11: memref<!tpu.dma_semaphore, #tpu.memory_space<semaphore_mem>>, %arg12: memref<!tpu.dma_semaphore, #tpu.memory_space<semaphore_mem>>, %arg13: memref<!tpu.dma_semaphore, #tpu.memory_space<semaphore_mem>>) attributes {dimension_semantics = [#tpu.dimension_semantics<core_parallel>, #tpu.dimension_semantics<subcore_parallel>], iteration_bounds = array<i64: 2, 16>, scalar_prefetch = 0 : i64, scratch_operands = 9 : i64, tpu.core_type = #tpu.core_type<sc_vector_subcore>, window_params = [{transform_indices = #map}, {transform_indices = #map}, {transform_indices = #map1}]} {
    %mul3A = arith.constant 2 : i32
    %mul3A_0 = arith.muli %arg1, %mul3A : i32
    %add3A = arith.addi %mul3A_0, %arg0 : i32
    %mul3A_1 = arith.constant 50 : i32
    %mul3A_2 = arith.muli %add3A, %mul3A_1 : i32
    %iota3A = tpu.iota {dimensions = array<i32: 0>} : vector<16xi32>
    %add3A_3 = arith.constant 0 : i32
    %add3A_4 = vector.broadcast %add3A_3 : i32 to vector<16xi32>
    %add3A_5 = arith.addi %iota3A, %add3A_4 : vector<16xi32>
    %and3A = arith.constant 15 : i32
    %and3A_6 = vector.broadcast %and3A : i32 to vector<16xi32>
    %and3A_7 = arith.andi %add3A_5, %and3A_6 : vector<16xi32>
    %add3A_8 = arith.constant 0 : i32
    %add3A_9 = vector.broadcast %add3A_8 : i32 to vector<16xi32>
    %add3A_10 = arith.addi %and3A_7, %add3A_9 : vector<16xi32>
    %shift_right_logical3A = arith.constant 3 : i32
    %shift_right_logical3A_11 = vector.broadcast %shift_right_logical3A : i32 to vector<16xi32>
    %shift_right_logical3A_12 = arith.shrui %add3A_10, %shift_right_logical3A_11 : vector<16xi32>
    %and3A_13 = arith.constant 7 : i32
    %and3A_14 = vector.broadcast %and3A_13 : i32 to vector<16xi32>
    %and3A_15 = arith.andi %add3A_10, %and3A_14 : vector<16xi32>
    %add3A_16 = arith.constant 1 : i32
    %add3A_17 = vector.broadcast %add3A_16 : i32 to vector<16xi32>
    %add3A_18 = arith.addi %iota3A, %add3A_17 : vector<16xi32>
    %and3A_19 = arith.constant 15 : i32
    %and3A_20 = vector.broadcast %and3A_19 : i32 to vector<16xi32>
    %and3A_21 = arith.andi %add3A_18, %and3A_20 : vector<16xi32>
    %add3A_22 = arith.constant 0 : i32
    %add3A_23 = vector.broadcast %add3A_22 : i32 to vector<16xi32>
    %add3A_24 = arith.addi %and3A_21, %add3A_23 : vector<16xi32>
    %shift_right_logical3A_25 = arith.constant 3 : i32
    %shift_right_logical3A_26 = vector.broadcast %shift_right_logical3A_25 : i32 to vector<16xi32>
    %shift_right_logical3A_27 = arith.shrui %add3A_24, %shift_right_logical3A_26 : vector<16xi32>
    %and3A_28 = arith.constant 7 : i32
    %and3A_29 = vector.broadcast %and3A_28 : i32 to vector<16xi32>
    %and3A_30 = arith.andi %add3A_24, %and3A_29 : vector<16xi32>
    %add3A_31 = arith.constant 2 : i32
    %add3A_32 = vector.broadcast %add3A_31 : i32 to vector<16xi32>
    %add3A_33 = arith.addi %iota3A, %add3A_32 : vector<16xi32>
    %and3A_34 = arith.constant 15 : i32
    %and3A_35 = vector.broadcast %and3A_34 : i32 to vector<16xi32>
    %and3A_36 = arith.andi %add3A_33, %and3A_35 : vector<16xi32>
    %add3A_37 = arith.constant 0 : i32
    %add3A_38 = vector.broadcast %add3A_37 : i32 to vector<16xi32>
    %add3A_39 = arith.addi %and3A_36, %add3A_38 : vector<16xi32>
    %shift_right_logical3A_40 = arith.constant 3 : i32
    %shift_right_logical3A_41 = vector.broadcast %shift_right_logical3A_40 : i32 to vector<16xi32>
    %shift_right_logical3A_42 = arith.shrui %add3A_39, %shift_right_logical3A_41 : vector<16xi32>
    %and3A_43 = arith.constant 7 : i32
    %and3A_44 = vector.broadcast %and3A_43 : i32 to vector<16xi32>
    %and3A_45 = arith.andi %add3A_39, %and3A_44 : vector<16xi32>
    %add3A_46 = arith.constant 3 : i32
    %add3A_47 = vector.broadcast %add3A_46 : i32 to vector<16xi32>
    %add3A_48 = arith.addi %iota3A, %add3A_47 : vector<16xi32>
    %and3A_49 = arith.constant 15 : i32
    %and3A_50 = vector.broadcast %and3A_49 : i32 to vector<16xi32>
    %and3A_51 = arith.andi %add3A_48, %and3A_50 : vector<16xi32>
    %add3A_52 = arith.constant 0 : i32
    %add3A_53 = vector.broadcast %add3A_52 : i32 to vector<16xi32>
    %add3A_54 = arith.addi %and3A_51, %add3A_53 : vector<16xi32>
    %shift_right_logical3A_55 = arith.constant 3 : i32
    %shift_right_logical3A_56 = vector.broadcast %shift_right_logical3A_55 : i32 to vector<16xi32>
    %shift_right_logical3A_57 = arith.shrui %add3A_54, %shift_right_logical3A_56 : vector<16xi32>
    %and3A_58 = arith.constant 7 : i32
    %and3A_59 = vector.broadcast %and3A_58 : i32 to vector<16xi32>
    %and3A_60 = arith.andi %add3A_54, %and3A_59 : vector<16xi32>
    %add3A_61 = arith.constant 4 : i32
    %add3A_62 = vector.broadcast %add3A_61 : i32 to vector<16xi32>
    %add3A_63 = arith.addi %iota3A, %add3A_62 : vector<16xi32>
    %and3A_64 = arith.constant 15 : i32
    %and3A_65 = vector.broadcast %and3A_64 : i32 to vector<16xi32>
    %and3A_66 = arith.andi %add3A_63, %and3A_65 : vector<16xi32>
    %add3A_67 = arith.constant 0 : i32
    %add3A_68 = vector.broadcast %add3A_67 : i32 to vector<16xi32>
    %add3A_69 = arith.addi %and3A_66, %add3A_68 : vector<16xi32>
    %shift_right_logical3A_70 = arith.constant 3 : i32
    %shift_right_logical3A_71 = vector.broadcast %shift_right_logical3A_70 : i32 to vector<16xi32>
    %shift_right_logical3A_72 = arith.shrui %add3A_69, %shift_right_logical3A_71 : vector<16xi32>
    %and3A_73 = arith.constant 7 : i32
    %and3A_74 = vector.broadcast %and3A_73 : i32 to vector<16xi32>
    %and3A_75 = arith.andi %add3A_69, %and3A_74 : vector<16xi32>
    %add3A_76 = arith.constant 5 : i32
    %add3A_77 = vector.broadcast %add3A_76 : i32 to vector<16xi32>
    %add3A_78 = arith.addi %iota3A, %add3A_77 : vector<16xi32>
    %and3A_79 = arith.constant 15 : i32
    %and3A_80 = vector.broadcast %and3A_79 : i32 to vector<16xi32>
    %and3A_81 = arith.andi %add3A_78, %and3A_80 : vector<16xi32>
    %add3A_82 = arith.constant 0 : i32
    %add3A_83 = vector.broadcast %add3A_82 : i32 to vector<16xi32>
    %add3A_84 = arith.addi %and3A_81, %add3A_83 : vector<16xi32>
    %shift_right_logical3A_85 = arith.constant 3 : i32
    %shift_right_logical3A_86 = vector.broadcast %shift_right_logical3A_85 : i32 to vector<16xi32>
    %shift_right_logical3A_87 = arith.shrui %add3A_84, %shift_right_logical3A_86 : vector<16xi32>
    %and3A_88 = arith.constant 7 : i32
    %and3A_89 = vector.broadcast %and3A_88 : i32 to vector<16xi32>
    %and3A_90 = arith.andi %add3A_84, %and3A_89 : vector<16xi32>
    %add3A_91 = arith.constant 6 : i32
    %add3A_92 = vector.broadcast %add3A_91 : i32 to vector<16xi32>
    %add3A_93 = arith.addi %iota3A, %add3A_92 : vector<16xi32>
    %and3A_94 = arith.constant 15 : i32
    %and3A_95 = vector.broadcast %and3A_94 : i32 to vector<16xi32>
    %and3A_96 = arith.andi %add3A_93, %and3A_95 : vector<16xi32>
    %add3A_97 = arith.constant 0 : i32
    %add3A_98 = vector.broadcast %add3A_97 : i32 to vector<16xi32>
    %add3A_99 = arith.addi %and3A_96, %add3A_98 : vector<16xi32>
    %shift_right_logical3A_100 = arith.constant 3 : i32
    %shift_right_logical3A_101 = vector.broadcast %shift_right_logical3A_100 : i32 to vector<16xi32>
    %shift_right_logical3A_102 = arith.shrui %add3A_99, %shift_right_logical3A_101 : vector<16xi32>
    %and3A_103 = arith.constant 7 : i32
    %and3A_104 = vector.broadcast %and3A_103 : i32 to vector<16xi32>
    %and3A_105 = arith.andi %add3A_99, %and3A_104 : vector<16xi32>
    %add3A_106 = arith.constant 7 : i32
    %add3A_107 = vector.broadcast %add3A_106 : i32 to vector<16xi32>
    %add3A_108 = arith.addi %iota3A, %add3A_107 : vector<16xi32>
    %and3A_109 = arith.constant 15 : i32
    %and3A_110 = vector.broadcast %and3A_109 : i32 to vector<16xi32>
    %and3A_111 = arith.andi %add3A_108, %and3A_110 : vector<16xi32>
    %add3A_112 = arith.constant 0 : i32
    %add3A_113 = vector.broadcast %add3A_112 : i32 to vector<16xi32>
    %add3A_114 = arith.addi %and3A_111, %add3A_113 : vector<16xi32>
    %shift_right_logical3A_115 = arith.constant 3 : i32
    %shift_right_logical3A_116 = vector.broadcast %shift_right_logical3A_115 : i32 to vector<16xi32>
    %shift_right_logical3A_117 = arith.shrui %add3A_114, %shift_right_logical3A_116 : vector<16xi32>
    %and3A_118 = arith.constant 7 : i32
    %and3A_119 = vector.broadcast %and3A_118 : i32 to vector<16xi32>
    %and3A_120 = arith.andi %add3A_114, %and3A_119 : vector<16xi32>
    %add3A_121 = arith.constant 8 : i32
    %add3A_122 = vector.broadcast %add3A_121 : i32 to vector<16xi32>
    %add3A_123 = arith.addi %iota3A, %add3A_122 : vector<16xi32>
    %and3A_124 = arith.constant 15 : i32
    %and3A_125 = vector.broadcast %and3A_124 : i32 to vector<16xi32>
    %and3A_126 = arith.andi %add3A_123, %and3A_125 : vector<16xi32>
    %add3A_127 = arith.constant 0 : i32
    %add3A_128 = vector.broadcast %add3A_127 : i32 to vector<16xi32>
    %add3A_129 = arith.addi %and3A_126, %add3A_128 : vector<16xi32>
    %shift_right_logical3A_130 = arith.constant 3 : i32
    %shift_right_logical3A_131 = vector.broadcast %shift_right_logical3A_130 : i32 to vector<16xi32>
    %shift_right_logical3A_132 = arith.shrui %add3A_129, %shift_right_logical3A_131 : vector<16xi32>
    %and3A_133 = arith.constant 7 : i32
    %and3A_134 = vector.broadcast %and3A_133 : i32 to vector<16xi32>
    %and3A_135 = arith.andi %add3A_129, %and3A_134 : vector<16xi32>
    %add3A_136 = arith.constant 9 : i32
    %add3A_137 = vector.broadcast %add3A_136 : i32 to vector<16xi32>
    %add3A_138 = arith.addi %iota3A, %add3A_137 : vector<16xi32>
    %and3A_139 = arith.constant 15 : i32
    %and3A_140 = vector.broadcast %and3A_139 : i32 to vector<16xi32>
    %and3A_141 = arith.andi %add3A_138, %and3A_140 : vector<16xi32>
    %add3A_142 = arith.constant 0 : i32
    %add3A_143 = vector.broadcast %add3A_142 : i32 to vector<16xi32>
    %add3A_144 = arith.addi %and3A_141, %add3A_143 : vector<16xi32>
    %shift_right_logical3A_145 = arith.constant 3 : i32
    %shift_right_logical3A_146 = vector.broadcast %shift_right_logical3A_145 : i32 to vector<16xi32>
    %shift_right_logical3A_147 = arith.shrui %add3A_144, %shift_right_logical3A_146 : vector<16xi32>
    %and3A_148 = arith.constant 7 : i32
    %and3A_149 = vector.broadcast %and3A_148 : i32 to vector<16xi32>
    %and3A_150 = arith.andi %add3A_144, %and3A_149 : vector<16xi32>
    %add3A_151 = arith.constant 10 : i32
    %add3A_152 = vector.broadcast %add3A_151 : i32 to vector<16xi32>
    %add3A_153 = arith.addi %iota3A, %add3A_152 : vector<16xi32>
    %and3A_154 = arith.constant 15 : i32
    %and3A_155 = vector.broadcast %and3A_154 : i32 to vector<16xi32>
    %and3A_156 = arith.andi %add3A_153, %and3A_155 : vector<16xi32>
    %add3A_157 = arith.constant 0 : i32
    %add3A_158 = vector.broadcast %add3A_157 : i32 to vector<16xi32>
    %add3A_159 = arith.addi %and3A_156, %add3A_158 : vector<16xi32>
    %shift_right_logical3A_160 = arith.constant 3 : i32
    %shift_right_logical3A_161 = vector.broadcast %shift_right_logical3A_160 : i32 to vector<16xi32>
    %shift_right_logical3A_162 = arith.shrui %add3A_159, %shift_right_logical3A_161 : vector<16xi32>
    %and3A_163 = arith.constant 7 : i32
    %and3A_164 = vector.broadcast %and3A_163 : i32 to vector<16xi32>
    %and3A_165 = arith.andi %add3A_159, %and3A_164 : vector<16xi32>
    %add3A_166 = arith.constant 11 : i32
    %add3A_167 = vector.broadcast %add3A_166 : i32 to vector<16xi32>
    %add3A_168 = arith.addi %iota3A, %add3A_167 : vector<16xi32>
    %and3A_169 = arith.constant 15 : i32
    %and3A_170 = vector.broadcast %and3A_169 : i32 to vector<16xi32>
    %and3A_171 = arith.andi %add3A_168, %and3A_170 : vector<16xi32>
    %add3A_172 = arith.constant 0 : i32
    %add3A_173 = vector.broadcast %add3A_172 : i32 to vector<16xi32>
    %add3A_174 = arith.addi %and3A_171, %add3A_173 : vector<16xi32>
    %shift_right_logical3A_175 = arith.constant 3 : i32
    %shift_right_logical3A_176 = vector.broadcast %shift_right_logical3A_175 : i32 to vector<16xi32>
    %shift_right_logical3A_177 = arith.shrui %add3A_174, %shift_right_logical3A_176 : vector<16xi32>
    %and3A_178 = arith.constant 7 : i32
    %and3A_179 = vector.broadcast %and3A_178 : i32 to vector<16xi32>
    %and3A_180 = arith.andi %add3A_174, %and3A_179 : vector<16xi32>
    %add3A_181 = arith.constant 12 : i32
    %add3A_182 = vector.broadcast %add3A_181 : i32 to vector<16xi32>
    %add3A_183 = arith.addi %iota3A, %add3A_182 : vector<16xi32>
    %and3A_184 = arith.constant 15 : i32
    %and3A_185 = vector.broadcast %and3A_184 : i32 to vector<16xi32>
    %and3A_186 = arith.andi %add3A_183, %and3A_185 : vector<16xi32>
    %add3A_187 = arith.constant 0 : i32
    %add3A_188 = vector.broadcast %add3A_187 : i32 to vector<16xi32>
    %add3A_189 = arith.addi %and3A_186, %add3A_188 : vector<16xi32>
    %shift_right_logical3A_190 = arith.constant 3 : i32
    %shift_right_logical3A_191 = vector.broadcast %shift_right_logical3A_190 : i32 to vector<16xi32>
    %shift_right_logical3A_192 = arith.shrui %add3A_189, %shift_right_logical3A_191 : vector<16xi32>
    %and3A_193 = arith.constant 7 : i32
    %and3A_194 = vector.broadcast %and3A_193 : i32 to vector<16xi32>
    %and3A_195 = arith.andi %add3A_189, %and3A_194 : vector<16xi32>
    %add3A_196 = arith.constant 13 : i32
    %add3A_197 = vector.broadcast %add3A_196 : i32 to vector<16xi32>
    %add3A_198 = arith.addi %iota3A, %add3A_197 : vector<16xi32>
    %and3A_199 = arith.constant 15 : i32
    %and3A_200 = vector.broadcast %and3A_199 : i32 to vector<16xi32>
    %and3A_201 = arith.andi %add3A_198, %and3A_200 : vector<16xi32>
    %add3A_202 = arith.constant 0 : i32
    %add3A_203 = vector.broadcast %add3A_202 : i32 to vector<16xi32>
    %add3A_204 = arith.addi %and3A_201, %add3A_203 : vector<16xi32>
    %shift_right_logical3A_205 = arith.constant 3 : i32
    %shift_right_logical3A_206 = vector.broadcast %shift_right_logical3A_205 : i32 to vector<16xi32>
    %shift_right_logical3A_207 = arith.shrui %add3A_204, %shift_right_logical3A_206 : vector<16xi32>
    %and3A_208 = arith.constant 7 : i32
    %and3A_209 = vector.broadcast %and3A_208 : i32 to vector<16xi32>
    %and3A_210 = arith.andi %add3A_204, %and3A_209 : vector<16xi32>
    %add3A_211 = arith.constant 14 : i32
    %add3A_212 = vector.broadcast %add3A_211 : i32 to vector<16xi32>
    %add3A_213 = arith.addi %iota3A, %add3A_212 : vector<16xi32>
    %and3A_214 = arith.constant 15 : i32
    %and3A_215 = vector.broadcast %and3A_214 : i32 to vector<16xi32>
    %and3A_216 = arith.andi %add3A_213, %and3A_215 : vector<16xi32>
    %add3A_217 = arith.constant 0 : i32
    %add3A_218 = vector.broadcast %add3A_217 : i32 to vector<16xi32>
    %add3A_219 = arith.addi %and3A_216, %add3A_218 : vector<16xi32>
    %shift_right_logical3A_220 = arith.constant 3 : i32
    %shift_right_logical3A_221 = vector.broadcast %shift_right_logical3A_220 : i32 to vector<16xi32>
    %shift_right_logical3A_222 = arith.shrui %add3A_219, %shift_right_logical3A_221 : vector<16xi32>
    %and3A_223 = arith.constant 7 : i32
    %and3A_224 = vector.broadcast %and3A_223 : i32 to vector<16xi32>
    %and3A_225 = arith.andi %add3A_219, %and3A_224 : vector<16xi32>
    %add3A_226 = arith.constant 15 : i32
    %add3A_227 = vector.broadcast %add3A_226 : i32 to vector<16xi32>
    %add3A_228 = arith.addi %iota3A, %add3A_227 : vector<16xi32>
    %and3A_229 = arith.constant 15 : i32
    %and3A_230 = vector.broadcast %and3A_229 : i32 to vector<16xi32>
    %and3A_231 = arith.andi %add3A_228, %and3A_230 : vector<16xi32>
    %add3A_232 = arith.constant 0 : i32
    %add3A_233 = vector.broadcast %add3A_232 : i32 to vector<16xi32>
    %add3A_234 = arith.addi %and3A_231, %add3A_233 : vector<16xi32>
    %shift_right_logical3A_235 = arith.constant 3 : i32
    %shift_right_logical3A_236 = vector.broadcast %shift_right_logical3A_235 : i32 to vector<16xi32>
    %shift_right_logical3A_237 = arith.shrui %add3A_234, %shift_right_logical3A_236 : vector<16xi32>
    %and3A_238 = arith.constant 7 : i32
    %and3A_239 = vector.broadcast %and3A_238 : i32 to vector<16xi32>
    %and3A_240 = arith.andi %add3A_234, %and3A_239 : vector<16xi32>
    %add3A_241 = arith.constant 0 : i32
    %add3A_242 = vector.broadcast %add3A_241 : i32 to vector<16xi32>
    %add3A_243 = arith.addi %iota3A, %add3A_242 : vector<16xi32>
    %and3A_244 = arith.constant 15 : i32
    %and3A_245 = vector.broadcast %and3A_244 : i32 to vector<16xi32>
    %and3A_246 = arith.andi %add3A_243, %and3A_245 : vector<16xi32>
    %add3A_247 = arith.constant 16 : i32
    %add3A_248 = vector.broadcast %add3A_247 : i32 to vector<16xi32>
    %add3A_249 = arith.addi %and3A_246, %add3A_248 : vector<16xi32>
    %shift_right_logical3A_250 = arith.constant 3 : i32
    %shift_right_logical3A_251 = vector.broadcast %shift_right_logical3A_250 : i32 to vector<16xi32>
    %shift_right_logical3A_252 = arith.shrui %add3A_249, %shift_right_logical3A_251 : vector<16xi32>
    %and3A_253 = arith.constant 7 : i32
    %and3A_254 = vector.broadcast %and3A_253 : i32 to vector<16xi32>
    %and3A_255 = arith.andi %add3A_249, %and3A_254 : vector<16xi32>
    %add3A_256 = arith.constant 1 : i32
    %add3A_257 = vector.broadcast %add3A_256 : i32 to vector<16xi32>
    %add3A_258 = arith.addi %iota3A, %add3A_257 : vector<16xi32>
    %and3A_259 = arith.constant 15 : i32
    %and3A_260 = vector.broadcast %and3A_259 : i32 to vector<16xi32>
    %and3A_261 = arith.andi %add3A_258, %and3A_260 : vector<16xi32>
    %add3A_262 = arith.constant 16 : i32
    %add3A_263 = vector.broadcast %add3A_262 : i32 to vector<16xi32>
    %add3A_264 = arith.addi %and3A_261, %add3A_263 : vector<16xi32>
    %shift_right_logical3A_265 = arith.constant 3 : i32
    %shift_right_logical3A_266 = vector.broadcast %shift_right_logical3A_265 : i32 to vector<16xi32>
    %shift_right_logical3A_267 = arith.shrui %add3A_264, %shift_right_logical3A_266 : vector<16xi32>
    %and3A_268 = arith.constant 7 : i32
    %and3A_269 = vector.broadcast %and3A_268 : i32 to vector<16xi32>
    %and3A_270 = arith.andi %add3A_264, %and3A_269 : vector<16xi32>
    %add3A_271 = arith.constant 2 : i32
    %add3A_272 = vector.broadcast %add3A_271 : i32 to vector<16xi32>
    %add3A_273 = arith.addi %iota3A, %add3A_272 : vector<16xi32>
    %and3A_274 = arith.constant 15 : i32
    %and3A_275 = vector.broadcast %and3A_274 : i32 to vector<16xi32>
    %and3A_276 = arith.andi %add3A_273, %and3A_275 : vector<16xi32>
    %add3A_277 = arith.constant 16 : i32
    %add3A_278 = vector.broadcast %add3A_277 : i32 to vector<16xi32>
    %add3A_279 = arith.addi %and3A_276, %add3A_278 : vector<16xi32>
    %shift_right_logical3A_280 = arith.constant 3 : i32
    %shift_right_logical3A_281 = vector.broadcast %shift_right_logical3A_280 : i32 to vector<16xi32>
    %shift_right_logical3A_282 = arith.shrui %add3A_279, %shift_right_logical3A_281 : vector<16xi32>
    %and3A_283 = arith.constant 7 : i32
    %and3A_284 = vector.broadcast %and3A_283 : i32 to vector<16xi32>
    %and3A_285 = arith.andi %add3A_279, %and3A_284 : vector<16xi32>
    %add3A_286 = arith.constant 3 : i32
    %add3A_287 = vector.broadcast %add3A_286 : i32 to vector<16xi32>
    %add3A_288 = arith.addi %iota3A, %add3A_287 : vector<16xi32>
    %and3A_289 = arith.constant 15 : i32
    %and3A_290 = vector.broadcast %and3A_289 : i32 to vector<16xi32>
    %and3A_291 = arith.andi %add3A_288, %and3A_290 : vector<16xi32>
    %add3A_292 = arith.constant 16 : i32
    %add3A_293 = vector.broadcast %add3A_292 : i32 to vector<16xi32>
    %add3A_294 = arith.addi %and3A_291, %add3A_293 : vector<16xi32>
    %shift_right_logical3A_295 = arith.constant 3 : i32
    %shift_right_logical3A_296 = vector.broadcast %shift_right_logical3A_295 : i32 to vector<16xi32>
    %shift_right_logical3A_297 = arith.shrui %add3A_294, %shift_right_logical3A_296 : vector<16xi32>
    %and3A_298 = arith.constant 7 : i32
    %and3A_299 = vector.broadcast %and3A_298 : i32 to vector<16xi32>
    %and3A_300 = arith.andi %add3A_294, %and3A_299 : vector<16xi32>
    %add3A_301 = arith.constant 4 : i32
    %add3A_302 = vector.broadcast %add3A_301 : i32 to vector<16xi32>
    %add3A_303 = arith.addi %iota3A, %add3A_302 : vector<16xi32>
    %and3A_304 = arith.constant 15 : i32
    %and3A_305 = vector.broadcast %and3A_304 : i32 to vector<16xi32>
    %and3A_306 = arith.andi %add3A_303, %and3A_305 : vector<16xi32>
    %add3A_307 = arith.constant 16 : i32
    %add3A_308 = vector.broadcast %add3A_307 : i32 to vector<16xi32>
    %add3A_309 = arith.addi %and3A_306, %add3A_308 : vector<16xi32>
    %shift_right_logical3A_310 = arith.constant 3 : i32
    %shift_right_logical3A_311 = vector.broadcast %shift_right_logical3A_310 : i32 to vector<16xi32>
    %shift_right_logical3A_312 = arith.shrui %add3A_309, %shift_right_logical3A_311 : vector<16xi32>
    %and3A_313 = arith.constant 7 : i32
    %and3A_314 = vector.broadcast %and3A_313 : i32 to vector<16xi32>
    %and3A_315 = arith.andi %add3A_309, %and3A_314 : vector<16xi32>
    %add3A_316 = arith.constant 5 : i32
    %add3A_317 = vector.broadcast %add3A_316 : i32 to vector<16xi32>
    %add3A_318 = arith.addi %iota3A, %add3A_317 : vector<16xi32>
    %and3A_319 = arith.constant 15 : i32
    %and3A_320 = vector.broadcast %and3A_319 : i32 to vector<16xi32>
    %and3A_321 = arith.andi %add3A_318, %and3A_320 : vector<16xi32>
    %add3A_322 = arith.constant 16 : i32
    %add3A_323 = vector.broadcast %add3A_322 : i32 to vector<16xi32>
    %add3A_324 = arith.addi %and3A_321, %add3A_323 : vector<16xi32>
    %shift_right_logical3A_325 = arith.constant 3 : i32
    %shift_right_logical3A_326 = vector.broadcast %shift_right_logical3A_325 : i32 to vector<16xi32>
    %shift_right_logical3A_327 = arith.shrui %add3A_324, %shift_right_logical3A_326 : vector<16xi32>
    %and3A_328 = arith.constant 7 : i32
    %and3A_329 = vector.broadcast %and3A_328 : i32 to vector<16xi32>
    %and3A_330 = arith.andi %add3A_324, %and3A_329 : vector<16xi32>
    %add3A_331 = arith.constant 6 : i32
    %add3A_332 = vector.broadcast %add3A_331 : i32 to vector<16xi32>
    %add3A_333 = arith.addi %iota3A, %add3A_332 : vector<16xi32>
    %and3A_334 = arith.constant 15 : i32
    %and3A_335 = vector.broadcast %and3A_334 : i32 to vector<16xi32>
    %and3A_336 = arith.andi %add3A_333, %and3A_335 : vector<16xi32>
    %add3A_337 = arith.constant 16 : i32
    %add3A_338 = vector.broadcast %add3A_337 : i32 to vector<16xi32>
    %add3A_339 = arith.addi %and3A_336, %add3A_338 : vector<16xi32>
    %shift_right_logical3A_340 = arith.constant 3 : i32
    %shift_right_logical3A_341 = vector.broadcast %shift_right_logical3A_340 : i32 to vector<16xi32>
    %shift_right_logical3A_342 = arith.shrui %add3A_339, %shift_right_logical3A_341 : vector<16xi32>
    %and3A_343 = arith.constant 7 : i32
    %and3A_344 = vector.broadcast %and3A_343 : i32 to vector<16xi32>
    %and3A_345 = arith.andi %add3A_339, %and3A_344 : vector<16xi32>
    %add3A_346 = arith.constant 7 : i32
    %add3A_347 = vector.broadcast %add3A_346 : i32 to vector<16xi32>
    %add3A_348 = arith.addi %iota3A, %add3A_347 : vector<16xi32>
    %and3A_349 = arith.constant 15 : i32
    %and3A_350 = vector.broadcast %and3A_349 : i32 to vector<16xi32>
    %and3A_351 = arith.andi %add3A_348, %and3A_350 : vector<16xi32>
    %add3A_352 = arith.constant 16 : i32
    %add3A_353 = vector.broadcast %add3A_352 : i32 to vector<16xi32>
    %add3A_354 = arith.addi %and3A_351, %add3A_353 : vector<16xi32>
    %shift_right_logical3A_355 = arith.constant 3 : i32
    %shift_right_logical3A_356 = vector.broadcast %shift_right_logical3A_355 : i32 to vector<16xi32>
    %shift_right_logical3A_357 = arith.shrui %add3A_354, %shift_right_logical3A_356 : vector<16xi32>
    %and3A_358 = arith.constant 7 : i32
    %and3A_359 = vector.broadcast %and3A_358 : i32 to vector<16xi32>
    %and3A_360 = arith.andi %add3A_354, %and3A_359 : vector<16xi32>
    %add3A_361 = arith.constant 8 : i32
    %add3A_362 = vector.broadcast %add3A_361 : i32 to vector<16xi32>
    %add3A_363 = arith.addi %iota3A, %add3A_362 : vector<16xi32>
    %and3A_364 = arith.constant 15 : i32
    %and3A_365 = vector.broadcast %and3A_364 : i32 to vector<16xi32>
    %and3A_366 = arith.andi %add3A_363, %and3A_365 : vector<16xi32>
    %add3A_367 = arith.constant 16 : i32
    %add3A_368 = vector.broadcast %add3A_367 : i32 to vector<16xi32>
    %add3A_369 = arith.addi %and3A_366, %add3A_368 : vector<16xi32>
    %shift_right_logical3A_370 = arith.constant 3 : i32
    %shift_right_logical3A_371 = vector.broadcast %shift_right_logical3A_370 : i32 to vector<16xi32>
    %shift_right_logical3A_372 = arith.shrui %add3A_369, %shift_right_logical3A_371 : vector<16xi32>
    %and3A_373 = arith.constant 7 : i32
    %and3A_374 = vector.broadcast %and3A_373 : i32 to vector<16xi32>
    %and3A_375 = arith.andi %add3A_369, %and3A_374 : vector<16xi32>
    %add3A_376 = arith.constant 9 : i32
    %add3A_377 = vector.broadcast %add3A_376 : i32 to vector<16xi32>
    %add3A_378 = arith.addi %iota3A, %add3A_377 : vector<16xi32>
    %and3A_379 = arith.constant 15 : i32
    %and3A_380 = vector.broadcast %and3A_379 : i32 to vector<16xi32>
    %and3A_381 = arith.andi %add3A_378, %and3A_380 : vector<16xi32>
    %add3A_382 = arith.constant 16 : i32
    %add3A_383 = vector.broadcast %add3A_382 : i32 to vector<16xi32>
    %add3A_384 = arith.addi %and3A_381, %add3A_383 : vector<16xi32>
    %shift_right_logical3A_385 = arith.constant 3 : i32
    %shift_right_logical3A_386 = vector.broadcast %shift_right_logical3A_385 : i32 to vector<16xi32>
    %shift_right_logical3A_387 = arith.shrui %add3A_384, %shift_right_logical3A_386 : vector<16xi32>
    %and3A_388 = arith.constant 7 : i32
    %and3A_389 = vector.broadcast %and3A_388 : i32 to vector<16xi32>
    %and3A_390 = arith.andi %add3A_384, %and3A_389 : vector<16xi32>
    %add3A_391 = arith.constant 10 : i32
    %add3A_392 = vector.broadcast %add3A_391 : i32 to vector<16xi32>
    %add3A_393 = arith.addi %iota3A, %add3A_392 : vector<16xi32>
    %and3A_394 = arith.constant 15 : i32
    %and3A_395 = vector.broadcast %and3A_394 : i32 to vector<16xi32>
    %and3A_396 = arith.andi %add3A_393, %and3A_395 : vector<16xi32>
    %add3A_397 = arith.constant 16 : i32
    %add3A_398 = vector.broadcast %add3A_397 : i32 to vector<16xi32>
    %add3A_399 = arith.addi %and3A_396, %add3A_398 : vector<16xi32>
    %shift_right_logical3A_400 = arith.constant 3 : i32
    %shift_right_logical3A_401 = vector.broadcast %shift_right_logical3A_400 : i32 to vector<16xi32>
    %shift_right_logical3A_402 = arith.shrui %add3A_399, %shift_right_logical3A_401 : vector<16xi32>
    %and3A_403 = arith.constant 7 : i32
    %and3A_404 = vector.broadcast %and3A_403 : i32 to vector<16xi32>
    %and3A_405 = arith.andi %add3A_399, %and3A_404 : vector<16xi32>
    %add3A_406 = arith.constant 11 : i32
    %add3A_407 = vector.broadcast %add3A_406 : i32 to vector<16xi32>
    %add3A_408 = arith.addi %iota3A, %add3A_407 : vector<16xi32>
    %and3A_409 = arith.constant 15 : i32
    %and3A_410 = vector.broadcast %and3A_409 : i32 to vector<16xi32>
    %and3A_411 = arith.andi %add3A_408, %and3A_410 : vector<16xi32>
    %add3A_412 = arith.constant 16 : i32
    %add3A_413 = vector.broadcast %add3A_412 : i32 to vector<16xi32>
    %add3A_414 = arith.addi %and3A_411, %add3A_413 : vector<16xi32>
    %shift_right_logical3A_415 = arith.constant 3 : i32
    %shift_right_logical3A_416 = vector.broadcast %shift_right_logical3A_415 : i32 to vector<16xi32>
    %shift_right_logical3A_417 = arith.shrui %add3A_414, %shift_right_logical3A_416 : vector<16xi32>
    %and3A_418 = arith.constant 7 : i32
    %and3A_419 = vector.broadcast %and3A_418 : i32 to vector<16xi32>
    %and3A_420 = arith.andi %add3A_414, %and3A_419 : vector<16xi32>
    %add3A_421 = arith.constant 12 : i32
    %add3A_422 = vector.broadcast %add3A_421 : i32 to vector<16xi32>
    %add3A_423 = arith.addi %iota3A, %add3A_422 : vector<16xi32>
    %and3A_424 = arith.constant 15 : i32
    %and3A_425 = vector.broadcast %and3A_424 : i32 to vector<16xi32>
    %and3A_426 = arith.andi %add3A_423, %and3A_425 : vector<16xi32>
    %add3A_427 = arith.constant 16 : i32
    %add3A_428 = vector.broadcast %add3A_427 : i32 to vector<16xi32>
    %add3A_429 = arith.addi %and3A_426, %add3A_428 : vector<16xi32>
    %shift_right_logical3A_430 = arith.constant 3 : i32
    %shift_right_logical3A_431 = vector.broadcast %shift_right_logical3A_430 : i32 to vector<16xi32>
    %shift_right_logical3A_432 = arith.shrui %add3A_429, %shift_right_logical3A_431 : vector<16xi32>
    %and3A_433 = arith.constant 7 : i32
    %and3A_434 = vector.broadcast %and3A_433 : i32 to vector<16xi32>
    %and3A_435 = arith.andi %add3A_429, %and3A_434 : vector<16xi32>
    %add3A_436 = arith.constant 13 : i32
    %add3A_437 = vector.broadcast %add3A_436 : i32 to vector<16xi32>
    %add3A_438 = arith.addi %iota3A, %add3A_437 : vector<16xi32>
    %and3A_439 = arith.constant 15 : i32
    %and3A_440 = vector.broadcast %and3A_439 : i32 to vector<16xi32>
    %and3A_441 = arith.andi %add3A_438, %and3A_440 : vector<16xi32>
    %add3A_442 = arith.constant 16 : i32
    %add3A_443 = vector.broadcast %add3A_442 : i32 to vector<16xi32>
    %add3A_444 = arith.addi %and3A_441, %add3A_443 : vector<16xi32>
    %shift_right_logical3A_445 = arith.constant 3 : i32
    %shift_right_logical3A_446 = vector.broadcast %shift_right_logical3A_445 : i32 to vector<16xi32>
    %shift_right_logical3A_447 = arith.shrui %add3A_444, %shift_right_logical3A_446 : vector<16xi32>
    %and3A_448 = arith.constant 7 : i32
    %and3A_449 = vector.broadcast %and3A_448 : i32 to vector<16xi32>
    %and3A_450 = arith.andi %add3A_444, %and3A_449 : vector<16xi32>
    %add3A_451 = arith.constant 14 : i32
    %add3A_452 = vector.broadcast %add3A_451 : i32 to vector<16xi32>
    %add3A_453 = arith.addi %iota3A, %add3A_452 : vector<16xi32>
    %and3A_454 = arith.constant 15 : i32
    %and3A_455 = vector.broadcast %and3A_454 : i32 to vector<16xi32>
    %and3A_456 = arith.andi %add3A_453, %and3A_455 : vector<16xi32>
    %add3A_457 = arith.constant 16 : i32
    %add3A_458 = vector.broadcast %add3A_457 : i32 to vector<16xi32>
    %add3A_459 = arith.addi %and3A_456, %add3A_458 : vector<16xi32>
    %shift_right_logical3A_460 = arith.constant 3 : i32
    %shift_right_logical3A_461 = vector.broadcast %shift_right_logical3A_460 : i32 to vector<16xi32>
    %shift_right_logical3A_462 = arith.shrui %add3A_459, %shift_right_logical3A_461 : vector<16xi32>
    %and3A_463 = arith.constant 7 : i32
    %and3A_464 = vector.broadcast %and3A_463 : i32 to vector<16xi32>
    %and3A_465 = arith.andi %add3A_459, %and3A_464 : vector<16xi32>
    %add3A_466 = arith.constant 15 : i32
    %add3A_467 = vector.broadcast %add3A_466 : i32 to vector<16xi32>
    %add3A_468 = arith.addi %iota3A, %add3A_467 : vector<16xi32>
    %and3A_469 = arith.constant 15 : i32
    %and3A_470 = vector.broadcast %and3A_469 : i32 to vector<16xi32>
    %and3A_471 = arith.andi %add3A_468, %and3A_470 : vector<16xi32>
    %add3A_472 = arith.constant 16 : i32
    %add3A_473 = vector.broadcast %add3A_472 : i32 to vector<16xi32>
    %add3A_474 = arith.addi %and3A_471, %add3A_473 : vector<16xi32>
    %shift_right_logical3A_475 = arith.constant 3 : i32
    %shift_right_logical3A_476 = vector.broadcast %shift_right_logical3A_475 : i32 to vector<16xi32>
    %shift_right_logical3A_477 = arith.shrui %add3A_474, %shift_right_logical3A_476 : vector<16xi32>
    %and3A_478 = arith.constant 7 : i32
    %and3A_479 = vector.broadcast %and3A_478 : i32 to vector<16xi32>
    %and3A_480 = arith.andi %add3A_474, %and3A_479 : vector<16xi32>
    %add3A_481 = arith.constant 0 : i32
    %add3A_482 = arith.addi %mul3A_2, %add3A_481 : i32
    %dma_start3A = arith.constant 0 : i32
    %dma_start3A_483 = arith.constant 0 : i32
    %dma_start3A_484 = arith.constant 0 : i32
    %dma_start3A_485 = tpu.memref_slice %arg5[%dma_start3A, %dma_start3A_483, %dma_start3A_484] : memref<2x1x512xi32, #tpu.memory_space<vmem>> -> memref<1x1x512xi32, #tpu.memory_space<vmem>>
    %dma_start3A_486 = tpu.memref_squeeze %dma_start3A_485 : memref<1x1x512xi32, #tpu.memory_space<vmem>> -> memref<1x512xi32, #tpu.memory_space<vmem>>
    %dma_start3A_487 = arith.constant 0 : i32
    %dma_start3A_488 = tpu.memref_slice %arg3[%add3A_482, %dma_start3A_487] : memref<1600x512xi32, #tpu.memory_space<hbm>> -> memref<1x512xi32, #tpu.memory_space<hbm>>
    %dma_start3A_489 = arith.constant 0 : i32
    %dma_start3A_490 = arith.constant 0 : i32
    %dma_start3A_491 = tpu.memref_slice %arg5[%dma_start3A, %dma_start3A_489, %dma_start3A_490] : memref<2x1x512xi32, #tpu.memory_space<vmem>> -> memref<1x1x512xi32, #tpu.memory_space<vmem>>
    %dma_start3A_492 = tpu.memref_squeeze %dma_start3A_491 : memref<1x1x512xi32, #tpu.memory_space<vmem>> -> memref<1x512xi32, #tpu.memory_space<vmem>>
    %dma_start3A_493 = arith.constant 0 : i32
    %dma_start3A_494 = tpu.memref_slice %arg3[%add3A_482, %dma_start3A_493] : memref<1600x512xi32, #tpu.memory_space<hbm>> -> memref<1x512xi32, #tpu.memory_space<hbm>>
    tpu.enqueue_dma source(%dma_start3A_494 : memref<1x512xi32, #tpu.memory_space<hbm>>) target(%dma_start3A_492 : memref<1x512xi32, #tpu.memory_space<vmem>>) target_semaphore(%arg8 : memref<!tpu.dma_semaphore, #tpu.memory_space<semaphore_mem>>)
    %add3A_495 = arith.constant 1 : i32
    %add3A_496 = arith.addi %mul3A_2, %add3A_495 : i32
    %dma_start3A_497 = arith.constant 1 : i32
    %dma_start3A_498 = arith.constant 0 : i32
    %dma_start3A_499 = arith.constant 0 : i32
    %dma_start3A_500 = tpu.memref_slice %arg5[%dma_start3A_497, %dma_start3A_498, %dma_start3A_499] : memref<2x1x512xi32, #tpu.memory_space<vmem>> -> memref<1x1x512xi32, #tpu.memory_space<vmem>>
    %dma_start3A_501 = tpu.memref_squeeze %dma_start3A_500 : memref<1x1x512xi32, #tpu.memory_space<vmem>> -> memref<1x512xi32, #tpu.memory_space<vmem>>
    %dma_start3A_502 = arith.constant 0 : i32
    %dma_start3A_503 = tpu.memref_slice %arg3[%add3A_496, %dma_start3A_502] : memref<1600x512xi32, #tpu.memory_space<hbm>> -> memref<1x512xi32, #tpu.memory_space<hbm>>
    %dma_start3A_504 = arith.constant 0 : i32
    %dma_start3A_505 = arith.constant 0 : i32
    %dma_start3A_506 = tpu.memref_slice %arg5[%dma_start3A_497, %dma_start3A_504, %dma_start3A_505] : memref<2x1x512xi32, #tpu.memory_space<vmem>> -> memref<1x1x512xi32, #tpu.memory_space<vmem>>
    %dma_start3A_507 = tpu.memref_squeeze %dma_start3A_506 : memref<1x1x512xi32, #tpu.memory_space<vmem>> -> memref<1x512xi32, #tpu.memory_space<vmem>>
    %dma_start3A_508 = arith.constant 0 : i32
    %dma_start3A_509 = tpu.memref_slice %arg3[%add3A_496, %dma_start3A_508] : memref<1600x512xi32, #tpu.memory_space<hbm>> -> memref<1x512xi32, #tpu.memory_space<hbm>>
    tpu.enqueue_dma source(%dma_start3A_509 : memref<1x512xi32, #tpu.memory_space<hbm>>) target(%dma_start3A_507 : memref<1x512xi32, #tpu.memory_space<vmem>>) target_semaphore(%arg9 : memref<!tpu.dma_semaphore, #tpu.memory_space<semaphore_mem>>)
    %dma_wait3A = arith.constant 0 : i32
    %dma_wait3A_510 = arith.constant 0 : i32
    %dma_wait3A_511 = arith.constant 0 : i32
    %dma_wait3A_512 = tpu.memref_slice %arg5[%dma_wait3A, %dma_wait3A_510, %dma_wait3A_511] : memref<2x1x512xi32, #tpu.memory_space<vmem>> -> memref<1x1x512xi32, #tpu.memory_space<vmem>>
    %dma_wait3A_513 = tpu.memref_squeeze %dma_wait3A_512 : memref<1x1x512xi32, #tpu.memory_space<vmem>> -> memref<1x512xi32, #tpu.memory_space<vmem>>
    %dma_wait3A_514 = arith.constant 0 : i32
    %dma_wait3A_515 = arith.constant 0 : i32
    %dma_wait3A_516 = tpu.memref_slice %arg3[%dma_wait3A_514, %dma_wait3A_515] : memref<1600x512xi32, #tpu.memory_space<hbm>> -> memref<1x512xi32, #tpu.memory_space<hbm>>
    %dma_wait3A_517 = arith.constant 0 : i32
    %dma_wait3A_518 = arith.constant 0 : i32
    %dma_wait3A_519 = tpu.memref_slice %arg5[%dma_wait3A, %dma_wait3A_517, %dma_wait3A_518] : memref<2x1x512xi32, #tpu.memory_space<vmem>> -> memref<1x1x512xi32, #tpu.memory_space<vmem>>
    %dma_wait3A_520 = tpu.memref_squeeze %dma_wait3A_519 : memref<1x1x512xi32, #tpu.memory_space<vmem>> -> memref<1x512xi32, #tpu.memory_space<vmem>>
    %dma_wait3A_521 = arith.constant 0 : i32
    %dma_wait3A_522 = arith.constant 0 : i32
    %dma_wait3A_523 = tpu.memref_slice %arg3[%dma_wait3A_521, %dma_wait3A_522] : memref<1600x512xi32, #tpu.memory_space<hbm>> -> memref<1x512xi32, #tpu.memory_space<hbm>>
    tpu.wait_dma2 semaphore(%arg8 : memref<!tpu.dma_semaphore, #tpu.memory_space<semaphore_mem>>) src(%dma_wait3A_523 : memref<1x512xi32, #tpu.memory_space<hbm>>) dst(%dma_wait3A_520 : memref<1x512xi32, #tpu.memory_space<vmem>>)
    %dma_start3A_524 = arith.constant 0 : i32
    %dma_start3A_525 = arith.constant 0 : i32
    %dma_start3A_526 = arith.constant 0 : i32
    %dma_start3A_527 = arith.constant 0 : i32
    %dma_start3A_528 = arith.constant 0 : i32
    %dma_start3A_529 = tpu.memref_slice %arg6[%dma_start3A_526, %dma_start3A_527, %dma_start3A_528] : memref<2x512x32xf32, #tpu.memory_space<vmem>> -> memref<1x512x32xf32, #tpu.memory_space<vmem>>
    %dma_start3A_530 = tpu.memref_squeeze %dma_start3A_529 : memref<1x512x32xf32, #tpu.memory_space<vmem>> -> memref<512x32xf32, #tpu.memory_space<vmem>>
    %dma_start3A_531 = arith.constant 0 : i32
    %dma_start3A_532 = arith.constant 0 : i32
    %dma_start3A_533 = tpu.memref_slice %dma_start3A_530[%dma_start3A_531, %dma_start3A_532] : memref<512x32xf32, #tpu.memory_space<vmem>> -> memref<512x32xf32, #tpu.memory_space<vmem>>
    %dma_start3A_534 = arith.constant 0 : i32
    %dma_start3A_535 = arith.constant 0 : i32
    %dma_start3A_536 = tpu.memref_slice %arg5[%dma_start3A_524, %dma_start3A_534, %dma_start3A_535] : memref<2x1x512xi32, #tpu.memory_space<vmem>> -> memref<1x1x512xi32, #tpu.memory_space<vmem>>
    %dma_start3A_537 = tpu.memref_squeeze %dma_start3A_536 : memref<1x1x512xi32, #tpu.memory_space<vmem>> -> memref<1x512xi32, #tpu.memory_space<vmem>>
    %dma_start3A_538 = arith.constant 0 : i32
    %dma_start3A_539 = tpu.memref_slice %dma_start3A_537[%dma_start3A_525, %dma_start3A_538] : memref<1x512xi32, #tpu.memory_space<vmem>> -> memref<1x512xi32, #tpu.memory_space<vmem>>
    %dma_start3A_540 = tpu.memref_squeeze %dma_start3A_539 : memref<1x512xi32, #tpu.memory_space<vmem>> -> memref<512xi32, #tpu.memory_space<vmem>>
    %dma_start3A_541 = arith.constant 0 : i32
    %dma_start3A_542 = arith.constant 0 : i32
    %dma_start3A_543 = tpu.memref_slice %arg2[%dma_start3A_541, %dma_start3A_542] : memref<1000000x32xf32, #tpu.memory_space<hbm>> -> memref<1000000x32xf32, #tpu.memory_space<hbm>>
    tpu.enqueue_indirect_dma source(%dma_start3A_543 : memref<1000000x32xf32, #tpu.memory_space<hbm>>) target(%dma_start3A_533 : memref<512x32xf32, #tpu.memory_space<vmem>>) offsets(%dma_start3A_540 : memref<512xi32, #tpu.memory_space<vmem>>) semaphore(%arg10 : memref<!tpu.dma_semaphore, #tpu.memory_space<semaphore_mem>>)
    %dma_wait3A_544 = arith.constant 1 : i32
    %dma_wait3A_545 = arith.constant 0 : i32
    %dma_wait3A_546 = arith.constant 0 : i32
    %dma_wait3A_547 = tpu.memref_slice %arg5[%dma_wait3A_544, %dma_wait3A_545, %dma_wait3A_546] : memref<2x1x512xi32, #tpu.memory_space<vmem>> -> memref<1x1x512xi32, #tpu.memory_space<vmem>>
    %dma_wait3A_548 = tpu.memref_squeeze %dma_wait3A_547 : memref<1x1x512xi32, #tpu.memory_space<vmem>> -> memref<1x512xi32, #tpu.memory_space<vmem>>
    %dma_wait3A_549 = arith.constant 0 : i32
    %dma_wait3A_550 = arith.constant 0 : i32
    %dma_wait3A_551 = tpu.memref_slice %arg3[%dma_wait3A_549, %dma_wait3A_550] : memref<1600x512xi32, #tpu.memory_space<hbm>> -> memref<1x512xi32, #tpu.memory_space<hbm>>
    %dma_wait3A_552 = arith.constant 0 : i32
    %dma_wait3A_553 = arith.constant 0 : i32
    %dma_wait3A_554 = tpu.memref_slice %arg5[%dma_wait3A_544, %dma_wait3A_552, %dma_wait3A_553] : memref<2x1x512xi32, #tpu.memory_space<vmem>> -> memref<1x1x512xi32, #tpu.memory_space<vmem>>
    %dma_wait3A_555 = tpu.memref_squeeze %dma_wait3A_554 : memref<1x1x512xi32, #tpu.memory_space<vmem>> -> memref<1x512xi32, #tpu.memory_space<vmem>>
    %dma_wait3A_556 = arith.constant 0 : i32
    %dma_wait3A_557 = arith.constant 0 : i32
    %dma_wait3A_558 = tpu.memref_slice %arg3[%dma_wait3A_556, %dma_wait3A_557] : memref<1600x512xi32, #tpu.memory_space<hbm>> -> memref<1x512xi32, #tpu.memory_space<hbm>>
    tpu.wait_dma2 semaphore(%arg9 : memref<!tpu.dma_semaphore, #tpu.memory_space<semaphore_mem>>) src(%dma_wait3A_558 : memref<1x512xi32, #tpu.memory_space<hbm>>) dst(%dma_wait3A_555 : memref<1x512xi32, #tpu.memory_space<vmem>>)
    %dma_start3A_559 = arith.constant 1 : i32
    %dma_start3A_560 = arith.constant 0 : i32
    %dma_start3A_561 = arith.constant 1 : i32
    %dma_start3A_562 = arith.constant 0 : i32
    %dma_start3A_563 = arith.constant 0 : i32
    %dma_start3A_564 = tpu.memref_slice %arg6[%dma_start3A_561, %dma_start3A_562, %dma_start3A_563] : memref<2x512x32xf32, #tpu.memory_space<vmem>> -> memref<1x512x32xf32, #tpu.memory_space<vmem>>
    %dma_start3A_565 = tpu.memref_squeeze %dma_start3A_564 : memref<1x512x32xf32, #tpu.memory_space<vmem>> -> memref<512x32xf32, #tpu.memory_space<vmem>>
    %dma_start3A_566 = arith.constant 0 : i32
    %dma_start3A_567 = arith.constant 0 : i32
    %dma_start3A_568 = tpu.memref_slice %dma_start3A_565[%dma_start3A_566, %dma_start3A_567] : memref<512x32xf32, #tpu.memory_space<vmem>> -> memref<512x32xf32, #tpu.memory_space<vmem>>
    %dma_start3A_569 = arith.constant 0 : i32
    %dma_start3A_570 = arith.constant 0 : i32
    %dma_start3A_571 = tpu.memref_slice %arg5[%dma_start3A_559, %dma_start3A_569, %dma_start3A_570] : memref<2x1x512xi32, #tpu.memory_space<vmem>> -> memref<1x1x512xi32, #tpu.memory_space<vmem>>
    %dma_start3A_572 = tpu.memref_squeeze %dma_start3A_571 : memref<1x1x512xi32, #tpu.memory_space<vmem>> -> memref<1x512xi32, #tpu.memory_space<vmem>>
    %dma_start3A_573 = arith.constant 0 : i32
    %dma_start3A_574 = tpu.memref_slice %dma_start3A_572[%dma_start3A_560, %dma_start3A_573] : memref<1x512xi32, #tpu.memory_space<vmem>> -> memref<1x512xi32, #tpu.memory_space<vmem>>
    %dma_start3A_575 = tpu.memref_squeeze %dma_start3A_574 : memref<1x512xi32, #tpu.memory_space<vmem>> -> memref<512xi32, #tpu.memory_space<vmem>>
    %dma_start3A_576 = arith.constant 0 : i32
    %dma_start3A_577 = arith.constant 0 : i32
    %dma_start3A_578 = tpu.memref_slice %arg2[%dma_start3A_576, %dma_start3A_577] : memref<1000000x32xf32, #tpu.memory_space<hbm>> -> memref<1000000x32xf32, #tpu.memory_space<hbm>>
    tpu.enqueue_indirect_dma source(%dma_start3A_578 : memref<1000000x32xf32, #tpu.memory_space<hbm>>) target(%dma_start3A_568 : memref<512x32xf32, #tpu.memory_space<vmem>>) offsets(%dma_start3A_575 : memref<512xi32, #tpu.memory_space<vmem>>) semaphore(%arg11 : memref<!tpu.dma_semaphore, #tpu.memory_space<semaphore_mem>>)
    %dma_wait3A_579 = arith.constant 0 : i32
    %dma_wait3A_580 = arith.constant 0 : i32
    %dma_wait3A_581 = arith.constant 0 : i32
    %dma_wait3A_582 = arith.constant 0 : i32
    %dma_wait3A_583 = arith.constant 0 : i32
    %dma_wait3A_584 = tpu.memref_slice %arg6[%dma_wait3A_581, %dma_wait3A_582, %dma_wait3A_583] : memref<2x512x32xf32, #tpu.memory_space<vmem>> -> memref<1x512x32xf32, #tpu.memory_space<vmem>>
    %dma_wait3A_585 = tpu.memref_squeeze %dma_wait3A_584 : memref<1x512x32xf32, #tpu.memory_space<vmem>> -> memref<512x32xf32, #tpu.memory_space<vmem>>
    %dma_wait3A_586 = arith.constant 0 : i32
    %dma_wait3A_587 = arith.constant 0 : i32
    %dma_wait3A_588 = tpu.memref_slice %dma_wait3A_585[%dma_wait3A_586, %dma_wait3A_587] : memref<512x32xf32, #tpu.memory_space<vmem>> -> memref<512x32xf32, #tpu.memory_space<vmem>>
    %dma_wait3A_589 = arith.constant 0 : i32
    %dma_wait3A_590 = arith.constant 0 : i32
    %dma_wait3A_591 = tpu.memref_slice %arg5[%dma_wait3A_579, %dma_wait3A_589, %dma_wait3A_590] : memref<2x1x512xi32, #tpu.memory_space<vmem>> -> memref<1x1x512xi32, #tpu.memory_space<vmem>>
    %dma_wait3A_592 = tpu.memref_squeeze %dma_wait3A_591 : memref<1x1x512xi32, #tpu.memory_space<vmem>> -> memref<1x512xi32, #tpu.memory_space<vmem>>
    %dma_wait3A_593 = arith.constant 0 : i32
    %dma_wait3A_594 = tpu.memref_slice %dma_wait3A_592[%dma_wait3A_580, %dma_wait3A_593] : memref<1x512xi32, #tpu.memory_space<vmem>> -> memref<1x512xi32, #tpu.memory_space<vmem>>
    %dma_wait3A_595 = tpu.memref_squeeze %dma_wait3A_594 : memref<1x512xi32, #tpu.memory_space<vmem>> -> memref<512xi32, #tpu.memory_space<vmem>>
    %dma_wait3A_596 = arith.constant 0 : i32
    %dma_wait3A_597 = arith.constant 0 : i32
    %dma_wait3A_598 = tpu.memref_slice %arg2[%dma_wait3A_596, %dma_wait3A_597] : memref<1000000x32xf32, #tpu.memory_space<hbm>> -> memref<1000000x32xf32, #tpu.memory_space<hbm>>
    tpu.wait_indirect_dma semaphore(%arg10 : memref<!tpu.dma_semaphore, #tpu.memory_space<semaphore_mem>>) src(%dma_wait3A_598 : memref<1000000x32xf32, #tpu.memory_space<hbm>>) dst(%dma_wait3A_588 : memref<512x32xf32, #tpu.memory_space<vmem>>)
    %add3A_599 = arith.constant 2 : i32
    %add3A_600 = arith.addi %mul3A_2, %add3A_599 : i32
    %dma_start3A_601 = arith.constant 0 : i32
    %dma_start3A_602 = arith.constant 0 : i32
    %dma_start3A_603 = arith.constant 0 : i32
    %dma_start3A_604 = tpu.memref_slice %arg5[%dma_start3A_601, %dma_start3A_602, %dma_start3A_603] : memref<2x1x512xi32, #tpu.memory_space<vmem>> -> memref<1x1x512xi32, #tpu.memory_space<vmem>>
    %dma_start3A_605 = tpu.memref_squeeze %dma_start3A_604 : memref<1x1x512xi32, #tpu.memory_space<vmem>> -> memref<1x512xi32, #tpu.memory_space<vmem>>
    %dma_start3A_606 = arith.constant 0 : i32
    %dma_start3A_607 = tpu.memref_slice %arg3[%add3A_600, %dma_start3A_606] : memref<1600x512xi32, #tpu.memory_space<hbm>> -> memref<1x512xi32, #tpu.memory_space<hbm>>
    %dma_start3A_608 = arith.constant 0 : i32
    %dma_start3A_609 = arith.constant 0 : i32
    %dma_start3A_610 = tpu.memref_slice %arg5[%dma_start3A_601, %dma_start3A_608, %dma_start3A_609] : memref<2x1x512xi32, #tpu.memory_space<vmem>> -> memref<1x1x512xi32, #tpu.memory_space<vmem>>
    %dma_start3A_611 = tpu.memref_squeeze %dma_start3A_610 : memref<1x1x512xi32, #tpu.memory_space<vmem>> -> memref<1x512xi32, #tpu.memory_space<vmem>>
    %dma_start3A_612 = arith.constant 0 : i32
    %dma_start3A_613 = tpu.memref_slice %arg3[%add3A_600, %dma_start3A_612] : memref<1600x512xi32, #tpu.memory_space<hbm>> -> memref<1x512xi32, #tpu.memory_space<hbm>>
    tpu.enqueue_dma source(%dma_start3A_613 : memref<1x512xi32, #tpu.memory_space<hbm>>) target(%dma_start3A_611 : memref<1x512xi32, #tpu.memory_space<vmem>>) target_semaphore(%arg8 : memref<!tpu.dma_semaphore, #tpu.memory_space<semaphore_mem>>)
    %scan3A = arith.constant 0 : i32
    %scan3A_614 = arith.constant 0 : i32
    %scan3A_615 = arith.constant 0 : i32
    %scan3A_616 = arith.constant 0 : i32
    %scan3A_617 = arith.constant 32 : i32
    %scan3A_618 = arith.addi %scan3A_616, %scan3A_617 : i32
    %scan3A_619 = arith.constant 1 : i32
    scf.for %scan3A_849 = %scan3A_616 to %scan3A_618 step %scan3A_619  : i32 {
      %shift_right_logical3A_850 = arith.constant 3 : i32
      %shift_right_logical3A_851 = arith.shrui %scan3A_849, %shift_right_logical3A_850 : i32
      %broadcast_in_dim3A = arith.constant 0 : i32
      %broadcast_in_dim3A_852 = vector.broadcast %broadcast_in_dim3A : i32 to vector<16xi32>
      %add3A_853 = vector.broadcast %shift_right_logical3A_851 : i32 to vector<16xi32>
      %add3A_854 = arith.addi %broadcast_in_dim3A_852, %add3A_853 : vector<16xi32>
      %and3A_855 = arith.constant 7 : i32
      %and3A_856 = arith.andi %scan3A_849, %and3A_855 : i32
      %mul3A_857 = arith.constant 16 : i32
      %mul3A_858 = arith.muli %mul3A_857, %and3A_856 : i32
      %add3A_859 = vector.broadcast %mul3A_858 : i32 to vector<16xi32>
      %add3A_860 = arith.addi %iota3A, %add3A_859 : vector<16xi32>
      %mul3A_861 = arith.constant 128 : i32
      %mul3A_862 = arith.muli %shift_right_logical3A_851, %mul3A_861 : i32
      %add3A_863 = vector.broadcast %mul3A_862 : i32 to vector<16xi32>
      %add3A_864 = arith.addi %add3A_860, %add3A_863 : vector<16xi32>
      %gather3A = arith.constant 0 : i32
      %gather3A_865 = arith.constant 0 : i32
      %gather3A_866 = tpu.memref_slice %arg6[%scan3A_614, %gather3A, %gather3A_865] : memref<2x512x32xf32, #tpu.memory_space<vmem>> -> memref<1x512x32xf32, #tpu.memory_space<vmem>>
      %gather3A_867 = tpu.memref_squeeze %gather3A_866 : memref<1x512x32xf32, #tpu.memory_space<vmem>> -> memref<512x32xf32, #tpu.memory_space<vmem>>
      %gather3A_868 = tpu.vector_load_idx %gather3A_867[%add3A_864, %add3A_10] : memref<512x32xf32, #tpu.memory_space<vmem>>[vector<16xi32>, vector<16xi32>], vector<16xf32>,
      %scatter3A = arith.constant 0 : i32
      %scatter3A_869 = arith.constant 0 : i32
      %scatter3A_870 = arith.constant 0 : i32
      %scatter3A_871 = arith.constant 0 : i32
      %scatter3A_872 = tpu.memref_slice %arg7[%scan3A_615, %scatter3A, %scatter3A_869, %scatter3A_870, %scatter3A_871] : memref<2x4x4x8x128xf32, #tpu.memory_space<vmem>> -> memref<1x4x4x8x128xf32, #tpu.memory_space<vmem>>
      %scatter3A_873 = tpu.memref_squeeze %scatter3A_872 : memref<1x4x4x8x128xf32, #tpu.memory_space<vmem>> -> memref<4x4x8x128xf32, #tpu.memory_space<vmem>>
      tpu.vector_store_idx %scatter3A_873[%shift_right_logical3A_12, %add3A_854, %and3A_15, %add3A_860], %gather3A_868 : memref<4x4x8x128xf32, #tpu.memory_space<vmem>>[vector<16xi32>, vector<16xi32>, vector<16xi32>, vector<16xi32>], vector<16xf32>,
      %gather3A_874 = arith.constant 0 : i32
      %gather3A_875 = arith.constant 0 : i32
      %gather3A_876 = tpu.memref_slice %arg6[%scan3A_614, %gather3A_874, %gather3A_875] : memref<2x512x32xf32, #tpu.memory_space<vmem>> -> memref<1x512x32xf32, #tpu.memory_space<vmem>>
      %gather3A_877 = tpu.memref_squeeze %gather3A_876 : memref<1x512x32xf32, #tpu.memory_space<vmem>> -> memref<512x32xf32, #tpu.memory_space<vmem>>
      %gather3A_878 = tpu.vector_load_idx %gather3A_877[%add3A_864, %add3A_24] : memref<512x32xf32, #tpu.memory_space<vmem>>[vector<16xi32>, vector<16xi32>], vector<16xf32>,
      %scatter3A_879 = arith.constant 0 : i32
      %scatter3A_880 = arith.constant 0 : i32
      %scatter3A_881 = arith.constant 0 : i32
      %scatter3A_882 = arith.constant 0 : i32
      %scatter3A_883 = tpu.memref_slice %arg7[%scan3A_615, %scatter3A_879, %scatter3A_880, %scatter3A_881, %scatter3A_882] : memref<2x4x4x8x128xf32, #tpu.memory_space<vmem>> -> memref<1x4x4x8x128xf32, #tpu.memory_space<vmem>>
      %scatter3A_884 = tpu.memref_squeeze %scatter3A_883 : memref<1x4x4x8x128xf32, #tpu.memory_space<vmem>> -> memref<4x4x8x128xf32, #tpu.memory_space<vmem>>
      tpu.vector_store_idx %scatter3A_884[%shift_right_logical3A_27, %add3A_854, %and3A_30, %add3A_860], %gather3A_878 : memref<4x4x8x128xf32, #tpu.memory_space<vmem>>[vector<16xi32>, vector<16xi32>, vector<16xi32>, vector<16xi32>], vector<16xf32>,
      %gather3A_885 = arith.constant 0 : i32
      %gather3A_886 = arith.constant 0 : i32
      %gather3A_887 = tpu.memref_slice %arg6[%scan3A_614, %gather3A_885, %gather3A_886] : memref<2x512x32xf32, #tpu.memory_space<vmem>> -> memref<1x512x32xf32, #tpu.memory_space<vmem>>
      %gather3A_888 = tpu.memref_squeeze %gather3A_887 : memref<1x512x32xf32, #tpu.memory_space<vmem>> -> memref<512x32xf32, #tpu.memory_space<vmem>>
      %gather3A_889 = tpu.vector_load_idx %gather3A_888[%add3A_864, %add3A_39] : memref<512x32xf32, #tpu.memory_space<vmem>>[vector<16xi32>, vector<16xi32>], vector<16xf32>,
      %scatter3A_890 = arith.constant 0 : i32
      %scatter3A_891 = arith.constant 0 : i32
      %scatter3A_892 = arith.constant 0 : i32
      %scatter3A_893 = arith.constant 0 : i32
      %scatter3A_894 = tpu.memref_slice %arg7[%scan3A_615, %scatter3A_890, %scatter3A_891, %scatter3A_892, %scatter3A_893] : memref<2x4x4x8x128xf32, #tpu.memory_space<vmem>> -> memref<1x4x4x8x128xf32, #tpu.memory_space<vmem>>
      %scatter3A_895 = tpu.memref_squeeze %scatter3A_894 : memref<1x4x4x8x128xf32, #tpu.memory_space<vmem>> -> memref<4x4x8x128xf32, #tpu.memory_space<vmem>>
      tpu.vector_store_idx %scatter3A_895[%shift_right_logical3A_42, %add3A_854, %and3A_45, %add3A_860], %gather3A_889 : memref<4x4x8x128xf32, #tpu.memory_space<vmem>>[vector<16xi32>, vector<16xi32>, vector<16xi32>, vector<16xi32>], vector<16xf32>,
      %gather3A_896 = arith.constant 0 : i32
      %gather3A_897 = arith.constant 0 : i32
      %gather3A_898 = tpu.memref_slice %arg6[%scan3A_614, %gather3A_896, %gather3A_897] : memref<2x512x32xf32, #tpu.memory_space<vmem>> -> memref<1x512x32xf32, #tpu.memory_space<vmem>>
      %gather3A_899 = tpu.memref_squeeze %gather3A_898 : memref<1x512x32xf32, #tpu.memory_space<vmem>> -> memref<512x32xf32, #tpu.memory_space<vmem>>
      %gather3A_900 = tpu.vector_load_idx %gather3A_899[%add3A_864, %add3A_54] : memref<512x32xf32, #tpu.memory_space<vmem>>[vector<16xi32>, vector<16xi32>], vector<16xf32>,
      %scatter3A_901 = arith.constant 0 : i32
      %scatter3A_902 = arith.constant 0 : i32
      %scatter3A_903 = arith.constant 0 : i32
      %scatter3A_904 = arith.constant 0 : i32
      %scatter3A_905 = tpu.memref_slice %arg7[%scan3A_615, %scatter3A_901, %scatter3A_902, %scatter3A_903, %scatter3A_904] : memref<2x4x4x8x128xf32, #tpu.memory_space<vmem>> -> memref<1x4x4x8x128xf32, #tpu.memory_space<vmem>>
      %scatter3A_906 = tpu.memref_squeeze %scatter3A_905 : memref<1x4x4x8x128xf32, #tpu.memory_space<vmem>> -> memref<4x4x8x128xf32, #tpu.memory_space<vmem>>
      tpu.vector_store_idx %scatter3A_906[%shift_right_logical3A_57, %add3A_854, %and3A_60, %add3A_860], %gather3A_900 : memref<4x4x8x128xf32, #tpu.memory_space<vmem>>[vector<16xi32>, vector<16xi32>, vector<16xi32>, vector<16xi32>], vector<16xf32>,
      %gather3A_907 = arith.constant 0 : i32
      %gather3A_908 = arith.constant 0 : i32
      %gather3A_909 = tpu.memref_slice %arg6[%scan3A_614, %gather3A_907, %gather3A_908] : memref<2x512x32xf32, #tpu.memory_space<vmem>> -> memref<1x512x32xf32, #tpu.memory_space<vmem>>
      %gather3A_910 = tpu.memref_squeeze %gather3A_909 : memref<1x512x32xf32, #tpu.memory_space<vmem>> -> memref<512x32xf32, #tpu.memory_space<vmem>>
      %gather3A_911 = tpu.vector_load_idx %gather3A_910[%add3A_864, %add3A_69] : memref<512x32xf32, #tpu.memory_space<vmem>>[vector<16xi32>, vector<16xi32>], vector<16xf32>,
      %scatter3A_912 = arith.constant 0 : i32
      %scatter3A_913 = arith.constant 0 : i32
      %scatter3A_914 = arith.constant 0 : i32
      %scatter3A_915 = arith.constant 0 : i32
      %scatter3A_916 = tpu.memref_slice %arg7[%scan3A_615, %scatter3A_912, %scatter3A_913, %scatter3A_914, %scatter3A_915] : memref<2x4x4x8x128xf32, #tpu.memory_space<vmem>> -> memref<1x4x4x8x128xf32, #tpu.memory_space<vmem>>
      %scatter3A_917 = tpu.memref_squeeze %scatter3A_916 : memref<1x4x4x8x128xf32, #tpu.memory_space<vmem>> -> memref<4x4x8x128xf32, #tpu.memory_space<vmem>>
      tpu.vector_store_idx %scatter3A_917[%shift_right_logical3A_72, %add3A_854, %and3A_75, %add3A_860], %gather3A_911 : memref<4x4x8x128xf32, #tpu.memory_space<vmem>>[vector<16xi32>, vector<16xi32>, vector<16xi32>, vector<16xi32>], vector<16xf32>,
      %gather3A_918 = arith.constant 0 : i32
      %gather3A_919 = arith.constant 0 : i32
      %gather3A_920 = tpu.memref_slice %arg6[%scan3A_614, %gather3A_918, %gather3A_919] : memref<2x512x32xf32, #tpu.memory_space<vmem>> -> memref<1x512x32xf32, #tpu.memory_space<vmem>>
      %gather3A_921 = tpu.memref_squeeze %gather3A_920 : memref<1x512x32xf32, #tpu.memory_space<vmem>> -> memref<512x32xf32, #tpu.memory_space<vmem>>
      %gather3A_922 = tpu.vector_load_idx %gather3A_921[%add3A_864, %add3A_84] : memref<512x32xf32, #tpu.memory_space<vmem>>[vector<16xi32>, vector<16xi32>], vector<16xf32>,
      %scatter3A_923 = arith.constant 0 : i32
      %scatter3A_924 = arith.constant 0 : i32
      %scatter3A_925 = arith.constant 0 : i32
      %scatter3A_926 = arith.constant 0 : i32
      %scatter3A_927 = tpu.memref_slice %arg7[%scan3A_615, %scatter3A_923, %scatter3A_924, %scatter3A_925, %scatter3A_926] : memref<2x4x4x8x128xf32, #tpu.memory_space<vmem>> -> memref<1x4x4x8x128xf32, #tpu.memory_space<vmem>>
      %scatter3A_928 = tpu.memref_squeeze %scatter3A_927 : memref<1x4x4x8x128xf32, #tpu.memory_space<vmem>> -> memref<4x4x8x128xf32, #tpu.memory_space<vmem>>
      tpu.vector_store_idx %scatter3A_928[%shift_right_logical3A_87, %add3A_854, %and3A_90, %add3A_860], %gather3A_922 : memref<4x4x8x128xf32, #tpu.memory_space<vmem>>[vector<16xi32>, vector<16xi32>, vector<16xi32>, vector<16xi32>], vector<16xf32>,
      %gather3A_929 = arith.constant 0 : i32
      %gather3A_930 = arith.constant 0 : i32
      %gather3A_931 = tpu.memref_slice %arg6[%scan3A_614, %gather3A_929, %gather3A_930] : memref<2x512x32xf32, #tpu.memory_space<vmem>> -> memref<1x512x32xf32, #tpu.memory_space<vmem>>
      %gather3A_932 = tpu.memref_squeeze %gather3A_931 : memref<1x512x32xf32, #tpu.memory_space<vmem>> -> memref<512x32xf32, #tpu.memory_space<vmem>>
      %gather3A_933 = tpu.vector_load_idx %gather3A_932[%add3A_864, %add3A_99] : memref<512x32xf32, #tpu.memory_space<vmem>>[vector<16xi32>, vector<16xi32>], vector<16xf32>,
      %scatter3A_934 = arith.constant 0 : i32
      %scatter3A_935 = arith.constant 0 : i32
      %scatter3A_936 = arith.constant 0 : i32
      %scatter3A_937 = arith.constant 0 : i32
      %scatter3A_938 = tpu.memref_slice %arg7[%scan3A_615, %scatter3A_934, %scatter3A_935, %scatter3A_936, %scatter3A_937] : memref<2x4x4x8x128xf32, #tpu.memory_space<vmem>> -> memref<1x4x4x8x128xf32, #tpu.memory_space<vmem>>
      %scatter3A_939 = tpu.memref_squeeze %scatter3A_938 : memref<1x4x4x8x128xf32, #tpu.memory_space<vmem>> -> memref<4x4x8x128xf32, #tpu.memory_space<vmem>>
      tpu.vector_store_idx %scatter3A_939[%shift_right_logical3A_102, %add3A_854, %and3A_105, %add3A_860], %gather3A_933 : memref<4x4x8x128xf32, #tpu.memory_space<vmem>>[vector<16xi32>, vector<16xi32>, vector<16xi32>, vector<16xi32>], vector<16xf32>,
      %gather3A_940 = arith.constant 0 : i32
      %gather3A_941 = arith.constant 0 : i32
      %gather3A_942 = tpu.memref_slice %arg6[%scan3A_614, %gather3A_940, %gather3A_941] : memref<2x512x32xf32, #tpu.memory_space<vmem>> -> memref<1x512x32xf32, #tpu.memory_space<vmem>>
      %gather3A_943 = tpu.memref_squeeze %gather3A_942 : memref<1x512x32xf32, #tpu.memory_space<vmem>> -> memref<512x32xf32, #tpu.memory_space<vmem>>
      %gather3A_944 = tpu.vector_load_idx %gather3A_943[%add3A_864, %add3A_114] : memref<512x32xf32, #tpu.memory_space<vmem>>[vector<16xi32>, vector<16xi32>], vector<16xf32>,
      %scatter3A_945 = arith.constant 0 : i32
      %scatter3A_946 = arith.constant 0 : i32
      %scatter3A_947 = arith.constant 0 : i32
      %scatter3A_948 = arith.constant 0 : i32
      %scatter3A_949 = tpu.memref_slice %arg7[%scan3A_615, %scatter3A_945, %scatter3A_946, %scatter3A_947, %scatter3A_948] : memref<2x4x4x8x128xf32, #tpu.memory_space<vmem>> -> memref<1x4x4x8x128xf32, #tpu.memory_space<vmem>>
      %scatter3A_950 = tpu.memref_squeeze %scatter3A_949 : memref<1x4x4x8x128xf32, #tpu.memory_space<vmem>> -> memref<4x4x8x128xf32, #tpu.memory_space<vmem>>
      tpu.vector_store_idx %scatter3A_950[%shift_right_logical3A_117, %add3A_854, %and3A_120, %add3A_860], %gather3A_944 : memref<4x4x8x128xf32, #tpu.memory_space<vmem>>[vector<16xi32>, vector<16xi32>, vector<16xi32>, vector<16xi32>], vector<16xf32>,
      %gather3A_951 = arith.constant 0 : i32
      %gather3A_952 = arith.constant 0 : i32
      %gather3A_953 = tpu.memref_slice %arg6[%scan3A_614, %gather3A_951, %gather3A_952] : memref<2x512x32xf32, #tpu.memory_space<vmem>> -> memref<1x512x32xf32, #tpu.memory_space<vmem>>
      %gather3A_954 = tpu.memref_squeeze %gather3A_953 : memref<1x512x32xf32, #tpu.memory_space<vmem>> -> memref<512x32xf32, #tpu.memory_space<vmem>>
      %gather3A_955 = tpu.vector_load_idx %gather3A_954[%add3A_864, %add3A_129] : memref<512x32xf32, #tpu.memory_space<vmem>>[vector<16xi32>, vector<16xi32>], vector<16xf32>,
      %scatter3A_956 = arith.constant 0 : i32
      %scatter3A_957 = arith.constant 0 : i32
      %scatter3A_958 = arith.constant 0 : i32
      %scatter3A_959 = arith.constant 0 : i32
      %scatter3A_960 = tpu.memref_slice %arg7[%scan3A_615, %scatter3A_956, %scatter3A_957, %scatter3A_958, %scatter3A_959] : memref<2x4x4x8x128xf32, #tpu.memory_space<vmem>> -> memref<1x4x4x8x128xf32, #tpu.memory_space<vmem>>
      %scatter3A_961 = tpu.memref_squeeze %scatter3A_960 : memref<1x4x4x8x128xf32, #tpu.memory_space<vmem>> -> memref<4x4x8x128xf32, #tpu.memory_space<vmem>>
      tpu.vector_store_idx %scatter3A_961[%shift_right_logical3A_132, %add3A_854, %and3A_135, %add3A_860], %gather3A_955 : memref<4x4x8x128xf32, #tpu.memory_space<vmem>>[vector<16xi32>, vector<16xi32>, vector<16xi32>, vector<16xi32>], vector<16xf32>,
      %gather3A_962 = arith.constant 0 : i32
      %gather3A_963 = arith.constant 0 : i32
      %gather3A_964 = tpu.memref_slice %arg6[%scan3A_614, %gather3A_962, %gather3A_963] : memref<2x512x32xf32, #tpu.memory_space<vmem>> -> memref<1x512x32xf32, #tpu.memory_space<vmem>>
      %gather3A_965 = tpu.memref_squeeze %gather3A_964 : memref<1x512x32xf32, #tpu.memory_space<vmem>> -> memref<512x32xf32, #tpu.memory_space<vmem>>
      %gather3A_966 = tpu.vector_load_idx %gather3A_965[%add3A_864, %add3A_144] : memref<512x32xf32, #tpu.memory_space<vmem>>[vector<16xi32>, vector<16xi32>], vector<16xf32>,
      %scatter3A_967 = arith.constant 0 : i32
      %scatter3A_968 = arith.constant 0 : i32
      %scatter3A_969 = arith.constant 0 : i32
      %scatter3A_970 = arith.constant 0 : i32
      %scatter3A_971 = tpu.memref_slice %arg7[%scan3A_615, %scatter3A_967, %scatter3A_968, %scatter3A_969, %scatter3A_970] : memref<2x4x4x8x128xf32, #tpu.memory_space<vmem>> -> memref<1x4x4x8x128xf32, #tpu.memory_space<vmem>>
      %scatter3A_972 = tpu.memref_squeeze %scatter3A_971 : memref<1x4x4x8x128xf32, #tpu.memory_space<vmem>> -> memref<4x4x8x128xf32, #tpu.memory_space<vmem>>
      tpu.vector_store_idx %scatter3A_972[%shift_right_logical3A_147, %add3A_854, %and3A_150, %add3A_860], %gather3A_966 : memref<4x4x8x128xf32, #tpu.memory_space<vmem>>[vector<16xi32>, vector<16xi32>, vector<16xi32>, vector<16xi32>], vector<16xf32>,
      %gather3A_973 = arith.constant 0 : i32
      %gather3A_974 = arith.constant 0 : i32
      %gather3A_975 = tpu.memref_slice %arg6[%scan3A_614, %gather3A_973, %gather3A_974] : memref<2x512x32xf32, #tpu.memory_space<vmem>> -> memref<1x512x32xf32, #tpu.memory_space<vmem>>
      %gather3A_976 = tpu.memref_squeeze %gather3A_975 : memref<1x512x32xf32, #tpu.memory_space<vmem>> -> memref<512x32xf32, #tpu.memory_space<vmem>>
      %gather3A_977 = tpu.vector_load_idx %gather3A_976[%add3A_864, %add3A_159] : memref<512x32xf32, #tpu.memory_space<vmem>>[vector<16xi32>, vector<16xi32>], vector<16xf32>,
      %scatter3A_978 = arith.constant 0 : i32
      %scatter3A_979 = arith.constant 0 : i32
      %scatter3A_980 = arith.constant 0 : i32
      %scatter3A_981 = arith.constant 0 : i32
      %scatter3A_982 = tpu.memref_slice %arg7[%scan3A_615, %scatter3A_978, %scatter3A_979, %scatter3A_980, %scatter3A_981] : memref<2x4x4x8x128xf32, #tpu.memory_space<vmem>> -> memref<1x4x4x8x128xf32, #tpu.memory_space<vmem>>
      %scatter3A_983 = tpu.memref_squeeze %scatter3A_982 : memref<1x4x4x8x128xf32, #tpu.memory_space<vmem>> -> memref<4x4x8x128xf32, #tpu.memory_space<vmem>>
      tpu.vector_store_idx %scatter3A_983[%shift_right_logical3A_162, %add3A_854, %and3A_165, %add3A_860], %gather3A_977 : memref<4x4x8x128xf32, #tpu.memory_space<vmem>>[vector<16xi32>, vector<16xi32>, vector<16xi32>, vector<16xi32>], vector<16xf32>,
      %gather3A_984 = arith.constant 0 : i32
      %gather3A_985 = arith.constant 0 : i32
      %gather3A_986 = tpu.memref_slice %arg6[%scan3A_614, %gather3A_984, %gather3A_985] : memref<2x512x32xf32, #tpu.memory_space<vmem>> -> memref<1x512x32xf32, #tpu.memory_space<vmem>>
      %gather3A_987 = tpu.memref_squeeze %gather3A_986 : memref<1x512x32xf32, #tpu.memory_space<vmem>> -> memref<512x32xf32, #tpu.memory_space<vmem>>
      %gather3A_988 = tpu.vector_load_idx %gather3A_987[%add3A_864, %add3A_174] : memref<512x32xf32, #tpu.memory_space<vmem>>[vector<16xi32>, vector<16xi32>], vector<16xf32>,
      %scatter3A_989 = arith.constant 0 : i32
      %scatter3A_990 = arith.constant 0 : i32
      %scatter3A_991 = arith.constant 0 : i32
      %scatter3A_992 = arith.constant 0 : i32
      %scatter3A_993 = tpu.memref_slice %arg7[%scan3A_615, %scatter3A_989, %scatter3A_990, %scatter3A_991, %scatter3A_992] : memref<2x4x4x8x128xf32, #tpu.memory_space<vmem>> -> memref<1x4x4x8x128xf32, #tpu.memory_space<vmem>>
      %scatter3A_994 = tpu.memref_squeeze %scatter3A_993 : memref<1x4x4x8x128xf32, #tpu.memory_space<vmem>> -> memref<4x4x8x128xf32, #tpu.memory_space<vmem>>
      tpu.vector_store_idx %scatter3A_994[%shift_right_logical3A_177, %add3A_854, %and3A_180, %add3A_860], %gather3A_988 : memref<4x4x8x128xf32, #tpu.memory_space<vmem>>[vector<16xi32>, vector<16xi32>, vector<16xi32>, vector<16xi32>], vector<16xf32>,
      %gather3A_995 = arith.constant 0 : i32
      %gather3A_996 = arith.constant 0 : i32
      %gather3A_997 = tpu.memref_slice %arg6[%scan3A_614, %gather3A_995, %gather3A_996] : memref<2x512x32xf32, #tpu.memory_space<vmem>> -> memref<1x512x32xf32, #tpu.memory_space<vmem>>
      %gather3A_998 = tpu.memref_squeeze %gather3A_997 : memref<1x512x32xf32, #tpu.memory_space<vmem>> -> memref<512x32xf32, #tpu.memory_space<vmem>>
      %gather3A_999 = tpu.vector_load_idx %gather3A_998[%add3A_864, %add3A_189] : memref<512x32xf32, #tpu.memory_space<vmem>>[vector<16xi32>, vector<16xi32>], vector<16xf32>,
      %scatter3A_1000 = arith.constant 0 : i32
      %scatter3A_1001 = arith.constant 0 : i32
      %scatter3A_1002 = arith.constant 0 : i32
      %scatter3A_1003 = arith.constant 0 : i32
      %scatter3A_1004 = tpu.memref_slice %arg7[%scan3A_615, %scatter3A_1000, %scatter3A_1001, %scatter3A_1002, %scatter3A_1003] : memref<2x4x4x8x128xf32, #tpu.memory_space<vmem>> -> memref<1x4x4x8x128xf32, #tpu.memory_space<vmem>>
      %scatter3A_1005 = tpu.memref_squeeze %scatter3A_1004 : memref<1x4x4x8x128xf32, #tpu.memory_space<vmem>> -> memref<4x4x8x128xf32, #tpu.memory_space<vmem>>
      tpu.vector_store_idx %scatter3A_1005[%shift_right_logical3A_192, %add3A_854, %and3A_195, %add3A_860], %gather3A_999 : memref<4x4x8x128xf32, #tpu.memory_space<vmem>>[vector<16xi32>, vector<16xi32>, vector<16xi32>, vector<16xi32>], vector<16xf32>,
      %gather3A_1006 = arith.constant 0 : i32
      %gather3A_1007 = arith.constant 0 : i32
      %gather3A_1008 = tpu.memref_slice %arg6[%scan3A_614, %gather3A_1006, %gather3A_1007] : memref<2x512x32xf32, #tpu.memory_space<vmem>> -> memref<1x512x32xf32, #tpu.memory_space<vmem>>
      %gather3A_1009 = tpu.memref_squeeze %gather3A_1008 : memref<1x512x32xf32, #tpu.memory_space<vmem>> -> memref<512x32xf32, #tpu.memory_space<vmem>>
      %gather3A_1010 = tpu.vector_load_idx %gather3A_1009[%add3A_864, %add3A_204] : memref<512x32xf32, #tpu.memory_space<vmem>>[vector<16xi32>, vector<16xi32>], vector<16xf32>,
      %scatter3A_1011 = arith.constant 0 : i32
      %scatter3A_1012 = arith.constant 0 : i32
      %scatter3A_1013 = arith.constant 0 : i32
      %scatter3A_1014 = arith.constant 0 : i32
      %scatter3A_1015 = tpu.memref_slice %arg7[%scan3A_615, %scatter3A_1011, %scatter3A_1012, %scatter3A_1013, %scatter3A_1014] : memref<2x4x4x8x128xf32, #tpu.memory_space<vmem>> -> memref<1x4x4x8x128xf32, #tpu.memory_space<vmem>>
      %scatter3A_1016 = tpu.memref_squeeze %scatter3A_1015 : memref<1x4x4x8x128xf32, #tpu.memory_space<vmem>> -> memref<4x4x8x128xf32, #tpu.memory_space<vmem>>
      tpu.vector_store_idx %scatter3A_1016[%shift_right_logical3A_207, %add3A_854, %and3A_210, %add3A_860], %gather3A_1010 : memref<4x4x8x128xf32, #tpu.memory_space<vmem>>[vector<16xi32>, vector<16xi32>, vector<16xi32>, vector<16xi32>], vector<16xf32>,
      %gather3A_1017 = arith.constant 0 : i32
      %gather3A_1018 = arith.constant 0 : i32
      %gather3A_1019 = tpu.memref_slice %arg6[%scan3A_614, %gather3A_1017, %gather3A_1018] : memref<2x512x32xf32, #tpu.memory_space<vmem>> -> memref<1x512x32xf32, #tpu.memory_space<vmem>>
      %gather3A_1020 = tpu.memref_squeeze %gather3A_1019 : memref<1x512x32xf32, #tpu.memory_space<vmem>> -> memref<512x32xf32, #tpu.memory_space<vmem>>
      %gather3A_1021 = tpu.vector_load_idx %gather3A_1020[%add3A_864, %add3A_219] : memref<512x32xf32, #tpu.memory_space<vmem>>[vector<16xi32>, vector<16xi32>], vector<16xf32>,
      %scatter3A_1022 = arith.constant 0 : i32
      %scatter3A_1023 = arith.constant 0 : i32
      %scatter3A_1024 = arith.constant 0 : i32
      %scatter3A_1025 = arith.constant 0 : i32
      %scatter3A_1026 = tpu.memref_slice %arg7[%scan3A_615, %scatter3A_1022, %scatter3A_1023, %scatter3A_1024, %scatter3A_1025] : memref<2x4x4x8x128xf32, #tpu.memory_space<vmem>> -> memref<1x4x4x8x128xf32, #tpu.memory_space<vmem>>
      %scatter3A_1027 = tpu.memref_squeeze %scatter3A_1026 : memref<1x4x4x8x128xf32, #tpu.memory_space<vmem>> -> memref<4x4x8x128xf32, #tpu.memory_space<vmem>>
      tpu.vector_store_idx %scatter3A_1027[%shift_right_logical3A_222, %add3A_854, %and3A_225, %add3A_860], %gather3A_1021 : memref<4x4x8x128xf32, #tpu.memory_space<vmem>>[vector<16xi32>, vector<16xi32>, vector<16xi32>, vector<16xi32>], vector<16xf32>,
      %gather3A_1028 = arith.constant 0 : i32
      %gather3A_1029 = arith.constant 0 : i32
      %gather3A_1030 = tpu.memref_slice %arg6[%scan3A_614, %gather3A_1028, %gather3A_1029] : memref<2x512x32xf32, #tpu.memory_space<vmem>> -> memref<1x512x32xf32, #tpu.memory_space<vmem>>
      %gather3A_1031 = tpu.memref_squeeze %gather3A_1030 : memref<1x512x32xf32, #tpu.memory_space<vmem>> -> memref<512x32xf32, #tpu.memory_space<vmem>>
      %gather3A_1032 = tpu.vector_load_idx %gather3A_1031[%add3A_864, %add3A_234] : memref<512x32xf32, #tpu.memory_space<vmem>>[vector<16xi32>, vector<16xi32>], vector<16xf32>,
      %scatter3A_1033 = arith.constant 0 : i32
      %scatter3A_1034 = arith.constant 0 : i32
      %scatter3A_1035 = arith.constant 0 : i32
      %scatter3A_1036 = arith.constant 0 : i32
      %scatter3A_1037 = tpu.memref_slice %arg7[%scan3A_615, %scatter3A_1033, %scatter3A_1034, %scatter3A_1035, %scatter3A_1036] : memref<2x4x4x8x128xf32, #tpu.memory_space<vmem>> -> memref<1x4x4x8x128xf32, #tpu.memory_space<vmem>>
      %scatter3A_1038 = tpu.memref_squeeze %scatter3A_1037 : memref<1x4x4x8x128xf32, #tpu.memory_space<vmem>> -> memref<4x4x8x128xf32, #tpu.memory_space<vmem>>
      tpu.vector_store_idx %scatter3A_1038[%shift_right_logical3A_237, %add3A_854, %and3A_240, %add3A_860], %gather3A_1032 : memref<4x4x8x128xf32, #tpu.memory_space<vmem>>[vector<16xi32>, vector<16xi32>, vector<16xi32>, vector<16xi32>], vector<16xf32>,
      %gather3A_1039 = arith.constant 0 : i32
      %gather3A_1040 = arith.constant 0 : i32
      %gather3A_1041 = tpu.memref_slice %arg6[%scan3A_614, %gather3A_1039, %gather3A_1040] : memref<2x512x32xf32, #tpu.memory_space<vmem>> -> memref<1x512x32xf32, #tpu.memory_space<vmem>>
      %gather3A_1042 = tpu.memref_squeeze %gather3A_1041 : memref<1x512x32xf32, #tpu.memory_space<vmem>> -> memref<512x32xf32, #tpu.memory_space<vmem>>
      %gather3A_1043 = tpu.vector_load_idx %gather3A_1042[%add3A_864, %add3A_249] : memref<512x32xf32, #tpu.memory_space<vmem>>[vector<16xi32>, vector<16xi32>], vector<16xf32>,
      %scatter3A_1044 = arith.constant 0 : i32
      %scatter3A_1045 = arith.constant 0 : i32
      %scatter3A_1046 = arith.constant 0 : i32
      %scatter3A_1047 = arith.constant 0 : i32
      %scatter3A_1048 = tpu.memref_slice %arg7[%scan3A_615, %scatter3A_1044, %scatter3A_1045, %scatter3A_1046, %scatter3A_1047] : memref<2x4x4x8x128xf32, #tpu.memory_space<vmem>> -> memref<1x4x4x8x128xf32, #tpu.memory_space<vmem>>
      %scatter3A_1049 = tpu.memref_squeeze %scatter3A_1048 : memref<1x4x4x8x128xf32, #tpu.memory_space<vmem>> -> memref<4x4x8x128xf32, #tpu.memory_space<vmem>>
      tpu.vector_store_idx %scatter3A_1049[%shift_right_logical3A_252, %add3A_854, %and3A_255, %add3A_860], %gather3A_1043 : memref<4x4x8x128xf32, #tpu.memory_space<vmem>>[vector<16xi32>, vector<16xi32>, vector<16xi32>, vector<16xi32>], vector<16xf32>,
      %gather3A_1050 = arith.constant 0 : i32
      %gather3A_1051 = arith.constant 0 : i32
      %gather3A_1052 = tpu.memref_slice %arg6[%scan3A_614, %gather3A_1050, %gather3A_1051] : memref<2x512x32xf32, #tpu.memory_space<vmem>> -> memref<1x512x32xf32, #tpu.memory_space<vmem>>
      %gather3A_1053 = tpu.memref_squeeze %gather3A_1052 : memref<1x512x32xf32, #tpu.memory_space<vmem>> -> memref<512x32xf32, #tpu.memory_space<vmem>>
      %gather3A_1054 = tpu.vector_load_idx %gather3A_1053[%add3A_864, %add3A_264] : memref<512x32xf32, #tpu.memory_space<vmem>>[vector<16xi32>, vector<16xi32>], vector<16xf32>,
      %scatter3A_1055 = arith.constant 0 : i32
      %scatter3A_1056 = arith.constant 0 : i32
      %scatter3A_1057 = arith.constant 0 : i32
      %scatter3A_1058 = arith.constant 0 : i32
      %scatter3A_1059 = tpu.memref_slice %arg7[%scan3A_615, %scatter3A_1055, %scatter3A_1056, %scatter3A_1057, %scatter3A_1058] : memref<2x4x4x8x128xf32, #tpu.memory_space<vmem>> -> memref<1x4x4x8x128xf32, #tpu.memory_space<vmem>>
      %scatter3A_1060 = tpu.memref_squeeze %scatter3A_1059 : memref<1x4x4x8x128xf32, #tpu.memory_space<vmem>> -> memref<4x4x8x128xf32, #tpu.memory_space<vmem>>
      tpu.vector_store_idx %scatter3A_1060[%shift_right_logical3A_267, %add3A_854, %and3A_270, %add3A_860], %gather3A_1054 : memref<4x4x8x128xf32, #tpu.memory_space<vmem>>[vector<16xi32>, vector<16xi32>, vector<16xi32>, vector<16xi32>], vector<16xf32>,
      %gather3A_1061 = arith.constant 0 : i32
      %gather3A_1062 = arith.constant 0 : i32
      %gather3A_1063 = tpu.memref_slice %arg6[%scan3A_614, %gather3A_1061, %gather3A_1062] : memref<2x512x32xf32, #tpu.memory_space<vmem>> -> memref<1x512x32xf32, #tpu.memory_space<vmem>>
      %gather3A_1064 = tpu.memref_squeeze %gather3A_1063 : memref<1x512x32xf32, #tpu.memory_space<vmem>> -> memref<512x32xf32, #tpu.memory_space<vmem>>
      %gather3A_1065 = tpu.vector_load_idx %gather3A_1064[%add3A_864, %add3A_279] : memref<512x32xf32, #tpu.memory_space<vmem>>[vector<16xi32>, vector<16xi32>], vector<16xf32>,
      %scatter3A_1066 = arith.constant 0 : i32
      %scatter3A_1067 = arith.constant 0 : i32
      %scatter3A_1068 = arith.constant 0 : i32
      %scatter3A_1069 = arith.constant 0 : i32
      %scatter3A_1070 = tpu.memref_slice %arg7[%scan3A_615, %scatter3A_1066, %scatter3A_1067, %scatter3A_1068, %scatter3A_1069] : memref<2x4x4x8x128xf32, #tpu.memory_space<vmem>> -> memref<1x4x4x8x128xf32, #tpu.memory_space<vmem>>
      %scatter3A_1071 = tpu.memref_squeeze %scatter3A_1070 : memref<1x4x4x8x128xf32, #tpu.memory_space<vmem>> -> memref<4x4x8x128xf32, #tpu.memory_space<vmem>>
      tpu.vector_store_idx %scatter3A_1071[%shift_right_logical3A_282, %add3A_854, %and3A_285, %add3A_860], %gather3A_1065 : memref<4x4x8x128xf32, #tpu.memory_space<vmem>>[vector<16xi32>, vector<16xi32>, vector<16xi32>, vector<16xi32>], vector<16xf32>,
      %gather3A_1072 = arith.constant 0 : i32
      %gather3A_1073 = arith.constant 0 : i32
      %gather3A_1074 = tpu.memref_slice %arg6[%scan3A_614, %gather3A_1072, %gather3A_1073] : memref<2x512x32xf32, #tpu.memory_space<vmem>> -> memref<1x512x32xf32, #tpu.memory_space<vmem>>
      %gather3A_1075 = tpu.memref_squeeze %gather3A_1074 : memref<1x512x32xf32, #tpu.memory_space<vmem>> -> memref<512x32xf32, #tpu.memory_space<vmem>>
      %gather3A_1076 = tpu.vector_load_idx %gather3A_1075[%add3A_864, %add3A_294] : memref<512x32xf32, #tpu.memory_space<vmem>>[vector<16xi32>, vector<16xi32>], vector<16xf32>,
      %scatter3A_1077 = arith.constant 0 : i32
      %scatter3A_1078 = arith.constant 0 : i32
      %scatter3A_1079 = arith.constant 0 : i32
      %scatter3A_1080 = arith.constant 0 : i32
      %scatter3A_1081 = tpu.memref_slice %arg7[%scan3A_615, %scatter3A_1077, %scatter3A_1078, %scatter3A_1079, %scatter3A_1080] : memref<2x4x4x8x128xf32, #tpu.memory_space<vmem>> -> memref<1x4x4x8x128xf32, #tpu.memory_space<vmem>>
      %scatter3A_1082 = tpu.memref_squeeze %scatter3A_1081 : memref<1x4x4x8x128xf32, #tpu.memory_space<vmem>> -> memref<4x4x8x128xf32, #tpu.memory_space<vmem>>
      tpu.vector_store_idx %scatter3A_1082[%shift_right_logical3A_297, %add3A_854, %and3A_300, %add3A_860], %gather3A_1076 : memref<4x4x8x128xf32, #tpu.memory_space<vmem>>[vector<16xi32>, vector<16xi32>, vector<16xi32>, vector<16xi32>], vector<16xf32>,
      %gather3A_1083 = arith.constant 0 : i32
      %gather3A_1084 = arith.constant 0 : i32
      %gather3A_1085 = tpu.memref_slice %arg6[%scan3A_614, %gather3A_1083, %gather3A_1084] : memref<2x512x32xf32, #tpu.memory_space<vmem>> -> memref<1x512x32xf32, #tpu.memory_space<vmem>>
      %gather3A_1086 = tpu.memref_squeeze %gather3A_1085 : memref<1x512x32xf32, #tpu.memory_space<vmem>> -> memref<512x32xf32, #tpu.memory_space<vmem>>
      %gather3A_1087 = tpu.vector_load_idx %gather3A_1086[%add3A_864, %add3A_309] : memref<512x32xf32, #tpu.memory_space<vmem>>[vector<16xi32>, vector<16xi32>], vector<16xf32>,
      %scatter3A_1088 = arith.constant 0 : i32
      %scatter3A_1089 = arith.constant 0 : i32
      %scatter3A_1090 = arith.constant 0 : i32
      %scatter3A_1091 = arith.constant 0 : i32
      %scatter3A_1092 = tpu.memref_slice %arg7[%scan3A_615, %scatter3A_1088, %scatter3A_1089, %scatter3A_1090, %scatter3A_1091] : memref<2x4x4x8x128xf32, #tpu.memory_space<vmem>> -> memref<1x4x4x8x128xf32, #tpu.memory_space<vmem>>
      %scatter3A_1093 = tpu.memref_squeeze %scatter3A_1092 : memref<1x4x4x8x128xf32, #tpu.memory_space<vmem>> -> memref<4x4x8x128xf32, #tpu.memory_space<vmem>>
      tpu.vector_store_idx %scatter3A_1093[%shift_right_logical3A_312, %add3A_854, %and3A_315, %add3A_860], %gather3A_1087 : memref<4x4x8x128xf32, #tpu.memory_space<vmem>>[vector<16xi32>, vector<16xi32>, vector<16xi32>, vector<16xi32>], vector<16xf32>,
      %gather3A_1094 = arith.constant 0 : i32
      %gather3A_1095 = arith.constant 0 : i32
      %gather3A_1096 = tpu.memref_slice %arg6[%scan3A_614, %gather3A_1094, %gather3A_1095] : memref<2x512x32xf32, #tpu.memory_space<vmem>> -> memref<1x512x32xf32, #tpu.memory_space<vmem>>
      %gather3A_1097 = tpu.memref_squeeze %gather3A_1096 : memref<1x512x32xf32, #tpu.memory_space<vmem>> -> memref<512x32xf32, #tpu.memory_space<vmem>>
      %gather3A_1098 = tpu.vector_load_idx %gather3A_1097[%add3A_864, %add3A_324] : memref<512x32xf32, #tpu.memory_space<vmem>>[vector<16xi32>, vector<16xi32>], vector<16xf32>,
      %scatter3A_1099 = arith.constant 0 : i32
      %scatter3A_1100 = arith.constant 0 : i32
      %scatter3A_1101 = arith.constant 0 : i32
      %scatter3A_1102 = arith.constant 0 : i32
      %scatter3A_1103 = tpu.memref_slice %arg7[%scan3A_615, %scatter3A_1099, %scatter3A_1100, %scatter3A_1101, %scatter3A_1102] : memref<2x4x4x8x128xf32, #tpu.memory_space<vmem>> -> memref<1x4x4x8x128xf32, #tpu.memory_space<vmem>>
      %scatter3A_1104 = tpu.memref_squeeze %scatter3A_1103 : memref<1x4x4x8x128xf32, #tpu.memory_space<vmem>> -> memref<4x4x8x128xf32, #tpu.memory_space<vmem>>
      tpu.vector_store_idx %scatter3A_1104[%shift_right_logical3A_327, %add3A_854, %and3A_330, %add3A_860], %gather3A_1098 : memref<4x4x8x128xf32, #tpu.memory_space<vmem>>[vector<16xi32>, vector<16xi32>, vector<16xi32>, vector<16xi32>], vector<16xf32>,
      %gather3A_1105 = arith.constant 0 : i32
      %gather3A_1106 = arith.constant 0 : i32
      %gather3A_1107 = tpu.memref_slice %arg6[%scan3A_614, %gather3A_1105, %gather3A_1106] : memref<2x512x32xf32, #tpu.memory_space<vmem>> -> memref<1x512x32xf32, #tpu.memory_space<vmem>>
      %gather3A_1108 = tpu.memref_squeeze %gather3A_1107 : memref<1x512x32xf32, #tpu.memory_space<vmem>> -> memref<512x32xf32, #tpu.memory_space<vmem>>
      %gather3A_1109 = tpu.vector_load_idx %gather3A_1108[%add3A_864, %add3A_339] : memref<512x32xf32, #tpu.memory_space<vmem>>[vector<16xi32>, vector<16xi32>], vector<16xf32>,
      %scatter3A_1110 = arith.constant 0 : i32
      %scatter3A_1111 = arith.constant 0 : i32
      %scatter3A_1112 = arith.constant 0 : i32
      %scatter3A_1113 = arith.constant 0 : i32
      %scatter3A_1114 = tpu.memref_slice %arg7[%scan3A_615, %scatter3A_1110, %scatter3A_1111, %scatter3A_1112, %scatter3A_1113] : memref<2x4x4x8x128xf32, #tpu.memory_space<vmem>> -> memref<1x4x4x8x128xf32, #tpu.memory_space<vmem>>
      %scatter3A_1115 = tpu.memref_squeeze %scatter3A_1114 : memref<1x4x4x8x128xf32, #tpu.memory_space<vmem>> -> memref<4x4x8x128xf32, #tpu.memory_space<vmem>>
      tpu.vector_store_idx %scatter3A_1115[%shift_right_logical3A_342, %add3A_854, %and3A_345, %add3A_860], %gather3A_1109 : memref<4x4x8x128xf32, #tpu.memory_space<vmem>>[vector<16xi32>, vector<16xi32>, vector<16xi32>, vector<16xi32>], vector<16xf32>,
      %gather3A_1116 = arith.constant 0 : i32
      %gather3A_1117 = arith.constant 0 : i32
      %gather3A_1118 = tpu.memref_slice %arg6[%scan3A_614, %gather3A_1116, %gather3A_1117] : memref<2x512x32xf32, #tpu.memory_space<vmem>> -> memref<1x512x32xf32, #tpu.memory_space<vmem>>
      %gather3A_1119 = tpu.memref_squeeze %gather3A_1118 : memref<1x512x32xf32, #tpu.memory_space<vmem>> -> memref<512x32xf32, #tpu.memory_space<vmem>>
      %gather3A_1120 = tpu.vector_load_idx %gather3A_1119[%add3A_864, %add3A_354] : memref<512x32xf32, #tpu.memory_space<vmem>>[vector<16xi32>, vector<16xi32>], vector<16xf32>,
      %scatter3A_1121 = arith.constant 0 : i32
      %scatter3A_1122 = arith.constant 0 : i32
      %scatter3A_1123 = arith.constant 0 : i32
      %scatter3A_1124 = arith.constant 0 : i32
      %scatter3A_1125 = tpu.memref_slice %arg7[%scan3A_615, %scatter3A_1121, %scatter3A_1122, %scatter3A_1123, %scatter3A_1124] : memref<2x4x4x8x128xf32, #tpu.memory_space<vmem>> -> memref<1x4x4x8x128xf32, #tpu.memory_space<vmem>>
      %scatter3A_1126 = tpu.memref_squeeze %scatter3A_1125 : memref<1x4x4x8x128xf32, #tpu.memory_space<vmem>> -> memref<4x4x8x128xf32, #tpu.memory_space<vmem>>
      tpu.vector_store_idx %scatter3A_1126[%shift_right_logical3A_357, %add3A_854, %and3A_360, %add3A_860], %gather3A_1120 : memref<4x4x8x128xf32, #tpu.memory_space<vmem>>[vector<16xi32>, vector<16xi32>, vector<16xi32>, vector<16xi32>], vector<16xf32>,
      %gather3A_1127 = arith.constant 0 : i32
      %gather3A_1128 = arith.constant 0 : i32
      %gather3A_1129 = tpu.memref_slice %arg6[%scan3A_614, %gather3A_1127, %gather3A_1128] : memref<2x512x32xf32, #tpu.memory_space<vmem>> -> memref<1x512x32xf32, #tpu.memory_space<vmem>>
      %gather3A_1130 = tpu.memref_squeeze %gather3A_1129 : memref<1x512x32xf32, #tpu.memory_space<vmem>> -> memref<512x32xf32, #tpu.memory_space<vmem>>
      %gather3A_1131 = tpu.vector_load_idx %gather3A_1130[%add3A_864, %add3A_369] : memref<512x32xf32, #tpu.memory_space<vmem>>[vector<16xi32>, vector<16xi32>], vector<16xf32>,
      %scatter3A_1132 = arith.constant 0 : i32
      %scatter3A_1133 = arith.constant 0 : i32
      %scatter3A_1134 = arith.constant 0 : i32
      %scatter3A_1135 = arith.constant 0 : i32
      %scatter3A_1136 = tpu.memref_slice %arg7[%scan3A_615, %scatter3A_1132, %scatter3A_1133, %scatter3A_1134, %scatter3A_1135] : memref<2x4x4x8x128xf32, #tpu.memory_space<vmem>> -> memref<1x4x4x8x128xf32, #tpu.memory_space<vmem>>
      %scatter3A_1137 = tpu.memref_squeeze %scatter3A_1136 : memref<1x4x4x8x128xf32, #tpu.memory_space<vmem>> -> memref<4x4x8x128xf32, #tpu.memory_space<vmem>>
      tpu.vector_store_idx %scatter3A_1137[%shift_right_logical3A_372, %add3A_854, %and3A_375, %add3A_860], %gather3A_1131 : memref<4x4x8x128xf32, #tpu.memory_space<vmem>>[vector<16xi32>, vector<16xi32>, vector<16xi32>, vector<16xi32>], vector<16xf32>,
      %gather3A_1138 = arith.constant 0 : i32
      %gather3A_1139 = arith.constant 0 : i32
      %gather3A_1140 = tpu.memref_slice %arg6[%scan3A_614, %gather3A_1138, %gather3A_1139] : memref<2x512x32xf32, #tpu.memory_space<vmem>> -> memref<1x512x32xf32, #tpu.memory_space<vmem>>
      %gather3A_1141 = tpu.memref_squeeze %gather3A_1140 : memref<1x512x32xf32, #tpu.memory_space<vmem>> -> memref<512x32xf32, #tpu.memory_space<vmem>>
      %gather3A_1142 = tpu.vector_load_idx %gather3A_1141[%add3A_864, %add3A_384] : memref<512x32xf32, #tpu.memory_space<vmem>>[vector<16xi32>, vector<16xi32>], vector<16xf32>,
      %scatter3A_1143 = arith.constant 0 : i32
      %scatter3A_1144 = arith.constant 0 : i32
      %scatter3A_1145 = arith.constant 0 : i32
      %scatter3A_1146 = arith.constant 0 : i32
      %scatter3A_1147 = tpu.memref_slice %arg7[%scan3A_615, %scatter3A_1143, %scatter3A_1144, %scatter3A_1145, %scatter3A_1146] : memref<2x4x4x8x128xf32, #tpu.memory_space<vmem>> -> memref<1x4x4x8x128xf32, #tpu.memory_space<vmem>>
      %scatter3A_1148 = tpu.memref_squeeze %scatter3A_1147 : memref<1x4x4x8x128xf32, #tpu.memory_space<vmem>> -> memref<4x4x8x128xf32, #tpu.memory_space<vmem>>
      tpu.vector_store_idx %scatter3A_1148[%shift_right_logical3A_387, %add3A_854, %and3A_390, %add3A_860], %gather3A_1142 : memref<4x4x8x128xf32, #tpu.memory_space<vmem>>[vector<16xi32>, vector<16xi32>, vector<16xi32>, vector<16xi32>], vector<16xf32>,
      %gather3A_1149 = arith.constant 0 : i32
      %gather3A_1150 = arith.constant 0 : i32
      %gather3A_1151 = tpu.memref_slice %arg6[%scan3A_614, %gather3A_1149, %gather3A_1150] : memref<2x512x32xf32, #tpu.memory_space<vmem>> -> memref<1x512x32xf32, #tpu.memory_space<vmem>>
      %gather3A_1152 = tpu.memref_squeeze %gather3A_1151 : memref<1x512x32xf32, #tpu.memory_space<vmem>> -> memref<512x32xf32, #tpu.memory_space<vmem>>
      %gather3A_1153 = tpu.vector_load_idx %gather3A_1152[%add3A_864, %add3A_399] : memref<512x32xf32, #tpu.memory_space<vmem>>[vector<16xi32>, vector<16xi32>], vector<16xf32>,
      %scatter3A_1154 = arith.constant 0 : i32
      %scatter3A_1155 = arith.constant 0 : i32
      %scatter3A_1156 = arith.constant 0 : i32
      %scatter3A_1157 = arith.constant 0 : i32
      %scatter3A_1158 = tpu.memref_slice %arg7[%scan3A_615, %scatter3A_1154, %scatter3A_1155, %scatter3A_1156, %scatter3A_1157] : memref<2x4x4x8x128xf32, #tpu.memory_space<vmem>> -> memref<1x4x4x8x128xf32, #tpu.memory_space<vmem>>
      %scatter3A_1159 = tpu.memref_squeeze %scatter3A_1158 : memref<1x4x4x8x128xf32, #tpu.memory_space<vmem>> -> memref<4x4x8x128xf32, #tpu.memory_space<vmem>>
      tpu.vector_store_idx %scatter3A_1159[%shift_right_logical3A_402, %add3A_854, %and3A_405, %add3A_860], %gather3A_1153 : memref<4x4x8x128xf32, #tpu.memory_space<vmem>>[vector<16xi32>, vector<16xi32>, vector<16xi32>, vector<16xi32>], vector<16xf32>,
      %gather3A_1160 = arith.constant 0 : i32
      %gather3A_1161 = arith.constant 0 : i32
      %gather3A_1162 = tpu.memref_slice %arg6[%scan3A_614, %gather3A_1160, %gather3A_1161] : memref<2x512x32xf32, #tpu.memory_space<vmem>> -> memref<1x512x32xf32, #tpu.memory_space<vmem>>
      %gather3A_1163 = tpu.memref_squeeze %gather3A_1162 : memref<1x512x32xf32, #tpu.memory_space<vmem>> -> memref<512x32xf32, #tpu.memory_space<vmem>>
      %gather3A_1164 = tpu.vector_load_idx %gather3A_1163[%add3A_864, %add3A_414] : memref<512x32xf32, #tpu.memory_space<vmem>>[vector<16xi32>, vector<16xi32>], vector<16xf32>,
      %scatter3A_1165 = arith.constant 0 : i32
      %scatter3A_1166 = arith.constant 0 : i32
      %scatter3A_1167 = arith.constant 0 : i32
      %scatter3A_1168 = arith.constant 0 : i32
      %scatter3A_1169 = tpu.memref_slice %arg7[%scan3A_615, %scatter3A_1165, %scatter3A_1166, %scatter3A_1167, %scatter3A_1168] : memref<2x4x4x8x128xf32, #tpu.memory_space<vmem>> -> memref<1x4x4x8x128xf32, #tpu.memory_space<vmem>>
      %scatter3A_1170 = tpu.memref_squeeze %scatter3A_1169 : memref<1x4x4x8x128xf32, #tpu.memory_space<vmem>> -> memref<4x4x8x128xf32, #tpu.memory_space<vmem>>
      tpu.vector_store_idx %scatter3A_1170[%shift_right_logical3A_417, %add3A_854, %and3A_420, %add3A_860], %gather3A_1164 : memref<4x4x8x128xf32, #tpu.memory_space<vmem>>[vector<16xi32>, vector<16xi32>, vector<16xi32>, vector<16xi32>], vector<16xf32>,
      %gather3A_1171 = arith.constant 0 : i32
      %gather3A_1172 = arith.constant 0 : i32
      %gather3A_1173 = tpu.memref_slice %arg6[%scan3A_614, %gather3A_1171, %gather3A_1172] : memref<2x512x32xf32, #tpu.memory_space<vmem>> -> memref<1x512x32xf32, #tpu.memory_space<vmem>>
      %gather3A_1174 = tpu.memref_squeeze %gather3A_1173 : memref<1x512x32xf32, #tpu.memory_space<vmem>> -> memref<512x32xf32, #tpu.memory_space<vmem>>
      %gather3A_1175 = tpu.vector_load_idx %gather3A_1174[%add3A_864, %add3A_429] : memref<512x32xf32, #tpu.memory_space<vmem>>[vector<16xi32>, vector<16xi32>], vector<16xf32>,
      %scatter3A_1176 = arith.constant 0 : i32
      %scatter3A_1177 = arith.constant 0 : i32
      %scatter3A_1178 = arith.constant 0 : i32
      %scatter3A_1179 = arith.constant 0 : i32
      %scatter3A_1180 = tpu.memref_slice %arg7[%scan3A_615, %scatter3A_1176, %scatter3A_1177, %scatter3A_1178, %scatter3A_1179] : memref<2x4x4x8x128xf32, #tpu.memory_space<vmem>> -> memref<1x4x4x8x128xf32, #tpu.memory_space<vmem>>
      %scatter3A_1181 = tpu.memref_squeeze %scatter3A_1180 : memref<1x4x4x8x128xf32, #tpu.memory_space<vmem>> -> memref<4x4x8x128xf32, #tpu.memory_space<vmem>>
      tpu.vector_store_idx %scatter3A_1181[%shift_right_logical3A_432, %add3A_854, %and3A_435, %add3A_860], %gather3A_1175 : memref<4x4x8x128xf32, #tpu.memory_space<vmem>>[vector<16xi32>, vector<16xi32>, vector<16xi32>, vector<16xi32>], vector<16xf32>,
      %gather3A_1182 = arith.constant 0 : i32
      %gather3A_1183 = arith.constant 0 : i32
      %gather3A_1184 = tpu.memref_slice %arg6[%scan3A_614, %gather3A_1182, %gather3A_1183] : memref<2x512x32xf32, #tpu.memory_space<vmem>> -> memref<1x512x32xf32, #tpu.memory_space<vmem>>
      %gather3A_1185 = tpu.memref_squeeze %gather3A_1184 : memref<1x512x32xf32, #tpu.memory_space<vmem>> -> memref<512x32xf32, #tpu.memory_space<vmem>>
      %gather3A_1186 = tpu.vector_load_idx %gather3A_1185[%add3A_864, %add3A_444] : memref<512x32xf32, #tpu.memory_space<vmem>>[vector<16xi32>, vector<16xi32>], vector<16xf32>,
      %scatter3A_1187 = arith.constant 0 : i32
      %scatter3A_1188 = arith.constant 0 : i32
      %scatter3A_1189 = arith.constant 0 : i32
      %scatter3A_1190 = arith.constant 0 : i32
      %scatter3A_1191 = tpu.memref_slice %arg7[%scan3A_615, %scatter3A_1187, %scatter3A_1188, %scatter3A_1189, %scatter3A_1190] : memref<2x4x4x8x128xf32, #tpu.memory_space<vmem>> -> memref<1x4x4x8x128xf32, #tpu.memory_space<vmem>>
      %scatter3A_1192 = tpu.memref_squeeze %scatter3A_1191 : memref<1x4x4x8x128xf32, #tpu.memory_space<vmem>> -> memref<4x4x8x128xf32, #tpu.memory_space<vmem>>
      tpu.vector_store_idx %scatter3A_1192[%shift_right_logical3A_447, %add3A_854, %and3A_450, %add3A_860], %gather3A_1186 : memref<4x4x8x128xf32, #tpu.memory_space<vmem>>[vector<16xi32>, vector<16xi32>, vector<16xi32>, vector<16xi32>], vector<16xf32>,
      %gather3A_1193 = arith.constant 0 : i32
      %gather3A_1194 = arith.constant 0 : i32
      %gather3A_1195 = tpu.memref_slice %arg6[%scan3A_614, %gather3A_1193, %gather3A_1194] : memref<2x512x32xf32, #tpu.memory_space<vmem>> -> memref<1x512x32xf32, #tpu.memory_space<vmem>>
      %gather3A_1196 = tpu.memref_squeeze %gather3A_1195 : memref<1x512x32xf32, #tpu.memory_space<vmem>> -> memref<512x32xf32, #tpu.memory_space<vmem>>
      %gather3A_1197 = tpu.vector_load_idx %gather3A_1196[%add3A_864, %add3A_459] : memref<512x32xf32, #tpu.memory_space<vmem>>[vector<16xi32>, vector<16xi32>], vector<16xf32>,
      %scatter3A_1198 = arith.constant 0 : i32
      %scatter3A_1199 = arith.constant 0 : i32
      %scatter3A_1200 = arith.constant 0 : i32
      %scatter3A_1201 = arith.constant 0 : i32
      %scatter3A_1202 = tpu.memref_slice %arg7[%scan3A_615, %scatter3A_1198, %scatter3A_1199, %scatter3A_1200, %scatter3A_1201] : memref<2x4x4x8x128xf32, #tpu.memory_space<vmem>> -> memref<1x4x4x8x128xf32, #tpu.memory_space<vmem>>
      %scatter3A_1203 = tpu.memref_squeeze %scatter3A_1202 : memref<1x4x4x8x128xf32, #tpu.memory_space<vmem>> -> memref<4x4x8x128xf32, #tpu.memory_space<vmem>>
      tpu.vector_store_idx %scatter3A_1203[%shift_right_logical3A_462, %add3A_854, %and3A_465, %add3A_860], %gather3A_1197 : memref<4x4x8x128xf32, #tpu.memory_space<vmem>>[vector<16xi32>, vector<16xi32>, vector<16xi32>, vector<16xi32>], vector<16xf32>,
      %gather3A_1204 = arith.constant 0 : i32
      %gather3A_1205 = arith.constant 0 : i32
      %gather3A_1206 = tpu.memref_slice %arg6[%scan3A_614, %gather3A_1204, %gather3A_1205] : memref<2x512x32xf32, #tpu.memory_space<vmem>> -> memref<1x512x32xf32, #tpu.memory_space<vmem>>
      %gather3A_1207 = tpu.memref_squeeze %gather3A_1206 : memref<1x512x32xf32, #tpu.memory_space<vmem>> -> memref<512x32xf32, #tpu.memory_space<vmem>>
      %gather3A_1208 = tpu.vector_load_idx %gather3A_1207[%add3A_864, %add3A_474] : memref<512x32xf32, #tpu.memory_space<vmem>>[vector<16xi32>, vector<16xi32>], vector<16xf32>,
      %scatter3A_1209 = arith.constant 0 : i32
      %scatter3A_1210 = arith.constant 0 : i32
      %scatter3A_1211 = arith.constant 0 : i32
      %scatter3A_1212 = arith.constant 0 : i32
      %scatter3A_1213 = tpu.memref_slice %arg7[%scan3A_615, %scatter3A_1209, %scatter3A_1210, %scatter3A_1211, %scatter3A_1212] : memref<2x4x4x8x128xf32, #tpu.memory_space<vmem>> -> memref<1x4x4x8x128xf32, #tpu.memory_space<vmem>>
      %scatter3A_1214 = tpu.memref_squeeze %scatter3A_1213 : memref<1x4x4x8x128xf32, #tpu.memory_space<vmem>> -> memref<4x4x8x128xf32, #tpu.memory_space<vmem>>
      tpu.vector_store_idx %scatter3A_1214[%shift_right_logical3A_477, %add3A_854, %and3A_480, %add3A_860], %gather3A_1208 : memref<4x4x8x128xf32, #tpu.memory_space<vmem>>[vector<16xi32>, vector<16xi32>, vector<16xi32>, vector<16xi32>], vector<16xf32>,
    }
    %scan3A_620 = arith.constant 32 : i32
    %mul3A_621 = arith.constant 512 : i32
    %mul3A_622 = arith.muli %mul3A_2, %mul3A_621 : i32
    %add3A_623 = arith.constant 0 : i32
    %add3A_624 = arith.addi %mul3A_622, %add3A_623 : i32
    %shift_right_logical3A_625 = arith.constant 14 : i32
    %shift_right_logical3A_626 = arith.shrui %add3A_624, %shift_right_logical3A_625 : i32
    %and3A_627 = arith.constant 16383 : i32
    %and3A_628 = arith.andi %add3A_624, %and3A_627 : i32
    %shift_right_logical3A_629 = arith.constant 7 : i32
    %shift_right_logical3A_630 = arith.shrui %and3A_628, %shift_right_logical3A_629 : i32
    %dma_start3A_631 = arith.constant 0 : i32
    %dma_start3A_632 = arith.constant 0 : i32
    %dma_start3A_633 = arith.constant 0 : i32
    %dma_start3A_634 = arith.constant 0 : i32
    %dma_start3A_635 = arith.constant 0 : i32
    %dma_start3A_636 = tpu.memref_slice %arg7[%dma_start3A_631, %dma_start3A_632, %dma_start3A_633, %dma_start3A_634, %dma_start3A_635] : memref<2x4x4x8x128xf32, #tpu.memory_space<vmem>> -> memref<1x4x4x8x128xf32, #tpu.memory_space<vmem>>
    %dma_start3A_637 = tpu.memref_squeeze %dma_start3A_636 : memref<1x4x4x8x128xf32, #tpu.memory_space<vmem>> -> memref<4x4x8x128xf32, #tpu.memory_space<vmem>>
    %dma_start3A_638 = arith.constant 0 : i32
    %dma_start3A_639 = arith.constant 0 : i32
    %dma_start3A_640 = arith.constant 0 : i32
    %dma_start3A_641 = arith.constant 0 : i32
    %dma_start3A_642 = tpu.memref_slice %arg4[%shift_right_logical3A_626, %dma_start3A_638, %dma_start3A_639, %dma_start3A_640, %dma_start3A_641] : memref<50x4x128x8x128xf32, #tpu.memory_space<hbm>> -> memref<1x4x128x8x128xf32, #tpu.memory_space<hbm>>
    %dma_start3A_643 = tpu.memref_squeeze %dma_start3A_642 : memref<1x4x128x8x128xf32, #tpu.memory_space<hbm>> -> memref<4x128x8x128xf32, #tpu.memory_space<hbm>>
    %dma_start3A_644 = arith.constant 0 : i32
    %dma_start3A_645 = arith.constant 0 : i32
    %dma_start3A_646 = arith.constant 0 : i32
    %dma_start3A_647 = tpu.memref_slice %dma_start3A_643[%dma_start3A_644, %shift_right_logical3A_630, %dma_start3A_645, %dma_start3A_646] : memref<4x128x8x128xf32, #tpu.memory_space<hbm>> -> memref<4x4x8x128xf32, #tpu.memory_space<hbm>>
    %dma_start3A_648 = arith.constant 0 : i32
    %dma_start3A_649 = arith.constant 0 : i32
    %dma_start3A_650 = arith.constant 0 : i32
    %dma_start3A_651 = arith.constant 0 : i32
    %dma_start3A_652 = tpu.memref_slice %arg4[%shift_right_logical3A_626, %dma_start3A_648, %dma_start3A_649, %dma_start3A_650, %dma_start3A_651] : memref<50x4x128x8x128xf32, #tpu.memory_space<hbm>> -> memref<1x4x128x8x128xf32, #tpu.memory_space<hbm>>
    %dma_start3A_653 = tpu.memref_squeeze %dma_start3A_652 : memref<1x4x128x8x128xf32, #tpu.memory_space<hbm>> -> memref<4x128x8x128xf32, #tpu.memory_space<hbm>>
    %dma_start3A_654 = arith.constant 0 : i32
    %dma_start3A_655 = arith.constant 0 : i32
    %dma_start3A_656 = arith.constant 0 : i32
    %dma_start3A_657 = tpu.memref_slice %dma_start3A_653[%dma_start3A_654, %shift_right_logical3A_630, %dma_start3A_655, %dma_start3A_656] : memref<4x128x8x128xf32, #tpu.memory_space<hbm>> -> memref<4x4x8x128xf32, #tpu.memory_space<hbm>>
    %dma_start3A_658 = arith.constant 0 : i32
    %dma_start3A_659 = arith.constant 0 : i32
    %dma_start3A_660 = arith.constant 0 : i32
    %dma_start3A_661 = arith.constant 0 : i32
    %dma_start3A_662 = tpu.memref_slice %arg7[%dma_start3A_631, %dma_start3A_658, %dma_start3A_659, %dma_start3A_660, %dma_start3A_661] : memref<2x4x4x8x128xf32, #tpu.memory_space<vmem>> -> memref<1x4x4x8x128xf32, #tpu.memory_space<vmem>>
    %dma_start3A_663 = tpu.memref_squeeze %dma_start3A_662 : memref<1x4x4x8x128xf32, #tpu.memory_space<vmem>> -> memref<4x4x8x128xf32, #tpu.memory_space<vmem>>
    tpu.enqueue_dma source(%dma_start3A_663 : memref<4x4x8x128xf32, #tpu.memory_space<vmem>>) target(%dma_start3A_657 : memref<4x4x8x128xf32, #tpu.memory_space<hbm>>) target_semaphore(%arg12 : memref<!tpu.dma_semaphore, #tpu.memory_space<semaphore_mem>>)
    %scan3A_664 = arith.constant 0 : i32
    %scan3A_665 = arith.constant 1 : i32
    %scan3A_666 = arith.constant 24 : i32
    %scan3A_667 = arith.addi %scan3A_665, %scan3A_666 : i32
    %scan3A_668 = arith.constant 1 : i32
    scf.for %scan3A_849 = %scan3A_665 to %scan3A_667 step %scan3A_668  : i32 {
      %mul3A_850 = arith.constant 2 : i32
      %mul3A_851 = arith.muli %scan3A_849, %mul3A_850 : i32
      %add3A_852 = arith.constant 0 : i32
      %add3A_853 = arith.addi %mul3A_851, %add3A_852 : i32
      %dma_wait3A_854 = arith.constant 0 : i32
      %dma_wait3A_855 = arith.constant 0 : i32
      %dma_wait3A_856 = arith.constant 0 : i32
      %dma_wait3A_857 = tpu.memref_slice %arg5[%dma_wait3A_854, %dma_wait3A_855, %dma_wait3A_856] : memref<2x1x512xi32, #tpu.memory_space<vmem>> -> memref<1x1x512xi32, #tpu.memory_space<vmem>>
      %dma_wait3A_858 = tpu.memref_squeeze %dma_wait3A_857 : memref<1x1x512xi32, #tpu.memory_space<vmem>> -> memref<1x512xi32, #tpu.memory_space<vmem>>
      %dma_wait3A_859 = arith.constant 0 : i32
      %dma_wait3A_860 = arith.constant 0 : i32
      %dma_wait3A_861 = tpu.memref_slice %arg3[%dma_wait3A_859, %dma_wait3A_860] : memref<1600x512xi32, #tpu.memory_space<hbm>> -> memref<1x512xi32, #tpu.memory_space<hbm>>
      %dma_wait3A_862 = arith.constant 0 : i32
      %dma_wait3A_863 = arith.constant 0 : i32
      %dma_wait3A_864 = tpu.memref_slice %arg5[%dma_wait3A_854, %dma_wait3A_862, %dma_wait3A_863] : memref<2x1x512xi32, #tpu.memory_space<vmem>> -> memref<1x1x512xi32, #tpu.memory_space<vmem>>
      %dma_wait3A_865 = tpu.memref_squeeze %dma_wait3A_864 : memref<1x1x512xi32, #tpu.memory_space<vmem>> -> memref<1x512xi32, #tpu.memory_space<vmem>>
      %dma_wait3A_866 = arith.constant 0 : i32
      %dma_wait3A_867 = arith.constant 0 : i32
      %dma_wait3A_868 = tpu.memref_slice %arg3[%dma_wait3A_866, %dma_wait3A_867] : memref<1600x512xi32, #tpu.memory_space<hbm>> -> memref<1x512xi32, #tpu.memory_space<hbm>>
      tpu.wait_dma2 semaphore(%arg8 : memref<!tpu.dma_semaphore, #tpu.memory_space<semaphore_mem>>) src(%dma_wait3A_868 : memref<1x512xi32, #tpu.memory_space<hbm>>) dst(%dma_wait3A_865 : memref<1x512xi32, #tpu.memory_space<vmem>>)
      %dma_start3A_869 = arith.constant 0 : i32
      %dma_start3A_870 = arith.constant 0 : i32
      %dma_start3A_871 = arith.constant 0 : i32
      %dma_start3A_872 = arith.constant 0 : i32
      %dma_start3A_873 = arith.constant 0 : i32
      %dma_start3A_874 = tpu.memref_slice %arg6[%dma_start3A_871, %dma_start3A_872, %dma_start3A_873] : memref<2x512x32xf32, #tpu.memory_space<vmem>> -> memref<1x512x32xf32, #tpu.memory_space<vmem>>
      %dma_start3A_875 = tpu.memref_squeeze %dma_start3A_874 : memref<1x512x32xf32, #tpu.memory_space<vmem>> -> memref<512x32xf32, #tpu.memory_space<vmem>>
      %dma_start3A_876 = arith.constant 0 : i32
      %dma_start3A_877 = arith.constant 0 : i32
      %dma_start3A_878 = tpu.memref_slice %dma_start3A_875[%dma_start3A_876, %dma_start3A_877] : memref<512x32xf32, #tpu.memory_space<vmem>> -> memref<512x32xf32, #tpu.memory_space<vmem>>
      %dma_start3A_879 = arith.constant 0 : i32
      %dma_start3A_880 = arith.constant 0 : i32
      %dma_start3A_881 = tpu.memref_slice %arg5[%dma_start3A_869, %dma_start3A_879, %dma_start3A_880] : memref<2x1x512xi32, #tpu.memory_space<vmem>> -> memref<1x1x512xi32, #tpu.memory_space<vmem>>
      %dma_start3A_882 = tpu.memref_squeeze %dma_start3A_881 : memref<1x1x512xi32, #tpu.memory_space<vmem>> -> memref<1x512xi32, #tpu.memory_space<vmem>>
      %dma_start3A_883 = arith.constant 0 : i32
      %dma_start3A_884 = tpu.memref_slice %dma_start3A_882[%dma_start3A_870, %dma_start3A_883] : memref<1x512xi32, #tpu.memory_space<vmem>> -> memref<1x512xi32, #tpu.memory_space<vmem>>
      %dma_start3A_885 = tpu.memref_squeeze %dma_start3A_884 : memref<1x512xi32, #tpu.memory_space<vmem>> -> memref<512xi32, #tpu.memory_space<vmem>>
      %dma_start3A_886 = arith.constant 0 : i32
      %dma_start3A_887 = arith.constant 0 : i32
      %dma_start3A_888 = tpu.memref_slice %arg2[%dma_start3A_886, %dma_start3A_887] : memref<1000000x32xf32, #tpu.memory_space<hbm>> -> memref<1000000x32xf32, #tpu.memory_space<hbm>>
      tpu.enqueue_indirect_dma source(%dma_start3A_888 : memref<1000000x32xf32, #tpu.memory_space<hbm>>) target(%dma_start3A_878 : memref<512x32xf32, #tpu.memory_space<vmem>>) offsets(%dma_start3A_885 : memref<512xi32, #tpu.memory_space<vmem>>) semaphore(%arg10 : memref<!tpu.dma_semaphore, #tpu.memory_space<semaphore_mem>>)
      %dma_wait3A_889 = arith.constant 1 : i32
      %dma_wait3A_890 = arith.constant 0 : i32
      %dma_wait3A_891 = arith.constant 1 : i32
      %dma_wait3A_892 = arith.constant 0 : i32
      %dma_wait3A_893 = arith.constant 0 : i32
      %dma_wait3A_894 = tpu.memref_slice %arg6[%dma_wait3A_891, %dma_wait3A_892, %dma_wait3A_893] : memref<2x512x32xf32, #tpu.memory_space<vmem>> -> memref<1x512x32xf32, #tpu.memory_space<vmem>>
      %dma_wait3A_895 = tpu.memref_squeeze %dma_wait3A_894 : memref<1x512x32xf32, #tpu.memory_space<vmem>> -> memref<512x32xf32, #tpu.memory_space<vmem>>
      %dma_wait3A_896 = arith.constant 0 : i32
      %dma_wait3A_897 = arith.constant 0 : i32
      %dma_wait3A_898 = tpu.memref_slice %dma_wait3A_895[%dma_wait3A_896, %dma_wait3A_897] : memref<512x32xf32, #tpu.memory_space<vmem>> -> memref<512x32xf32, #tpu.memory_space<vmem>>
      %dma_wait3A_899 = arith.constant 0 : i32
      %dma_wait3A_900 = arith.constant 0 : i32
      %dma_wait3A_901 = tpu.memref_slice %arg5[%dma_wait3A_889, %dma_wait3A_899, %dma_wait3A_900] : memref<2x1x512xi32, #tpu.memory_space<vmem>> -> memref<1x1x512xi32, #tpu.memory_space<vmem>>
      %dma_wait3A_902 = tpu.memref_squeeze %dma_wait3A_901 : memref<1x1x512xi32, #tpu.memory_space<vmem>> -> memref<1x512xi32, #tpu.memory_space<vmem>>
      %dma_wait3A_903 = arith.constant 0 : i32
      %dma_wait3A_904 = tpu.memref_slice %dma_wait3A_902[%dma_wait3A_890, %dma_wait3A_903] : memref<1x512xi32, #tpu.memory_space<vmem>> -> memref<1x512xi32, #tpu.memory_space<vmem>>
      %dma_wait3A_905 = tpu.memref_squeeze %dma_wait3A_904 : memref<1x512xi32, #tpu.memory_space<vmem>> -> memref<512xi32, #tpu.memory_space<vmem>>
      %dma_wait3A_906 = arith.constant 0 : i32
      %dma_wait3A_907 = arith.constant 0 : i32
      %dma_wait3A_908 = tpu.memref_slice %arg2[%dma_wait3A_906, %dma_wait3A_907] : memref<1000000x32xf32, #tpu.memory_space<hbm>> -> memref<1000000x32xf32, #tpu.memory_space<hbm>>
      tpu.wait_indirect_dma semaphore(%arg11 : memref<!tpu.dma_semaphore, #tpu.memory_space<semaphore_mem>>) src(%dma_wait3A_908 : memref<1000000x32xf32, #tpu.memory_space<hbm>>) dst(%dma_wait3A_898 : memref<512x32xf32, #tpu.memory_space<vmem>>)
      %add3A_909 = arith.constant 1 : i32
      %add3A_910 = arith.addi %add3A_853, %add3A_909 : i32
      %lt3A = arith.constant 50 : i32
      %lt3A_911 = arith.cmpi slt, %add3A_910, %lt3A : i32
      %convert_element_type3A = arith.extui %lt3A_911 : i1 to i32
      %cond3A = arith.constant 0 : i32
      %cond3A_912 = arith.cmpi ne, %convert_element_type3A, %cond3A : i32
      scf.if %cond3A_912 {
        %mul3A_1126 = arith.constant 1 : i32
        %mul3A_1127 = arith.muli %add3A_910, %mul3A_1126 : i32
        %add3A_1128 = arith.addi %mul3A_2, %mul3A_1127 : i32
        %dma_start3A_1129 = arith.constant 1 : i32
        %dma_start3A_1130 = arith.constant 0 : i32
        %dma_start3A_1131 = arith.constant 0 : i32
        %dma_start3A_1132 = tpu.memref_slice %arg5[%dma_start3A_1129, %dma_start3A_1130, %dma_start3A_1131] : memref<2x1x512xi32, #tpu.memory_space<vmem>> -> memref<1x1x512xi32, #tpu.memory_space<vmem>>
        %dma_start3A_1133 = tpu.memref_squeeze %dma_start3A_1132 : memref<1x1x512xi32, #tpu.memory_space<vmem>> -> memref<1x512xi32, #tpu.memory_space<vmem>>
        %dma_start3A_1134 = arith.constant 0 : i32
        %dma_start3A_1135 = tpu.memref_slice %arg3[%add3A_1128, %dma_start3A_1134] : memref<1600x512xi32, #tpu.memory_space<hbm>> -> memref<1x512xi32, #tpu.memory_space<hbm>>
        %dma_start3A_1136 = arith.constant 0 : i32
        %dma_start3A_1137 = arith.constant 0 : i32
        %dma_start3A_1138 = tpu.memref_slice %arg5[%dma_start3A_1129, %dma_start3A_1136, %dma_start3A_1137] : memref<2x1x512xi32, #tpu.memory_space<vmem>> -> memref<1x1x512xi32, #tpu.memory_space<vmem>>
        %dma_start3A_1139 = tpu.memref_squeeze %dma_start3A_1138 : memref<1x1x512xi32, #tpu.memory_space<vmem>> -> memref<1x512xi32, #tpu.memory_space<vmem>>
        %dma_start3A_1140 = arith.constant 0 : i32
        %dma_start3A_1141 = tpu.memref_slice %arg3[%add3A_1128, %dma_start3A_1140] : memref<1600x512xi32, #tpu.memory_space<hbm>> -> memref<1x512xi32, #tpu.memory_space<hbm>>
        tpu.enqueue_dma source(%dma_start3A_1141 : memref<1x512xi32, #tpu.memory_space<hbm>>) target(%dma_start3A_1139 : memref<1x512xi32, #tpu.memory_space<vmem>>) target_semaphore(%arg9 : memref<!tpu.dma_semaphore, #tpu.memory_space<semaphore_mem>>)
      } else {
      }
      %ge3A = arith.constant 2 : i32
      %ge3A_913 = arith.cmpi sge, %scan3A_849, %ge3A : i32
      %convert_element_type3A_914 = arith.extui %ge3A_913 : i1 to i32
      %cond3A_915 = arith.constant 0 : i32
      %cond3A_916 = arith.cmpi ne, %convert_element_type3A_914, %cond3A_915 : i32
      scf.if %cond3A_916 {
        %dma_wait3A_1126 = arith.constant 1 : i32
        %dma_wait3A_1127 = arith.constant 0 : i32
        %dma_wait3A_1128 = arith.constant 0 : i32
        %dma_wait3A_1129 = arith.constant 0 : i32
        %dma_wait3A_1130 = arith.constant 0 : i32
        %dma_wait3A_1131 = arith.constant 0 : i32
        %dma_wait3A_1132 = tpu.memref_slice %arg7[%dma_wait3A_1126, %dma_wait3A_1128, %dma_wait3A_1129, %dma_wait3A_1130, %dma_wait3A_1131] : memref<2x4x4x8x128xf32, #tpu.memory_space<vmem>> -> memref<1x4x4x8x128xf32, #tpu.memory_space<vmem>>
        %dma_wait3A_1133 = tpu.memref_squeeze %dma_wait3A_1132 : memref<1x4x4x8x128xf32, #tpu.memory_space<vmem>> -> memref<4x4x8x128xf32, #tpu.memory_space<vmem>>
        %dma_wait3A_1134 = arith.constant 0 : i32
        %dma_wait3A_1135 = arith.constant 0 : i32
        %dma_wait3A_1136 = arith.constant 0 : i32
        %dma_wait3A_1137 = arith.constant 0 : i32
        %dma_wait3A_1138 = tpu.memref_slice %arg4[%dma_wait3A_1127, %dma_wait3A_1134, %dma_wait3A_1135, %dma_wait3A_1136, %dma_wait3A_1137] : memref<50x4x128x8x128xf32, #tpu.memory_space<hbm>> -> memref<1x4x128x8x128xf32, #tpu.memory_space<hbm>>
        %dma_wait3A_1139 = tpu.memref_squeeze %dma_wait3A_1138 : memref<1x4x128x8x128xf32, #tpu.memory_space<hbm>> -> memref<4x128x8x128xf32, #tpu.memory_space<hbm>>
        %dma_wait3A_1140 = arith.constant 0 : i32
        %dma_wait3A_1141 = arith.constant 0 : i32
        %dma_wait3A_1142 = arith.constant 0 : i32
        %dma_wait3A_1143 = arith.constant 0 : i32
        %dma_wait3A_1144 = tpu.memref_slice %dma_wait3A_1139[%dma_wait3A_1140, %dma_wait3A_1141, %dma_wait3A_1142, %dma_wait3A_1143] : memref<4x128x8x128xf32, #tpu.memory_space<hbm>> -> memref<4x4x8x128xf32, #tpu.memory_space<hbm>>
        %dma_wait3A_1145 = arith.constant 0 : i32
        %dma_wait3A_1146 = arith.constant 0 : i32
        %dma_wait3A_1147 = arith.constant 0 : i32
        %dma_wait3A_1148 = arith.constant 0 : i32
        %dma_wait3A_1149 = tpu.memref_slice %arg4[%dma_wait3A_1127, %dma_wait3A_1145, %dma_wait3A_1146, %dma_wait3A_1147, %dma_wait3A_1148] : memref<50x4x128x8x128xf32, #tpu.memory_space<hbm>> -> memref<1x4x128x8x128xf32, #tpu.memory_space<hbm>>
        %dma_wait3A_1150 = tpu.memref_squeeze %dma_wait3A_1149 : memref<1x4x128x8x128xf32, #tpu.memory_space<hbm>> -> memref<4x128x8x128xf32, #tpu.memory_space<hbm>>
        %dma_wait3A_1151 = arith.constant 0 : i32
        %dma_wait3A_1152 = arith.constant 0 : i32
        %dma_wait3A_1153 = arith.constant 0 : i32
        %dma_wait3A_1154 = arith.constant 0 : i32
        %dma_wait3A_1155 = tpu.memref_slice %dma_wait3A_1150[%dma_wait3A_1151, %dma_wait3A_1152, %dma_wait3A_1153, %dma_wait3A_1154] : memref<4x128x8x128xf32, #tpu.memory_space<hbm>> -> memref<4x4x8x128xf32, #tpu.memory_space<hbm>>
        %dma_wait3A_1156 = arith.constant 0 : i32
        %dma_wait3A_1157 = arith.constant 0 : i32
        %dma_wait3A_1158 = arith.constant 0 : i32
        %dma_wait3A_1159 = arith.constant 0 : i32
        %dma_wait3A_1160 = tpu.memref_slice %arg7[%dma_wait3A_1126, %dma_wait3A_1156, %dma_wait3A_1157, %dma_wait3A_1158, %dma_wait3A_1159] : memref<2x4x4x8x128xf32, #tpu.memory_space<vmem>> -> memref<1x4x4x8x128xf32, #tpu.memory_space<vmem>>
        %dma_wait3A_1161 = tpu.memref_squeeze %dma_wait3A_1160 : memref<1x4x4x8x128xf32, #tpu.memory_space<vmem>> -> memref<4x4x8x128xf32, #tpu.memory_space<vmem>>
        tpu.wait_dma2 semaphore(%arg13 : memref<!tpu.dma_semaphore, #tpu.memory_space<semaphore_mem>>) src(%dma_wait3A_1161 : memref<4x4x8x128xf32, #tpu.memory_space<vmem>>) dst(%dma_wait3A_1155 : memref<4x4x8x128xf32, #tpu.memory_space<hbm>>)
      } else {
      }
      %scan3A_917 = arith.constant 0 : i32
      %scan3A_918 = arith.constant 1 : i32
      %scan3A_919 = arith.constant 1 : i32
      %scan3A_920 = arith.constant 0 : i32
      %scan3A_921 = arith.constant 32 : i32
      %scan3A_922 = arith.addi %scan3A_920, %scan3A_921 : i32
      %scan3A_923 = arith.constant 1 : i32
      scf.for %scan3A_1126 = %scan3A_920 to %scan3A_922 step %scan3A_923  : i32 {
        %shift_right_logical3A_1127 = arith.constant 3 : i32
        %shift_right_logical3A_1128 = arith.shrui %scan3A_1126, %shift_right_logical3A_1127 : i32
        %broadcast_in_dim3A = arith.constant 0 : i32
        %broadcast_in_dim3A_1129 = vector.broadcast %broadcast_in_dim3A : i32 to vector<16xi32>
        %add3A_1130 = vector.broadcast %shift_right_logical3A_1128 : i32 to vector<16xi32>
        %add3A_1131 = arith.addi %broadcast_in_dim3A_1129, %add3A_1130 : vector<16xi32>
        %and3A_1132 = arith.constant 7 : i32
        %and3A_1133 = arith.andi %scan3A_1126, %and3A_1132 : i32
        %mul3A_1134 = arith.constant 16 : i32
        %mul3A_1135 = arith.muli %mul3A_1134, %and3A_1133 : i32
        %add3A_1136 = vector.broadcast %mul3A_1135 : i32 to vector<16xi32>
        %add3A_1137 = arith.addi %iota3A, %add3A_1136 : vector<16xi32>
        %mul3A_1138 = arith.constant 128 : i32
        %mul3A_1139 = arith.muli %shift_right_logical3A_1128, %mul3A_1138 : i32
        %add3A_1140 = vector.broadcast %mul3A_1139 : i32 to vector<16xi32>
        %add3A_1141 = arith.addi %add3A_1137, %add3A_1140 : vector<16xi32>
        %gather3A = arith.constant 0 : i32
        %gather3A_1142 = arith.constant 0 : i32
        %gather3A_1143 = tpu.memref_slice %arg6[%scan3A_918, %gather3A, %gather3A_1142] : memref<2x512x32xf32, #tpu.memory_space<vmem>> -> memref<1x512x32xf32, #tpu.memory_space<vmem>>
        %gather3A_1144 = tpu.memref_squeeze %gather3A_1143 : memref<1x512x32xf32, #tpu.memory_space<vmem>> -> memref<512x32xf32, #tpu.memory_space<vmem>>
        %gather3A_1145 = tpu.vector_load_idx %gather3A_1144[%add3A_1141, %add3A_10] : memref<512x32xf32, #tpu.memory_space<vmem>>[vector<16xi32>, vector<16xi32>], vector<16xf32>,
        %scatter3A = arith.constant 0 : i32
        %scatter3A_1146 = arith.constant 0 : i32
        %scatter3A_1147 = arith.constant 0 : i32
        %scatter3A_1148 = arith.constant 0 : i32
        %scatter3A_1149 = tpu.memref_slice %arg7[%scan3A_919, %scatter3A, %scatter3A_1146, %scatter3A_1147, %scatter3A_1148] : memref<2x4x4x8x128xf32, #tpu.memory_space<vmem>> -> memref<1x4x4x8x128xf32, #tpu.memory_space<vmem>>
        %scatter3A_1150 = tpu.memref_squeeze %scatter3A_1149 : memref<1x4x4x8x128xf32, #tpu.memory_space<vmem>> -> memref<4x4x8x128xf32, #tpu.memory_space<vmem>>
        tpu.vector_store_idx %scatter3A_1150[%shift_right_logical3A_12, %add3A_1131, %and3A_15, %add3A_1137], %gather3A_1145 : memref<4x4x8x128xf32, #tpu.memory_space<vmem>>[vector<16xi32>, vector<16xi32>, vector<16xi32>, vector<16xi32>], vector<16xf32>,
        %gather3A_1151 = arith.constant 0 : i32
        %gather3A_1152 = arith.constant 0 : i32
        %gather3A_1153 = tpu.memref_slice %arg6[%scan3A_918, %gather3A_1151, %gather3A_1152] : memref<2x512x32xf32, #tpu.memory_space<vmem>> -> memref<1x512x32xf32, #tpu.memory_space<vmem>>
        %gather3A_1154 = tpu.memref_squeeze %gather3A_1153 : memref<1x512x32xf32, #tpu.memory_space<vmem>> -> memref<512x32xf32, #tpu.memory_space<vmem>>
        %gather3A_1155 = tpu.vector_load_idx %gather3A_1154[%add3A_1141, %add3A_24] : memref<512x32xf32, #tpu.memory_space<vmem>>[vector<16xi32>, vector<16xi32>], vector<16xf32>,
        %scatter3A_1156 = arith.constant 0 : i32
        %scatter3A_1157 = arith.constant 0 : i32
        %scatter3A_1158 = arith.constant 0 : i32
        %scatter3A_1159 = arith.constant 0 : i32
        %scatter3A_1160 = tpu.memref_slice %arg7[%scan3A_919, %scatter3A_1156, %scatter3A_1157, %scatter3A_1158, %scatter3A_1159] : memref<2x4x4x8x128xf32, #tpu.memory_space<vmem>> -> memref<1x4x4x8x128xf32, #tpu.memory_space<vmem>>
        %scatter3A_1161 = tpu.memref_squeeze %scatter3A_1160 : memref<1x4x4x8x128xf32, #tpu.memory_space<vmem>> -> memref<4x4x8x128xf32, #tpu.memory_space<vmem>>
        tpu.vector_store_idx %scatter3A_1161[%shift_right_logical3A_27, %add3A_1131, %and3A_30, %add3A_1137], %gather3A_1155 : memref<4x4x8x128xf32, #tpu.memory_space<vmem>>[vector<16xi32>, vector<16xi32>, vector<16xi32>, vector<16xi32>], vector<16xf32>,
        %gather3A_1162 = arith.constant 0 : i32
        %gather3A_1163 = arith.constant 0 : i32
        %gather3A_1164 = tpu.memref_slice %arg6[%scan3A_918, %gather3A_1162, %gather3A_1163] : memref<2x512x32xf32, #tpu.memory_space<vmem>> -> memref<1x512x32xf32, #tpu.memory_space<vmem>>
        %gather3A_1165 = tpu.memref_squeeze %gather3A_1164 : memref<1x512x32xf32, #tpu.memory_space<vmem>> -> memref<512x32xf32, #tpu.memory_space<vmem>>
        %gather3A_1166 = tpu.vector_load_idx %gather3A_1165[%add3A_1141, %add3A_39] : memref<512x32xf32, #tpu.memory_space<vmem>>[vector<16xi32>, vector<16xi32>], vector<16xf32>,
        %scatter3A_1167 = arith.constant 0 : i32
        %scatter3A_1168 = arith.constant 0 : i32
        %scatter3A_1169 = arith.constant 0 : i32
        %scatter3A_1170 = arith.constant 0 : i32
        %scatter3A_1171 = tpu.memref_slice %arg7[%scan3A_919, %scatter3A_1167, %scatter3A_1168, %scatter3A_1169, %scatter3A_1170] : memref<2x4x4x8x128xf32, #tpu.memory_space<vmem>> -> memref<1x4x4x8x128xf32, #tpu.memory_space<vmem>>
        %scatter3A_1172 = tpu.memref_squeeze %scatter3A_1171 : memref<1x4x4x8x128xf32, #tpu.memory_space<vmem>> -> memref<4x4x8x128xf32, #tpu.memory_space<vmem>>
        tpu.vector_store_idx %scatter3A_1172[%shift_right_logical3A_42, %add3A_1131, %and3A_45, %add3A_1137], %gather3A_1166 : memref<4x4x8x128xf32, #tpu.memory_space<vmem>>[vector<16xi32>, vector<16xi32>, vector<16xi32>, vector<16xi32>], vector<16xf32>,
        %gather3A_1173 = arith.constant 0 : i32
        %gather3A_1174 = arith.constant 0 : i32
        %gather3A_1175 = tpu.memref_slice %arg6[%scan3A_918, %gather3A_1173, %gather3A_1174] : memref<2x512x32xf32, #tpu.memory_space<vmem>> -> memref<1x512x32xf32, #tpu.memory_space<vmem>>
        %gather3A_1176 = tpu.memref_squeeze %gather3A_1175 : memref<1x512x32xf32, #tpu.memory_space<vmem>> -> memref<512x32xf32, #tpu.memory_space<vmem>>
        %gather3A_1177 = tpu.vector_load_idx %gather3A_1176[%add3A_1141, %add3A_54] : memref<512x32xf32, #tpu.memory_space<vmem>>[vector<16xi32>, vector<16xi32>], vector<16xf32>,
        %scatter3A_1178 = arith.constant 0 : i32
        %scatter3A_1179 = arith.constant 0 : i32
        %scatter3A_1180 = arith.constant 0 : i32
        %scatter3A_1181 = arith.constant 0 : i32
        %scatter3A_1182 = tpu.memref_slice %arg7[%scan3A_919, %scatter3A_1178, %scatter3A_1179, %scatter3A_1180, %scatter3A_1181] : memref<2x4x4x8x128xf32, #tpu.memory_space<vmem>> -> memref<1x4x4x8x128xf32, #tpu.memory_space<vmem>>
        %scatter3A_1183 = tpu.memref_squeeze %scatter3A_1182 : memref<1x4x4x8x128xf32, #tpu.memory_space<vmem>> -> memref<4x4x8x128xf32, #tpu.memory_space<vmem>>
        tpu.vector_store_idx %scatter3A_1183[%shift_right_logical3A_57, %add3A_1131, %and3A_60, %add3A_1137], %gather3A_1177 : memref<4x4x8x128xf32, #tpu.memory_space<vmem>>[vector<16xi32>, vector<16xi32>, vector<16xi32>, vector<16xi32>], vector<16xf32>,
        %gather3A_1184 = arith.constant 0 : i32
        %gather3A_1185 = arith.constant 0 : i32
        %gather3A_1186 = tpu.memref_slice %arg6[%scan3A_918, %gather3A_1184, %gather3A_1185] : memref<2x512x32xf32, #tpu.memory_space<vmem>> -> memref<1x512x32xf32, #tpu.memory_space<vmem>>
        %gather3A_1187 = tpu.memref_squeeze %gather3A_1186 : memref<1x512x32xf32, #tpu.memory_space<vmem>> -> memref<512x32xf32, #tpu.memory_space<vmem>>
        %gather3A_1188 = tpu.vector_load_idx %gather3A_1187[%add3A_1141, %add3A_69] : memref<512x32xf32, #tpu.memory_space<vmem>>[vector<16xi32>, vector<16xi32>], vector<16xf32>,
        %scatter3A_1189 = arith.constant 0 : i32
        %scatter3A_1190 = arith.constant 0 : i32
        %scatter3A_1191 = arith.constant 0 : i32
        %scatter3A_1192 = arith.constant 0 : i32
        %scatter3A_1193 = tpu.memref_slice %arg7[%scan3A_919, %scatter3A_1189, %scatter3A_1190, %scatter3A_1191, %scatter3A_1192] : memref<2x4x4x8x128xf32, #tpu.memory_space<vmem>> -> memref<1x4x4x8x128xf32, #tpu.memory_space<vmem>>
        %scatter3A_1194 = tpu.memref_squeeze %scatter3A_1193 : memref<1x4x4x8x128xf32, #tpu.memory_space<vmem>> -> memref<4x4x8x128xf32, #tpu.memory_space<vmem>>
        tpu.vector_store_idx %scatter3A_1194[%shift_right_logical3A_72, %add3A_1131, %and3A_75, %add3A_1137], %gather3A_1188 : memref<4x4x8x128xf32, #tpu.memory_space<vmem>>[vector<16xi32>, vector<16xi32>, vector<16xi32>, vector<16xi32>], vector<16xf32>,
        %gather3A_1195 = arith.constant 0 : i32
        %gather3A_1196 = arith.constant 0 : i32
        %gather3A_1197 = tpu.memref_slice %arg6[%scan3A_918, %gather3A_1195, %gather3A_1196] : memref<2x512x32xf32, #tpu.memory_space<vmem>> -> memref<1x512x32xf32, #tpu.memory_space<vmem>>
        %gather3A_1198 = tpu.memref_squeeze %gather3A_1197 : memref<1x512x32xf32, #tpu.memory_space<vmem>> -> memref<512x32xf32, #tpu.memory_space<vmem>>
        %gather3A_1199 = tpu.vector_load_idx %gather3A_1198[%add3A_1141, %add3A_84] : memref<512x32xf32, #tpu.memory_space<vmem>>[vector<16xi32>, vector<16xi32>], vector<16xf32>,
        %scatter3A_1200 = arith.constant 0 : i32
        %scatter3A_1201 = arith.constant 0 : i32
        %scatter3A_1202 = arith.constant 0 : i32
        %scatter3A_1203 = arith.constant 0 : i32
        %scatter3A_1204 = tpu.memref_slice %arg7[%scan3A_919, %scatter3A_1200, %scatter3A_1201, %scatter3A_1202, %scatter3A_1203] : memref<2x4x4x8x128xf32, #tpu.memory_space<vmem>> -> memref<1x4x4x8x128xf32, #tpu.memory_space<vmem>>
        %scatter3A_1205 = tpu.memref_squeeze %scatter3A_1204 : memref<1x4x4x8x128xf32, #tpu.memory_space<vmem>> -> memref<4x4x8x128xf32, #tpu.memory_space<vmem>>
        tpu.vector_store_idx %scatter3A_1205[%shift_right_logical3A_87, %add3A_1131, %and3A_90, %add3A_1137], %gather3A_1199 : memref<4x4x8x128xf32, #tpu.memory_space<vmem>>[vector<16xi32>, vector<16xi32>, vector<16xi32>, vector<16xi32>], vector<16xf32>,
        %gather3A_1206 = arith.constant 0 : i32
        %gather3A_1207 = arith.constant 0 : i32
        %gather3A_1208 = tpu.memref_slice %arg6[%scan3A_918, %gather3A_1206, %gather3A_1207] : memref<2x512x32xf32, #tpu.memory_space<vmem>> -> memref<1x512x32xf32, #tpu.memory_space<vmem>>
        %gather3A_1209 = tpu.memref_squeeze %gather3A_1208 : memref<1x512x32xf32, #tpu.memory_space<vmem>> -> memref<512x32xf32, #tpu.memory_space<vmem>>
        %gather3A_1210 = tpu.vector_load_idx %gather3A_1209[%add3A_1141, %add3A_99] : memref<512x32xf32, #tpu.memory_space<vmem>>[vector<16xi32>, vector<16xi32>], vector<16xf32>,
        %scatter3A_1211 = arith.constant 0 : i32
        %scatter3A_1212 = arith.constant 0 : i32
        %scatter3A_1213 = arith.constant 0 : i32
        %scatter3A_1214 = arith.constant 0 : i32
        %scatter3A_1215 = tpu.memref_slice %arg7[%scan3A_919, %scatter3A_1211, %scatter3A_1212, %scatter3A_1213, %scatter3A_1214] : memref<2x4x4x8x128xf32, #tpu.memory_space<vmem>> -> memref<1x4x4x8x128xf32, #tpu.memory_space<vmem>>
        %scatter3A_1216 = tpu.memref_squeeze %scatter3A_1215 : memref<1x4x4x8x128xf32, #tpu.memory_space<vmem>> -> memref<4x4x8x128xf32, #tpu.memory_space<vmem>>
        tpu.vector_store_idx %scatter3A_1216[%shift_right_logical3A_102, %add3A_1131, %and3A_105, %add3A_1137], %gather3A_1210 : memref<4x4x8x128xf32, #tpu.memory_space<vmem>>[vector<16xi32>, vector<16xi32>, vector<16xi32>, vector<16xi32>], vector<16xf32>,
        %gather3A_1217 = arith.constant 0 : i32
        %gather3A_1218 = arith.constant 0 : i32
        %gather3A_1219 = tpu.memref_slice %arg6[%scan3A_918, %gather3A_1217, %gather3A_1218] : memref<2x512x32xf32, #tpu.memory_space<vmem>> -> memref<1x512x32xf32, #tpu.memory_space<vmem>>
        %gather3A_1220 = tpu.memref_squeeze %gather3A_1219 : memref<1x512x32xf32, #tpu.memory_space<vmem>> -> memref<512x32xf32, #tpu.memory_space<vmem>>
        %gather3A_1221 = tpu.vector_load_idx %gather3A_1220[%add3A_1141, %add3A_114] : memref<512x32xf32, #tpu.memory_space<vmem>>[vector<16xi32>, vector<16xi32>], vector<16xf32>,
        %scatter3A_1222 = arith.constant 0 : i32
        %scatter3A_1223 = arith.constant 0 : i32
        %scatter3A_1224 = arith.constant 0 : i32
        %scatter3A_1225 = arith.constant 0 : i32
        %scatter3A_1226 = tpu.memref_slice %arg7[%scan3A_919, %scatter3A_1222, %scatter3A_1223, %scatter3A_1224, %scatter3A_1225] : memref<2x4x4x8x128xf32, #tpu.memory_space<vmem>> -> memref<1x4x4x8x128xf32, #tpu.memory_space<vmem>>
        %scatter3A_1227 = tpu.memref_squeeze %scatter3A_1226 : memref<1x4x4x8x128xf32, #tpu.memory_space<vmem>> -> memref<4x4x8x128xf32, #tpu.memory_space<vmem>>
        tpu.vector_store_idx %scatter3A_1227[%shift_right_logical3A_117, %add3A_1131, %and3A_120, %add3A_1137], %gather3A_1221 : memref<4x4x8x128xf32, #tpu.memory_space<vmem>>[vector<16xi32>, vector<16xi32>, vector<16xi32>, vector<16xi32>], vector<16xf32>,
        %gather3A_1228 = arith.constant 0 : i32
        %gather3A_1229 = arith.constant 0 : i32
        %gather3A_1230 = tpu.memref_slice %arg6[%scan3A_918, %gather3A_1228, %gather3A_1229] : memref<2x512x32xf32, #tpu.memory_space<vmem>> -> memref<1x512x32xf32, #tpu.memory_space<vmem>>
        %gather3A_1231 = tpu.memref_squeeze %gather3A_1230 : memref<1x512x32xf32, #tpu.memory_space<vmem>> -> memref<512x32xf32, #tpu.memory_space<vmem>>
        %gather3A_1232 = tpu.vector_load_idx %gather3A_1231[%add3A_1141, %add3A_129] : memref<512x32xf32, #tpu.memory_space<vmem>>[vector<16xi32>, vector<16xi32>], vector<16xf32>,
        %scatter3A_1233 = arith.constant 0 : i32
        %scatter3A_1234 = arith.constant 0 : i32
        %scatter3A_1235 = arith.constant 0 : i32
        %scatter3A_1236 = arith.constant 0 : i32
        %scatter3A_1237 = tpu.memref_slice %arg7[%scan3A_919, %scatter3A_1233, %scatter3A_1234, %scatter3A_1235, %scatter3A_1236] : memref<2x4x4x8x128xf32, #tpu.memory_space<vmem>> -> memref<1x4x4x8x128xf32, #tpu.memory_space<vmem>>
        %scatter3A_1238 = tpu.memref_squeeze %scatter3A_1237 : memref<1x4x4x8x128xf32, #tpu.memory_space<vmem>> -> memref<4x4x8x128xf32, #tpu.memory_space<vmem>>
        tpu.vector_store_idx %scatter3A_1238[%shift_right_logical3A_132, %add3A_1131, %and3A_135, %add3A_1137], %gather3A_1232 : memref<4x4x8x128xf32, #tpu.memory_space<vmem>>[vector<16xi32>, vector<16xi32>, vector<16xi32>, vector<16xi32>], vector<16xf32>,
        %gather3A_1239 = arith.constant 0 : i32
        %gather3A_1240 = arith.constant 0 : i32
        %gather3A_1241 = tpu.memref_slice %arg6[%scan3A_918, %gather3A_1239, %gather3A_1240] : memref<2x512x32xf32, #tpu.memory_space<vmem>> -> memref<1x512x32xf32, #tpu.memory_space<vmem>>
        %gather3A_1242 = tpu.memref_squeeze %gather3A_1241 : memref<1x512x32xf32, #tpu.memory_space<vmem>> -> memref<512x32xf32, #tpu.memory_space<vmem>>
        %gather3A_1243 = tpu.vector_load_idx %gather3A_1242[%add3A_1141, %add3A_144] : memref<512x32xf32, #tpu.memory_space<vmem>>[vector<16xi32>, vector<16xi32>], vector<16xf32>,
        %scatter3A_1244 = arith.constant 0 : i32
        %scatter3A_1245 = arith.constant 0 : i32
        %scatter3A_1246 = arith.constant 0 : i32
        %scatter3A_1247 = arith.constant 0 : i32
        %scatter3A_1248 = tpu.memref_slice %arg7[%scan3A_919, %scatter3A_1244, %scatter3A_1245, %scatter3A_1246, %scatter3A_1247] : memref<2x4x4x8x128xf32, #tpu.memory_space<vmem>> -> memref<1x4x4x8x128xf32, #tpu.memory_space<vmem>>
        %scatter3A_1249 = tpu.memref_squeeze %scatter3A_1248 : memref<1x4x4x8x128xf32, #tpu.memory_space<vmem>> -> memref<4x4x8x128xf32, #tpu.memory_space<vmem>>
        tpu.vector_store_idx %scatter3A_1249[%shift_right_logical3A_147, %add3A_1131, %and3A_150, %add3A_1137], %gather3A_1243 : memref<4x4x8x128xf32, #tpu.memory_space<vmem>>[vector<16xi32>, vector<16xi32>, vector<16xi32>, vector<16xi32>], vector<16xf32>,
        %gather3A_1250 = arith.constant 0 : i32
        %gather3A_1251 = arith.constant 0 : i32
        %gather3A_1252 = tpu.memref_slice %arg6[%scan3A_918, %gather3A_1250, %gather3A_1251] : memref<2x512x32xf32, #tpu.memory_space<vmem>> -> memref<1x512x32xf32, #tpu.memory_space<vmem>>
        %gather3A_1253 = tpu.memref_squeeze %gather3A_1252 : memref<1x512x32xf32, #tpu.memory_space<vmem>> -> memref<512x32xf32, #tpu.memory_space<vmem>>
        %gather3A_1254 = tpu.vector_load_idx %gather3A_1253[%add3A_1141, %add3A_159] : memref<512x32xf32, #tpu.memory_space<vmem>>[vector<16xi32>, vector<16xi32>], vector<16xf32>,
        %scatter3A_1255 = arith.constant 0 : i32
        %scatter3A_1256 = arith.constant 0 : i32
        %scatter3A_1257 = arith.constant 0 : i32
        %scatter3A_1258 = arith.constant 0 : i32
        %scatter3A_1259 = tpu.memref_slice %arg7[%scan3A_919, %scatter3A_1255, %scatter3A_1256, %scatter3A_1257, %scatter3A_1258] : memref<2x4x4x8x128xf32, #tpu.memory_space<vmem>> -> memref<1x4x4x8x128xf32, #tpu.memory_space<vmem>>
        %scatter3A_1260 = tpu.memref_squeeze %scatter3A_1259 : memref<1x4x4x8x128xf32, #tpu.memory_space<vmem>> -> memref<4x4x8x128xf32, #tpu.memory_space<vmem>>
        tpu.vector_store_idx %scatter3A_1260[%shift_right_logical3A_162, %add3A_1131, %and3A_165, %add3A_1137], %gather3A_1254 : memref<4x4x8x128xf32, #tpu.memory_space<vmem>>[vector<16xi32>, vector<16xi32>, vector<16xi32>, vector<16xi32>], vector<16xf32>,
        %gather3A_1261 = arith.constant 0 : i32
        %gather3A_1262 = arith.constant 0 : i32
        %gather3A_1263 = tpu.memref_slice %arg6[%scan3A_918, %gather3A_1261, %gather3A_1262] : memref<2x512x32xf32, #tpu.memory_space<vmem>> -> memref<1x512x32xf32, #tpu.memory_space<vmem>>
        %gather3A_1264 = tpu.memref_squeeze %gather3A_1263 : memref<1x512x32xf32, #tpu.memory_space<vmem>> -> memref<512x32xf32, #tpu.memory_space<vmem>>
        %gather3A_1265 = tpu.vector_load_idx %gather3A_1264[%add3A_1141, %add3A_174] : memref<512x32xf32, #tpu.memory_space<vmem>>[vector<16xi32>, vector<16xi32>], vector<16xf32>,
        %scatter3A_1266 = arith.constant 0 : i32
        %scatter3A_1267 = arith.constant 0 : i32
        %scatter3A_1268 = arith.constant 0 : i32
        %scatter3A_1269 = arith.constant 0 : i32
        %scatter3A_1270 = tpu.memref_slice %arg7[%scan3A_919, %scatter3A_1266, %scatter3A_1267, %scatter3A_1268, %scatter3A_1269] : memref<2x4x4x8x128xf32, #tpu.memory_space<vmem>> -> memref<1x4x4x8x128xf32, #tpu.memory_space<vmem>>
        %scatter3A_1271 = tpu.memref_squeeze %scatter3A_1270 : memref<1x4x4x8x128xf32, #tpu.memory_space<vmem>> -> memref<4x4x8x128xf32, #tpu.memory_space<vmem>>
        tpu.vector_store_idx %scatter3A_1271[%shift_right_logical3A_177, %add3A_1131, %and3A_180, %add3A_1137], %gather3A_1265 : memref<4x4x8x128xf32, #tpu.memory_space<vmem>>[vector<16xi32>, vector<16xi32>, vector<16xi32>, vector<16xi32>], vector<16xf32>,
        %gather3A_1272 = arith.constant 0 : i32
        %gather3A_1273 = arith.constant 0 : i32
        %gather3A_1274 = tpu.memref_slice %arg6[%scan3A_918, %gather3A_1272, %gather3A_1273] : memref<2x512x32xf32, #tpu.memory_space<vmem>> -> memref<1x512x32xf32, #tpu.memory_space<vmem>>
        %gather3A_1275 = tpu.memref_squeeze %gather3A_1274 : memref<1x512x32xf32, #tpu.memory_space<vmem>> -> memref<512x32xf32, #tpu.memory_space<vmem>>
        %gather3A_1276 = tpu.vector_load_idx %gather3A_1275[%add3A_1141, %add3A_189] : memref<512x32xf32, #tpu.memory_space<vmem>>[vector<16xi32>, vector<16xi32>], vector<16xf32>,
        %scatter3A_1277 = arith.constant 0 : i32
        %scatter3A_1278 = arith.constant 0 : i32
        %scatter3A_1279 = arith.constant 0 : i32
        %scatter3A_1280 = arith.constant 0 : i32
        %scatter3A_1281 = tpu.memref_slice %arg7[%scan3A_919, %scatter3A_1277, %scatter3A_1278, %scatter3A_1279, %scatter3A_1280] : memref<2x4x4x8x128xf32, #tpu.memory_space<vmem>> -> memref<1x4x4x8x128xf32, #tpu.memory_space<vmem>>
        %scatter3A_1282 = tpu.memref_squeeze %scatter3A_1281 : memref<1x4x4x8x128xf32, #tpu.memory_space<vmem>> -> memref<4x4x8x128xf32, #tpu.memory_space<vmem>>
        tpu.vector_store_idx %scatter3A_1282[%shift_right_logical3A_192, %add3A_1131, %and3A_195, %add3A_1137], %gather3A_1276 : memref<4x4x8x128xf32, #tpu.memory_space<vmem>>[vector<16xi32>, vector<16xi32>, vector<16xi32>, vector<16xi32>], vector<16xf32>,
        %gather3A_1283 = arith.constant 0 : i32
        %gather3A_1284 = arith.constant 0 : i32
        %gather3A_1285 = tpu.memref_slice %arg6[%scan3A_918, %gather3A_1283, %gather3A_1284] : memref<2x512x32xf32, #tpu.memory_space<vmem>> -> memref<1x512x32xf32, #tpu.memory_space<vmem>>
        %gather3A_1286 = tpu.memref_squeeze %gather3A_1285 : memref<1x512x32xf32, #tpu.memory_space<vmem>> -> memref<512x32xf32, #tpu.memory_space<vmem>>
        %gather3A_1287 = tpu.vector_load_idx %gather3A_1286[%add3A_1141, %add3A_204] : memref<512x32xf32, #tpu.memory_space<vmem>>[vector<16xi32>, vector<16xi32>], vector<16xf32>,
        %scatter3A_1288 = arith.constant 0 : i32
        %scatter3A_1289 = arith.constant 0 : i32
        %scatter3A_1290 = arith.constant 0 : i32
        %scatter3A_1291 = arith.constant 0 : i32
        %scatter3A_1292 = tpu.memref_slice %arg7[%scan3A_919, %scatter3A_1288, %scatter3A_1289, %scatter3A_1290, %scatter3A_1291] : memref<2x4x4x8x128xf32, #tpu.memory_space<vmem>> -> memref<1x4x4x8x128xf32, #tpu.memory_space<vmem>>
        %scatter3A_1293 = tpu.memref_squeeze %scatter3A_1292 : memref<1x4x4x8x128xf32, #tpu.memory_space<vmem>> -> memref<4x4x8x128xf32, #tpu.memory_space<vmem>>
        tpu.vector_store_idx %scatter3A_1293[%shift_right_logical3A_207, %add3A_1131, %and3A_210, %add3A_1137], %gather3A_1287 : memref<4x4x8x128xf32, #tpu.memory_space<vmem>>[vector<16xi32>, vector<16xi32>, vector<16xi32>, vector<16xi32>], vector<16xf32>,
        %gather3A_1294 = arith.constant 0 : i32
        %gather3A_1295 = arith.constant 0 : i32
        %gather3A_1296 = tpu.memref_slice %arg6[%scan3A_918, %gather3A_1294, %gather3A_1295] : memref<2x512x32xf32, #tpu.memory_space<vmem>> -> memref<1x512x32xf32, #tpu.memory_space<vmem>>
        %gather3A_1297 = tpu.memref_squeeze %gather3A_1296 : memref<1x512x32xf32, #tpu.memory_space<vmem>> -> memref<512x32xf32, #tpu.memory_space<vmem>>
        %gather3A_1298 = tpu.vector_load_idx %gather3A_1297[%add3A_1141, %add3A_219] : memref<512x32xf32, #tpu.memory_space<vmem>>[vector<16xi32>, vector<16xi32>], vector<16xf32>,
        %scatter3A_1299 = arith.constant 0 : i32
        %scatter3A_1300 = arith.constant 0 : i32
        %scatter3A_1301 = arith.constant 0 : i32
        %scatter3A_1302 = arith.constant 0 : i32
        %scatter3A_1303 = tpu.memref_slice %arg7[%scan3A_919, %scatter3A_1299, %scatter3A_1300, %scatter3A_1301, %scatter3A_1302] : memref<2x4x4x8x128xf32, #tpu.memory_space<vmem>> -> memref<1x4x4x8x128xf32, #tpu.memory_space<vmem>>
        %scatter3A_1304 = tpu.memref_squeeze %scatter3A_1303 : memref<1x4x4x8x128xf32, #tpu.memory_space<vmem>> -> memref<4x4x8x128xf32, #tpu.memory_space<vmem>>
        tpu.vector_store_idx %scatter3A_1304[%shift_right_logical3A_222, %add3A_1131, %and3A_225, %add3A_1137], %gather3A_1298 : memref<4x4x8x128xf32, #tpu.memory_space<vmem>>[vector<16xi32>, vector<16xi32>, vector<16xi32>, vector<16xi32>], vector<16xf32>,
        %gather3A_1305 = arith.constant 0 : i32
        %gather3A_1306 = arith.constant 0 : i32
        %gather3A_1307 = tpu.memref_slice %arg6[%scan3A_918, %gather3A_1305, %gather3A_1306] : memref<2x512x32xf32, #tpu.memory_space<vmem>> -> memref<1x512x32xf32, #tpu.memory_space<vmem>>
        %gather3A_1308 = tpu.memref_squeeze %gather3A_1307 : memref<1x512x32xf32, #tpu.memory_space<vmem>> -> memref<512x32xf32, #tpu.memory_space<vmem>>
        %gather3A_1309 = tpu.vector_load_idx %gather3A_1308[%add3A_1141, %add3A_234] : memref<512x32xf32, #tpu.memory_space<vmem>>[vector<16xi32>, vector<16xi32>], vector<16xf32>,
        %scatter3A_1310 = arith.constant 0 : i32
        %scatter3A_1311 = arith.constant 0 : i32
        %scatter3A_1312 = arith.constant 0 : i32
        %scatter3A_1313 = arith.constant 0 : i32
        %scatter3A_1314 = tpu.memref_slice %arg7[%scan3A_919, %scatter3A_1310, %scatter3A_1311, %scatter3A_1312, %scatter3A_1313] : memref<2x4x4x8x128xf32, #tpu.memory_space<vmem>> -> memref<1x4x4x8x128xf32, #tpu.memory_space<vmem>>
        %scatter3A_1315 = tpu.memref_squeeze %scatter3A_1314 : memref<1x4x4x8x128xf32, #tpu.memory_space<vmem>> -> memref<4x4x8x128xf32, #tpu.memory_space<vmem>>
        tpu.vector_store_idx %scatter3A_1315[%shift_right_logical3A_237, %add3A_1131, %and3A_240, %add3A_1137], %gather3A_1309 : memref<4x4x8x128xf32, #tpu.memory_space<vmem>>[vector<16xi32>, vector<16xi32>, vector<16xi32>, vector<16xi32>], vector<16xf32>,
        %gather3A_1316 = arith.constant 0 : i32
        %gather3A_1317 = arith.constant 0 : i32
        %gather3A_1318 = tpu.memref_slice %arg6[%scan3A_918, %gather3A_1316, %gather3A_1317] : memref<2x512x32xf32, #tpu.memory_space<vmem>> -> memref<1x512x32xf32, #tpu.memory_space<vmem>>
        %gather3A_1319 = tpu.memref_squeeze %gather3A_1318 : memref<1x512x32xf32, #tpu.memory_space<vmem>> -> memref<512x32xf32, #tpu.memory_space<vmem>>
        %gather3A_1320 = tpu.vector_load_idx %gather3A_1319[%add3A_1141, %add3A_249] : memref<512x32xf32, #tpu.memory_space<vmem>>[vector<16xi32>, vector<16xi32>], vector<16xf32>,
        %scatter3A_1321 = arith.constant 0 : i32
        %scatter3A_1322 = arith.constant 0 : i32
        %scatter3A_1323 = arith.constant 0 : i32
        %scatter3A_1324 = arith.constant 0 : i32
        %scatter3A_1325 = tpu.memref_slice %arg7[%scan3A_919, %scatter3A_1321, %scatter3A_1322, %scatter3A_1323, %scatter3A_1324] : memref<2x4x4x8x128xf32, #tpu.memory_space<vmem>> -> memref<1x4x4x8x128xf32, #tpu.memory_space<vmem>>
        %scatter3A_1326 = tpu.memref_squeeze %scatter3A_1325 : memref<1x4x4x8x128xf32, #tpu.memory_space<vmem>> -> memref<4x4x8x128xf32, #tpu.memory_space<vmem>>
        tpu.vector_store_idx %scatter3A_1326[%shift_right_logical3A_252, %add3A_1131, %and3A_255, %add3A_1137], %gather3A_1320 : memref<4x4x8x128xf32, #tpu.memory_space<vmem>>[vector<16xi32>, vector<16xi32>, vector<16xi32>, vector<16xi32>], vector<16xf32>,
        %gather3A_1327 = arith.constant 0 : i32
        %gather3A_1328 = arith.constant 0 : i32
        %gather3A_1329 = tpu.memref_slice %arg6[%scan3A_918, %gather3A_1327, %gather3A_1328] : memref<2x512x32xf32, #tpu.memory_space<vmem>> -> memref<1x512x32xf32, #tpu.memory_space<vmem>>
        %gather3A_1330 = tpu.memref_squeeze %gather3A_1329 : memref<1x512x32xf32, #tpu.memory_space<vmem>> -> memref<512x32xf32, #tpu.memory_space<vmem>>
        %gather3A_1331 = tpu.vector_load_idx %gather3A_1330[%add3A_1141, %add3A_264] : memref<512x32xf32, #tpu.memory_space<vmem>>[vector<16xi32>, vector<16xi32>], vector<16xf32>,
        %scatter3A_1332 = arith.constant 0 : i32
        %scatter3A_1333 = arith.constant 0 : i32
        %scatter3A_1334 = arith.constant 0 : i32
        %scatter3A_1335 = arith.constant 0 : i32
        %scatter3A_1336 = tpu.memref_slice %arg7[%scan3A_919, %scatter3A_1332, %scatter3A_1333, %scatter3A_1334, %scatter3A_1335] : memref<2x4x4x8x128xf32, #tpu.memory_space<vmem>> -> memref<1x4x4x8x128xf32, #tpu.memory_space<vmem>>
        %scatter3A_1337 = tpu.memref_squeeze %scatter3A_1336 : memref<1x4x4x8x128xf32, #tpu.memory_space<vmem>> -> memref<4x4x8x128xf32, #tpu.memory_space<vmem>>
        tpu.vector_store_idx %scatter3A_1337[%shift_right_logical3A_267, %add3A_1131, %and3A_270, %add3A_1137], %gather3A_1331 : memref<4x4x8x128xf32, #tpu.memory_space<vmem>>[vector<16xi32>, vector<16xi32>, vector<16xi32>, vector<16xi32>], vector<16xf32>,
        %gather3A_1338 = arith.constant 0 : i32
        %gather3A_1339 = arith.constant 0 : i32
        %gather3A_1340 = tpu.memref_slice %arg6[%scan3A_918, %gather3A_1338, %gather3A_1339] : memref<2x512x32xf32, #tpu.memory_space<vmem>> -> memref<1x512x32xf32, #tpu.memory_space<vmem>>
        %gather3A_1341 = tpu.memref_squeeze %gather3A_1340 : memref<1x512x32xf32, #tpu.memory_space<vmem>> -> memref<512x32xf32, #tpu.memory_space<vmem>>
        %gather3A_1342 = tpu.vector_load_idx %gather3A_1341[%add3A_1141, %add3A_279] : memref<512x32xf32, #tpu.memory_space<vmem>>[vector<16xi32>, vector<16xi32>], vector<16xf32>,
        %scatter3A_1343 = arith.constant 0 : i32
        %scatter3A_1344 = arith.constant 0 : i32
        %scatter3A_1345 = arith.constant 0 : i32
        %scatter3A_1346 = arith.constant 0 : i32
        %scatter3A_1347 = tpu.memref_slice %arg7[%scan3A_919, %scatter3A_1343, %scatter3A_1344, %scatter3A_1345, %scatter3A_1346] : memref<2x4x4x8x128xf32, #tpu.memory_space<vmem>> -> memref<1x4x4x8x128xf32, #tpu.memory_space<vmem>>
        %scatter3A_1348 = tpu.memref_squeeze %scatter3A_1347 : memref<1x4x4x8x128xf32, #tpu.memory_space<vmem>> -> memref<4x4x8x128xf32, #tpu.memory_space<vmem>>
        tpu.vector_store_idx %scatter3A_1348[%shift_right_logical3A_282, %add3A_1131, %and3A_285, %add3A_1137], %gather3A_1342 : memref<4x4x8x128xf32, #tpu.memory_space<vmem>>[vector<16xi32>, vector<16xi32>, vector<16xi32>, vector<16xi32>], vector<16xf32>,
        %gather3A_1349 = arith.constant 0 : i32
        %gather3A_1350 = arith.constant 0 : i32
        %gather3A_1351 = tpu.memref_slice %arg6[%scan3A_918, %gather3A_1349, %gather3A_1350] : memref<2x512x32xf32, #tpu.memory_space<vmem>> -> memref<1x512x32xf32, #tpu.memory_space<vmem>>
        %gather3A_1352 = tpu.memref_squeeze %gather3A_1351 : memref<1x512x32xf32, #tpu.memory_space<vmem>> -> memref<512x32xf32, #tpu.memory_space<vmem>>
        %gather3A_1353 = tpu.vector_load_idx %gather3A_1352[%add3A_1141, %add3A_294] : memref<512x32xf32, #tpu.memory_space<vmem>>[vector<16xi32>, vector<16xi32>], vector<16xf32>,
        %scatter3A_1354 = arith.constant 0 : i32
        %scatter3A_1355 = arith.constant 0 : i32
        %scatter3A_1356 = arith.constant 0 : i32
        %scatter3A_1357 = arith.constant 0 : i32
        %scatter3A_1358 = tpu.memref_slice %arg7[%scan3A_919, %scatter3A_1354, %scatter3A_1355, %scatter3A_1356, %scatter3A_1357] : memref<2x4x4x8x128xf32, #tpu.memory_space<vmem>> -> memref<1x4x4x8x128xf32, #tpu.memory_space<vmem>>
        %scatter3A_1359 = tpu.memref_squeeze %scatter3A_1358 : memref<1x4x4x8x128xf32, #tpu.memory_space<vmem>> -> memref<4x4x8x128xf32, #tpu.memory_space<vmem>>
        tpu.vector_store_idx %scatter3A_1359[%shift_right_logical3A_297, %add3A_1131, %and3A_300, %add3A_1137], %gather3A_1353 : memref<4x4x8x128xf32, #tpu.memory_space<vmem>>[vector<16xi32>, vector<16xi32>, vector<16xi32>, vector<16xi32>], vector<16xf32>,
        %gather3A_1360 = arith.constant 0 : i32
        %gather3A_1361 = arith.constant 0 : i32
        %gather3A_1362 = tpu.memref_slice %arg6[%scan3A_918, %gather3A_1360, %gather3A_1361] : memref<2x512x32xf32, #tpu.memory_space<vmem>> -> memref<1x512x32xf32, #tpu.memory_space<vmem>>
        %gather3A_1363 = tpu.memref_squeeze %gather3A_1362 : memref<1x512x32xf32, #tpu.memory_space<vmem>> -> memref<512x32xf32, #tpu.memory_space<vmem>>
        %gather3A_1364 = tpu.vector_load_idx %gather3A_1363[%add3A_1141, %add3A_309] : memref<512x32xf32, #tpu.memory_space<vmem>>[vector<16xi32>, vector<16xi32>], vector<16xf32>,
        %scatter3A_1365 = arith.constant 0 : i32
        %scatter3A_1366 = arith.constant 0 : i32
        %scatter3A_1367 = arith.constant 0 : i32
        %scatter3A_1368 = arith.constant 0 : i32
        %scatter3A_1369 = tpu.memref_slice %arg7[%scan3A_919, %scatter3A_1365, %scatter3A_1366, %scatter3A_1367, %scatter3A_1368] : memref<2x4x4x8x128xf32, #tpu.memory_space<vmem>> -> memref<1x4x4x8x128xf32, #tpu.memory_space<vmem>>
        %scatter3A_1370 = tpu.memref_squeeze %scatter3A_1369 : memref<1x4x4x8x128xf32, #tpu.memory_space<vmem>> -> memref<4x4x8x128xf32, #tpu.memory_space<vmem>>
        tpu.vector_store_idx %scatter3A_1370[%shift_right_logical3A_312, %add3A_1131, %and3A_315, %add3A_1137], %gather3A_1364 : memref<4x4x8x128xf32, #tpu.memory_space<vmem>>[vector<16xi32>, vector<16xi32>, vector<16xi32>, vector<16xi32>], vector<16xf32>,
        %gather3A_1371 = arith.constant 0 : i32
        %gather3A_1372 = arith.constant 0 : i32
        %gather3A_1373 = tpu.memref_slice %arg6[%scan3A_918, %gather3A_1371, %gather3A_1372] : memref<2x512x32xf32, #tpu.memory_space<vmem>> -> memref<1x512x32xf32, #tpu.memory_space<vmem>>
        %gather3A_1374 = tpu.memref_squeeze %gather3A_1373 : memref<1x512x32xf32, #tpu.memory_space<vmem>> -> memref<512x32xf32, #tpu.memory_space<vmem>>
        %gather3A_1375 = tpu.vector_load_idx %gather3A_1374[%add3A_1141, %add3A_324] : memref<512x32xf32, #tpu.memory_space<vmem>>[vector<16xi32>, vector<16xi32>], vector<16xf32>,
        %scatter3A_1376 = arith.constant 0 : i32
        %scatter3A_1377 = arith.constant 0 : i32
        %scatter3A_1378 = arith.constant 0 : i32
        %scatter3A_1379 = arith.constant 0 : i32
        %scatter3A_1380 = tpu.memref_slice %arg7[%scan3A_919, %scatter3A_1376, %scatter3A_1377, %scatter3A_1378, %scatter3A_1379] : memref<2x4x4x8x128xf32, #tpu.memory_space<vmem>> -> memref<1x4x4x8x128xf32, #tpu.memory_space<vmem>>
        %scatter3A_1381 = tpu.memref_squeeze %scatter3A_1380 : memref<1x4x4x8x128xf32, #tpu.memory_space<vmem>> -> memref<4x4x8x128xf32, #tpu.memory_space<vmem>>
        tpu.vector_store_idx %scatter3A_1381[%shift_right_logical3A_327, %add3A_1131, %and3A_330, %add3A_1137], %gather3A_1375 : memref<4x4x8x128xf32, #tpu.memory_space<vmem>>[vector<16xi32>, vector<16xi32>, vector<16xi32>, vector<16xi32>], vector<16xf32>,
        %gather3A_1382 = arith.constant 0 : i32
        %gather3A_1383 = arith.constant 0 : i32
        %gather3A_1384 = tpu.memref_slice %arg6[%scan3A_918, %gather3A_1382, %gather3A_1383] : memref<2x512x32xf32, #tpu.memory_space<vmem>> -> memref<1x512x32xf32, #tpu.memory_space<vmem>>
        %gather3A_1385 = tpu.memref_squeeze %gather3A_1384 : memref<1x512x32xf32, #tpu.memory_space<vmem>> -> memref<512x32xf32, #tpu.memory_space<vmem>>
        %gather3A_1386 = tpu.vector_load_idx %gather3A_1385[%add3A_1141, %add3A_339] : memref<512x32xf32, #tpu.memory_space<vmem>>[vector<16xi32>, vector<16xi32>], vector<16xf32>,
        %scatter3A_1387 = arith.constant 0 : i32
        %scatter3A_1388 = arith.constant 0 : i32
        %scatter3A_1389 = arith.constant 0 : i32
        %scatter3A_1390 = arith.constant 0 : i32
        %scatter3A_1391 = tpu.memref_slice %arg7[%scan3A_919, %scatter3A_1387, %scatter3A_1388, %scatter3A_1389, %scatter3A_1390] : memref<2x4x4x8x128xf32, #tpu.memory_space<vmem>> -> memref<1x4x4x8x128xf32, #tpu.memory_space<vmem>>
        %scatter3A_1392 = tpu.memref_squeeze %scatter3A_1391 : memref<1x4x4x8x128xf32, #tpu.memory_space<vmem>> -> memref<4x4x8x128xf32, #tpu.memory_space<vmem>>
        tpu.vector_store_idx %scatter3A_1392[%shift_right_logical3A_342, %add3A_1131, %and3A_345, %add3A_1137], %gather3A_1386 : memref<4x4x8x128xf32, #tpu.memory_space<vmem>>[vector<16xi32>, vector<16xi32>, vector<16xi32>, vector<16xi32>], vector<16xf32>,
        %gather3A_1393 = arith.constant 0 : i32
        %gather3A_1394 = arith.constant 0 : i32
        %gather3A_1395 = tpu.memref_slice %arg6[%scan3A_918, %gather3A_1393, %gather3A_1394] : memref<2x512x32xf32, #tpu.memory_space<vmem>> -> memref<1x512x32xf32, #tpu.memory_space<vmem>>
        %gather3A_1396 = tpu.memref_squeeze %gather3A_1395 : memref<1x512x32xf32, #tpu.memory_space<vmem>> -> memref<512x32xf32, #tpu.memory_space<vmem>>
        %gather3A_1397 = tpu.vector_load_idx %gather3A_1396[%add3A_1141, %add3A_354] : memref<512x32xf32, #tpu.memory_space<vmem>>[vector<16xi32>, vector<16xi32>], vector<16xf32>,
        %scatter3A_1398 = arith.constant 0 : i32
        %scatter3A_1399 = arith.constant 0 : i32
        %scatter3A_1400 = arith.constant 0 : i32
        %scatter3A_1401 = arith.constant 0 : i32
        %scatter3A_1402 = tpu.memref_slice %arg7[%scan3A_919, %scatter3A_1398, %scatter3A_1399, %scatter3A_1400, %scatter3A_1401] : memref<2x4x4x8x128xf32, #tpu.memory_space<vmem>> -> memref<1x4x4x8x128xf32, #tpu.memory_space<vmem>>
        %scatter3A_1403 = tpu.memref_squeeze %scatter3A_1402 : memref<1x4x4x8x128xf32, #tpu.memory_space<vmem>> -> memref<4x4x8x128xf32, #tpu.memory_space<vmem>>
        tpu.vector_store_idx %scatter3A_1403[%shift_right_logical3A_357, %add3A_1131, %and3A_360, %add3A_1137], %gather3A_1397 : memref<4x4x8x128xf32, #tpu.memory_space<vmem>>[vector<16xi32>, vector<16xi32>, vector<16xi32>, vector<16xi32>], vector<16xf32>,
        %gather3A_1404 = arith.constant 0 : i32
        %gather3A_1405 = arith.constant 0 : i32
        %gather3A_1406 = tpu.memref_slice %arg6[%scan3A_918, %gather3A_1404, %gather3A_1405] : memref<2x512x32xf32, #tpu.memory_space<vmem>> -> memref<1x512x32xf32, #tpu.memory_space<vmem>>
        %gather3A_1407 = tpu.memref_squeeze %gather3A_1406 : memref<1x512x32xf32, #tpu.memory_space<vmem>> -> memref<512x32xf32, #tpu.memory_space<vmem>>
        %gather3A_1408 = tpu.vector_load_idx %gather3A_1407[%add3A_1141, %add3A_369] : memref<512x32xf32, #tpu.memory_space<vmem>>[vector<16xi32>, vector<16xi32>], vector<16xf32>,
        %scatter3A_1409 = arith.constant 0 : i32
        %scatter3A_1410 = arith.constant 0 : i32
        %scatter3A_1411 = arith.constant 0 : i32
        %scatter3A_1412 = arith.constant 0 : i32
        %scatter3A_1413 = tpu.memref_slice %arg7[%scan3A_919, %scatter3A_1409, %scatter3A_1410, %scatter3A_1411, %scatter3A_1412] : memref<2x4x4x8x128xf32, #tpu.memory_space<vmem>> -> memref<1x4x4x8x128xf32, #tpu.memory_space<vmem>>
        %scatter3A_1414 = tpu.memref_squeeze %scatter3A_1413 : memref<1x4x4x8x128xf32, #tpu.memory_space<vmem>> -> memref<4x4x8x128xf32, #tpu.memory_space<vmem>>
        tpu.vector_store_idx %scatter3A_1414[%shift_right_logical3A_372, %add3A_1131, %and3A_375, %add3A_1137], %gather3A_1408 : memref<4x4x8x128xf32, #tpu.memory_space<vmem>>[vector<16xi32>, vector<16xi32>, vector<16xi32>, vector<16xi32>], vector<16xf32>,
        %gather3A_1415 = arith.constant 0 : i32
        %gather3A_1416 = arith.constant 0 : i32
        %gather3A_1417 = tpu.memref_slice %arg6[%scan3A_918, %gather3A_1415, %gather3A_1416] : memref<2x512x32xf32, #tpu.memory_space<vmem>> -> memref<1x512x32xf32, #tpu.memory_space<vmem>>
        %gather3A_1418 = tpu.memref_squeeze %gather3A_1417 : memref<1x512x32xf32, #tpu.memory_space<vmem>> -> memref<512x32xf32, #tpu.memory_space<vmem>>
        %gather3A_1419 = tpu.vector_load_idx %gather3A_1418[%add3A_1141, %add3A_384] : memref<512x32xf32, #tpu.memory_space<vmem>>[vector<16xi32>, vector<16xi32>], vector<16xf32>,
        %scatter3A_1420 = arith.constant 0 : i32
        %scatter3A_1421 = arith.constant 0 : i32
        %scatter3A_1422 = arith.constant 0 : i32
        %scatter3A_1423 = arith.constant 0 : i32
        %scatter3A_1424 = tpu.memref_slice %arg7[%scan3A_919, %scatter3A_1420, %scatter3A_1421, %scatter3A_1422, %scatter3A_1423] : memref<2x4x4x8x128xf32, #tpu.memory_space<vmem>> -> memref<1x4x4x8x128xf32, #tpu.memory_space<vmem>>
        %scatter3A_1425 = tpu.memref_squeeze %scatter3A_1424 : memref<1x4x4x8x128xf32, #tpu.memory_space<vmem>> -> memref<4x4x8x128xf32, #tpu.memory_space<vmem>>
        tpu.vector_store_idx %scatter3A_1425[%shift_right_logical3A_387, %add3A_1131, %and3A_390, %add3A_1137], %gather3A_1419 : memref<4x4x8x128xf32, #tpu.memory_space<vmem>>[vector<16xi32>, vector<16xi32>, vector<16xi32>, vector<16xi32>], vector<16xf32>,
        %gather3A_1426 = arith.constant 0 : i32
        %gather3A_1427 = arith.constant 0 : i32
        %gather3A_1428 = tpu.memref_slice %arg6[%scan3A_918, %gather3A_1426, %gather3A_1427] : memref<2x512x32xf32, #tpu.memory_space<vmem>> -> memref<1x512x32xf32, #tpu.memory_space<vmem>>
        %gather3A_1429 = tpu.memref_squeeze %gather3A_1428 : memref<1x512x32xf32, #tpu.memory_space<vmem>> -> memref<512x32xf32, #tpu.memory_space<vmem>>
        %gather3A_1430 = tpu.vector_load_idx %gather3A_1429[%add3A_1141, %add3A_399] : memref<512x32xf32, #tpu.memory_space<vmem>>[vector<16xi32>, vector<16xi32>], vector<16xf32>,
        %scatter3A_1431 = arith.constant 0 : i32
        %scatter3A_1432 = arith.constant 0 : i32
        %scatter3A_1433 = arith.constant 0 : i32
        %scatter3A_1434 = arith.constant 0 : i32
        %scatter3A_1435 = tpu.memref_slice %arg7[%scan3A_919, %scatter3A_1431, %scatter3A_1432, %scatter3A_1433, %scatter3A_1434] : memref<2x4x4x8x128xf32, #tpu.memory_space<vmem>> -> memref<1x4x4x8x128xf32, #tpu.memory_space<vmem>>
        %scatter3A_1436 = tpu.memref_squeeze %scatter3A_1435 : memref<1x4x4x8x128xf32, #tpu.memory_space<vmem>> -> memref<4x4x8x128xf32, #tpu.memory_space<vmem>>
        tpu.vector_store_idx %scatter3A_1436[%shift_right_logical3A_402, %add3A_1131, %and3A_405, %add3A_1137], %gather3A_1430 : memref<4x4x8x128xf32, #tpu.memory_space<vmem>>[vector<16xi32>, vector<16xi32>, vector<16xi32>, vector<16xi32>], vector<16xf32>,
        %gather3A_1437 = arith.constant 0 : i32
        %gather3A_1438 = arith.constant 0 : i32
        %gather3A_1439 = tpu.memref_slice %arg6[%scan3A_918, %gather3A_1437, %gather3A_1438] : memref<2x512x32xf32, #tpu.memory_space<vmem>> -> memref<1x512x32xf32, #tpu.memory_space<vmem>>
        %gather3A_1440 = tpu.memref_squeeze %gather3A_1439 : memref<1x512x32xf32, #tpu.memory_space<vmem>> -> memref<512x32xf32, #tpu.memory_space<vmem>>
        %gather3A_1441 = tpu.vector_load_idx %gather3A_1440[%add3A_1141, %add3A_414] : memref<512x32xf32, #tpu.memory_space<vmem>>[vector<16xi32>, vector<16xi32>], vector<16xf32>,
        %scatter3A_1442 = arith.constant 0 : i32
        %scatter3A_1443 = arith.constant 0 : i32
        %scatter3A_1444 = arith.constant 0 : i32
        %scatter3A_1445 = arith.constant 0 : i32
        %scatter3A_1446 = tpu.memref_slice %arg7[%scan3A_919, %scatter3A_1442, %scatter3A_1443, %scatter3A_1444, %scatter3A_1445] : memref<2x4x4x8x128xf32, #tpu.memory_space<vmem>> -> memref<1x4x4x8x128xf32, #tpu.memory_space<vmem>>
        %scatter3A_1447 = tpu.memref_squeeze %scatter3A_1446 : memref<1x4x4x8x128xf32, #tpu.memory_space<vmem>> -> memref<4x4x8x128xf32, #tpu.memory_space<vmem>>
        tpu.vector_store_idx %scatter3A_1447[%shift_right_logical3A_417, %add3A_1131, %and3A_420, %add3A_1137], %gather3A_1441 : memref<4x4x8x128xf32, #tpu.memory_space<vmem>>[vector<16xi32>, vector<16xi32>, vector<16xi32>, vector<16xi32>], vector<16xf32>,
        %gather3A_1448 = arith.constant 0 : i32
        %gather3A_1449 = arith.constant 0 : i32
        %gather3A_1450 = tpu.memref_slice %arg6[%scan3A_918, %gather3A_1448, %gather3A_1449] : memref<2x512x32xf32, #tpu.memory_space<vmem>> -> memref<1x512x32xf32, #tpu.memory_space<vmem>>
        %gather3A_1451 = tpu.memref_squeeze %gather3A_1450 : memref<1x512x32xf32, #tpu.memory_space<vmem>> -> memref<512x32xf32, #tpu.memory_space<vmem>>
        %gather3A_1452 = tpu.vector_load_idx %gather3A_1451[%add3A_1141, %add3A_429] : memref<512x32xf32, #tpu.memory_space<vmem>>[vector<16xi32>, vector<16xi32>], vector<16xf32>,
        %scatter3A_1453 = arith.constant 0 : i32
        %scatter3A_1454 = arith.constant 0 : i32
        %scatter3A_1455 = arith.constant 0 : i32
        %scatter3A_1456 = arith.constant 0 : i32
        %scatter3A_1457 = tpu.memref_slice %arg7[%scan3A_919, %scatter3A_1453, %scatter3A_1454, %scatter3A_1455, %scatter3A_1456] : memref<2x4x4x8x128xf32, #tpu.memory_space<vmem>> -> memref<1x4x4x8x128xf32, #tpu.memory_space<vmem>>
        %scatter3A_1458 = tpu.memref_squeeze %scatter3A_1457 : memref<1x4x4x8x128xf32, #tpu.memory_space<vmem>> -> memref<4x4x8x128xf32, #tpu.memory_space<vmem>>
        tpu.vector_store_idx %scatter3A_1458[%shift_right_logical3A_432, %add3A_1131, %and3A_435, %add3A_1137], %gather3A_1452 : memref<4x4x8x128xf32, #tpu.memory_space<vmem>>[vector<16xi32>, vector<16xi32>, vector<16xi32>, vector<16xi32>], vector<16xf32>,
        %gather3A_1459 = arith.constant 0 : i32
        %gather3A_1460 = arith.constant 0 : i32
        %gather3A_1461 = tpu.memref_slice %arg6[%scan3A_918, %gather3A_1459, %gather3A_1460] : memref<2x512x32xf32, #tpu.memory_space<vmem>> -> memref<1x512x32xf32, #tpu.memory_space<vmem>>
        %gather3A_1462 = tpu.memref_squeeze %gather3A_1461 : memref<1x512x32xf32, #tpu.memory_space<vmem>> -> memref<512x32xf32, #tpu.memory_space<vmem>>
        %gather3A_1463 = tpu.vector_load_idx %gather3A_1462[%add3A_1141, %add3A_444] : memref<512x32xf32, #tpu.memory_space<vmem>>[vector<16xi32>, vector<16xi32>], vector<16xf32>,
        %scatter3A_1464 = arith.constant 0 : i32
        %scatter3A_1465 = arith.constant 0 : i32
        %scatter3A_1466 = arith.constant 0 : i32
        %scatter3A_1467 = arith.constant 0 : i32
        %scatter3A_1468 = tpu.memref_slice %arg7[%scan3A_919, %scatter3A_1464, %scatter3A_1465, %scatter3A_1466, %scatter3A_1467] : memref<2x4x4x8x128xf32, #tpu.memory_space<vmem>> -> memref<1x4x4x8x128xf32, #tpu.memory_space<vmem>>
        %scatter3A_1469 = tpu.memref_squeeze %scatter3A_1468 : memref<1x4x4x8x128xf32, #tpu.memory_space<vmem>> -> memref<4x4x8x128xf32, #tpu.memory_space<vmem>>
        tpu.vector_store_idx %scatter3A_1469[%shift_right_logical3A_447, %add3A_1131, %and3A_450, %add3A_1137], %gather3A_1463 : memref<4x4x8x128xf32, #tpu.memory_space<vmem>>[vector<16xi32>, vector<16xi32>, vector<16xi32>, vector<16xi32>], vector<16xf32>,
        %gather3A_1470 = arith.constant 0 : i32
        %gather3A_1471 = arith.constant 0 : i32
        %gather3A_1472 = tpu.memref_slice %arg6[%scan3A_918, %gather3A_1470, %gather3A_1471] : memref<2x512x32xf32, #tpu.memory_space<vmem>> -> memref<1x512x32xf32, #tpu.memory_space<vmem>>
        %gather3A_1473 = tpu.memref_squeeze %gather3A_1472 : memref<1x512x32xf32, #tpu.memory_space<vmem>> -> memref<512x32xf32, #tpu.memory_space<vmem>>
        %gather3A_1474 = tpu.vector_load_idx %gather3A_1473[%add3A_1141, %add3A_459] : memref<512x32xf32, #tpu.memory_space<vmem>>[vector<16xi32>, vector<16xi32>], vector<16xf32>,
        %scatter3A_1475 = arith.constant 0 : i32
        %scatter3A_1476 = arith.constant 0 : i32
        %scatter3A_1477 = arith.constant 0 : i32
        %scatter3A_1478 = arith.constant 0 : i32
        %scatter3A_1479 = tpu.memref_slice %arg7[%scan3A_919, %scatter3A_1475, %scatter3A_1476, %scatter3A_1477, %scatter3A_1478] : memref<2x4x4x8x128xf32, #tpu.memory_space<vmem>> -> memref<1x4x4x8x128xf32, #tpu.memory_space<vmem>>
        %scatter3A_1480 = tpu.memref_squeeze %scatter3A_1479 : memref<1x4x4x8x128xf32, #tpu.memory_space<vmem>> -> memref<4x4x8x128xf32, #tpu.memory_space<vmem>>
        tpu.vector_store_idx %scatter3A_1480[%shift_right_logical3A_462, %add3A_1131, %and3A_465, %add3A_1137], %gather3A_1474 : memref<4x4x8x128xf32, #tpu.memory_space<vmem>>[vector<16xi32>, vector<16xi32>, vector<16xi32>, vector<16xi32>], vector<16xf32>,
        %gather3A_1481 = arith.constant 0 : i32
        %gather3A_1482 = arith.constant 0 : i32
        %gather3A_1483 = tpu.memref_slice %arg6[%scan3A_918, %gather3A_1481, %gather3A_1482] : memref<2x512x32xf32, #tpu.memory_space<vmem>> -> memref<1x512x32xf32, #tpu.memory_space<vmem>>
        %gather3A_1484 = tpu.memref_squeeze %gather3A_1483 : memref<1x512x32xf32, #tpu.memory_space<vmem>> -> memref<512x32xf32, #tpu.memory_space<vmem>>
        %gather3A_1485 = tpu.vector_load_idx %gather3A_1484[%add3A_1141, %add3A_474] : memref<512x32xf32, #tpu.memory_space<vmem>>[vector<16xi32>, vector<16xi32>], vector<16xf32>,
        %scatter3A_1486 = arith.constant 0 : i32
        %scatter3A_1487 = arith.constant 0 : i32
        %scatter3A_1488 = arith.constant 0 : i32
        %scatter3A_1489 = arith.constant 0 : i32
        %scatter3A_1490 = tpu.memref_slice %arg7[%scan3A_919, %scatter3A_1486, %scatter3A_1487, %scatter3A_1488, %scatter3A_1489] : memref<2x4x4x8x128xf32, #tpu.memory_space<vmem>> -> memref<1x4x4x8x128xf32, #tpu.memory_space<vmem>>
        %scatter3A_1491 = tpu.memref_squeeze %scatter3A_1490 : memref<1x4x4x8x128xf32, #tpu.memory_space<vmem>> -> memref<4x4x8x128xf32, #tpu.memory_space<vmem>>
        tpu.vector_store_idx %scatter3A_1491[%shift_right_logical3A_477, %add3A_1131, %and3A_480, %add3A_1137], %gather3A_1485 : memref<4x4x8x128xf32, #tpu.memory_space<vmem>>[vector<16xi32>, vector<16xi32>, vector<16xi32>, vector<16xi32>], vector<16xf32>,
      }
      %scan3A_924 = arith.constant 32 : i32
      %sub3A = arith.constant 1 : i32
      %sub3A_925 = arith.subi %add3A_853, %sub3A : i32
      %mul3A_926 = arith.constant 512 : i32
      %mul3A_927 = arith.muli %mul3A_2, %mul3A_926 : i32
      %mul3A_928 = arith.constant 512 : i32
      %mul3A_929 = arith.muli %sub3A_925, %mul3A_928 : i32
      %add3A_930 = arith.addi %mul3A_927, %mul3A_929 : i32
      %shift_right_logical3A_931 = arith.constant 14 : i32
      %shift_right_logical3A_932 = arith.shrui %add3A_930, %shift_right_logical3A_931 : i32
      %and3A_933 = arith.constant 16383 : i32
      %and3A_934 = arith.andi %add3A_930, %and3A_933 : i32
      %shift_right_logical3A_935 = arith.constant 7 : i32
      %shift_right_logical3A_936 = arith.shrui %and3A_934, %shift_right_logical3A_935 : i32
      %dma_start3A_937 = arith.constant 1 : i32
      %dma_start3A_938 = arith.constant 0 : i32
      %dma_start3A_939 = arith.constant 0 : i32
      %dma_start3A_940 = arith.constant 0 : i32
      %dma_start3A_941 = arith.constant 0 : i32
      %dma_start3A_942 = tpu.memref_slice %arg7[%dma_start3A_937, %dma_start3A_938, %dma_start3A_939, %dma_start3A_940, %dma_start3A_941] : memref<2x4x4x8x128xf32, #tpu.memory_space<vmem>> -> memref<1x4x4x8x128xf32, #tpu.memory_space<vmem>>
      %dma_start3A_943 = tpu.memref_squeeze %dma_start3A_942 : memref<1x4x4x8x128xf32, #tpu.memory_space<vmem>> -> memref<4x4x8x128xf32, #tpu.memory_space<vmem>>
      %dma_start3A_944 = arith.constant 0 : i32
      %dma_start3A_945 = arith.constant 0 : i32
      %dma_start3A_946 = arith.constant 0 : i32
      %dma_start3A_947 = arith.constant 0 : i32
      %dma_start3A_948 = tpu.memref_slice %arg4[%shift_right_logical3A_932, %dma_start3A_944, %dma_start3A_945, %dma_start3A_946, %dma_start3A_947] : memref<50x4x128x8x128xf32, #tpu.memory_space<hbm>> -> memref<1x4x128x8x128xf32, #tpu.memory_space<hbm>>
      %dma_start3A_949 = tpu.memref_squeeze %dma_start3A_948 : memref<1x4x128x8x128xf32, #tpu.memory_space<hbm>> -> memref<4x128x8x128xf32, #tpu.memory_space<hbm>>
      %dma_start3A_950 = arith.constant 0 : i32
      %dma_start3A_951 = arith.constant 0 : i32
      %dma_start3A_952 = arith.constant 0 : i32
      %dma_start3A_953 = tpu.memref_slice %dma_start3A_949[%dma_start3A_950, %shift_right_logical3A_936, %dma_start3A_951, %dma_start3A_952] : memref<4x128x8x128xf32, #tpu.memory_space<hbm>> -> memref<4x4x8x128xf32, #tpu.memory_space<hbm>>
      %dma_start3A_954 = arith.constant 0 : i32
      %dma_start3A_955 = arith.constant 0 : i32
      %dma_start3A_956 = arith.constant 0 : i32
      %dma_start3A_957 = arith.constant 0 : i32
      %dma_start3A_958 = tpu.memref_slice %arg4[%shift_right_logical3A_932, %dma_start3A_954, %dma_start3A_955, %dma_start3A_956, %dma_start3A_957] : memref<50x4x128x8x128xf32, #tpu.memory_space<hbm>> -> memref<1x4x128x8x128xf32, #tpu.memory_space<hbm>>
      %dma_start3A_959 = tpu.memref_squeeze %dma_start3A_958 : memref<1x4x128x8x128xf32, #tpu.memory_space<hbm>> -> memref<4x128x8x128xf32, #tpu.memory_space<hbm>>
      %dma_start3A_960 = arith.constant 0 : i32
      %dma_start3A_961 = arith.constant 0 : i32
      %dma_start3A_962 = arith.constant 0 : i32
      %dma_start3A_963 = tpu.memref_slice %dma_start3A_959[%dma_start3A_960, %shift_right_logical3A_936, %dma_start3A_961, %dma_start3A_962] : memref<4x128x8x128xf32, #tpu.memory_space<hbm>> -> memref<4x4x8x128xf32, #tpu.memory_space<hbm>>
      %dma_start3A_964 = arith.constant 0 : i32
      %dma_start3A_965 = arith.constant 0 : i32
      %dma_start3A_966 = arith.constant 0 : i32
      %dma_start3A_967 = arith.constant 0 : i32
      %dma_start3A_968 = tpu.memref_slice %arg7[%dma_start3A_937, %dma_start3A_964, %dma_start3A_965, %dma_start3A_966, %dma_start3A_967] : memref<2x4x4x8x128xf32, #tpu.memory_space<vmem>> -> memref<1x4x4x8x128xf32, #tpu.memory_space<vmem>>
      %dma_start3A_969 = tpu.memref_squeeze %dma_start3A_968 : memref<1x4x4x8x128xf32, #tpu.memory_space<vmem>> -> memref<4x4x8x128xf32, #tpu.memory_space<vmem>>
      tpu.enqueue_dma source(%dma_start3A_969 : memref<4x4x8x128xf32, #tpu.memory_space<vmem>>) target(%dma_start3A_963 : memref<4x4x8x128xf32, #tpu.memory_space<hbm>>) target_semaphore(%arg13 : memref<!tpu.dma_semaphore, #tpu.memory_space<semaphore_mem>>)
      %mul3A_970 = arith.constant 2 : i32
      %mul3A_971 = arith.muli %scan3A_849, %mul3A_970 : i32
      %add3A_972 = arith.constant 1 : i32
      %add3A_973 = arith.addi %mul3A_971, %add3A_972 : i32
      %dma_wait3A_974 = arith.constant 1 : i32
      %dma_wait3A_975 = arith.constant 0 : i32
      %dma_wait3A_976 = arith.constant 0 : i32
      %dma_wait3A_977 = tpu.memref_slice %arg5[%dma_wait3A_974, %dma_wait3A_975, %dma_wait3A_976] : memref<2x1x512xi32, #tpu.memory_space<vmem>> -> memref<1x1x512xi32, #tpu.memory_space<vmem>>
      %dma_wait3A_978 = tpu.memref_squeeze %dma_wait3A_977 : memref<1x1x512xi32, #tpu.memory_space<vmem>> -> memref<1x512xi32, #tpu.memory_space<vmem>>
      %dma_wait3A_979 = arith.constant 0 : i32
      %dma_wait3A_980 = arith.constant 0 : i32
      %dma_wait3A_981 = tpu.memref_slice %arg3[%dma_wait3A_979, %dma_wait3A_980] : memref<1600x512xi32, #tpu.memory_space<hbm>> -> memref<1x512xi32, #tpu.memory_space<hbm>>
      %dma_wait3A_982 = arith.constant 0 : i32
      %dma_wait3A_983 = arith.constant 0 : i32
      %dma_wait3A_984 = tpu.memref_slice %arg5[%dma_wait3A_974, %dma_wait3A_982, %dma_wait3A_983] : memref<2x1x512xi32, #tpu.memory_space<vmem>> -> memref<1x1x512xi32, #tpu.memory_space<vmem>>
      %dma_wait3A_985 = tpu.memref_squeeze %dma_wait3A_984 : memref<1x1x512xi32, #tpu.memory_space<vmem>> -> memref<1x512xi32, #tpu.memory_space<vmem>>
      %dma_wait3A_986 = arith.constant 0 : i32
      %dma_wait3A_987 = arith.constant 0 : i32
      %dma_wait3A_988 = tpu.memref_slice %arg3[%dma_wait3A_986, %dma_wait3A_987] : memref<1600x512xi32, #tpu.memory_space<hbm>> -> memref<1x512xi32, #tpu.memory_space<hbm>>
      tpu.wait_dma2 semaphore(%arg9 : memref<!tpu.dma_semaphore, #tpu.memory_space<semaphore_mem>>) src(%dma_wait3A_988 : memref<1x512xi32, #tpu.memory_space<hbm>>) dst(%dma_wait3A_985 : memref<1x512xi32, #tpu.memory_space<vmem>>)
      %dma_start3A_989 = arith.constant 1 : i32
      %dma_start3A_990 = arith.constant 0 : i32
      %dma_start3A_991 = arith.constant 1 : i32
      %dma_start3A_992 = arith.constant 0 : i32
      %dma_start3A_993 = arith.constant 0 : i32
      %dma_start3A_994 = tpu.memref_slice %arg6[%dma_start3A_991, %dma_start3A_992, %dma_start3A_993] : memref<2x512x32xf32, #tpu.memory_space<vmem>> -> memref<1x512x32xf32, #tpu.memory_space<vmem>>
      %dma_start3A_995 = tpu.memref_squeeze %dma_start3A_994 : memref<1x512x32xf32, #tpu.memory_space<vmem>> -> memref<512x32xf32, #tpu.memory_space<vmem>>
      %dma_start3A_996 = arith.constant 0 : i32
      %dma_start3A_997 = arith.constant 0 : i32
      %dma_start3A_998 = tpu.memref_slice %dma_start3A_995[%dma_start3A_996, %dma_start3A_997] : memref<512x32xf32, #tpu.memory_space<vmem>> -> memref<512x32xf32, #tpu.memory_space<vmem>>
      %dma_start3A_999 = arith.constant 0 : i32
      %dma_start3A_1000 = arith.constant 0 : i32
      %dma_start3A_1001 = tpu.memref_slice %arg5[%dma_start3A_989, %dma_start3A_999, %dma_start3A_1000] : memref<2x1x512xi32, #tpu.memory_space<vmem>> -> memref<1x1x512xi32, #tpu.memory_space<vmem>>
      %dma_start3A_1002 = tpu.memref_squeeze %dma_start3A_1001 : memref<1x1x512xi32, #tpu.memory_space<vmem>> -> memref<1x512xi32, #tpu.memory_space<vmem>>
      %dma_start3A_1003 = arith.constant 0 : i32
      %dma_start3A_1004 = tpu.memref_slice %dma_start3A_1002[%dma_start3A_990, %dma_start3A_1003] : memref<1x512xi32, #tpu.memory_space<vmem>> -> memref<1x512xi32, #tpu.memory_space<vmem>>
      %dma_start3A_1005 = tpu.memref_squeeze %dma_start3A_1004 : memref<1x512xi32, #tpu.memory_space<vmem>> -> memref<512xi32, #tpu.memory_space<vmem>>
      %dma_start3A_1006 = arith.constant 0 : i32
      %dma_start3A_1007 = arith.constant 0 : i32
      %dma_start3A_1008 = tpu.memref_slice %arg2[%dma_start3A_1006, %dma_start3A_1007] : memref<1000000x32xf32, #tpu.memory_space<hbm>> -> memref<1000000x32xf32, #tpu.memory_space<hbm>>
      tpu.enqueue_indirect_dma source(%dma_start3A_1008 : memref<1000000x32xf32, #tpu.memory_space<hbm>>) target(%dma_start3A_998 : memref<512x32xf32, #tpu.memory_space<vmem>>) offsets(%dma_start3A_1005 : memref<512xi32, #tpu.memory_space<vmem>>) semaphore(%arg11 : memref<!tpu.dma_semaphore, #tpu.memory_space<semaphore_mem>>)
      %dma_wait3A_1009 = arith.constant 0 : i32
      %dma_wait3A_1010 = arith.constant 0 : i32
      %dma_wait3A_1011 = arith.constant 0 : i32
      %dma_wait3A_1012 = arith.constant 0 : i32
      %dma_wait3A_1013 = arith.constant 0 : i32
      %dma_wait3A_1014 = tpu.memref_slice %arg6[%dma_wait3A_1011, %dma_wait3A_1012, %dma_wait3A_1013] : memref<2x512x32xf32, #tpu.memory_space<vmem>> -> memref<1x512x32xf32, #tpu.memory_space<vmem>>
      %dma_wait3A_1015 = tpu.memref_squeeze %dma_wait3A_1014 : memref<1x512x32xf32, #tpu.memory_space<vmem>> -> memref<512x32xf32, #tpu.memory_space<vmem>>
      %dma_wait3A_1016 = arith.constant 0 : i32
      %dma_wait3A_1017 = arith.constant 0 : i32
      %dma_wait3A_1018 = tpu.memref_slice %dma_wait3A_1015[%dma_wait3A_1016, %dma_wait3A_1017] : memref<512x32xf32, #tpu.memory_space<vmem>> -> memref<512x32xf32, #tpu.memory_space<vmem>>
      %dma_wait3A_1019 = arith.constant 0 : i32
      %dma_wait3A_1020 = arith.constant 0 : i32
      %dma_wait3A_1021 = tpu.memref_slice %arg5[%dma_wait3A_1009, %dma_wait3A_1019, %dma_wait3A_1020] : memref<2x1x512xi32, #tpu.memory_space<vmem>> -> memref<1x1x512xi32, #tpu.memory_space<vmem>>
      %dma_wait3A_1022 = tpu.memref_squeeze %dma_wait3A_1021 : memref<1x1x512xi32, #tpu.memory_space<vmem>> -> memref<1x512xi32, #tpu.memory_space<vmem>>
      %dma_wait3A_1023 = arith.constant 0 : i32
      %dma_wait3A_1024 = tpu.memref_slice %dma_wait3A_1022[%dma_wait3A_1010, %dma_wait3A_1023] : memref<1x512xi32, #tpu.memory_space<vmem>> -> memref<1x512xi32, #tpu.memory_space<vmem>>
      %dma_wait3A_1025 = tpu.memref_squeeze %dma_wait3A_1024 : memref<1x512xi32, #tpu.memory_space<vmem>> -> memref<512xi32, #tpu.memory_space<vmem>>
      %dma_wait3A_1026 = arith.constant 0 : i32
      %dma_wait3A_1027 = arith.constant 0 : i32
      %dma_wait3A_1028 = tpu.memref_slice %arg2[%dma_wait3A_1026, %dma_wait3A_1027] : memref<1000000x32xf32, #tpu.memory_space<hbm>> -> memref<1000000x32xf32, #tpu.memory_space<hbm>>
      tpu.wait_indirect_dma semaphore(%arg10 : memref<!tpu.dma_semaphore, #tpu.memory_space<semaphore_mem>>) src(%dma_wait3A_1028 : memref<1000000x32xf32, #tpu.memory_space<hbm>>) dst(%dma_wait3A_1018 : memref<512x32xf32, #tpu.memory_space<vmem>>)
      %add3A_1029 = arith.constant 1 : i32
      %add3A_1030 = arith.addi %add3A_973, %add3A_1029 : i32
      %lt3A_1031 = arith.constant 50 : i32
      %lt3A_1032 = arith.cmpi slt, %add3A_1030, %lt3A_1031 : i32
      %convert_element_type3A_1033 = arith.extui %lt3A_1032 : i1 to i32
      %cond3A_1034 = arith.constant 0 : i32
      %cond3A_1035 = arith.cmpi ne, %convert_element_type3A_1033, %cond3A_1034 : i32
      scf.if %cond3A_1035 {
        %mul3A_1126 = arith.constant 1 : i32
        %mul3A_1127 = arith.muli %add3A_1030, %mul3A_1126 : i32
        %add3A_1128 = arith.addi %mul3A_2, %mul3A_1127 : i32
        %dma_start3A_1129 = arith.constant 0 : i32
        %dma_start3A_1130 = arith.constant 0 : i32
        %dma_start3A_1131 = arith.constant 0 : i32
        %dma_start3A_1132 = tpu.memref_slice %arg5[%dma_start3A_1129, %dma_start3A_1130, %dma_start3A_1131] : memref<2x1x512xi32, #tpu.memory_space<vmem>> -> memref<1x1x512xi32, #tpu.memory_space<vmem>>
        %dma_start3A_1133 = tpu.memref_squeeze %dma_start3A_1132 : memref<1x1x512xi32, #tpu.memory_space<vmem>> -> memref<1x512xi32, #tpu.memory_space<vmem>>
        %dma_start3A_1134 = arith.constant 0 : i32
        %dma_start3A_1135 = tpu.memref_slice %arg3[%add3A_1128, %dma_start3A_1134] : memref<1600x512xi32, #tpu.memory_space<hbm>> -> memref<1x512xi32, #tpu.memory_space<hbm>>
        %dma_start3A_1136 = arith.constant 0 : i32
        %dma_start3A_1137 = arith.constant 0 : i32
        %dma_start3A_1138 = tpu.memref_slice %arg5[%dma_start3A_1129, %dma_start3A_1136, %dma_start3A_1137] : memref<2x1x512xi32, #tpu.memory_space<vmem>> -> memref<1x1x512xi32, #tpu.memory_space<vmem>>
        %dma_start3A_1139 = tpu.memref_squeeze %dma_start3A_1138 : memref<1x1x512xi32, #tpu.memory_space<vmem>> -> memref<1x512xi32, #tpu.memory_space<vmem>>
        %dma_start3A_1140 = arith.constant 0 : i32
        %dma_start3A_1141 = tpu.memref_slice %arg3[%add3A_1128, %dma_start3A_1140] : memref<1600x512xi32, #tpu.memory_space<hbm>> -> memref<1x512xi32, #tpu.memory_space<hbm>>
        tpu.enqueue_dma source(%dma_start3A_1141 : memref<1x512xi32, #tpu.memory_space<hbm>>) target(%dma_start3A_1139 : memref<1x512xi32, #tpu.memory_space<vmem>>) target_semaphore(%arg8 : memref<!tpu.dma_semaphore, #tpu.memory_space<semaphore_mem>>)
      } else {
      }
      %dma_wait3A_1036 = arith.constant 0 : i32
      %dma_wait3A_1037 = arith.constant 0 : i32
      %dma_wait3A_1038 = arith.constant 0 : i32
      %dma_wait3A_1039 = arith.constant 0 : i32
      %dma_wait3A_1040 = arith.constant 0 : i32
      %dma_wait3A_1041 = arith.constant 0 : i32
      %dma_wait3A_1042 = tpu.memref_slice %arg7[%dma_wait3A_1036, %dma_wait3A_1038, %dma_wait3A_1039, %dma_wait3A_1040, %dma_wait3A_1041] : memref<2x4x4x8x128xf32, #tpu.memory_space<vmem>> -> memref<1x4x4x8x128xf32, #tpu.memory_space<vmem>>
      %dma_wait3A_1043 = tpu.memref_squeeze %dma_wait3A_1042 : memref<1x4x4x8x128xf32, #tpu.memory_space<vmem>> -> memref<4x4x8x128xf32, #tpu.memory_space<vmem>>
      %dma_wait3A_1044 = arith.constant 0 : i32
      %dma_wait3A_1045 = arith.constant 0 : i32
      %dma_wait3A_1046 = arith.constant 0 : i32
      %dma_wait3A_1047 = arith.constant 0 : i32
      %dma_wait3A_1048 = tpu.memref_slice %arg4[%dma_wait3A_1037, %dma_wait3A_1044, %dma_wait3A_1045, %dma_wait3A_1046, %dma_wait3A_1047] : memref<50x4x128x8x128xf32, #tpu.memory_space<hbm>> -> memref<1x4x128x8x128xf32, #tpu.memory_space<hbm>>
      %dma_wait3A_1049 = tpu.memref_squeeze %dma_wait3A_1048 : memref<1x4x128x8x128xf32, #tpu.memory_space<hbm>> -> memref<4x128x8x128xf32, #tpu.memory_space<hbm>>
      %dma_wait3A_1050 = arith.constant 0 : i32
      %dma_wait3A_1051 = arith.constant 0 : i32
      %dma_wait3A_1052 = arith.constant 0 : i32
      %dma_wait3A_1053 = arith.constant 0 : i32
      %dma_wait3A_1054 = tpu.memref_slice %dma_wait3A_1049[%dma_wait3A_1050, %dma_wait3A_1051, %dma_wait3A_1052, %dma_wait3A_1053] : memref<4x128x8x128xf32, #tpu.memory_space<hbm>> -> memref<4x4x8x128xf32, #tpu.memory_space<hbm>>
      %dma_wait3A_1055 = arith.constant 0 : i32
      %dma_wait3A_1056 = arith.constant 0 : i32
      %dma_wait3A_1057 = arith.constant 0 : i32
      %dma_wait3A_1058 = arith.constant 0 : i32
      %dma_wait3A_1059 = tpu.memref_slice %arg4[%dma_wait3A_1037, %dma_wait3A_1055, %dma_wait3A_1056, %dma_wait3A_1057, %dma_wait3A_1058] : memref<50x4x128x8x128xf32, #tpu.memory_space<hbm>> -> memref<1x4x128x8x128xf32, #tpu.memory_space<hbm>>
      %dma_wait3A_1060 = tpu.memref_squeeze %dma_wait3A_1059 : memref<1x4x128x8x128xf32, #tpu.memory_space<hbm>> -> memref<4x128x8x128xf32, #tpu.memory_space<hbm>>
      %dma_wait3A_1061 = arith.constant 0 : i32
      %dma_wait3A_1062 = arith.constant 0 : i32
      %dma_wait3A_1063 = arith.constant 0 : i32
      %dma_wait3A_1064 = arith.constant 0 : i32
      %dma_wait3A_1065 = tpu.memref_slice %dma_wait3A_1060[%dma_wait3A_1061, %dma_wait3A_1062, %dma_wait3A_1063, %dma_wait3A_1064] : memref<4x128x8x128xf32, #tpu.memory_space<hbm>> -> memref<4x4x8x128xf32, #tpu.memory_space<hbm>>
      %dma_wait3A_1066 = arith.constant 0 : i32
      %dma_wait3A_1067 = arith.constant 0 : i32
      %dma_wait3A_1068 = arith.constant 0 : i32
      %dma_wait3A_1069 = arith.constant 0 : i32
      %dma_wait3A_1070 = tpu.memref_slice %arg7[%dma_wait3A_1036, %dma_wait3A_1066, %dma_wait3A_1067, %dma_wait3A_1068, %dma_wait3A_1069] : memref<2x4x4x8x128xf32, #tpu.memory_space<vmem>> -> memref<1x4x4x8x128xf32, #tpu.memory_space<vmem>>
      %dma_wait3A_1071 = tpu.memref_squeeze %dma_wait3A_1070 : memref<1x4x4x8x128xf32, #tpu.memory_space<vmem>> -> memref<4x4x8x128xf32, #tpu.memory_space<vmem>>
      tpu.wait_dma2 semaphore(%arg12 : memref<!tpu.dma_semaphore, #tpu.memory_space<semaphore_mem>>) src(%dma_wait3A_1071 : memref<4x4x8x128xf32, #tpu.memory_space<vmem>>) dst(%dma_wait3A_1065 : memref<4x4x8x128xf32, #tpu.memory_space<hbm>>)
      %scan3A_1072 = arith.constant 0 : i32
      %scan3A_1073 = arith.constant 0 : i32
      %scan3A_1074 = arith.constant 0 : i32
      %scan3A_1075 = arith.constant 0 : i32
      %scan3A_1076 = arith.constant 32 : i32
      %scan3A_1077 = arith.addi %scan3A_1075, %scan3A_1076 : i32
      %scan3A_1078 = arith.constant 1 : i32
      scf.for %scan3A_1126 = %scan3A_1075 to %scan3A_1077 step %scan3A_1078  : i32 {
        %shift_right_logical3A_1127 = arith.constant 3 : i32
        %shift_right_logical3A_1128 = arith.shrui %scan3A_1126, %shift_right_logical3A_1127 : i32
        %broadcast_in_dim3A = arith.constant 0 : i32
        %broadcast_in_dim3A_1129 = vector.broadcast %broadcast_in_dim3A : i32 to vector<16xi32>
        %add3A_1130 = vector.broadcast %shift_right_logical3A_1128 : i32 to vector<16xi32>
        %add3A_1131 = arith.addi %broadcast_in_dim3A_1129, %add3A_1130 : vector<16xi32>
        %and3A_1132 = arith.constant 7 : i32
        %and3A_1133 = arith.andi %scan3A_1126, %and3A_1132 : i32
        %mul3A_1134 = arith.constant 16 : i32
        %mul3A_1135 = arith.muli %mul3A_1134, %and3A_1133 : i32
        %add3A_1136 = vector.broadcast %mul3A_1135 : i32 to vector<16xi32>
        %add3A_1137 = arith.addi %iota3A, %add3A_1136 : vector<16xi32>
        %mul3A_1138 = arith.constant 128 : i32
        %mul3A_1139 = arith.muli %shift_right_logical3A_1128, %mul3A_1138 : i32
        %add3A_1140 = vector.broadcast %mul3A_1139 : i32 to vector<16xi32>
        %add3A_1141 = arith.addi %add3A_1137, %add3A_1140 : vector<16xi32>
        %gather3A = arith.constant 0 : i32
        %gather3A_1142 = arith.constant 0 : i32
        %gather3A_1143 = tpu.memref_slice %arg6[%scan3A_1073, %gather3A, %gather3A_1142] : memref<2x512x32xf32, #tpu.memory_space<vmem>> -> memref<1x512x32xf32, #tpu.memory_space<vmem>>
        %gather3A_1144 = tpu.memref_squeeze %gather3A_1143 : memref<1x512x32xf32, #tpu.memory_space<vmem>> -> memref<512x32xf32, #tpu.memory_space<vmem>>
        %gather3A_1145 = tpu.vector_load_idx %gather3A_1144[%add3A_1141, %add3A_10] : memref<512x32xf32, #tpu.memory_space<vmem>>[vector<16xi32>, vector<16xi32>], vector<16xf32>,
        %scatter3A = arith.constant 0 : i32
        %scatter3A_1146 = arith.constant 0 : i32
        %scatter3A_1147 = arith.constant 0 : i32
        %scatter3A_1148 = arith.constant 0 : i32
        %scatter3A_1149 = tpu.memref_slice %arg7[%scan3A_1074, %scatter3A, %scatter3A_1146, %scatter3A_1147, %scatter3A_1148] : memref<2x4x4x8x128xf32, #tpu.memory_space<vmem>> -> memref<1x4x4x8x128xf32, #tpu.memory_space<vmem>>
        %scatter3A_1150 = tpu.memref_squeeze %scatter3A_1149 : memref<1x4x4x8x128xf32, #tpu.memory_space<vmem>> -> memref<4x4x8x128xf32, #tpu.memory_space<vmem>>
        tpu.vector_store_idx %scatter3A_1150[%shift_right_logical3A_12, %add3A_1131, %and3A_15, %add3A_1137], %gather3A_1145 : memref<4x4x8x128xf32, #tpu.memory_space<vmem>>[vector<16xi32>, vector<16xi32>, vector<16xi32>, vector<16xi32>], vector<16xf32>,
        %gather3A_1151 = arith.constant 0 : i32
        %gather3A_1152 = arith.constant 0 : i32
        %gather3A_1153 = tpu.memref_slice %arg6[%scan3A_1073, %gather3A_1151, %gather3A_1152] : memref<2x512x32xf32, #tpu.memory_space<vmem>> -> memref<1x512x32xf32, #tpu.memory_space<vmem>>
        %gather3A_1154 = tpu.memref_squeeze %gather3A_1153 : memref<1x512x32xf32, #tpu.memory_space<vmem>> -> memref<512x32xf32, #tpu.memory_space<vmem>>
        %gather3A_1155 = tpu.vector_load_idx %gather3A_1154[%add3A_1141, %add3A_24] : memref<512x32xf32, #tpu.memory_space<vmem>>[vector<16xi32>, vector<16xi32>], vector<16xf32>,
        %scatter3A_1156 = arith.constant 0 : i32
        %scatter3A_1157 = arith.constant 0 : i32
        %scatter3A_1158 = arith.constant 0 : i32
        %scatter3A_1159 = arith.constant 0 : i32
        %scatter3A_1160 = tpu.memref_slice %arg7[%scan3A_1074, %scatter3A_1156, %scatter3A_1157, %scatter3A_1158, %scatter3A_1159] : memref<2x4x4x8x128xf32, #tpu.memory_space<vmem>> -> memref<1x4x4x8x128xf32, #tpu.memory_space<vmem>>
        %scatter3A_1161 = tpu.memref_squeeze %scatter3A_1160 : memref<1x4x4x8x128xf32, #tpu.memory_space<vmem>> -> memref<4x4x8x128xf32, #tpu.memory_space<vmem>>
        tpu.vector_store_idx %scatter3A_1161[%shift_right_logical3A_27, %add3A_1131, %and3A_30, %add3A_1137], %gather3A_1155 : memref<4x4x8x128xf32, #tpu.memory_space<vmem>>[vector<16xi32>, vector<16xi32>, vector<16xi32>, vector<16xi32>], vector<16xf32>,
        %gather3A_1162 = arith.constant 0 : i32
        %gather3A_1163 = arith.constant 0 : i32
        %gather3A_1164 = tpu.memref_slice %arg6[%scan3A_1073, %gather3A_1162, %gather3A_1163] : memref<2x512x32xf32, #tpu.memory_space<vmem>> -> memref<1x512x32xf32, #tpu.memory_space<vmem>>
        %gather3A_1165 = tpu.memref_squeeze %gather3A_1164 : memref<1x512x32xf32, #tpu.memory_space<vmem>> -> memref<512x32xf32, #tpu.memory_space<vmem>>
        %gather3A_1166 = tpu.vector_load_idx %gather3A_1165[%add3A_1141, %add3A_39] : memref<512x32xf32, #tpu.memory_space<vmem>>[vector<16xi32>, vector<16xi32>], vector<16xf32>,
        %scatter3A_1167 = arith.constant 0 : i32
        %scatter3A_1168 = arith.constant 0 : i32
        %scatter3A_1169 = arith.constant 0 : i32
        %scatter3A_1170 = arith.constant 0 : i32
        %scatter3A_1171 = tpu.memref_slice %arg7[%scan3A_1074, %scatter3A_1167, %scatter3A_1168, %scatter3A_1169, %scatter3A_1170] : memref<2x4x4x8x128xf32, #tpu.memory_space<vmem>> -> memref<1x4x4x8x128xf32, #tpu.memory_space<vmem>>
        %scatter3A_1172 = tpu.memref_squeeze %scatter3A_1171 : memref<1x4x4x8x128xf32, #tpu.memory_space<vmem>> -> memref<4x4x8x128xf32, #tpu.memory_space<vmem>>
        tpu.vector_store_idx %scatter3A_1172[%shift_right_logical3A_42, %add3A_1131, %and3A_45, %add3A_1137], %gather3A_1166 : memref<4x4x8x128xf32, #tpu.memory_space<vmem>>[vector<16xi32>, vector<16xi32>, vector<16xi32>, vector<16xi32>], vector<16xf32>,
        %gather3A_1173 = arith.constant 0 : i32
        %gather3A_1174 = arith.constant 0 : i32
        %gather3A_1175 = tpu.memref_slice %arg6[%scan3A_1073, %gather3A_1173, %gather3A_1174] : memref<2x512x32xf32, #tpu.memory_space<vmem>> -> memref<1x512x32xf32, #tpu.memory_space<vmem>>
        %gather3A_1176 = tpu.memref_squeeze %gather3A_1175 : memref<1x512x32xf32, #tpu.memory_space<vmem>> -> memref<512x32xf32, #tpu.memory_space<vmem>>
        %gather3A_1177 = tpu.vector_load_idx %gather3A_1176[%add3A_1141, %add3A_54] : memref<512x32xf32, #tpu.memory_space<vmem>>[vector<16xi32>, vector<16xi32>], vector<16xf32>,
        %scatter3A_1178 = arith.constant 0 : i32
        %scatter3A_1179 = arith.constant 0 : i32
        %scatter3A_1180 = arith.constant 0 : i32
        %scatter3A_1181 = arith.constant 0 : i32
        %scatter3A_1182 = tpu.memref_slice %arg7[%scan3A_1074, %scatter3A_1178, %scatter3A_1179, %scatter3A_1180, %scatter3A_1181] : memref<2x4x4x8x128xf32, #tpu.memory_space<vmem>> -> memref<1x4x4x8x128xf32, #tpu.memory_space<vmem>>
        %scatter3A_1183 = tpu.memref_squeeze %scatter3A_1182 : memref<1x4x4x8x128xf32, #tpu.memory_space<vmem>> -> memref<4x4x8x128xf32, #tpu.memory_space<vmem>>
        tpu.vector_store_idx %scatter3A_1183[%shift_right_logical3A_57, %add3A_1131, %and3A_60, %add3A_1137], %gather3A_1177 : memref<4x4x8x128xf32, #tpu.memory_space<vmem>>[vector<16xi32>, vector<16xi32>, vector<16xi32>, vector<16xi32>], vector<16xf32>,
        %gather3A_1184 = arith.constant 0 : i32
        %gather3A_1185 = arith.constant 0 : i32
        %gather3A_1186 = tpu.memref_slice %arg6[%scan3A_1073, %gather3A_1184, %gather3A_1185] : memref<2x512x32xf32, #tpu.memory_space<vmem>> -> memref<1x512x32xf32, #tpu.memory_space<vmem>>
        %gather3A_1187 = tpu.memref_squeeze %gather3A_1186 : memref<1x512x32xf32, #tpu.memory_space<vmem>> -> memref<512x32xf32, #tpu.memory_space<vmem>>
        %gather3A_1188 = tpu.vector_load_idx %gather3A_1187[%add3A_1141, %add3A_69] : memref<512x32xf32, #tpu.memory_space<vmem>>[vector<16xi32>, vector<16xi32>], vector<16xf32>,
        %scatter3A_1189 = arith.constant 0 : i32
        %scatter3A_1190 = arith.constant 0 : i32
        %scatter3A_1191 = arith.constant 0 : i32
        %scatter3A_1192 = arith.constant 0 : i32
        %scatter3A_1193 = tpu.memref_slice %arg7[%scan3A_1074, %scatter3A_1189, %scatter3A_1190, %scatter3A_1191, %scatter3A_1192] : memref<2x4x4x8x128xf32, #tpu.memory_space<vmem>> -> memref<1x4x4x8x128xf32, #tpu.memory_space<vmem>>
        %scatter3A_1194 = tpu.memref_squeeze %scatter3A_1193 : memref<1x4x4x8x128xf32, #tpu.memory_space<vmem>> -> memref<4x4x8x128xf32, #tpu.memory_space<vmem>>
        tpu.vector_store_idx %scatter3A_1194[%shift_right_logical3A_72, %add3A_1131, %and3A_75, %add3A_1137], %gather3A_1188 : memref<4x4x8x128xf32, #tpu.memory_space<vmem>>[vector<16xi32>, vector<16xi32>, vector<16xi32>, vector<16xi32>], vector<16xf32>,
        %gather3A_1195 = arith.constant 0 : i32
        %gather3A_1196 = arith.constant 0 : i32
        %gather3A_1197 = tpu.memref_slice %arg6[%scan3A_1073, %gather3A_1195, %gather3A_1196] : memref<2x512x32xf32, #tpu.memory_space<vmem>> -> memref<1x512x32xf32, #tpu.memory_space<vmem>>
        %gather3A_1198 = tpu.memref_squeeze %gather3A_1197 : memref<1x512x32xf32, #tpu.memory_space<vmem>> -> memref<512x32xf32, #tpu.memory_space<vmem>>
        %gather3A_1199 = tpu.vector_load_idx %gather3A_1198[%add3A_1141, %add3A_84] : memref<512x32xf32, #tpu.memory_space<vmem>>[vector<16xi32>, vector<16xi32>], vector<16xf32>,
        %scatter3A_1200 = arith.constant 0 : i32
        %scatter3A_1201 = arith.constant 0 : i32
        %scatter3A_1202 = arith.constant 0 : i32
        %scatter3A_1203 = arith.constant 0 : i32
        %scatter3A_1204 = tpu.memref_slice %arg7[%scan3A_1074, %scatter3A_1200, %scatter3A_1201, %scatter3A_1202, %scatter3A_1203] : memref<2x4x4x8x128xf32, #tpu.memory_space<vmem>> -> memref<1x4x4x8x128xf32, #tpu.memory_space<vmem>>
        %scatter3A_1205 = tpu.memref_squeeze %scatter3A_1204 : memref<1x4x4x8x128xf32, #tpu.memory_space<vmem>> -> memref<4x4x8x128xf32, #tpu.memory_space<vmem>>
        tpu.vector_store_idx %scatter3A_1205[%shift_right_logical3A_87, %add3A_1131, %and3A_90, %add3A_1137], %gather3A_1199 : memref<4x4x8x128xf32, #tpu.memory_space<vmem>>[vector<16xi32>, vector<16xi32>, vector<16xi32>, vector<16xi32>], vector<16xf32>,
        %gather3A_1206 = arith.constant 0 : i32
        %gather3A_1207 = arith.constant 0 : i32
        %gather3A_1208 = tpu.memref_slice %arg6[%scan3A_1073, %gather3A_1206, %gather3A_1207] : memref<2x512x32xf32, #tpu.memory_space<vmem>> -> memref<1x512x32xf32, #tpu.memory_space<vmem>>
        %gather3A_1209 = tpu.memref_squeeze %gather3A_1208 : memref<1x512x32xf32, #tpu.memory_space<vmem>> -> memref<512x32xf32, #tpu.memory_space<vmem>>
        %gather3A_1210 = tpu.vector_load_idx %gather3A_1209[%add3A_1141, %add3A_99] : memref<512x32xf32, #tpu.memory_space<vmem>>[vector<16xi32>, vector<16xi32>], vector<16xf32>,
        %scatter3A_1211 = arith.constant 0 : i32
        %scatter3A_1212 = arith.constant 0 : i32
        %scatter3A_1213 = arith.constant 0 : i32
        %scatter3A_1214 = arith.constant 0 : i32
        %scatter3A_1215 = tpu.memref_slice %arg7[%scan3A_1074, %scatter3A_1211, %scatter3A_1212, %scatter3A_1213, %scatter3A_1214] : memref<2x4x4x8x128xf32, #tpu.memory_space<vmem>> -> memref<1x4x4x8x128xf32, #tpu.memory_space<vmem>>
        %scatter3A_1216 = tpu.memref_squeeze %scatter3A_1215 : memref<1x4x4x8x128xf32, #tpu.memory_space<vmem>> -> memref<4x4x8x128xf32, #tpu.memory_space<vmem>>
        tpu.vector_store_idx %scatter3A_1216[%shift_right_logical3A_102, %add3A_1131, %and3A_105, %add3A_1137], %gather3A_1210 : memref<4x4x8x128xf32, #tpu.memory_space<vmem>>[vector<16xi32>, vector<16xi32>, vector<16xi32>, vector<16xi32>], vector<16xf32>,
        %gather3A_1217 = arith.constant 0 : i32
        %gather3A_1218 = arith.constant 0 : i32
        %gather3A_1219 = tpu.memref_slice %arg6[%scan3A_1073, %gather3A_1217, %gather3A_1218] : memref<2x512x32xf32, #tpu.memory_space<vmem>> -> memref<1x512x32xf32, #tpu.memory_space<vmem>>
        %gather3A_1220 = tpu.memref_squeeze %gather3A_1219 : memref<1x512x32xf32, #tpu.memory_space<vmem>> -> memref<512x32xf32, #tpu.memory_space<vmem>>
        %gather3A_1221 = tpu.vector_load_idx %gather3A_1220[%add3A_1141, %add3A_114] : memref<512x32xf32, #tpu.memory_space<vmem>>[vector<16xi32>, vector<16xi32>], vector<16xf32>,
        %scatter3A_1222 = arith.constant 0 : i32
        %scatter3A_1223 = arith.constant 0 : i32
        %scatter3A_1224 = arith.constant 0 : i32
        %scatter3A_1225 = arith.constant 0 : i32
        %scatter3A_1226 = tpu.memref_slice %arg7[%scan3A_1074, %scatter3A_1222, %scatter3A_1223, %scatter3A_1224, %scatter3A_1225] : memref<2x4x4x8x128xf32, #tpu.memory_space<vmem>> -> memref<1x4x4x8x128xf32, #tpu.memory_space<vmem>>
        %scatter3A_1227 = tpu.memref_squeeze %scatter3A_1226 : memref<1x4x4x8x128xf32, #tpu.memory_space<vmem>> -> memref<4x4x8x128xf32, #tpu.memory_space<vmem>>
        tpu.vector_store_idx %scatter3A_1227[%shift_right_logical3A_117, %add3A_1131, %and3A_120, %add3A_1137], %gather3A_1221 : memref<4x4x8x128xf32, #tpu.memory_space<vmem>>[vector<16xi32>, vector<16xi32>, vector<16xi32>, vector<16xi32>], vector<16xf32>,
        %gather3A_1228 = arith.constant 0 : i32
        %gather3A_1229 = arith.constant 0 : i32
        %gather3A_1230 = tpu.memref_slice %arg6[%scan3A_1073, %gather3A_1228, %gather3A_1229] : memref<2x512x32xf32, #tpu.memory_space<vmem>> -> memref<1x512x32xf32, #tpu.memory_space<vmem>>
        %gather3A_1231 = tpu.memref_squeeze %gather3A_1230 : memref<1x512x32xf32, #tpu.memory_space<vmem>> -> memref<512x32xf32, #tpu.memory_space<vmem>>
        %gather3A_1232 = tpu.vector_load_idx %gather3A_1231[%add3A_1141, %add3A_129] : memref<512x32xf32, #tpu.memory_space<vmem>>[vector<16xi32>, vector<16xi32>], vector<16xf32>,
        %scatter3A_1233 = arith.constant 0 : i32
        %scatter3A_1234 = arith.constant 0 : i32
        %scatter3A_1235 = arith.constant 0 : i32
        %scatter3A_1236 = arith.constant 0 : i32
        %scatter3A_1237 = tpu.memref_slice %arg7[%scan3A_1074, %scatter3A_1233, %scatter3A_1234, %scatter3A_1235, %scatter3A_1236] : memref<2x4x4x8x128xf32, #tpu.memory_space<vmem>> -> memref<1x4x4x8x128xf32, #tpu.memory_space<vmem>>
        %scatter3A_1238 = tpu.memref_squeeze %scatter3A_1237 : memref<1x4x4x8x128xf32, #tpu.memory_space<vmem>> -> memref<4x4x8x128xf32, #tpu.memory_space<vmem>>
        tpu.vector_store_idx %scatter3A_1238[%shift_right_logical3A_132, %add3A_1131, %and3A_135, %add3A_1137], %gather3A_1232 : memref<4x4x8x128xf32, #tpu.memory_space<vmem>>[vector<16xi32>, vector<16xi32>, vector<16xi32>, vector<16xi32>], vector<16xf32>,
        %gather3A_1239 = arith.constant 0 : i32
        %gather3A_1240 = arith.constant 0 : i32
        %gather3A_1241 = tpu.memref_slice %arg6[%scan3A_1073, %gather3A_1239, %gather3A_1240] : memref<2x512x32xf32, #tpu.memory_space<vmem>> -> memref<1x512x32xf32, #tpu.memory_space<vmem>>
        %gather3A_1242 = tpu.memref_squeeze %gather3A_1241 : memref<1x512x32xf32, #tpu.memory_space<vmem>> -> memref<512x32xf32, #tpu.memory_space<vmem>>
        %gather3A_1243 = tpu.vector_load_idx %gather3A_1242[%add3A_1141, %add3A_144] : memref<512x32xf32, #tpu.memory_space<vmem>>[vector<16xi32>, vector<16xi32>], vector<16xf32>,
        %scatter3A_1244 = arith.constant 0 : i32
        %scatter3A_1245 = arith.constant 0 : i32
        %scatter3A_1246 = arith.constant 0 : i32
        %scatter3A_1247 = arith.constant 0 : i32
        %scatter3A_1248 = tpu.memref_slice %arg7[%scan3A_1074, %scatter3A_1244, %scatter3A_1245, %scatter3A_1246, %scatter3A_1247] : memref<2x4x4x8x128xf32, #tpu.memory_space<vmem>> -> memref<1x4x4x8x128xf32, #tpu.memory_space<vmem>>
        %scatter3A_1249 = tpu.memref_squeeze %scatter3A_1248 : memref<1x4x4x8x128xf32, #tpu.memory_space<vmem>> -> memref<4x4x8x128xf32, #tpu.memory_space<vmem>>
        tpu.vector_store_idx %scatter3A_1249[%shift_right_logical3A_147, %add3A_1131, %and3A_150, %add3A_1137], %gather3A_1243 : memref<4x4x8x128xf32, #tpu.memory_space<vmem>>[vector<16xi32>, vector<16xi32>, vector<16xi32>, vector<16xi32>], vector<16xf32>,
        %gather3A_1250 = arith.constant 0 : i32
        %gather3A_1251 = arith.constant 0 : i32
        %gather3A_1252 = tpu.memref_slice %arg6[%scan3A_1073, %gather3A_1250, %gather3A_1251] : memref<2x512x32xf32, #tpu.memory_space<vmem>> -> memref<1x512x32xf32, #tpu.memory_space<vmem>>
        %gather3A_1253 = tpu.memref_squeeze %gather3A_1252 : memref<1x512x32xf32, #tpu.memory_space<vmem>> -> memref<512x32xf32, #tpu.memory_space<vmem>>
        %gather3A_1254 = tpu.vector_load_idx %gather3A_1253[%add3A_1141, %add3A_159] : memref<512x32xf32, #tpu.memory_space<vmem>>[vector<16xi32>, vector<16xi32>], vector<16xf32>,
        %scatter3A_1255 = arith.constant 0 : i32
        %scatter3A_1256 = arith.constant 0 : i32
        %scatter3A_1257 = arith.constant 0 : i32
        %scatter3A_1258 = arith.constant 0 : i32
        %scatter3A_1259 = tpu.memref_slice %arg7[%scan3A_1074, %scatter3A_1255, %scatter3A_1256, %scatter3A_1257, %scatter3A_1258] : memref<2x4x4x8x128xf32, #tpu.memory_space<vmem>> -> memref<1x4x4x8x128xf32, #tpu.memory_space<vmem>>
        %scatter3A_1260 = tpu.memref_squeeze %scatter3A_1259 : memref<1x4x4x8x128xf32, #tpu.memory_space<vmem>> -> memref<4x4x8x128xf32, #tpu.memory_space<vmem>>
        tpu.vector_store_idx %scatter3A_1260[%shift_right_logical3A_162, %add3A_1131, %and3A_165, %add3A_1137], %gather3A_1254 : memref<4x4x8x128xf32, #tpu.memory_space<vmem>>[vector<16xi32>, vector<16xi32>, vector<16xi32>, vector<16xi32>], vector<16xf32>,
        %gather3A_1261 = arith.constant 0 : i32
        %gather3A_1262 = arith.constant 0 : i32
        %gather3A_1263 = tpu.memref_slice %arg6[%scan3A_1073, %gather3A_1261, %gather3A_1262] : memref<2x512x32xf32, #tpu.memory_space<vmem>> -> memref<1x512x32xf32, #tpu.memory_space<vmem>>
        %gather3A_1264 = tpu.memref_squeeze %gather3A_1263 : memref<1x512x32xf32, #tpu.memory_space<vmem>> -> memref<512x32xf32, #tpu.memory_space<vmem>>
        %gather3A_1265 = tpu.vector_load_idx %gather3A_1264[%add3A_1141, %add3A_174] : memref<512x32xf32, #tpu.memory_space<vmem>>[vector<16xi32>, vector<16xi32>], vector<16xf32>,
        %scatter3A_1266 = arith.constant 0 : i32
        %scatter3A_1267 = arith.constant 0 : i32
        %scatter3A_1268 = arith.constant 0 : i32
        %scatter3A_1269 = arith.constant 0 : i32
        %scatter3A_1270 = tpu.memref_slice %arg7[%scan3A_1074, %scatter3A_1266, %scatter3A_1267, %scatter3A_1268, %scatter3A_1269] : memref<2x4x4x8x128xf32, #tpu.memory_space<vmem>> -> memref<1x4x4x8x128xf32, #tpu.memory_space<vmem>>
        %scatter3A_1271 = tpu.memref_squeeze %scatter3A_1270 : memref<1x4x4x8x128xf32, #tpu.memory_space<vmem>> -> memref<4x4x8x128xf32, #tpu.memory_space<vmem>>
        tpu.vector_store_idx %scatter3A_1271[%shift_right_logical3A_177, %add3A_1131, %and3A_180, %add3A_1137], %gather3A_1265 : memref<4x4x8x128xf32, #tpu.memory_space<vmem>>[vector<16xi32>, vector<16xi32>, vector<16xi32>, vector<16xi32>], vector<16xf32>,
        %gather3A_1272 = arith.constant 0 : i32
        %gather3A_1273 = arith.constant 0 : i32
        %gather3A_1274 = tpu.memref_slice %arg6[%scan3A_1073, %gather3A_1272, %gather3A_1273] : memref<2x512x32xf32, #tpu.memory_space<vmem>> -> memref<1x512x32xf32, #tpu.memory_space<vmem>>
        %gather3A_1275 = tpu.memref_squeeze %gather3A_1274 : memref<1x512x32xf32, #tpu.memory_space<vmem>> -> memref<512x32xf32, #tpu.memory_space<vmem>>
        %gather3A_1276 = tpu.vector_load_idx %gather3A_1275[%add3A_1141, %add3A_189] : memref<512x32xf32, #tpu.memory_space<vmem>>[vector<16xi32>, vector<16xi32>], vector<16xf32>,
        %scatter3A_1277 = arith.constant 0 : i32
        %scatter3A_1278 = arith.constant 0 : i32
        %scatter3A_1279 = arith.constant 0 : i32
        %scatter3A_1280 = arith.constant 0 : i32
        %scatter3A_1281 = tpu.memref_slice %arg7[%scan3A_1074, %scatter3A_1277, %scatter3A_1278, %scatter3A_1279, %scatter3A_1280] : memref<2x4x4x8x128xf32, #tpu.memory_space<vmem>> -> memref<1x4x4x8x128xf32, #tpu.memory_space<vmem>>
        %scatter3A_1282 = tpu.memref_squeeze %scatter3A_1281 : memref<1x4x4x8x128xf32, #tpu.memory_space<vmem>> -> memref<4x4x8x128xf32, #tpu.memory_space<vmem>>
        tpu.vector_store_idx %scatter3A_1282[%shift_right_logical3A_192, %add3A_1131, %and3A_195, %add3A_1137], %gather3A_1276 : memref<4x4x8x128xf32, #tpu.memory_space<vmem>>[vector<16xi32>, vector<16xi32>, vector<16xi32>, vector<16xi32>], vector<16xf32>,
        %gather3A_1283 = arith.constant 0 : i32
        %gather3A_1284 = arith.constant 0 : i32
        %gather3A_1285 = tpu.memref_slice %arg6[%scan3A_1073, %gather3A_1283, %gather3A_1284] : memref<2x512x32xf32, #tpu.memory_space<vmem>> -> memref<1x512x32xf32, #tpu.memory_space<vmem>>
        %gather3A_1286 = tpu.memref_squeeze %gather3A_1285 : memref<1x512x32xf32, #tpu.memory_space<vmem>> -> memref<512x32xf32, #tpu.memory_space<vmem>>
        %gather3A_1287 = tpu.vector_load_idx %gather3A_1286[%add3A_1141, %add3A_204] : memref<512x32xf32, #tpu.memory_space<vmem>>[vector<16xi32>, vector<16xi32>], vector<16xf32>,
        %scatter3A_1288 = arith.constant 0 : i32
        %scatter3A_1289 = arith.constant 0 : i32
        %scatter3A_1290 = arith.constant 0 : i32
        %scatter3A_1291 = arith.constant 0 : i32
        %scatter3A_1292 = tpu.memref_slice %arg7[%scan3A_1074, %scatter3A_1288, %scatter3A_1289, %scatter3A_1290, %scatter3A_1291] : memref<2x4x4x8x128xf32, #tpu.memory_space<vmem>> -> memref<1x4x4x8x128xf32, #tpu.memory_space<vmem>>
        %scatter3A_1293 = tpu.memref_squeeze %scatter3A_1292 : memref<1x4x4x8x128xf32, #tpu.memory_space<vmem>> -> memref<4x4x8x128xf32, #tpu.memory_space<vmem>>
        tpu.vector_store_idx %scatter3A_1293[%shift_right_logical3A_207, %add3A_1131, %and3A_210, %add3A_1137], %gather3A_1287 : memref<4x4x8x128xf32, #tpu.memory_space<vmem>>[vector<16xi32>, vector<16xi32>, vector<16xi32>, vector<16xi32>], vector<16xf32>,
        %gather3A_1294 = arith.constant 0 : i32
        %gather3A_1295 = arith.constant 0 : i32
        %gather3A_1296 = tpu.memref_slice %arg6[%scan3A_1073, %gather3A_1294, %gather3A_1295] : memref<2x512x32xf32, #tpu.memory_space<vmem>> -> memref<1x512x32xf32, #tpu.memory_space<vmem>>
        %gather3A_1297 = tpu.memref_squeeze %gather3A_1296 : memref<1x512x32xf32, #tpu.memory_space<vmem>> -> memref<512x32xf32, #tpu.memory_space<vmem>>
        %gather3A_1298 = tpu.vector_load_idx %gather3A_1297[%add3A_1141, %add3A_219] : memref<512x32xf32, #tpu.memory_space<vmem>>[vector<16xi32>, vector<16xi32>], vector<16xf32>,
        %scatter3A_1299 = arith.constant 0 : i32
        %scatter3A_1300 = arith.constant 0 : i32
        %scatter3A_1301 = arith.constant 0 : i32
        %scatter3A_1302 = arith.constant 0 : i32
        %scatter3A_1303 = tpu.memref_slice %arg7[%scan3A_1074, %scatter3A_1299, %scatter3A_1300, %scatter3A_1301, %scatter3A_1302] : memref<2x4x4x8x128xf32, #tpu.memory_space<vmem>> -> memref<1x4x4x8x128xf32, #tpu.memory_space<vmem>>
        %scatter3A_1304 = tpu.memref_squeeze %scatter3A_1303 : memref<1x4x4x8x128xf32, #tpu.memory_space<vmem>> -> memref<4x4x8x128xf32, #tpu.memory_space<vmem>>
        tpu.vector_store_idx %scatter3A_1304[%shift_right_logical3A_222, %add3A_1131, %and3A_225, %add3A_1137], %gather3A_1298 : memref<4x4x8x128xf32, #tpu.memory_space<vmem>>[vector<16xi32>, vector<16xi32>, vector<16xi32>, vector<16xi32>], vector<16xf32>,
        %gather3A_1305 = arith.constant 0 : i32
        %gather3A_1306 = arith.constant 0 : i32
        %gather3A_1307 = tpu.memref_slice %arg6[%scan3A_1073, %gather3A_1305, %gather3A_1306] : memref<2x512x32xf32, #tpu.memory_space<vmem>> -> memref<1x512x32xf32, #tpu.memory_space<vmem>>
        %gather3A_1308 = tpu.memref_squeeze %gather3A_1307 : memref<1x512x32xf32, #tpu.memory_space<vmem>> -> memref<512x32xf32, #tpu.memory_space<vmem>>
        %gather3A_1309 = tpu.vector_load_idx %gather3A_1308[%add3A_1141, %add3A_234] : memref<512x32xf32, #tpu.memory_space<vmem>>[vector<16xi32>, vector<16xi32>], vector<16xf32>,
        %scatter3A_1310 = arith.constant 0 : i32
        %scatter3A_1311 = arith.constant 0 : i32
        %scatter3A_1312 = arith.constant 0 : i32
        %scatter3A_1313 = arith.constant 0 : i32
        %scatter3A_1314 = tpu.memref_slice %arg7[%scan3A_1074, %scatter3A_1310, %scatter3A_1311, %scatter3A_1312, %scatter3A_1313] : memref<2x4x4x8x128xf32, #tpu.memory_space<vmem>> -> memref<1x4x4x8x128xf32, #tpu.memory_space<vmem>>
        %scatter3A_1315 = tpu.memref_squeeze %scatter3A_1314 : memref<1x4x4x8x128xf32, #tpu.memory_space<vmem>> -> memref<4x4x8x128xf32, #tpu.memory_space<vmem>>
        tpu.vector_store_idx %scatter3A_1315[%shift_right_logical3A_237, %add3A_1131, %and3A_240, %add3A_1137], %gather3A_1309 : memref<4x4x8x128xf32, #tpu.memory_space<vmem>>[vector<16xi32>, vector<16xi32>, vector<16xi32>, vector<16xi32>], vector<16xf32>,
        %gather3A_1316 = arith.constant 0 : i32
        %gather3A_1317 = arith.constant 0 : i32
        %gather3A_1318 = tpu.memref_slice %arg6[%scan3A_1073, %gather3A_1316, %gather3A_1317] : memref<2x512x32xf32, #tpu.memory_space<vmem>> -> memref<1x512x32xf32, #tpu.memory_space<vmem>>
        %gather3A_1319 = tpu.memref_squeeze %gather3A_1318 : memref<1x512x32xf32, #tpu.memory_space<vmem>> -> memref<512x32xf32, #tpu.memory_space<vmem>>
        %gather3A_1320 = tpu.vector_load_idx %gather3A_1319[%add3A_1141, %add3A_249] : memref<512x32xf32, #tpu.memory_space<vmem>>[vector<16xi32>, vector<16xi32>], vector<16xf32>,
        %scatter3A_1321 = arith.constant 0 : i32
        %scatter3A_1322 = arith.constant 0 : i32
        %scatter3A_1323 = arith.constant 0 : i32
        %scatter3A_1324 = arith.constant 0 : i32
        %scatter3A_1325 = tpu.memref_slice %arg7[%scan3A_1074, %scatter3A_1321, %scatter3A_1322, %scatter3A_1323, %scatter3A_1324] : memref<2x4x4x8x128xf32, #tpu.memory_space<vmem>> -> memref<1x4x4x8x128xf32, #tpu.memory_space<vmem>>
        %scatter3A_1326 = tpu.memref_squeeze %scatter3A_1325 : memref<1x4x4x8x128xf32, #tpu.memory_space<vmem>> -> memref<4x4x8x128xf32, #tpu.memory_space<vmem>>
        tpu.vector_store_idx %scatter3A_1326[%shift_right_logical3A_252, %add3A_1131, %and3A_255, %add3A_1137], %gather3A_1320 : memref<4x4x8x128xf32, #tpu.memory_space<vmem>>[vector<16xi32>, vector<16xi32>, vector<16xi32>, vector<16xi32>], vector<16xf32>,
        %gather3A_1327 = arith.constant 0 : i32
        %gather3A_1328 = arith.constant 0 : i32
        %gather3A_1329 = tpu.memref_slice %arg6[%scan3A_1073, %gather3A_1327, %gather3A_1328] : memref<2x512x32xf32, #tpu.memory_space<vmem>> -> memref<1x512x32xf32, #tpu.memory_space<vmem>>
        %gather3A_1330 = tpu.memref_squeeze %gather3A_1329 : memref<1x512x32xf32, #tpu.memory_space<vmem>> -> memref<512x32xf32, #tpu.memory_space<vmem>>
        %gather3A_1331 = tpu.vector_load_idx %gather3A_1330[%add3A_1141, %add3A_264] : memref<512x32xf32, #tpu.memory_space<vmem>>[vector<16xi32>, vector<16xi32>], vector<16xf32>,
        %scatter3A_1332 = arith.constant 0 : i32
        %scatter3A_1333 = arith.constant 0 : i32
        %scatter3A_1334 = arith.constant 0 : i32
        %scatter3A_1335 = arith.constant 0 : i32
        %scatter3A_1336 = tpu.memref_slice %arg7[%scan3A_1074, %scatter3A_1332, %scatter3A_1333, %scatter3A_1334, %scatter3A_1335] : memref<2x4x4x8x128xf32, #tpu.memory_space<vmem>> -> memref<1x4x4x8x128xf32, #tpu.memory_space<vmem>>
        %scatter3A_1337 = tpu.memref_squeeze %scatter3A_1336 : memref<1x4x4x8x128xf32, #tpu.memory_space<vmem>> -> memref<4x4x8x128xf32, #tpu.memory_space<vmem>>
        tpu.vector_store_idx %scatter3A_1337[%shift_right_logical3A_267, %add3A_1131, %and3A_270, %add3A_1137], %gather3A_1331 : memref<4x4x8x128xf32, #tpu.memory_space<vmem>>[vector<16xi32>, vector<16xi32>, vector<16xi32>, vector<16xi32>], vector<16xf32>,
        %gather3A_1338 = arith.constant 0 : i32
        %gather3A_1339 = arith.constant 0 : i32
        %gather3A_1340 = tpu.memref_slice %arg6[%scan3A_1073, %gather3A_1338, %gather3A_1339] : memref<2x512x32xf32, #tpu.memory_space<vmem>> -> memref<1x512x32xf32, #tpu.memory_space<vmem>>
        %gather3A_1341 = tpu.memref_squeeze %gather3A_1340 : memref<1x512x32xf32, #tpu.memory_space<vmem>> -> memref<512x32xf32, #tpu.memory_space<vmem>>
        %gather3A_1342 = tpu.vector_load_idx %gather3A_1341[%add3A_1141, %add3A_279] : memref<512x32xf32, #tpu.memory_space<vmem>>[vector<16xi32>, vector<16xi32>], vector<16xf32>,
        %scatter3A_1343 = arith.constant 0 : i32
        %scatter3A_1344 = arith.constant 0 : i32
        %scatter3A_1345 = arith.constant 0 : i32
        %scatter3A_1346 = arith.constant 0 : i32
        %scatter3A_1347 = tpu.memref_slice %arg7[%scan3A_1074, %scatter3A_1343, %scatter3A_1344, %scatter3A_1345, %scatter3A_1346] : memref<2x4x4x8x128xf32, #tpu.memory_space<vmem>> -> memref<1x4x4x8x128xf32, #tpu.memory_space<vmem>>
        %scatter3A_1348 = tpu.memref_squeeze %scatter3A_1347 : memref<1x4x4x8x128xf32, #tpu.memory_space<vmem>> -> memref<4x4x8x128xf32, #tpu.memory_space<vmem>>
        tpu.vector_store_idx %scatter3A_1348[%shift_right_logical3A_282, %add3A_1131, %and3A_285, %add3A_1137], %gather3A_1342 : memref<4x4x8x128xf32, #tpu.memory_space<vmem>>[vector<16xi32>, vector<16xi32>, vector<16xi32>, vector<16xi32>], vector<16xf32>,
        %gather3A_1349 = arith.constant 0 : i32
        %gather3A_1350 = arith.constant 0 : i32
        %gather3A_1351 = tpu.memref_slice %arg6[%scan3A_1073, %gather3A_1349, %gather3A_1350] : memref<2x512x32xf32, #tpu.memory_space<vmem>> -> memref<1x512x32xf32, #tpu.memory_space<vmem>>
        %gather3A_1352 = tpu.memref_squeeze %gather3A_1351 : memref<1x512x32xf32, #tpu.memory_space<vmem>> -> memref<512x32xf32, #tpu.memory_space<vmem>>
        %gather3A_1353 = tpu.vector_load_idx %gather3A_1352[%add3A_1141, %add3A_294] : memref<512x32xf32, #tpu.memory_space<vmem>>[vector<16xi32>, vector<16xi32>], vector<16xf32>,
        %scatter3A_1354 = arith.constant 0 : i32
        %scatter3A_1355 = arith.constant 0 : i32
        %scatter3A_1356 = arith.constant 0 : i32
        %scatter3A_1357 = arith.constant 0 : i32
        %scatter3A_1358 = tpu.memref_slice %arg7[%scan3A_1074, %scatter3A_1354, %scatter3A_1355, %scatter3A_1356, %scatter3A_1357] : memref<2x4x4x8x128xf32, #tpu.memory_space<vmem>> -> memref<1x4x4x8x128xf32, #tpu.memory_space<vmem>>
        %scatter3A_1359 = tpu.memref_squeeze %scatter3A_1358 : memref<1x4x4x8x128xf32, #tpu.memory_space<vmem>> -> memref<4x4x8x128xf32, #tpu.memory_space<vmem>>
        tpu.vector_store_idx %scatter3A_1359[%shift_right_logical3A_297, %add3A_1131, %and3A_300, %add3A_1137], %gather3A_1353 : memref<4x4x8x128xf32, #tpu.memory_space<vmem>>[vector<16xi32>, vector<16xi32>, vector<16xi32>, vector<16xi32>], vector<16xf32>,
        %gather3A_1360 = arith.constant 0 : i32
        %gather3A_1361 = arith.constant 0 : i32
        %gather3A_1362 = tpu.memref_slice %arg6[%scan3A_1073, %gather3A_1360, %gather3A_1361] : memref<2x512x32xf32, #tpu.memory_space<vmem>> -> memref<1x512x32xf32, #tpu.memory_space<vmem>>
        %gather3A_1363 = tpu.memref_squeeze %gather3A_1362 : memref<1x512x32xf32, #tpu.memory_space<vmem>> -> memref<512x32xf32, #tpu.memory_space<vmem>>
        %gather3A_1364 = tpu.vector_load_idx %gather3A_1363[%add3A_1141, %add3A_309] : memref<512x32xf32, #tpu.memory_space<vmem>>[vector<16xi32>, vector<16xi32>], vector<16xf32>,
        %scatter3A_1365 = arith.constant 0 : i32
        %scatter3A_1366 = arith.constant 0 : i32
        %scatter3A_1367 = arith.constant 0 : i32
        %scatter3A_1368 = arith.constant 0 : i32
        %scatter3A_1369 = tpu.memref_slice %arg7[%scan3A_1074, %scatter3A_1365, %scatter3A_1366, %scatter3A_1367, %scatter3A_1368] : memref<2x4x4x8x128xf32, #tpu.memory_space<vmem>> -> memref<1x4x4x8x128xf32, #tpu.memory_space<vmem>>
        %scatter3A_1370 = tpu.memref_squeeze %scatter3A_1369 : memref<1x4x4x8x128xf32, #tpu.memory_space<vmem>> -> memref<4x4x8x128xf32, #tpu.memory_space<vmem>>
        tpu.vector_store_idx %scatter3A_1370[%shift_right_logical3A_312, %add3A_1131, %and3A_315, %add3A_1137], %gather3A_1364 : memref<4x4x8x128xf32, #tpu.memory_space<vmem>>[vector<16xi32>, vector<16xi32>, vector<16xi32>, vector<16xi32>], vector<16xf32>,
        %gather3A_1371 = arith.constant 0 : i32
        %gather3A_1372 = arith.constant 0 : i32
        %gather3A_1373 = tpu.memref_slice %arg6[%scan3A_1073, %gather3A_1371, %gather3A_1372] : memref<2x512x32xf32, #tpu.memory_space<vmem>> -> memref<1x512x32xf32, #tpu.memory_space<vmem>>
        %gather3A_1374 = tpu.memref_squeeze %gather3A_1373 : memref<1x512x32xf32, #tpu.memory_space<vmem>> -> memref<512x32xf32, #tpu.memory_space<vmem>>
        %gather3A_1375 = tpu.vector_load_idx %gather3A_1374[%add3A_1141, %add3A_324] : memref<512x32xf32, #tpu.memory_space<vmem>>[vector<16xi32>, vector<16xi32>], vector<16xf32>,
        %scatter3A_1376 = arith.constant 0 : i32
        %scatter3A_1377 = arith.constant 0 : i32
        %scatter3A_1378 = arith.constant 0 : i32
        %scatter3A_1379 = arith.constant 0 : i32
        %scatter3A_1380 = tpu.memref_slice %arg7[%scan3A_1074, %scatter3A_1376, %scatter3A_1377, %scatter3A_1378, %scatter3A_1379] : memref<2x4x4x8x128xf32, #tpu.memory_space<vmem>> -> memref<1x4x4x8x128xf32, #tpu.memory_space<vmem>>
        %scatter3A_1381 = tpu.memref_squeeze %scatter3A_1380 : memref<1x4x4x8x128xf32, #tpu.memory_space<vmem>> -> memref<4x4x8x128xf32, #tpu.memory_space<vmem>>
        tpu.vector_store_idx %scatter3A_1381[%shift_right_logical3A_327, %add3A_1131, %and3A_330, %add3A_1137], %gather3A_1375 : memref<4x4x8x128xf32, #tpu.memory_space<vmem>>[vector<16xi32>, vector<16xi32>, vector<16xi32>, vector<16xi32>], vector<16xf32>,
        %gather3A_1382 = arith.constant 0 : i32
        %gather3A_1383 = arith.constant 0 : i32
        %gather3A_1384 = tpu.memref_slice %arg6[%scan3A_1073, %gather3A_1382, %gather3A_1383] : memref<2x512x32xf32, #tpu.memory_space<vmem>> -> memref<1x512x32xf32, #tpu.memory_space<vmem>>
        %gather3A_1385 = tpu.memref_squeeze %gather3A_1384 : memref<1x512x32xf32, #tpu.memory_space<vmem>> -> memref<512x32xf32, #tpu.memory_space<vmem>>
        %gather3A_1386 = tpu.vector_load_idx %gather3A_1385[%add3A_1141, %add3A_339] : memref<512x32xf32, #tpu.memory_space<vmem>>[vector<16xi32>, vector<16xi32>], vector<16xf32>,
        %scatter3A_1387 = arith.constant 0 : i32
        %scatter3A_1388 = arith.constant 0 : i32
        %scatter3A_1389 = arith.constant 0 : i32
        %scatter3A_1390 = arith.constant 0 : i32
        %scatter3A_1391 = tpu.memref_slice %arg7[%scan3A_1074, %scatter3A_1387, %scatter3A_1388, %scatter3A_1389, %scatter3A_1390] : memref<2x4x4x8x128xf32, #tpu.memory_space<vmem>> -> memref<1x4x4x8x128xf32, #tpu.memory_space<vmem>>
        %scatter3A_1392 = tpu.memref_squeeze %scatter3A_1391 : memref<1x4x4x8x128xf32, #tpu.memory_space<vmem>> -> memref<4x4x8x128xf32, #tpu.memory_space<vmem>>
        tpu.vector_store_idx %scatter3A_1392[%shift_right_logical3A_342, %add3A_1131, %and3A_345, %add3A_1137], %gather3A_1386 : memref<4x4x8x128xf32, #tpu.memory_space<vmem>>[vector<16xi32>, vector<16xi32>, vector<16xi32>, vector<16xi32>], vector<16xf32>,
        %gather3A_1393 = arith.constant 0 : i32
        %gather3A_1394 = arith.constant 0 : i32
        %gather3A_1395 = tpu.memref_slice %arg6[%scan3A_1073, %gather3A_1393, %gather3A_1394] : memref<2x512x32xf32, #tpu.memory_space<vmem>> -> memref<1x512x32xf32, #tpu.memory_space<vmem>>
        %gather3A_1396 = tpu.memref_squeeze %gather3A_1395 : memref<1x512x32xf32, #tpu.memory_space<vmem>> -> memref<512x32xf32, #tpu.memory_space<vmem>>
        %gather3A_1397 = tpu.vector_load_idx %gather3A_1396[%add3A_1141, %add3A_354] : memref<512x32xf32, #tpu.memory_space<vmem>>[vector<16xi32>, vector<16xi32>], vector<16xf32>,
        %scatter3A_1398 = arith.constant 0 : i32
        %scatter3A_1399 = arith.constant 0 : i32
        %scatter3A_1400 = arith.constant 0 : i32
        %scatter3A_1401 = arith.constant 0 : i32
        %scatter3A_1402 = tpu.memref_slice %arg7[%scan3A_1074, %scatter3A_1398, %scatter3A_1399, %scatter3A_1400, %scatter3A_1401] : memref<2x4x4x8x128xf32, #tpu.memory_space<vmem>> -> memref<1x4x4x8x128xf32, #tpu.memory_space<vmem>>
        %scatter3A_1403 = tpu.memref_squeeze %scatter3A_1402 : memref<1x4x4x8x128xf32, #tpu.memory_space<vmem>> -> memref<4x4x8x128xf32, #tpu.memory_space<vmem>>
        tpu.vector_store_idx %scatter3A_1403[%shift_right_logical3A_357, %add3A_1131, %and3A_360, %add3A_1137], %gather3A_1397 : memref<4x4x8x128xf32, #tpu.memory_space<vmem>>[vector<16xi32>, vector<16xi32>, vector<16xi32>, vector<16xi32>], vector<16xf32>,
        %gather3A_1404 = arith.constant 0 : i32
        %gather3A_1405 = arith.constant 0 : i32
        %gather3A_1406 = tpu.memref_slice %arg6[%scan3A_1073, %gather3A_1404, %gather3A_1405] : memref<2x512x32xf32, #tpu.memory_space<vmem>> -> memref<1x512x32xf32, #tpu.memory_space<vmem>>
        %gather3A_1407 = tpu.memref_squeeze %gather3A_1406 : memref<1x512x32xf32, #tpu.memory_space<vmem>> -> memref<512x32xf32, #tpu.memory_space<vmem>>
        %gather3A_1408 = tpu.vector_load_idx %gather3A_1407[%add3A_1141, %add3A_369] : memref<512x32xf32, #tpu.memory_space<vmem>>[vector<16xi32>, vector<16xi32>], vector<16xf32>,
        %scatter3A_1409 = arith.constant 0 : i32
        %scatter3A_1410 = arith.constant 0 : i32
        %scatter3A_1411 = arith.constant 0 : i32
        %scatter3A_1412 = arith.constant 0 : i32
        %scatter3A_1413 = tpu.memref_slice %arg7[%scan3A_1074, %scatter3A_1409, %scatter3A_1410, %scatter3A_1411, %scatter3A_1412] : memref<2x4x4x8x128xf32, #tpu.memory_space<vmem>> -> memref<1x4x4x8x128xf32, #tpu.memory_space<vmem>>
        %scatter3A_1414 = tpu.memref_squeeze %scatter3A_1413 : memref<1x4x4x8x128xf32, #tpu.memory_space<vmem>> -> memref<4x4x8x128xf32, #tpu.memory_space<vmem>>
        tpu.vector_store_idx %scatter3A_1414[%shift_right_logical3A_372, %add3A_1131, %and3A_375, %add3A_1137], %gather3A_1408 : memref<4x4x8x128xf32, #tpu.memory_space<vmem>>[vector<16xi32>, vector<16xi32>, vector<16xi32>, vector<16xi32>], vector<16xf32>,
        %gather3A_1415 = arith.constant 0 : i32
        %gather3A_1416 = arith.constant 0 : i32
        %gather3A_1417 = tpu.memref_slice %arg6[%scan3A_1073, %gather3A_1415, %gather3A_1416] : memref<2x512x32xf32, #tpu.memory_space<vmem>> -> memref<1x512x32xf32, #tpu.memory_space<vmem>>
        %gather3A_1418 = tpu.memref_squeeze %gather3A_1417 : memref<1x512x32xf32, #tpu.memory_space<vmem>> -> memref<512x32xf32, #tpu.memory_space<vmem>>
        %gather3A_1419 = tpu.vector_load_idx %gather3A_1418[%add3A_1141, %add3A_384] : memref<512x32xf32, #tpu.memory_space<vmem>>[vector<16xi32>, vector<16xi32>], vector<16xf32>,
        %scatter3A_1420 = arith.constant 0 : i32
        %scatter3A_1421 = arith.constant 0 : i32
        %scatter3A_1422 = arith.constant 0 : i32
        %scatter3A_1423 = arith.constant 0 : i32
        %scatter3A_1424 = tpu.memref_slice %arg7[%scan3A_1074, %scatter3A_1420, %scatter3A_1421, %scatter3A_1422, %scatter3A_1423] : memref<2x4x4x8x128xf32, #tpu.memory_space<vmem>> -> memref<1x4x4x8x128xf32, #tpu.memory_space<vmem>>
        %scatter3A_1425 = tpu.memref_squeeze %scatter3A_1424 : memref<1x4x4x8x128xf32, #tpu.memory_space<vmem>> -> memref<4x4x8x128xf32, #tpu.memory_space<vmem>>
        tpu.vector_store_idx %scatter3A_1425[%shift_right_logical3A_387, %add3A_1131, %and3A_390, %add3A_1137], %gather3A_1419 : memref<4x4x8x128xf32, #tpu.memory_space<vmem>>[vector<16xi32>, vector<16xi32>, vector<16xi32>, vector<16xi32>], vector<16xf32>,
        %gather3A_1426 = arith.constant 0 : i32
        %gather3A_1427 = arith.constant 0 : i32
        %gather3A_1428 = tpu.memref_slice %arg6[%scan3A_1073, %gather3A_1426, %gather3A_1427] : memref<2x512x32xf32, #tpu.memory_space<vmem>> -> memref<1x512x32xf32, #tpu.memory_space<vmem>>
        %gather3A_1429 = tpu.memref_squeeze %gather3A_1428 : memref<1x512x32xf32, #tpu.memory_space<vmem>> -> memref<512x32xf32, #tpu.memory_space<vmem>>
        %gather3A_1430 = tpu.vector_load_idx %gather3A_1429[%add3A_1141, %add3A_399] : memref<512x32xf32, #tpu.memory_space<vmem>>[vector<16xi32>, vector<16xi32>], vector<16xf32>,
        %scatter3A_1431 = arith.constant 0 : i32
        %scatter3A_1432 = arith.constant 0 : i32
        %scatter3A_1433 = arith.constant 0 : i32
        %scatter3A_1434 = arith.constant 0 : i32
        %scatter3A_1435 = tpu.memref_slice %arg7[%scan3A_1074, %scatter3A_1431, %scatter3A_1432, %scatter3A_1433, %scatter3A_1434] : memref<2x4x4x8x128xf32, #tpu.memory_space<vmem>> -> memref<1x4x4x8x128xf32, #tpu.memory_space<vmem>>
        %scatter3A_1436 = tpu.memref_squeeze %scatter3A_1435 : memref<1x4x4x8x128xf32, #tpu.memory_space<vmem>> -> memref<4x4x8x128xf32, #tpu.memory_space<vmem>>
        tpu.vector_store_idx %scatter3A_1436[%shift_right_logical3A_402, %add3A_1131, %and3A_405, %add3A_1137], %gather3A_1430 : memref<4x4x8x128xf32, #tpu.memory_space<vmem>>[vector<16xi32>, vector<16xi32>, vector<16xi32>, vector<16xi32>], vector<16xf32>,
        %gather3A_1437 = arith.constant 0 : i32
        %gather3A_1438 = arith.constant 0 : i32
        %gather3A_1439 = tpu.memref_slice %arg6[%scan3A_1073, %gather3A_1437, %gather3A_1438] : memref<2x512x32xf32, #tpu.memory_space<vmem>> -> memref<1x512x32xf32, #tpu.memory_space<vmem>>
        %gather3A_1440 = tpu.memref_squeeze %gather3A_1439 : memref<1x512x32xf32, #tpu.memory_space<vmem>> -> memref<512x32xf32, #tpu.memory_space<vmem>>
        %gather3A_1441 = tpu.vector_load_idx %gather3A_1440[%add3A_1141, %add3A_414] : memref<512x32xf32, #tpu.memory_space<vmem>>[vector<16xi32>, vector<16xi32>], vector<16xf32>,
        %scatter3A_1442 = arith.constant 0 : i32
        %scatter3A_1443 = arith.constant 0 : i32
        %scatter3A_1444 = arith.constant 0 : i32
        %scatter3A_1445 = arith.constant 0 : i32
        %scatter3A_1446 = tpu.memref_slice %arg7[%scan3A_1074, %scatter3A_1442, %scatter3A_1443, %scatter3A_1444, %scatter3A_1445] : memref<2x4x4x8x128xf32, #tpu.memory_space<vmem>> -> memref<1x4x4x8x128xf32, #tpu.memory_space<vmem>>
        %scatter3A_1447 = tpu.memref_squeeze %scatter3A_1446 : memref<1x4x4x8x128xf32, #tpu.memory_space<vmem>> -> memref<4x4x8x128xf32, #tpu.memory_space<vmem>>
        tpu.vector_store_idx %scatter3A_1447[%shift_right_logical3A_417, %add3A_1131, %and3A_420, %add3A_1137], %gather3A_1441 : memref<4x4x8x128xf32, #tpu.memory_space<vmem>>[vector<16xi32>, vector<16xi32>, vector<16xi32>, vector<16xi32>], vector<16xf32>,
        %gather3A_1448 = arith.constant 0 : i32
        %gather3A_1449 = arith.constant 0 : i32
        %gather3A_1450 = tpu.memref_slice %arg6[%scan3A_1073, %gather3A_1448, %gather3A_1449] : memref<2x512x32xf32, #tpu.memory_space<vmem>> -> memref<1x512x32xf32, #tpu.memory_space<vmem>>
        %gather3A_1451 = tpu.memref_squeeze %gather3A_1450 : memref<1x512x32xf32, #tpu.memory_space<vmem>> -> memref<512x32xf32, #tpu.memory_space<vmem>>
        %gather3A_1452 = tpu.vector_load_idx %gather3A_1451[%add3A_1141, %add3A_429] : memref<512x32xf32, #tpu.memory_space<vmem>>[vector<16xi32>, vector<16xi32>], vector<16xf32>,
        %scatter3A_1453 = arith.constant 0 : i32
        %scatter3A_1454 = arith.constant 0 : i32
        %scatter3A_1455 = arith.constant 0 : i32
        %scatter3A_1456 = arith.constant 0 : i32
        %scatter3A_1457 = tpu.memref_slice %arg7[%scan3A_1074, %scatter3A_1453, %scatter3A_1454, %scatter3A_1455, %scatter3A_1456] : memref<2x4x4x8x128xf32, #tpu.memory_space<vmem>> -> memref<1x4x4x8x128xf32, #tpu.memory_space<vmem>>
        %scatter3A_1458 = tpu.memref_squeeze %scatter3A_1457 : memref<1x4x4x8x128xf32, #tpu.memory_space<vmem>> -> memref<4x4x8x128xf32, #tpu.memory_space<vmem>>
        tpu.vector_store_idx %scatter3A_1458[%shift_right_logical3A_432, %add3A_1131, %and3A_435, %add3A_1137], %gather3A_1452 : memref<4x4x8x128xf32, #tpu.memory_space<vmem>>[vector<16xi32>, vector<16xi32>, vector<16xi32>, vector<16xi32>], vector<16xf32>,
        %gather3A_1459 = arith.constant 0 : i32
        %gather3A_1460 = arith.constant 0 : i32
        %gather3A_1461 = tpu.memref_slice %arg6[%scan3A_1073, %gather3A_1459, %gather3A_1460] : memref<2x512x32xf32, #tpu.memory_space<vmem>> -> memref<1x512x32xf32, #tpu.memory_space<vmem>>
        %gather3A_1462 = tpu.memref_squeeze %gather3A_1461 : memref<1x512x32xf32, #tpu.memory_space<vmem>> -> memref<512x32xf32, #tpu.memory_space<vmem>>
        %gather3A_1463 = tpu.vector_load_idx %gather3A_1462[%add3A_1141, %add3A_444] : memref<512x32xf32, #tpu.memory_space<vmem>>[vector<16xi32>, vector<16xi32>], vector<16xf32>,
        %scatter3A_1464 = arith.constant 0 : i32
        %scatter3A_1465 = arith.constant 0 : i32
        %scatter3A_1466 = arith.constant 0 : i32
        %scatter3A_1467 = arith.constant 0 : i32
        %scatter3A_1468 = tpu.memref_slice %arg7[%scan3A_1074, %scatter3A_1464, %scatter3A_1465, %scatter3A_1466, %scatter3A_1467] : memref<2x4x4x8x128xf32, #tpu.memory_space<vmem>> -> memref<1x4x4x8x128xf32, #tpu.memory_space<vmem>>
        %scatter3A_1469 = tpu.memref_squeeze %scatter3A_1468 : memref<1x4x4x8x128xf32, #tpu.memory_space<vmem>> -> memref<4x4x8x128xf32, #tpu.memory_space<vmem>>
        tpu.vector_store_idx %scatter3A_1469[%shift_right_logical3A_447, %add3A_1131, %and3A_450, %add3A_1137], %gather3A_1463 : memref<4x4x8x128xf32, #tpu.memory_space<vmem>>[vector<16xi32>, vector<16xi32>, vector<16xi32>, vector<16xi32>], vector<16xf32>,
        %gather3A_1470 = arith.constant 0 : i32
        %gather3A_1471 = arith.constant 0 : i32
        %gather3A_1472 = tpu.memref_slice %arg6[%scan3A_1073, %gather3A_1470, %gather3A_1471] : memref<2x512x32xf32, #tpu.memory_space<vmem>> -> memref<1x512x32xf32, #tpu.memory_space<vmem>>
        %gather3A_1473 = tpu.memref_squeeze %gather3A_1472 : memref<1x512x32xf32, #tpu.memory_space<vmem>> -> memref<512x32xf32, #tpu.memory_space<vmem>>
        %gather3A_1474 = tpu.vector_load_idx %gather3A_1473[%add3A_1141, %add3A_459] : memref<512x32xf32, #tpu.memory_space<vmem>>[vector<16xi32>, vector<16xi32>], vector<16xf32>,
        %scatter3A_1475 = arith.constant 0 : i32
        %scatter3A_1476 = arith.constant 0 : i32
        %scatter3A_1477 = arith.constant 0 : i32
        %scatter3A_1478 = arith.constant 0 : i32
        %scatter3A_1479 = tpu.memref_slice %arg7[%scan3A_1074, %scatter3A_1475, %scatter3A_1476, %scatter3A_1477, %scatter3A_1478] : memref<2x4x4x8x128xf32, #tpu.memory_space<vmem>> -> memref<1x4x4x8x128xf32, #tpu.memory_space<vmem>>
        %scatter3A_1480 = tpu.memref_squeeze %scatter3A_1479 : memref<1x4x4x8x128xf32, #tpu.memory_space<vmem>> -> memref<4x4x8x128xf32, #tpu.memory_space<vmem>>
        tpu.vector_store_idx %scatter3A_1480[%shift_right_logical3A_462, %add3A_1131, %and3A_465, %add3A_1137], %gather3A_1474 : memref<4x4x8x128xf32, #tpu.memory_space<vmem>>[vector<16xi32>, vector<16xi32>, vector<16xi32>, vector<16xi32>], vector<16xf32>,
        %gather3A_1481 = arith.constant 0 : i32
        %gather3A_1482 = arith.constant 0 : i32
        %gather3A_1483 = tpu.memref_slice %arg6[%scan3A_1073, %gather3A_1481, %gather3A_1482] : memref<2x512x32xf32, #tpu.memory_space<vmem>> -> memref<1x512x32xf32, #tpu.memory_space<vmem>>
        %gather3A_1484 = tpu.memref_squeeze %gather3A_1483 : memref<1x512x32xf32, #tpu.memory_space<vmem>> -> memref<512x32xf32, #tpu.memory_space<vmem>>
        %gather3A_1485 = tpu.vector_load_idx %gather3A_1484[%add3A_1141, %add3A_474] : memref<512x32xf32, #tpu.memory_space<vmem>>[vector<16xi32>, vector<16xi32>], vector<16xf32>,
        %scatter3A_1486 = arith.constant 0 : i32
        %scatter3A_1487 = arith.constant 0 : i32
        %scatter3A_1488 = arith.constant 0 : i32
        %scatter3A_1489 = arith.constant 0 : i32
        %scatter3A_1490 = tpu.memref_slice %arg7[%scan3A_1074, %scatter3A_1486, %scatter3A_1487, %scatter3A_1488, %scatter3A_1489] : memref<2x4x4x8x128xf32, #tpu.memory_space<vmem>> -> memref<1x4x4x8x128xf32, #tpu.memory_space<vmem>>
        %scatter3A_1491 = tpu.memref_squeeze %scatter3A_1490 : memref<1x4x4x8x128xf32, #tpu.memory_space<vmem>> -> memref<4x4x8x128xf32, #tpu.memory_space<vmem>>
        tpu.vector_store_idx %scatter3A_1491[%shift_right_logical3A_477, %add3A_1131, %and3A_480, %add3A_1137], %gather3A_1485 : memref<4x4x8x128xf32, #tpu.memory_space<vmem>>[vector<16xi32>, vector<16xi32>, vector<16xi32>, vector<16xi32>], vector<16xf32>,
      }
      %scan3A_1079 = arith.constant 32 : i32
      %sub3A_1080 = arith.constant 1 : i32
      %sub3A_1081 = arith.subi %add3A_973, %sub3A_1080 : i32
      %mul3A_1082 = arith.constant 512 : i32
      %mul3A_1083 = arith.muli %mul3A_2, %mul3A_1082 : i32
      %mul3A_1084 = arith.constant 512 : i32
      %mul3A_1085 = arith.muli %sub3A_1081, %mul3A_1084 : i32
      %add3A_1086 = arith.addi %mul3A_1083, %mul3A_1085 : i32
      %shift_right_logical3A_1087 = arith.constant 14 : i32
      %shift_right_logical3A_1088 = arith.shrui %add3A_1086, %shift_right_logical3A_1087 : i32
      %and3A_1089 = arith.constant 16383 : i32
      %and3A_1090 = arith.andi %add3A_1086, %and3A_1089 : i32
      %shift_right_logical3A_1091 = arith.constant 7 : i32
      %shift_right_logical3A_1092 = arith.shrui %and3A_1090, %shift_right_logical3A_1091 : i32
      %dma_start3A_1093 = arith.constant 0 : i32
      %dma_start3A_1094 = arith.constant 0 : i32
      %dma_start3A_1095 = arith.constant 0 : i32
      %dma_start3A_1096 = arith.constant 0 : i32
      %dma_start3A_1097 = arith.constant 0 : i32
      %dma_start3A_1098 = tpu.memref_slice %arg7[%dma_start3A_1093, %dma_start3A_1094, %dma_start3A_1095, %dma_start3A_1096, %dma_start3A_1097] : memref<2x4x4x8x128xf32, #tpu.memory_space<vmem>> -> memref<1x4x4x8x128xf32, #tpu.memory_space<vmem>>
      %dma_start3A_1099 = tpu.memref_squeeze %dma_start3A_1098 : memref<1x4x4x8x128xf32, #tpu.memory_space<vmem>> -> memref<4x4x8x128xf32, #tpu.memory_space<vmem>>
      %dma_start3A_1100 = arith.constant 0 : i32
      %dma_start3A_1101 = arith.constant 0 : i32
      %dma_start3A_1102 = arith.constant 0 : i32
      %dma_start3A_1103 = arith.constant 0 : i32
      %dma_start3A_1104 = tpu.memref_slice %arg4[%shift_right_logical3A_1088, %dma_start3A_1100, %dma_start3A_1101, %dma_start3A_1102, %dma_start3A_1103] : memref<50x4x128x8x128xf32, #tpu.memory_space<hbm>> -> memref<1x4x128x8x128xf32, #tpu.memory_space<hbm>>
      %dma_start3A_1105 = tpu.memref_squeeze %dma_start3A_1104 : memref<1x4x128x8x128xf32, #tpu.memory_space<hbm>> -> memref<4x128x8x128xf32, #tpu.memory_space<hbm>>
      %dma_start3A_1106 = arith.constant 0 : i32
      %dma_start3A_1107 = arith.constant 0 : i32
      %dma_start3A_1108 = arith.constant 0 : i32
      %dma_start3A_1109 = tpu.memref_slice %dma_start3A_1105[%dma_start3A_1106, %shift_right_logical3A_1092, %dma_start3A_1107, %dma_start3A_1108] : memref<4x128x8x128xf32, #tpu.memory_space<hbm>> -> memref<4x4x8x128xf32, #tpu.memory_space<hbm>>
      %dma_start3A_1110 = arith.constant 0 : i32
      %dma_start3A_1111 = arith.constant 0 : i32
      %dma_start3A_1112 = arith.constant 0 : i32
      %dma_start3A_1113 = arith.constant 0 : i32
      %dma_start3A_1114 = tpu.memref_slice %arg4[%shift_right_logical3A_1088, %dma_start3A_1110, %dma_start3A_1111, %dma_start3A_1112, %dma_start3A_1113] : memref<50x4x128x8x128xf32, #tpu.memory_space<hbm>> -> memref<1x4x128x8x128xf32, #tpu.memory_space<hbm>>
      %dma_start3A_1115 = tpu.memref_squeeze %dma_start3A_1114 : memref<1x4x128x8x128xf32, #tpu.memory_space<hbm>> -> memref<4x128x8x128xf32, #tpu.memory_space<hbm>>
      %dma_start3A_1116 = arith.constant 0 : i32
      %dma_start3A_1117 = arith.constant 0 : i32
      %dma_start3A_1118 = arith.constant 0 : i32
      %dma_start3A_1119 = tpu.memref_slice %dma_start3A_1115[%dma_start3A_1116, %shift_right_logical3A_1092, %dma_start3A_1117, %dma_start3A_1118] : memref<4x128x8x128xf32, #tpu.memory_space<hbm>> -> memref<4x4x8x128xf32, #tpu.memory_space<hbm>>
      %dma_start3A_1120 = arith.constant 0 : i32
      %dma_start3A_1121 = arith.constant 0 : i32
      %dma_start3A_1122 = arith.constant 0 : i32
      %dma_start3A_1123 = arith.constant 0 : i32
      %dma_start3A_1124 = tpu.memref_slice %arg7[%dma_start3A_1093, %dma_start3A_1120, %dma_start3A_1121, %dma_start3A_1122, %dma_start3A_1123] : memref<2x4x4x8x128xf32, #tpu.memory_space<vmem>> -> memref<1x4x4x8x128xf32, #tpu.memory_space<vmem>>
      %dma_start3A_1125 = tpu.memref_squeeze %dma_start3A_1124 : memref<1x4x4x8x128xf32, #tpu.memory_space<vmem>> -> memref<4x4x8x128xf32, #tpu.memory_space<vmem>>
      tpu.enqueue_dma source(%dma_start3A_1125 : memref<4x4x8x128xf32, #tpu.memory_space<vmem>>) target(%dma_start3A_1119 : memref<4x4x8x128xf32, #tpu.memory_space<hbm>>) target_semaphore(%arg12 : memref<!tpu.dma_semaphore, #tpu.memory_space<semaphore_mem>>)
    }
    %scan3A_669 = arith.constant 24 : i32
    %dma_wait3A_670 = arith.constant 1 : i32
    %dma_wait3A_671 = arith.constant 0 : i32
    %dma_wait3A_672 = arith.constant 1 : i32
    %dma_wait3A_673 = arith.constant 0 : i32
    %dma_wait3A_674 = arith.constant 0 : i32
    %dma_wait3A_675 = tpu.memref_slice %arg6[%dma_wait3A_672, %dma_wait3A_673, %dma_wait3A_674] : memref<2x512x32xf32, #tpu.memory_space<vmem>> -> memref<1x512x32xf32, #tpu.memory_space<vmem>>
    %dma_wait3A_676 = tpu.memref_squeeze %dma_wait3A_675 : memref<1x512x32xf32, #tpu.memory_space<vmem>> -> memref<512x32xf32, #tpu.memory_space<vmem>>
    %dma_wait3A_677 = arith.constant 0 : i32
    %dma_wait3A_678 = arith.constant 0 : i32
    %dma_wait3A_679 = tpu.memref_slice %dma_wait3A_676[%dma_wait3A_677, %dma_wait3A_678] : memref<512x32xf32, #tpu.memory_space<vmem>> -> memref<512x32xf32, #tpu.memory_space<vmem>>
    %dma_wait3A_680 = arith.constant 0 : i32
    %dma_wait3A_681 = arith.constant 0 : i32
    %dma_wait3A_682 = tpu.memref_slice %arg5[%dma_wait3A_670, %dma_wait3A_680, %dma_wait3A_681] : memref<2x1x512xi32, #tpu.memory_space<vmem>> -> memref<1x1x512xi32, #tpu.memory_space<vmem>>
    %dma_wait3A_683 = tpu.memref_squeeze %dma_wait3A_682 : memref<1x1x512xi32, #tpu.memory_space<vmem>> -> memref<1x512xi32, #tpu.memory_space<vmem>>
    %dma_wait3A_684 = arith.constant 0 : i32
    %dma_wait3A_685 = tpu.memref_slice %dma_wait3A_683[%dma_wait3A_671, %dma_wait3A_684] : memref<1x512xi32, #tpu.memory_space<vmem>> -> memref<1x512xi32, #tpu.memory_space<vmem>>
    %dma_wait3A_686 = tpu.memref_squeeze %dma_wait3A_685 : memref<1x512xi32, #tpu.memory_space<vmem>> -> memref<512xi32, #tpu.memory_space<vmem>>
    %dma_wait3A_687 = arith.constant 0 : i32
    %dma_wait3A_688 = arith.constant 0 : i32
    %dma_wait3A_689 = tpu.memref_slice %arg2[%dma_wait3A_687, %dma_wait3A_688] : memref<1000000x32xf32, #tpu.memory_space<hbm>> -> memref<1000000x32xf32, #tpu.memory_space<hbm>>
    tpu.wait_indirect_dma semaphore(%arg11 : memref<!tpu.dma_semaphore, #tpu.memory_space<semaphore_mem>>) src(%dma_wait3A_689 : memref<1000000x32xf32, #tpu.memory_space<hbm>>) dst(%dma_wait3A_679 : memref<512x32xf32, #tpu.memory_space<vmem>>)
    %dma_wait3A_690 = arith.constant 1 : i32
    %dma_wait3A_691 = arith.constant 0 : i32
    %dma_wait3A_692 = arith.constant 0 : i32
    %dma_wait3A_693 = arith.constant 0 : i32
    %dma_wait3A_694 = arith.constant 0 : i32
    %dma_wait3A_695 = arith.constant 0 : i32
    %dma_wait3A_696 = tpu.memref_slice %arg7[%dma_wait3A_690, %dma_wait3A_692, %dma_wait3A_693, %dma_wait3A_694, %dma_wait3A_695] : memref<2x4x4x8x128xf32, #tpu.memory_space<vmem>> -> memref<1x4x4x8x128xf32, #tpu.memory_space<vmem>>
    %dma_wait3A_697 = tpu.memref_squeeze %dma_wait3A_696 : memref<1x4x4x8x128xf32, #tpu.memory_space<vmem>> -> memref<4x4x8x128xf32, #tpu.memory_space<vmem>>
    %dma_wait3A_698 = arith.constant 0 : i32
    %dma_wait3A_699 = arith.constant 0 : i32
    %dma_wait3A_700 = arith.constant 0 : i32
    %dma_wait3A_701 = arith.constant 0 : i32
    %dma_wait3A_702 = tpu.memref_slice %arg4[%dma_wait3A_691, %dma_wait3A_698, %dma_wait3A_699, %dma_wait3A_700, %dma_wait3A_701] : memref<50x4x128x8x128xf32, #tpu.memory_space<hbm>> -> memref<1x4x128x8x128xf32, #tpu.memory_space<hbm>>
    %dma_wait3A_703 = tpu.memref_squeeze %dma_wait3A_702 : memref<1x4x128x8x128xf32, #tpu.memory_space<hbm>> -> memref<4x128x8x128xf32, #tpu.memory_space<hbm>>
    %dma_wait3A_704 = arith.constant 0 : i32
    %dma_wait3A_705 = arith.constant 0 : i32
    %dma_wait3A_706 = arith.constant 0 : i32
    %dma_wait3A_707 = arith.constant 0 : i32
    %dma_wait3A_708 = tpu.memref_slice %dma_wait3A_703[%dma_wait3A_704, %dma_wait3A_705, %dma_wait3A_706, %dma_wait3A_707] : memref<4x128x8x128xf32, #tpu.memory_space<hbm>> -> memref<4x4x8x128xf32, #tpu.memory_space<hbm>>
    %dma_wait3A_709 = arith.constant 0 : i32
    %dma_wait3A_710 = arith.constant 0 : i32
    %dma_wait3A_711 = arith.constant 0 : i32
    %dma_wait3A_712 = arith.constant 0 : i32
    %dma_wait3A_713 = tpu.memref_slice %arg4[%dma_wait3A_691, %dma_wait3A_709, %dma_wait3A_710, %dma_wait3A_711, %dma_wait3A_712] : memref<50x4x128x8x128xf32, #tpu.memory_space<hbm>> -> memref<1x4x128x8x128xf32, #tpu.memory_space<hbm>>
    %dma_wait3A_714 = tpu.memref_squeeze %dma_wait3A_713 : memref<1x4x128x8x128xf32, #tpu.memory_space<hbm>> -> memref<4x128x8x128xf32, #tpu.memory_space<hbm>>
    %dma_wait3A_715 = arith.constant 0 : i32
    %dma_wait3A_716 = arith.constant 0 : i32
    %dma_wait3A_717 = arith.constant 0 : i32
    %dma_wait3A_718 = arith.constant 0 : i32
    %dma_wait3A_719 = tpu.memref_slice %dma_wait3A_714[%dma_wait3A_715, %dma_wait3A_716, %dma_wait3A_717, %dma_wait3A_718] : memref<4x128x8x128xf32, #tpu.memory_space<hbm>> -> memref<4x4x8x128xf32, #tpu.memory_space<hbm>>
    %dma_wait3A_720 = arith.constant 0 : i32
    %dma_wait3A_721 = arith.constant 0 : i32
    %dma_wait3A_722 = arith.constant 0 : i32
    %dma_wait3A_723 = arith.constant 0 : i32
    %dma_wait3A_724 = tpu.memref_slice %arg7[%dma_wait3A_690, %dma_wait3A_720, %dma_wait3A_721, %dma_wait3A_722, %dma_wait3A_723] : memref<2x4x4x8x128xf32, #tpu.memory_space<vmem>> -> memref<1x4x4x8x128xf32, #tpu.memory_space<vmem>>
    %dma_wait3A_725 = tpu.memref_squeeze %dma_wait3A_724 : memref<1x4x4x8x128xf32, #tpu.memory_space<vmem>> -> memref<4x4x8x128xf32, #tpu.memory_space<vmem>>
    tpu.wait_dma2 semaphore(%arg13 : memref<!tpu.dma_semaphore, #tpu.memory_space<semaphore_mem>>) src(%dma_wait3A_725 : memref<4x4x8x128xf32, #tpu.memory_space<vmem>>) dst(%dma_wait3A_719 : memref<4x4x8x128xf32, #tpu.memory_space<hbm>>)
    %scan3A_726 = arith.constant 0 : i32
    %scan3A_727 = arith.constant 1 : i32
    %scan3A_728 = arith.constant 1 : i32
    %scan3A_729 = arith.constant 0 : i32
    %scan3A_730 = arith.constant 32 : i32
    %scan3A_731 = arith.addi %scan3A_729, %scan3A_730 : i32
    %scan3A_732 = arith.constant 1 : i32
    scf.for %scan3A_849 = %scan3A_729 to %scan3A_731 step %scan3A_732  : i32 {
      %shift_right_logical3A_850 = arith.constant 3 : i32
      %shift_right_logical3A_851 = arith.shrui %scan3A_849, %shift_right_logical3A_850 : i32
      %broadcast_in_dim3A = arith.constant 0 : i32
      %broadcast_in_dim3A_852 = vector.broadcast %broadcast_in_dim3A : i32 to vector<16xi32>
      %add3A_853 = vector.broadcast %shift_right_logical3A_851 : i32 to vector<16xi32>
      %add3A_854 = arith.addi %broadcast_in_dim3A_852, %add3A_853 : vector<16xi32>
      %and3A_855 = arith.constant 7 : i32
      %and3A_856 = arith.andi %scan3A_849, %and3A_855 : i32
      %mul3A_857 = arith.constant 16 : i32
      %mul3A_858 = arith.muli %mul3A_857, %and3A_856 : i32
      %add3A_859 = vector.broadcast %mul3A_858 : i32 to vector<16xi32>
      %add3A_860 = arith.addi %iota3A, %add3A_859 : vector<16xi32>
      %mul3A_861 = arith.constant 128 : i32
      %mul3A_862 = arith.muli %shift_right_logical3A_851, %mul3A_861 : i32
      %add3A_863 = vector.broadcast %mul3A_862 : i32 to vector<16xi32>
      %add3A_864 = arith.addi %add3A_860, %add3A_863 : vector<16xi32>
      %gather3A = arith.constant 0 : i32
      %gather3A_865 = arith.constant 0 : i32
      %gather3A_866 = tpu.memref_slice %arg6[%scan3A_727, %gather3A, %gather3A_865] : memref<2x512x32xf32, #tpu.memory_space<vmem>> -> memref<1x512x32xf32, #tpu.memory_space<vmem>>
      %gather3A_867 = tpu.memref_squeeze %gather3A_866 : memref<1x512x32xf32, #tpu.memory_space<vmem>> -> memref<512x32xf32, #tpu.memory_space<vmem>>
      %gather3A_868 = tpu.vector_load_idx %gather3A_867[%add3A_864, %add3A_10] : memref<512x32xf32, #tpu.memory_space<vmem>>[vector<16xi32>, vector<16xi32>], vector<16xf32>,
      %scatter3A = arith.constant 0 : i32
      %scatter3A_869 = arith.constant 0 : i32
      %scatter3A_870 = arith.constant 0 : i32
      %scatter3A_871 = arith.constant 0 : i32
      %scatter3A_872 = tpu.memref_slice %arg7[%scan3A_728, %scatter3A, %scatter3A_869, %scatter3A_870, %scatter3A_871] : memref<2x4x4x8x128xf32, #tpu.memory_space<vmem>> -> memref<1x4x4x8x128xf32, #tpu.memory_space<vmem>>
      %scatter3A_873 = tpu.memref_squeeze %scatter3A_872 : memref<1x4x4x8x128xf32, #tpu.memory_space<vmem>> -> memref<4x4x8x128xf32, #tpu.memory_space<vmem>>
      tpu.vector_store_idx %scatter3A_873[%shift_right_logical3A_12, %add3A_854, %and3A_15, %add3A_860], %gather3A_868 : memref<4x4x8x128xf32, #tpu.memory_space<vmem>>[vector<16xi32>, vector<16xi32>, vector<16xi32>, vector<16xi32>], vector<16xf32>,
      %gather3A_874 = arith.constant 0 : i32
      %gather3A_875 = arith.constant 0 : i32
      %gather3A_876 = tpu.memref_slice %arg6[%scan3A_727, %gather3A_874, %gather3A_875] : memref<2x512x32xf32, #tpu.memory_space<vmem>> -> memref<1x512x32xf32, #tpu.memory_space<vmem>>
      %gather3A_877 = tpu.memref_squeeze %gather3A_876 : memref<1x512x32xf32, #tpu.memory_space<vmem>> -> memref<512x32xf32, #tpu.memory_space<vmem>>
      %gather3A_878 = tpu.vector_load_idx %gather3A_877[%add3A_864, %add3A_24] : memref<512x32xf32, #tpu.memory_space<vmem>>[vector<16xi32>, vector<16xi32>], vector<16xf32>,
      %scatter3A_879 = arith.constant 0 : i32
      %scatter3A_880 = arith.constant 0 : i32
      %scatter3A_881 = arith.constant 0 : i32
      %scatter3A_882 = arith.constant 0 : i32
      %scatter3A_883 = tpu.memref_slice %arg7[%scan3A_728, %scatter3A_879, %scatter3A_880, %scatter3A_881, %scatter3A_882] : memref<2x4x4x8x128xf32, #tpu.memory_space<vmem>> -> memref<1x4x4x8x128xf32, #tpu.memory_space<vmem>>
      %scatter3A_884 = tpu.memref_squeeze %scatter3A_883 : memref<1x4x4x8x128xf32, #tpu.memory_space<vmem>> -> memref<4x4x8x128xf32, #tpu.memory_space<vmem>>
      tpu.vector_store_idx %scatter3A_884[%shift_right_logical3A_27, %add3A_854, %and3A_30, %add3A_860], %gather3A_878 : memref<4x4x8x128xf32, #tpu.memory_space<vmem>>[vector<16xi32>, vector<16xi32>, vector<16xi32>, vector<16xi32>], vector<16xf32>,
      %gather3A_885 = arith.constant 0 : i32
      %gather3A_886 = arith.constant 0 : i32
      %gather3A_887 = tpu.memref_slice %arg6[%scan3A_727, %gather3A_885, %gather3A_886] : memref<2x512x32xf32, #tpu.memory_space<vmem>> -> memref<1x512x32xf32, #tpu.memory_space<vmem>>
      %gather3A_888 = tpu.memref_squeeze %gather3A_887 : memref<1x512x32xf32, #tpu.memory_space<vmem>> -> memref<512x32xf32, #tpu.memory_space<vmem>>
      %gather3A_889 = tpu.vector_load_idx %gather3A_888[%add3A_864, %add3A_39] : memref<512x32xf32, #tpu.memory_space<vmem>>[vector<16xi32>, vector<16xi32>], vector<16xf32>,
      %scatter3A_890 = arith.constant 0 : i32
      %scatter3A_891 = arith.constant 0 : i32
      %scatter3A_892 = arith.constant 0 : i32
      %scatter3A_893 = arith.constant 0 : i32
      %scatter3A_894 = tpu.memref_slice %arg7[%scan3A_728, %scatter3A_890, %scatter3A_891, %scatter3A_892, %scatter3A_893] : memref<2x4x4x8x128xf32, #tpu.memory_space<vmem>> -> memref<1x4x4x8x128xf32, #tpu.memory_space<vmem>>
      %scatter3A_895 = tpu.memref_squeeze %scatter3A_894 : memref<1x4x4x8x128xf32, #tpu.memory_space<vmem>> -> memref<4x4x8x128xf32, #tpu.memory_space<vmem>>
      tpu.vector_store_idx %scatter3A_895[%shift_right_logical3A_42, %add3A_854, %and3A_45, %add3A_860], %gather3A_889 : memref<4x4x8x128xf32, #tpu.memory_space<vmem>>[vector<16xi32>, vector<16xi32>, vector<16xi32>, vector<16xi32>], vector<16xf32>,
      %gather3A_896 = arith.constant 0 : i32
      %gather3A_897 = arith.constant 0 : i32
      %gather3A_898 = tpu.memref_slice %arg6[%scan3A_727, %gather3A_896, %gather3A_897] : memref<2x512x32xf32, #tpu.memory_space<vmem>> -> memref<1x512x32xf32, #tpu.memory_space<vmem>>
      %gather3A_899 = tpu.memref_squeeze %gather3A_898 : memref<1x512x32xf32, #tpu.memory_space<vmem>> -> memref<512x32xf32, #tpu.memory_space<vmem>>
      %gather3A_900 = tpu.vector_load_idx %gather3A_899[%add3A_864, %add3A_54] : memref<512x32xf32, #tpu.memory_space<vmem>>[vector<16xi32>, vector<16xi32>], vector<16xf32>,
      %scatter3A_901 = arith.constant 0 : i32
      %scatter3A_902 = arith.constant 0 : i32
      %scatter3A_903 = arith.constant 0 : i32
      %scatter3A_904 = arith.constant 0 : i32
      %scatter3A_905 = tpu.memref_slice %arg7[%scan3A_728, %scatter3A_901, %scatter3A_902, %scatter3A_903, %scatter3A_904] : memref<2x4x4x8x128xf32, #tpu.memory_space<vmem>> -> memref<1x4x4x8x128xf32, #tpu.memory_space<vmem>>
      %scatter3A_906 = tpu.memref_squeeze %scatter3A_905 : memref<1x4x4x8x128xf32, #tpu.memory_space<vmem>> -> memref<4x4x8x128xf32, #tpu.memory_space<vmem>>
      tpu.vector_store_idx %scatter3A_906[%shift_right_logical3A_57, %add3A_854, %and3A_60, %add3A_860], %gather3A_900 : memref<4x4x8x128xf32, #tpu.memory_space<vmem>>[vector<16xi32>, vector<16xi32>, vector<16xi32>, vector<16xi32>], vector<16xf32>,
      %gather3A_907 = arith.constant 0 : i32
      %gather3A_908 = arith.constant 0 : i32
      %gather3A_909 = tpu.memref_slice %arg6[%scan3A_727, %gather3A_907, %gather3A_908] : memref<2x512x32xf32, #tpu.memory_space<vmem>> -> memref<1x512x32xf32, #tpu.memory_space<vmem>>
      %gather3A_910 = tpu.memref_squeeze %gather3A_909 : memref<1x512x32xf32, #tpu.memory_space<vmem>> -> memref<512x32xf32, #tpu.memory_space<vmem>>
      %gather3A_911 = tpu.vector_load_idx %gather3A_910[%add3A_864, %add3A_69] : memref<512x32xf32, #tpu.memory_space<vmem>>[vector<16xi32>, vector<16xi32>], vector<16xf32>,
      %scatter3A_912 = arith.constant 0 : i32
      %scatter3A_913 = arith.constant 0 : i32
      %scatter3A_914 = arith.constant 0 : i32
      %scatter3A_915 = arith.constant 0 : i32
      %scatter3A_916 = tpu.memref_slice %arg7[%scan3A_728, %scatter3A_912, %scatter3A_913, %scatter3A_914, %scatter3A_915] : memref<2x4x4x8x128xf32, #tpu.memory_space<vmem>> -> memref<1x4x4x8x128xf32, #tpu.memory_space<vmem>>
      %scatter3A_917 = tpu.memref_squeeze %scatter3A_916 : memref<1x4x4x8x128xf32, #tpu.memory_space<vmem>> -> memref<4x4x8x128xf32, #tpu.memory_space<vmem>>
      tpu.vector_store_idx %scatter3A_917[%shift_right_logical3A_72, %add3A_854, %and3A_75, %add3A_860], %gather3A_911 : memref<4x4x8x128xf32, #tpu.memory_space<vmem>>[vector<16xi32>, vector<16xi32>, vector<16xi32>, vector<16xi32>], vector<16xf32>,
      %gather3A_918 = arith.constant 0 : i32
      %gather3A_919 = arith.constant 0 : i32
      %gather3A_920 = tpu.memref_slice %arg6[%scan3A_727, %gather3A_918, %gather3A_919] : memref<2x512x32xf32, #tpu.memory_space<vmem>> -> memref<1x512x32xf32, #tpu.memory_space<vmem>>
      %gather3A_921 = tpu.memref_squeeze %gather3A_920 : memref<1x512x32xf32, #tpu.memory_space<vmem>> -> memref<512x32xf32, #tpu.memory_space<vmem>>
      %gather3A_922 = tpu.vector_load_idx %gather3A_921[%add3A_864, %add3A_84] : memref<512x32xf32, #tpu.memory_space<vmem>>[vector<16xi32>, vector<16xi32>], vector<16xf32>,
      %scatter3A_923 = arith.constant 0 : i32
      %scatter3A_924 = arith.constant 0 : i32
      %scatter3A_925 = arith.constant 0 : i32
      %scatter3A_926 = arith.constant 0 : i32
      %scatter3A_927 = tpu.memref_slice %arg7[%scan3A_728, %scatter3A_923, %scatter3A_924, %scatter3A_925, %scatter3A_926] : memref<2x4x4x8x128xf32, #tpu.memory_space<vmem>> -> memref<1x4x4x8x128xf32, #tpu.memory_space<vmem>>
      %scatter3A_928 = tpu.memref_squeeze %scatter3A_927 : memref<1x4x4x8x128xf32, #tpu.memory_space<vmem>> -> memref<4x4x8x128xf32, #tpu.memory_space<vmem>>
      tpu.vector_store_idx %scatter3A_928[%shift_right_logical3A_87, %add3A_854, %and3A_90, %add3A_860], %gather3A_922 : memref<4x4x8x128xf32, #tpu.memory_space<vmem>>[vector<16xi32>, vector<16xi32>, vector<16xi32>, vector<16xi32>], vector<16xf32>,
      %gather3A_929 = arith.constant 0 : i32
      %gather3A_930 = arith.constant 0 : i32
      %gather3A_931 = tpu.memref_slice %arg6[%scan3A_727, %gather3A_929, %gather3A_930] : memref<2x512x32xf32, #tpu.memory_space<vmem>> -> memref<1x512x32xf32, #tpu.memory_space<vmem>>
      %gather3A_932 = tpu.memref_squeeze %gather3A_931 : memref<1x512x32xf32, #tpu.memory_space<vmem>> -> memref<512x32xf32, #tpu.memory_space<vmem>>
      %gather3A_933 = tpu.vector_load_idx %gather3A_932[%add3A_864, %add3A_99] : memref<512x32xf32, #tpu.memory_space<vmem>>[vector<16xi32>, vector<16xi32>], vector<16xf32>,
      %scatter3A_934 = arith.constant 0 : i32
      %scatter3A_935 = arith.constant 0 : i32
      %scatter3A_936 = arith.constant 0 : i32
      %scatter3A_937 = arith.constant 0 : i32
      %scatter3A_938 = tpu.memref_slice %arg7[%scan3A_728, %scatter3A_934, %scatter3A_935, %scatter3A_936, %scatter3A_937] : memref<2x4x4x8x128xf32, #tpu.memory_space<vmem>> -> memref<1x4x4x8x128xf32, #tpu.memory_space<vmem>>
      %scatter3A_939 = tpu.memref_squeeze %scatter3A_938 : memref<1x4x4x8x128xf32, #tpu.memory_space<vmem>> -> memref<4x4x8x128xf32, #tpu.memory_space<vmem>>
      tpu.vector_store_idx %scatter3A_939[%shift_right_logical3A_102, %add3A_854, %and3A_105, %add3A_860], %gather3A_933 : memref<4x4x8x128xf32, #tpu.memory_space<vmem>>[vector<16xi32>, vector<16xi32>, vector<16xi32>, vector<16xi32>], vector<16xf32>,
      %gather3A_940 = arith.constant 0 : i32
      %gather3A_941 = arith.constant 0 : i32
      %gather3A_942 = tpu.memref_slice %arg6[%scan3A_727, %gather3A_940, %gather3A_941] : memref<2x512x32xf32, #tpu.memory_space<vmem>> -> memref<1x512x32xf32, #tpu.memory_space<vmem>>
      %gather3A_943 = tpu.memref_squeeze %gather3A_942 : memref<1x512x32xf32, #tpu.memory_space<vmem>> -> memref<512x32xf32, #tpu.memory_space<vmem>>
      %gather3A_944 = tpu.vector_load_idx %gather3A_943[%add3A_864, %add3A_114] : memref<512x32xf32, #tpu.memory_space<vmem>>[vector<16xi32>, vector<16xi32>], vector<16xf32>,
      %scatter3A_945 = arith.constant 0 : i32
      %scatter3A_946 = arith.constant 0 : i32
      %scatter3A_947 = arith.constant 0 : i32
      %scatter3A_948 = arith.constant 0 : i32
      %scatter3A_949 = tpu.memref_slice %arg7[%scan3A_728, %scatter3A_945, %scatter3A_946, %scatter3A_947, %scatter3A_948] : memref<2x4x4x8x128xf32, #tpu.memory_space<vmem>> -> memref<1x4x4x8x128xf32, #tpu.memory_space<vmem>>
      %scatter3A_950 = tpu.memref_squeeze %scatter3A_949 : memref<1x4x4x8x128xf32, #tpu.memory_space<vmem>> -> memref<4x4x8x128xf32, #tpu.memory_space<vmem>>
      tpu.vector_store_idx %scatter3A_950[%shift_right_logical3A_117, %add3A_854, %and3A_120, %add3A_860], %gather3A_944 : memref<4x4x8x128xf32, #tpu.memory_space<vmem>>[vector<16xi32>, vector<16xi32>, vector<16xi32>, vector<16xi32>], vector<16xf32>,
      %gather3A_951 = arith.constant 0 : i32
      %gather3A_952 = arith.constant 0 : i32
      %gather3A_953 = tpu.memref_slice %arg6[%scan3A_727, %gather3A_951, %gather3A_952] : memref<2x512x32xf32, #tpu.memory_space<vmem>> -> memref<1x512x32xf32, #tpu.memory_space<vmem>>
      %gather3A_954 = tpu.memref_squeeze %gather3A_953 : memref<1x512x32xf32, #tpu.memory_space<vmem>> -> memref<512x32xf32, #tpu.memory_space<vmem>>
      %gather3A_955 = tpu.vector_load_idx %gather3A_954[%add3A_864, %add3A_129] : memref<512x32xf32, #tpu.memory_space<vmem>>[vector<16xi32>, vector<16xi32>], vector<16xf32>,
      %scatter3A_956 = arith.constant 0 : i32
      %scatter3A_957 = arith.constant 0 : i32
      %scatter3A_958 = arith.constant 0 : i32
      %scatter3A_959 = arith.constant 0 : i32
      %scatter3A_960 = tpu.memref_slice %arg7[%scan3A_728, %scatter3A_956, %scatter3A_957, %scatter3A_958, %scatter3A_959] : memref<2x4x4x8x128xf32, #tpu.memory_space<vmem>> -> memref<1x4x4x8x128xf32, #tpu.memory_space<vmem>>
      %scatter3A_961 = tpu.memref_squeeze %scatter3A_960 : memref<1x4x4x8x128xf32, #tpu.memory_space<vmem>> -> memref<4x4x8x128xf32, #tpu.memory_space<vmem>>
      tpu.vector_store_idx %scatter3A_961[%shift_right_logical3A_132, %add3A_854, %and3A_135, %add3A_860], %gather3A_955 : memref<4x4x8x128xf32, #tpu.memory_space<vmem>>[vector<16xi32>, vector<16xi32>, vector<16xi32>, vector<16xi32>], vector<16xf32>,
      %gather3A_962 = arith.constant 0 : i32
      %gather3A_963 = arith.constant 0 : i32
      %gather3A_964 = tpu.memref_slice %arg6[%scan3A_727, %gather3A_962, %gather3A_963] : memref<2x512x32xf32, #tpu.memory_space<vmem>> -> memref<1x512x32xf32, #tpu.memory_space<vmem>>
      %gather3A_965 = tpu.memref_squeeze %gather3A_964 : memref<1x512x32xf32, #tpu.memory_space<vmem>> -> memref<512x32xf32, #tpu.memory_space<vmem>>
      %gather3A_966 = tpu.vector_load_idx %gather3A_965[%add3A_864, %add3A_144] : memref<512x32xf32, #tpu.memory_space<vmem>>[vector<16xi32>, vector<16xi32>], vector<16xf32>,
      %scatter3A_967 = arith.constant 0 : i32
      %scatter3A_968 = arith.constant 0 : i32
      %scatter3A_969 = arith.constant 0 : i32
      %scatter3A_970 = arith.constant 0 : i32
      %scatter3A_971 = tpu.memref_slice %arg7[%scan3A_728, %scatter3A_967, %scatter3A_968, %scatter3A_969, %scatter3A_970] : memref<2x4x4x8x128xf32, #tpu.memory_space<vmem>> -> memref<1x4x4x8x128xf32, #tpu.memory_space<vmem>>
      %scatter3A_972 = tpu.memref_squeeze %scatter3A_971 : memref<1x4x4x8x128xf32, #tpu.memory_space<vmem>> -> memref<4x4x8x128xf32, #tpu.memory_space<vmem>>
      tpu.vector_store_idx %scatter3A_972[%shift_right_logical3A_147, %add3A_854, %and3A_150, %add3A_860], %gather3A_966 : memref<4x4x8x128xf32, #tpu.memory_space<vmem>>[vector<16xi32>, vector<16xi32>, vector<16xi32>, vector<16xi32>], vector<16xf32>,
      %gather3A_973 = arith.constant 0 : i32
      %gather3A_974 = arith.constant 0 : i32
      %gather3A_975 = tpu.memref_slice %arg6[%scan3A_727, %gather3A_973, %gather3A_974] : memref<2x512x32xf32, #tpu.memory_space<vmem>> -> memref<1x512x32xf32, #tpu.memory_space<vmem>>
      %gather3A_976 = tpu.memref_squeeze %gather3A_975 : memref<1x512x32xf32, #tpu.memory_space<vmem>> -> memref<512x32xf32, #tpu.memory_space<vmem>>
      %gather3A_977 = tpu.vector_load_idx %gather3A_976[%add3A_864, %add3A_159] : memref<512x32xf32, #tpu.memory_space<vmem>>[vector<16xi32>, vector<16xi32>], vector<16xf32>,
      %scatter3A_978 = arith.constant 0 : i32
      %scatter3A_979 = arith.constant 0 : i32
      %scatter3A_980 = arith.constant 0 : i32
      %scatter3A_981 = arith.constant 0 : i32
      %scatter3A_982 = tpu.memref_slice %arg7[%scan3A_728, %scatter3A_978, %scatter3A_979, %scatter3A_980, %scatter3A_981] : memref<2x4x4x8x128xf32, #tpu.memory_space<vmem>> -> memref<1x4x4x8x128xf32, #tpu.memory_space<vmem>>
      %scatter3A_983 = tpu.memref_squeeze %scatter3A_982 : memref<1x4x4x8x128xf32, #tpu.memory_space<vmem>> -> memref<4x4x8x128xf32, #tpu.memory_space<vmem>>
      tpu.vector_store_idx %scatter3A_983[%shift_right_logical3A_162, %add3A_854, %and3A_165, %add3A_860], %gather3A_977 : memref<4x4x8x128xf32, #tpu.memory_space<vmem>>[vector<16xi32>, vector<16xi32>, vector<16xi32>, vector<16xi32>], vector<16xf32>,
      %gather3A_984 = arith.constant 0 : i32
      %gather3A_985 = arith.constant 0 : i32
      %gather3A_986 = tpu.memref_slice %arg6[%scan3A_727, %gather3A_984, %gather3A_985] : memref<2x512x32xf32, #tpu.memory_space<vmem>> -> memref<1x512x32xf32, #tpu.memory_space<vmem>>
      %gather3A_987 = tpu.memref_squeeze %gather3A_986 : memref<1x512x32xf32, #tpu.memory_space<vmem>> -> memref<512x32xf32, #tpu.memory_space<vmem>>
      %gather3A_988 = tpu.vector_load_idx %gather3A_987[%add3A_864, %add3A_174] : memref<512x32xf32, #tpu.memory_space<vmem>>[vector<16xi32>, vector<16xi32>], vector<16xf32>,
      %scatter3A_989 = arith.constant 0 : i32
      %scatter3A_990 = arith.constant 0 : i32
      %scatter3A_991 = arith.constant 0 : i32
      %scatter3A_992 = arith.constant 0 : i32
      %scatter3A_993 = tpu.memref_slice %arg7[%scan3A_728, %scatter3A_989, %scatter3A_990, %scatter3A_991, %scatter3A_992] : memref<2x4x4x8x128xf32, #tpu.memory_space<vmem>> -> memref<1x4x4x8x128xf32, #tpu.memory_space<vmem>>
      %scatter3A_994 = tpu.memref_squeeze %scatter3A_993 : memref<1x4x4x8x128xf32, #tpu.memory_space<vmem>> -> memref<4x4x8x128xf32, #tpu.memory_space<vmem>>
      tpu.vector_store_idx %scatter3A_994[%shift_right_logical3A_177, %add3A_854, %and3A_180, %add3A_860], %gather3A_988 : memref<4x4x8x128xf32, #tpu.memory_space<vmem>>[vector<16xi32>, vector<16xi32>, vector<16xi32>, vector<16xi32>], vector<16xf32>,
      %gather3A_995 = arith.constant 0 : i32
      %gather3A_996 = arith.constant 0 : i32
      %gather3A_997 = tpu.memref_slice %arg6[%scan3A_727, %gather3A_995, %gather3A_996] : memref<2x512x32xf32, #tpu.memory_space<vmem>> -> memref<1x512x32xf32, #tpu.memory_space<vmem>>
      %gather3A_998 = tpu.memref_squeeze %gather3A_997 : memref<1x512x32xf32, #tpu.memory_space<vmem>> -> memref<512x32xf32, #tpu.memory_space<vmem>>
      %gather3A_999 = tpu.vector_load_idx %gather3A_998[%add3A_864, %add3A_189] : memref<512x32xf32, #tpu.memory_space<vmem>>[vector<16xi32>, vector<16xi32>], vector<16xf32>,
      %scatter3A_1000 = arith.constant 0 : i32
      %scatter3A_1001 = arith.constant 0 : i32
      %scatter3A_1002 = arith.constant 0 : i32
      %scatter3A_1003 = arith.constant 0 : i32
      %scatter3A_1004 = tpu.memref_slice %arg7[%scan3A_728, %scatter3A_1000, %scatter3A_1001, %scatter3A_1002, %scatter3A_1003] : memref<2x4x4x8x128xf32, #tpu.memory_space<vmem>> -> memref<1x4x4x8x128xf32, #tpu.memory_space<vmem>>
      %scatter3A_1005 = tpu.memref_squeeze %scatter3A_1004 : memref<1x4x4x8x128xf32, #tpu.memory_space<vmem>> -> memref<4x4x8x128xf32, #tpu.memory_space<vmem>>
      tpu.vector_store_idx %scatter3A_1005[%shift_right_logical3A_192, %add3A_854, %and3A_195, %add3A_860], %gather3A_999 : memref<4x4x8x128xf32, #tpu.memory_space<vmem>>[vector<16xi32>, vector<16xi32>, vector<16xi32>, vector<16xi32>], vector<16xf32>,
      %gather3A_1006 = arith.constant 0 : i32
      %gather3A_1007 = arith.constant 0 : i32
      %gather3A_1008 = tpu.memref_slice %arg6[%scan3A_727, %gather3A_1006, %gather3A_1007] : memref<2x512x32xf32, #tpu.memory_space<vmem>> -> memref<1x512x32xf32, #tpu.memory_space<vmem>>
      %gather3A_1009 = tpu.memref_squeeze %gather3A_1008 : memref<1x512x32xf32, #tpu.memory_space<vmem>> -> memref<512x32xf32, #tpu.memory_space<vmem>>
      %gather3A_1010 = tpu.vector_load_idx %gather3A_1009[%add3A_864, %add3A_204] : memref<512x32xf32, #tpu.memory_space<vmem>>[vector<16xi32>, vector<16xi32>], vector<16xf32>,
      %scatter3A_1011 = arith.constant 0 : i32
      %scatter3A_1012 = arith.constant 0 : i32
      %scatter3A_1013 = arith.constant 0 : i32
      %scatter3A_1014 = arith.constant 0 : i32
      %scatter3A_1015 = tpu.memref_slice %arg7[%scan3A_728, %scatter3A_1011, %scatter3A_1012, %scatter3A_1013, %scatter3A_1014] : memref<2x4x4x8x128xf32, #tpu.memory_space<vmem>> -> memref<1x4x4x8x128xf32, #tpu.memory_space<vmem>>
      %scatter3A_1016 = tpu.memref_squeeze %scatter3A_1015 : memref<1x4x4x8x128xf32, #tpu.memory_space<vmem>> -> memref<4x4x8x128xf32, #tpu.memory_space<vmem>>
      tpu.vector_store_idx %scatter3A_1016[%shift_right_logical3A_207, %add3A_854, %and3A_210, %add3A_860], %gather3A_1010 : memref<4x4x8x128xf32, #tpu.memory_space<vmem>>[vector<16xi32>, vector<16xi32>, vector<16xi32>, vector<16xi32>], vector<16xf32>,
      %gather3A_1017 = arith.constant 0 : i32
      %gather3A_1018 = arith.constant 0 : i32
      %gather3A_1019 = tpu.memref_slice %arg6[%scan3A_727, %gather3A_1017, %gather3A_1018] : memref<2x512x32xf32, #tpu.memory_space<vmem>> -> memref<1x512x32xf32, #tpu.memory_space<vmem>>
      %gather3A_1020 = tpu.memref_squeeze %gather3A_1019 : memref<1x512x32xf32, #tpu.memory_space<vmem>> -> memref<512x32xf32, #tpu.memory_space<vmem>>
      %gather3A_1021 = tpu.vector_load_idx %gather3A_1020[%add3A_864, %add3A_219] : memref<512x32xf32, #tpu.memory_space<vmem>>[vector<16xi32>, vector<16xi32>], vector<16xf32>,
      %scatter3A_1022 = arith.constant 0 : i32
      %scatter3A_1023 = arith.constant 0 : i32
      %scatter3A_1024 = arith.constant 0 : i32
      %scatter3A_1025 = arith.constant 0 : i32
      %scatter3A_1026 = tpu.memref_slice %arg7[%scan3A_728, %scatter3A_1022, %scatter3A_1023, %scatter3A_1024, %scatter3A_1025] : memref<2x4x4x8x128xf32, #tpu.memory_space<vmem>> -> memref<1x4x4x8x128xf32, #tpu.memory_space<vmem>>
      %scatter3A_1027 = tpu.memref_squeeze %scatter3A_1026 : memref<1x4x4x8x128xf32, #tpu.memory_space<vmem>> -> memref<4x4x8x128xf32, #tpu.memory_space<vmem>>
      tpu.vector_store_idx %scatter3A_1027[%shift_right_logical3A_222, %add3A_854, %and3A_225, %add3A_860], %gather3A_1021 : memref<4x4x8x128xf32, #tpu.memory_space<vmem>>[vector<16xi32>, vector<16xi32>, vector<16xi32>, vector<16xi32>], vector<16xf32>,
      %gather3A_1028 = arith.constant 0 : i32
      %gather3A_1029 = arith.constant 0 : i32
      %gather3A_1030 = tpu.memref_slice %arg6[%scan3A_727, %gather3A_1028, %gather3A_1029] : memref<2x512x32xf32, #tpu.memory_space<vmem>> -> memref<1x512x32xf32, #tpu.memory_space<vmem>>
      %gather3A_1031 = tpu.memref_squeeze %gather3A_1030 : memref<1x512x32xf32, #tpu.memory_space<vmem>> -> memref<512x32xf32, #tpu.memory_space<vmem>>
      %gather3A_1032 = tpu.vector_load_idx %gather3A_1031[%add3A_864, %add3A_234] : memref<512x32xf32, #tpu.memory_space<vmem>>[vector<16xi32>, vector<16xi32>], vector<16xf32>,
      %scatter3A_1033 = arith.constant 0 : i32
      %scatter3A_1034 = arith.constant 0 : i32
      %scatter3A_1035 = arith.constant 0 : i32
      %scatter3A_1036 = arith.constant 0 : i32
      %scatter3A_1037 = tpu.memref_slice %arg7[%scan3A_728, %scatter3A_1033, %scatter3A_1034, %scatter3A_1035, %scatter3A_1036] : memref<2x4x4x8x128xf32, #tpu.memory_space<vmem>> -> memref<1x4x4x8x128xf32, #tpu.memory_space<vmem>>
      %scatter3A_1038 = tpu.memref_squeeze %scatter3A_1037 : memref<1x4x4x8x128xf32, #tpu.memory_space<vmem>> -> memref<4x4x8x128xf32, #tpu.memory_space<vmem>>
      tpu.vector_store_idx %scatter3A_1038[%shift_right_logical3A_237, %add3A_854, %and3A_240, %add3A_860], %gather3A_1032 : memref<4x4x8x128xf32, #tpu.memory_space<vmem>>[vector<16xi32>, vector<16xi32>, vector<16xi32>, vector<16xi32>], vector<16xf32>,
      %gather3A_1039 = arith.constant 0 : i32
      %gather3A_1040 = arith.constant 0 : i32
      %gather3A_1041 = tpu.memref_slice %arg6[%scan3A_727, %gather3A_1039, %gather3A_1040] : memref<2x512x32xf32, #tpu.memory_space<vmem>> -> memref<1x512x32xf32, #tpu.memory_space<vmem>>
      %gather3A_1042 = tpu.memref_squeeze %gather3A_1041 : memref<1x512x32xf32, #tpu.memory_space<vmem>> -> memref<512x32xf32, #tpu.memory_space<vmem>>
      %gather3A_1043 = tpu.vector_load_idx %gather3A_1042[%add3A_864, %add3A_249] : memref<512x32xf32, #tpu.memory_space<vmem>>[vector<16xi32>, vector<16xi32>], vector<16xf32>,
      %scatter3A_1044 = arith.constant 0 : i32
      %scatter3A_1045 = arith.constant 0 : i32
      %scatter3A_1046 = arith.constant 0 : i32
      %scatter3A_1047 = arith.constant 0 : i32
      %scatter3A_1048 = tpu.memref_slice %arg7[%scan3A_728, %scatter3A_1044, %scatter3A_1045, %scatter3A_1046, %scatter3A_1047] : memref<2x4x4x8x128xf32, #tpu.memory_space<vmem>> -> memref<1x4x4x8x128xf32, #tpu.memory_space<vmem>>
      %scatter3A_1049 = tpu.memref_squeeze %scatter3A_1048 : memref<1x4x4x8x128xf32, #tpu.memory_space<vmem>> -> memref<4x4x8x128xf32, #tpu.memory_space<vmem>>
      tpu.vector_store_idx %scatter3A_1049[%shift_right_logical3A_252, %add3A_854, %and3A_255, %add3A_860], %gather3A_1043 : memref<4x4x8x128xf32, #tpu.memory_space<vmem>>[vector<16xi32>, vector<16xi32>, vector<16xi32>, vector<16xi32>], vector<16xf32>,
      %gather3A_1050 = arith.constant 0 : i32
      %gather3A_1051 = arith.constant 0 : i32
      %gather3A_1052 = tpu.memref_slice %arg6[%scan3A_727, %gather3A_1050, %gather3A_1051] : memref<2x512x32xf32, #tpu.memory_space<vmem>> -> memref<1x512x32xf32, #tpu.memory_space<vmem>>
      %gather3A_1053 = tpu.memref_squeeze %gather3A_1052 : memref<1x512x32xf32, #tpu.memory_space<vmem>> -> memref<512x32xf32, #tpu.memory_space<vmem>>
      %gather3A_1054 = tpu.vector_load_idx %gather3A_1053[%add3A_864, %add3A_264] : memref<512x32xf32, #tpu.memory_space<vmem>>[vector<16xi32>, vector<16xi32>], vector<16xf32>,
      %scatter3A_1055 = arith.constant 0 : i32
      %scatter3A_1056 = arith.constant 0 : i32
      %scatter3A_1057 = arith.constant 0 : i32
      %scatter3A_1058 = arith.constant 0 : i32
      %scatter3A_1059 = tpu.memref_slice %arg7[%scan3A_728, %scatter3A_1055, %scatter3A_1056, %scatter3A_1057, %scatter3A_1058] : memref<2x4x4x8x128xf32, #tpu.memory_space<vmem>> -> memref<1x4x4x8x128xf32, #tpu.memory_space<vmem>>
      %scatter3A_1060 = tpu.memref_squeeze %scatter3A_1059 : memref<1x4x4x8x128xf32, #tpu.memory_space<vmem>> -> memref<4x4x8x128xf32, #tpu.memory_space<vmem>>
      tpu.vector_store_idx %scatter3A_1060[%shift_right_logical3A_267, %add3A_854, %and3A_270, %add3A_860], %gather3A_1054 : memref<4x4x8x128xf32, #tpu.memory_space<vmem>>[vector<16xi32>, vector<16xi32>, vector<16xi32>, vector<16xi32>], vector<16xf32>,
      %gather3A_1061 = arith.constant 0 : i32
      %gather3A_1062 = arith.constant 0 : i32
      %gather3A_1063 = tpu.memref_slice %arg6[%scan3A_727, %gather3A_1061, %gather3A_1062] : memref<2x512x32xf32, #tpu.memory_space<vmem>> -> memref<1x512x32xf32, #tpu.memory_space<vmem>>
      %gather3A_1064 = tpu.memref_squeeze %gather3A_1063 : memref<1x512x32xf32, #tpu.memory_space<vmem>> -> memref<512x32xf32, #tpu.memory_space<vmem>>
      %gather3A_1065 = tpu.vector_load_idx %gather3A_1064[%add3A_864, %add3A_279] : memref<512x32xf32, #tpu.memory_space<vmem>>[vector<16xi32>, vector<16xi32>], vector<16xf32>,
      %scatter3A_1066 = arith.constant 0 : i32
      %scatter3A_1067 = arith.constant 0 : i32
      %scatter3A_1068 = arith.constant 0 : i32
      %scatter3A_1069 = arith.constant 0 : i32
      %scatter3A_1070 = tpu.memref_slice %arg7[%scan3A_728, %scatter3A_1066, %scatter3A_1067, %scatter3A_1068, %scatter3A_1069] : memref<2x4x4x8x128xf32, #tpu.memory_space<vmem>> -> memref<1x4x4x8x128xf32, #tpu.memory_space<vmem>>
      %scatter3A_1071 = tpu.memref_squeeze %scatter3A_1070 : memref<1x4x4x8x128xf32, #tpu.memory_space<vmem>> -> memref<4x4x8x128xf32, #tpu.memory_space<vmem>>
      tpu.vector_store_idx %scatter3A_1071[%shift_right_logical3A_282, %add3A_854, %and3A_285, %add3A_860], %gather3A_1065 : memref<4x4x8x128xf32, #tpu.memory_space<vmem>>[vector<16xi32>, vector<16xi32>, vector<16xi32>, vector<16xi32>], vector<16xf32>,
      %gather3A_1072 = arith.constant 0 : i32
      %gather3A_1073 = arith.constant 0 : i32
      %gather3A_1074 = tpu.memref_slice %arg6[%scan3A_727, %gather3A_1072, %gather3A_1073] : memref<2x512x32xf32, #tpu.memory_space<vmem>> -> memref<1x512x32xf32, #tpu.memory_space<vmem>>
      %gather3A_1075 = tpu.memref_squeeze %gather3A_1074 : memref<1x512x32xf32, #tpu.memory_space<vmem>> -> memref<512x32xf32, #tpu.memory_space<vmem>>
      %gather3A_1076 = tpu.vector_load_idx %gather3A_1075[%add3A_864, %add3A_294] : memref<512x32xf32, #tpu.memory_space<vmem>>[vector<16xi32>, vector<16xi32>], vector<16xf32>,
      %scatter3A_1077 = arith.constant 0 : i32
      %scatter3A_1078 = arith.constant 0 : i32
      %scatter3A_1079 = arith.constant 0 : i32
      %scatter3A_1080 = arith.constant 0 : i32
      %scatter3A_1081 = tpu.memref_slice %arg7[%scan3A_728, %scatter3A_1077, %scatter3A_1078, %scatter3A_1079, %scatter3A_1080] : memref<2x4x4x8x128xf32, #tpu.memory_space<vmem>> -> memref<1x4x4x8x128xf32, #tpu.memory_space<vmem>>
      %scatter3A_1082 = tpu.memref_squeeze %scatter3A_1081 : memref<1x4x4x8x128xf32, #tpu.memory_space<vmem>> -> memref<4x4x8x128xf32, #tpu.memory_space<vmem>>
      tpu.vector_store_idx %scatter3A_1082[%shift_right_logical3A_297, %add3A_854, %and3A_300, %add3A_860], %gather3A_1076 : memref<4x4x8x128xf32, #tpu.memory_space<vmem>>[vector<16xi32>, vector<16xi32>, vector<16xi32>, vector<16xi32>], vector<16xf32>,
      %gather3A_1083 = arith.constant 0 : i32
      %gather3A_1084 = arith.constant 0 : i32
      %gather3A_1085 = tpu.memref_slice %arg6[%scan3A_727, %gather3A_1083, %gather3A_1084] : memref<2x512x32xf32, #tpu.memory_space<vmem>> -> memref<1x512x32xf32, #tpu.memory_space<vmem>>
      %gather3A_1086 = tpu.memref_squeeze %gather3A_1085 : memref<1x512x32xf32, #tpu.memory_space<vmem>> -> memref<512x32xf32, #tpu.memory_space<vmem>>
      %gather3A_1087 = tpu.vector_load_idx %gather3A_1086[%add3A_864, %add3A_309] : memref<512x32xf32, #tpu.memory_space<vmem>>[vector<16xi32>, vector<16xi32>], vector<16xf32>,
      %scatter3A_1088 = arith.constant 0 : i32
      %scatter3A_1089 = arith.constant 0 : i32
      %scatter3A_1090 = arith.constant 0 : i32
      %scatter3A_1091 = arith.constant 0 : i32
      %scatter3A_1092 = tpu.memref_slice %arg7[%scan3A_728, %scatter3A_1088, %scatter3A_1089, %scatter3A_1090, %scatter3A_1091] : memref<2x4x4x8x128xf32, #tpu.memory_space<vmem>> -> memref<1x4x4x8x128xf32, #tpu.memory_space<vmem>>
      %scatter3A_1093 = tpu.memref_squeeze %scatter3A_1092 : memref<1x4x4x8x128xf32, #tpu.memory_space<vmem>> -> memref<4x4x8x128xf32, #tpu.memory_space<vmem>>
      tpu.vector_store_idx %scatter3A_1093[%shift_right_logical3A_312, %add3A_854, %and3A_315, %add3A_860], %gather3A_1087 : memref<4x4x8x128xf32, #tpu.memory_space<vmem>>[vector<16xi32>, vector<16xi32>, vector<16xi32>, vector<16xi32>], vector<16xf32>,
      %gather3A_1094 = arith.constant 0 : i32
      %gather3A_1095 = arith.constant 0 : i32
      %gather3A_1096 = tpu.memref_slice %arg6[%scan3A_727, %gather3A_1094, %gather3A_1095] : memref<2x512x32xf32, #tpu.memory_space<vmem>> -> memref<1x512x32xf32, #tpu.memory_space<vmem>>
      %gather3A_1097 = tpu.memref_squeeze %gather3A_1096 : memref<1x512x32xf32, #tpu.memory_space<vmem>> -> memref<512x32xf32, #tpu.memory_space<vmem>>
      %gather3A_1098 = tpu.vector_load_idx %gather3A_1097[%add3A_864, %add3A_324] : memref<512x32xf32, #tpu.memory_space<vmem>>[vector<16xi32>, vector<16xi32>], vector<16xf32>,
      %scatter3A_1099 = arith.constant 0 : i32
      %scatter3A_1100 = arith.constant 0 : i32
      %scatter3A_1101 = arith.constant 0 : i32
      %scatter3A_1102 = arith.constant 0 : i32
      %scatter3A_1103 = tpu.memref_slice %arg7[%scan3A_728, %scatter3A_1099, %scatter3A_1100, %scatter3A_1101, %scatter3A_1102] : memref<2x4x4x8x128xf32, #tpu.memory_space<vmem>> -> memref<1x4x4x8x128xf32, #tpu.memory_space<vmem>>
      %scatter3A_1104 = tpu.memref_squeeze %scatter3A_1103 : memref<1x4x4x8x128xf32, #tpu.memory_space<vmem>> -> memref<4x4x8x128xf32, #tpu.memory_space<vmem>>
      tpu.vector_store_idx %scatter3A_1104[%shift_right_logical3A_327, %add3A_854, %and3A_330, %add3A_860], %gather3A_1098 : memref<4x4x8x128xf32, #tpu.memory_space<vmem>>[vector<16xi32>, vector<16xi32>, vector<16xi32>, vector<16xi32>], vector<16xf32>,
      %gather3A_1105 = arith.constant 0 : i32
      %gather3A_1106 = arith.constant 0 : i32
      %gather3A_1107 = tpu.memref_slice %arg6[%scan3A_727, %gather3A_1105, %gather3A_1106] : memref<2x512x32xf32, #tpu.memory_space<vmem>> -> memref<1x512x32xf32, #tpu.memory_space<vmem>>
      %gather3A_1108 = tpu.memref_squeeze %gather3A_1107 : memref<1x512x32xf32, #tpu.memory_space<vmem>> -> memref<512x32xf32, #tpu.memory_space<vmem>>
      %gather3A_1109 = tpu.vector_load_idx %gather3A_1108[%add3A_864, %add3A_339] : memref<512x32xf32, #tpu.memory_space<vmem>>[vector<16xi32>, vector<16xi32>], vector<16xf32>,
      %scatter3A_1110 = arith.constant 0 : i32
      %scatter3A_1111 = arith.constant 0 : i32
      %scatter3A_1112 = arith.constant 0 : i32
      %scatter3A_1113 = arith.constant 0 : i32
      %scatter3A_1114 = tpu.memref_slice %arg7[%scan3A_728, %scatter3A_1110, %scatter3A_1111, %scatter3A_1112, %scatter3A_1113] : memref<2x4x4x8x128xf32, #tpu.memory_space<vmem>> -> memref<1x4x4x8x128xf32, #tpu.memory_space<vmem>>
      %scatter3A_1115 = tpu.memref_squeeze %scatter3A_1114 : memref<1x4x4x8x128xf32, #tpu.memory_space<vmem>> -> memref<4x4x8x128xf32, #tpu.memory_space<vmem>>
      tpu.vector_store_idx %scatter3A_1115[%shift_right_logical3A_342, %add3A_854, %and3A_345, %add3A_860], %gather3A_1109 : memref<4x4x8x128xf32, #tpu.memory_space<vmem>>[vector<16xi32>, vector<16xi32>, vector<16xi32>, vector<16xi32>], vector<16xf32>,
      %gather3A_1116 = arith.constant 0 : i32
      %gather3A_1117 = arith.constant 0 : i32
      %gather3A_1118 = tpu.memref_slice %arg6[%scan3A_727, %gather3A_1116, %gather3A_1117] : memref<2x512x32xf32, #tpu.memory_space<vmem>> -> memref<1x512x32xf32, #tpu.memory_space<vmem>>
      %gather3A_1119 = tpu.memref_squeeze %gather3A_1118 : memref<1x512x32xf32, #tpu.memory_space<vmem>> -> memref<512x32xf32, #tpu.memory_space<vmem>>
      %gather3A_1120 = tpu.vector_load_idx %gather3A_1119[%add3A_864, %add3A_354] : memref<512x32xf32, #tpu.memory_space<vmem>>[vector<16xi32>, vector<16xi32>], vector<16xf32>,
      %scatter3A_1121 = arith.constant 0 : i32
      %scatter3A_1122 = arith.constant 0 : i32
      %scatter3A_1123 = arith.constant 0 : i32
      %scatter3A_1124 = arith.constant 0 : i32
      %scatter3A_1125 = tpu.memref_slice %arg7[%scan3A_728, %scatter3A_1121, %scatter3A_1122, %scatter3A_1123, %scatter3A_1124] : memref<2x4x4x8x128xf32, #tpu.memory_space<vmem>> -> memref<1x4x4x8x128xf32, #tpu.memory_space<vmem>>
      %scatter3A_1126 = tpu.memref_squeeze %scatter3A_1125 : memref<1x4x4x8x128xf32, #tpu.memory_space<vmem>> -> memref<4x4x8x128xf32, #tpu.memory_space<vmem>>
      tpu.vector_store_idx %scatter3A_1126[%shift_right_logical3A_357, %add3A_854, %and3A_360, %add3A_860], %gather3A_1120 : memref<4x4x8x128xf32, #tpu.memory_space<vmem>>[vector<16xi32>, vector<16xi32>, vector<16xi32>, vector<16xi32>], vector<16xf32>,
      %gather3A_1127 = arith.constant 0 : i32
      %gather3A_1128 = arith.constant 0 : i32
      %gather3A_1129 = tpu.memref_slice %arg6[%scan3A_727, %gather3A_1127, %gather3A_1128] : memref<2x512x32xf32, #tpu.memory_space<vmem>> -> memref<1x512x32xf32, #tpu.memory_space<vmem>>
      %gather3A_1130 = tpu.memref_squeeze %gather3A_1129 : memref<1x512x32xf32, #tpu.memory_space<vmem>> -> memref<512x32xf32, #tpu.memory_space<vmem>>
      %gather3A_1131 = tpu.vector_load_idx %gather3A_1130[%add3A_864, %add3A_369] : memref<512x32xf32, #tpu.memory_space<vmem>>[vector<16xi32>, vector<16xi32>], vector<16xf32>,
      %scatter3A_1132 = arith.constant 0 : i32
      %scatter3A_1133 = arith.constant 0 : i32
      %scatter3A_1134 = arith.constant 0 : i32
      %scatter3A_1135 = arith.constant 0 : i32
      %scatter3A_1136 = tpu.memref_slice %arg7[%scan3A_728, %scatter3A_1132, %scatter3A_1133, %scatter3A_1134, %scatter3A_1135] : memref<2x4x4x8x128xf32, #tpu.memory_space<vmem>> -> memref<1x4x4x8x128xf32, #tpu.memory_space<vmem>>
      %scatter3A_1137 = tpu.memref_squeeze %scatter3A_1136 : memref<1x4x4x8x128xf32, #tpu.memory_space<vmem>> -> memref<4x4x8x128xf32, #tpu.memory_space<vmem>>
      tpu.vector_store_idx %scatter3A_1137[%shift_right_logical3A_372, %add3A_854, %and3A_375, %add3A_860], %gather3A_1131 : memref<4x4x8x128xf32, #tpu.memory_space<vmem>>[vector<16xi32>, vector<16xi32>, vector<16xi32>, vector<16xi32>], vector<16xf32>,
      %gather3A_1138 = arith.constant 0 : i32
      %gather3A_1139 = arith.constant 0 : i32
      %gather3A_1140 = tpu.memref_slice %arg6[%scan3A_727, %gather3A_1138, %gather3A_1139] : memref<2x512x32xf32, #tpu.memory_space<vmem>> -> memref<1x512x32xf32, #tpu.memory_space<vmem>>
      %gather3A_1141 = tpu.memref_squeeze %gather3A_1140 : memref<1x512x32xf32, #tpu.memory_space<vmem>> -> memref<512x32xf32, #tpu.memory_space<vmem>>
      %gather3A_1142 = tpu.vector_load_idx %gather3A_1141[%add3A_864, %add3A_384] : memref<512x32xf32, #tpu.memory_space<vmem>>[vector<16xi32>, vector<16xi32>], vector<16xf32>,
      %scatter3A_1143 = arith.constant 0 : i32
      %scatter3A_1144 = arith.constant 0 : i32
      %scatter3A_1145 = arith.constant 0 : i32
      %scatter3A_1146 = arith.constant 0 : i32
      %scatter3A_1147 = tpu.memref_slice %arg7[%scan3A_728, %scatter3A_1143, %scatter3A_1144, %scatter3A_1145, %scatter3A_1146] : memref<2x4x4x8x128xf32, #tpu.memory_space<vmem>> -> memref<1x4x4x8x128xf32, #tpu.memory_space<vmem>>
      %scatter3A_1148 = tpu.memref_squeeze %scatter3A_1147 : memref<1x4x4x8x128xf32, #tpu.memory_space<vmem>> -> memref<4x4x8x128xf32, #tpu.memory_space<vmem>>
      tpu.vector_store_idx %scatter3A_1148[%shift_right_logical3A_387, %add3A_854, %and3A_390, %add3A_860], %gather3A_1142 : memref<4x4x8x128xf32, #tpu.memory_space<vmem>>[vector<16xi32>, vector<16xi32>, vector<16xi32>, vector<16xi32>], vector<16xf32>,
      %gather3A_1149 = arith.constant 0 : i32
      %gather3A_1150 = arith.constant 0 : i32
      %gather3A_1151 = tpu.memref_slice %arg6[%scan3A_727, %gather3A_1149, %gather3A_1150] : memref<2x512x32xf32, #tpu.memory_space<vmem>> -> memref<1x512x32xf32, #tpu.memory_space<vmem>>
      %gather3A_1152 = tpu.memref_squeeze %gather3A_1151 : memref<1x512x32xf32, #tpu.memory_space<vmem>> -> memref<512x32xf32, #tpu.memory_space<vmem>>
      %gather3A_1153 = tpu.vector_load_idx %gather3A_1152[%add3A_864, %add3A_399] : memref<512x32xf32, #tpu.memory_space<vmem>>[vector<16xi32>, vector<16xi32>], vector<16xf32>,
      %scatter3A_1154 = arith.constant 0 : i32
      %scatter3A_1155 = arith.constant 0 : i32
      %scatter3A_1156 = arith.constant 0 : i32
      %scatter3A_1157 = arith.constant 0 : i32
      %scatter3A_1158 = tpu.memref_slice %arg7[%scan3A_728, %scatter3A_1154, %scatter3A_1155, %scatter3A_1156, %scatter3A_1157] : memref<2x4x4x8x128xf32, #tpu.memory_space<vmem>> -> memref<1x4x4x8x128xf32, #tpu.memory_space<vmem>>
      %scatter3A_1159 = tpu.memref_squeeze %scatter3A_1158 : memref<1x4x4x8x128xf32, #tpu.memory_space<vmem>> -> memref<4x4x8x128xf32, #tpu.memory_space<vmem>>
      tpu.vector_store_idx %scatter3A_1159[%shift_right_logical3A_402, %add3A_854, %and3A_405, %add3A_860], %gather3A_1153 : memref<4x4x8x128xf32, #tpu.memory_space<vmem>>[vector<16xi32>, vector<16xi32>, vector<16xi32>, vector<16xi32>], vector<16xf32>,
      %gather3A_1160 = arith.constant 0 : i32
      %gather3A_1161 = arith.constant 0 : i32
      %gather3A_1162 = tpu.memref_slice %arg6[%scan3A_727, %gather3A_1160, %gather3A_1161] : memref<2x512x32xf32, #tpu.memory_space<vmem>> -> memref<1x512x32xf32, #tpu.memory_space<vmem>>
      %gather3A_1163 = tpu.memref_squeeze %gather3A_1162 : memref<1x512x32xf32, #tpu.memory_space<vmem>> -> memref<512x32xf32, #tpu.memory_space<vmem>>
      %gather3A_1164 = tpu.vector_load_idx %gather3A_1163[%add3A_864, %add3A_414] : memref<512x32xf32, #tpu.memory_space<vmem>>[vector<16xi32>, vector<16xi32>], vector<16xf32>,
      %scatter3A_1165 = arith.constant 0 : i32
      %scatter3A_1166 = arith.constant 0 : i32
      %scatter3A_1167 = arith.constant 0 : i32
      %scatter3A_1168 = arith.constant 0 : i32
      %scatter3A_1169 = tpu.memref_slice %arg7[%scan3A_728, %scatter3A_1165, %scatter3A_1166, %scatter3A_1167, %scatter3A_1168] : memref<2x4x4x8x128xf32, #tpu.memory_space<vmem>> -> memref<1x4x4x8x128xf32, #tpu.memory_space<vmem>>
      %scatter3A_1170 = tpu.memref_squeeze %scatter3A_1169 : memref<1x4x4x8x128xf32, #tpu.memory_space<vmem>> -> memref<4x4x8x128xf32, #tpu.memory_space<vmem>>
      tpu.vector_store_idx %scatter3A_1170[%shift_right_logical3A_417, %add3A_854, %and3A_420, %add3A_860], %gather3A_1164 : memref<4x4x8x128xf32, #tpu.memory_space<vmem>>[vector<16xi32>, vector<16xi32>, vector<16xi32>, vector<16xi32>], vector<16xf32>,
      %gather3A_1171 = arith.constant 0 : i32
      %gather3A_1172 = arith.constant 0 : i32
      %gather3A_1173 = tpu.memref_slice %arg6[%scan3A_727, %gather3A_1171, %gather3A_1172] : memref<2x512x32xf32, #tpu.memory_space<vmem>> -> memref<1x512x32xf32, #tpu.memory_space<vmem>>
      %gather3A_1174 = tpu.memref_squeeze %gather3A_1173 : memref<1x512x32xf32, #tpu.memory_space<vmem>> -> memref<512x32xf32, #tpu.memory_space<vmem>>
      %gather3A_1175 = tpu.vector_load_idx %gather3A_1174[%add3A_864, %add3A_429] : memref<512x32xf32, #tpu.memory_space<vmem>>[vector<16xi32>, vector<16xi32>], vector<16xf32>,
      %scatter3A_1176 = arith.constant 0 : i32
      %scatter3A_1177 = arith.constant 0 : i32
      %scatter3A_1178 = arith.constant 0 : i32
      %scatter3A_1179 = arith.constant 0 : i32
      %scatter3A_1180 = tpu.memref_slice %arg7[%scan3A_728, %scatter3A_1176, %scatter3A_1177, %scatter3A_1178, %scatter3A_1179] : memref<2x4x4x8x128xf32, #tpu.memory_space<vmem>> -> memref<1x4x4x8x128xf32, #tpu.memory_space<vmem>>
      %scatter3A_1181 = tpu.memref_squeeze %scatter3A_1180 : memref<1x4x4x8x128xf32, #tpu.memory_space<vmem>> -> memref<4x4x8x128xf32, #tpu.memory_space<vmem>>
      tpu.vector_store_idx %scatter3A_1181[%shift_right_logical3A_432, %add3A_854, %and3A_435, %add3A_860], %gather3A_1175 : memref<4x4x8x128xf32, #tpu.memory_space<vmem>>[vector<16xi32>, vector<16xi32>, vector<16xi32>, vector<16xi32>], vector<16xf32>,
      %gather3A_1182 = arith.constant 0 : i32
      %gather3A_1183 = arith.constant 0 : i32
      %gather3A_1184 = tpu.memref_slice %arg6[%scan3A_727, %gather3A_1182, %gather3A_1183] : memref<2x512x32xf32, #tpu.memory_space<vmem>> -> memref<1x512x32xf32, #tpu.memory_space<vmem>>
      %gather3A_1185 = tpu.memref_squeeze %gather3A_1184 : memref<1x512x32xf32, #tpu.memory_space<vmem>> -> memref<512x32xf32, #tpu.memory_space<vmem>>
      %gather3A_1186 = tpu.vector_load_idx %gather3A_1185[%add3A_864, %add3A_444] : memref<512x32xf32, #tpu.memory_space<vmem>>[vector<16xi32>, vector<16xi32>], vector<16xf32>,
      %scatter3A_1187 = arith.constant 0 : i32
      %scatter3A_1188 = arith.constant 0 : i32
      %scatter3A_1189 = arith.constant 0 : i32
      %scatter3A_1190 = arith.constant 0 : i32
      %scatter3A_1191 = tpu.memref_slice %arg7[%scan3A_728, %scatter3A_1187, %scatter3A_1188, %scatter3A_1189, %scatter3A_1190] : memref<2x4x4x8x128xf32, #tpu.memory_space<vmem>> -> memref<1x4x4x8x128xf32, #tpu.memory_space<vmem>>
      %scatter3A_1192 = tpu.memref_squeeze %scatter3A_1191 : memref<1x4x4x8x128xf32, #tpu.memory_space<vmem>> -> memref<4x4x8x128xf32, #tpu.memory_space<vmem>>
      tpu.vector_store_idx %scatter3A_1192[%shift_right_logical3A_447, %add3A_854, %and3A_450, %add3A_860], %gather3A_1186 : memref<4x4x8x128xf32, #tpu.memory_space<vmem>>[vector<16xi32>, vector<16xi32>, vector<16xi32>, vector<16xi32>], vector<16xf32>,
      %gather3A_1193 = arith.constant 0 : i32
      %gather3A_1194 = arith.constant 0 : i32
      %gather3A_1195 = tpu.memref_slice %arg6[%scan3A_727, %gather3A_1193, %gather3A_1194] : memref<2x512x32xf32, #tpu.memory_space<vmem>> -> memref<1x512x32xf32, #tpu.memory_space<vmem>>
      %gather3A_1196 = tpu.memref_squeeze %gather3A_1195 : memref<1x512x32xf32, #tpu.memory_space<vmem>> -> memref<512x32xf32, #tpu.memory_space<vmem>>
      %gather3A_1197 = tpu.vector_load_idx %gather3A_1196[%add3A_864, %add3A_459] : memref<512x32xf32, #tpu.memory_space<vmem>>[vector<16xi32>, vector<16xi32>], vector<16xf32>,
      %scatter3A_1198 = arith.constant 0 : i32
      %scatter3A_1199 = arith.constant 0 : i32
      %scatter3A_1200 = arith.constant 0 : i32
      %scatter3A_1201 = arith.constant 0 : i32
      %scatter3A_1202 = tpu.memref_slice %arg7[%scan3A_728, %scatter3A_1198, %scatter3A_1199, %scatter3A_1200, %scatter3A_1201] : memref<2x4x4x8x128xf32, #tpu.memory_space<vmem>> -> memref<1x4x4x8x128xf32, #tpu.memory_space<vmem>>
      %scatter3A_1203 = tpu.memref_squeeze %scatter3A_1202 : memref<1x4x4x8x128xf32, #tpu.memory_space<vmem>> -> memref<4x4x8x128xf32, #tpu.memory_space<vmem>>
      tpu.vector_store_idx %scatter3A_1203[%shift_right_logical3A_462, %add3A_854, %and3A_465, %add3A_860], %gather3A_1197 : memref<4x4x8x128xf32, #tpu.memory_space<vmem>>[vector<16xi32>, vector<16xi32>, vector<16xi32>, vector<16xi32>], vector<16xf32>,
      %gather3A_1204 = arith.constant 0 : i32
      %gather3A_1205 = arith.constant 0 : i32
      %gather3A_1206 = tpu.memref_slice %arg6[%scan3A_727, %gather3A_1204, %gather3A_1205] : memref<2x512x32xf32, #tpu.memory_space<vmem>> -> memref<1x512x32xf32, #tpu.memory_space<vmem>>
      %gather3A_1207 = tpu.memref_squeeze %gather3A_1206 : memref<1x512x32xf32, #tpu.memory_space<vmem>> -> memref<512x32xf32, #tpu.memory_space<vmem>>
      %gather3A_1208 = tpu.vector_load_idx %gather3A_1207[%add3A_864, %add3A_474] : memref<512x32xf32, #tpu.memory_space<vmem>>[vector<16xi32>, vector<16xi32>], vector<16xf32>,
      %scatter3A_1209 = arith.constant 0 : i32
      %scatter3A_1210 = arith.constant 0 : i32
      %scatter3A_1211 = arith.constant 0 : i32
      %scatter3A_1212 = arith.constant 0 : i32
      %scatter3A_1213 = tpu.memref_slice %arg7[%scan3A_728, %scatter3A_1209, %scatter3A_1210, %scatter3A_1211, %scatter3A_1212] : memref<2x4x4x8x128xf32, #tpu.memory_space<vmem>> -> memref<1x4x4x8x128xf32, #tpu.memory_space<vmem>>
      %scatter3A_1214 = tpu.memref_squeeze %scatter3A_1213 : memref<1x4x4x8x128xf32, #tpu.memory_space<vmem>> -> memref<4x4x8x128xf32, #tpu.memory_space<vmem>>
      tpu.vector_store_idx %scatter3A_1214[%shift_right_logical3A_477, %add3A_854, %and3A_480, %add3A_860], %gather3A_1208 : memref<4x4x8x128xf32, #tpu.memory_space<vmem>>[vector<16xi32>, vector<16xi32>, vector<16xi32>, vector<16xi32>], vector<16xf32>,
    }
    %scan3A_733 = arith.constant 32 : i32
    %mul3A_734 = arith.constant 512 : i32
    %mul3A_735 = arith.muli %mul3A_2, %mul3A_734 : i32
    %add3A_736 = arith.constant 25088 : i32
    %add3A_737 = arith.addi %mul3A_735, %add3A_736 : i32
    %shift_right_logical3A_738 = arith.constant 14 : i32
    %shift_right_logical3A_739 = arith.shrui %add3A_737, %shift_right_logical3A_738 : i32
    %and3A_740 = arith.constant 16383 : i32
    %and3A_741 = arith.andi %add3A_737, %and3A_740 : i32
    %shift_right_logical3A_742 = arith.constant 7 : i32
    %shift_right_logical3A_743 = arith.shrui %and3A_741, %shift_right_logical3A_742 : i32
    %dma_start3A_744 = arith.constant 1 : i32
    %dma_start3A_745 = arith.constant 0 : i32
    %dma_start3A_746 = arith.constant 0 : i32
    %dma_start3A_747 = arith.constant 0 : i32
    %dma_start3A_748 = arith.constant 0 : i32
    %dma_start3A_749 = tpu.memref_slice %arg7[%dma_start3A_744, %dma_start3A_745, %dma_start3A_746, %dma_start3A_747, %dma_start3A_748] : memref<2x4x4x8x128xf32, #tpu.memory_space<vmem>> -> memref<1x4x4x8x128xf32, #tpu.memory_space<vmem>>
    %dma_start3A_750 = tpu.memref_squeeze %dma_start3A_749 : memref<1x4x4x8x128xf32, #tpu.memory_space<vmem>> -> memref<4x4x8x128xf32, #tpu.memory_space<vmem>>
    %dma_start3A_751 = arith.constant 0 : i32
    %dma_start3A_752 = arith.constant 0 : i32
    %dma_start3A_753 = arith.constant 0 : i32
    %dma_start3A_754 = arith.constant 0 : i32
    %dma_start3A_755 = tpu.memref_slice %arg4[%shift_right_logical3A_739, %dma_start3A_751, %dma_start3A_752, %dma_start3A_753, %dma_start3A_754] : memref<50x4x128x8x128xf32, #tpu.memory_space<hbm>> -> memref<1x4x128x8x128xf32, #tpu.memory_space<hbm>>
    %dma_start3A_756 = tpu.memref_squeeze %dma_start3A_755 : memref<1x4x128x8x128xf32, #tpu.memory_space<hbm>> -> memref<4x128x8x128xf32, #tpu.memory_space<hbm>>
    %dma_start3A_757 = arith.constant 0 : i32
    %dma_start3A_758 = arith.constant 0 : i32
    %dma_start3A_759 = arith.constant 0 : i32
    %dma_start3A_760 = tpu.memref_slice %dma_start3A_756[%dma_start3A_757, %shift_right_logical3A_743, %dma_start3A_758, %dma_start3A_759] : memref<4x128x8x128xf32, #tpu.memory_space<hbm>> -> memref<4x4x8x128xf32, #tpu.memory_space<hbm>>
    %dma_start3A_761 = arith.constant 0 : i32
    %dma_start3A_762 = arith.constant 0 : i32
    %dma_start3A_763 = arith.constant 0 : i32
    %dma_start3A_764 = arith.constant 0 : i32
    %dma_start3A_765 = tpu.memref_slice %arg4[%shift_right_logical3A_739, %dma_start3A_761, %dma_start3A_762, %dma_start3A_763, %dma_start3A_764] : memref<50x4x128x8x128xf32, #tpu.memory_space<hbm>> -> memref<1x4x128x8x128xf32, #tpu.memory_space<hbm>>
    %dma_start3A_766 = tpu.memref_squeeze %dma_start3A_765 : memref<1x4x128x8x128xf32, #tpu.memory_space<hbm>> -> memref<4x128x8x128xf32, #tpu.memory_space<hbm>>
    %dma_start3A_767 = arith.constant 0 : i32
    %dma_start3A_768 = arith.constant 0 : i32
    %dma_start3A_769 = arith.constant 0 : i32
    %dma_start3A_770 = tpu.memref_slice %dma_start3A_766[%dma_start3A_767, %shift_right_logical3A_743, %dma_start3A_768, %dma_start3A_769] : memref<4x128x8x128xf32, #tpu.memory_space<hbm>> -> memref<4x4x8x128xf32, #tpu.memory_space<hbm>>
    %dma_start3A_771 = arith.constant 0 : i32
    %dma_start3A_772 = arith.constant 0 : i32
    %dma_start3A_773 = arith.constant 0 : i32
    %dma_start3A_774 = arith.constant 0 : i32
    %dma_start3A_775 = tpu.memref_slice %arg7[%dma_start3A_744, %dma_start3A_771, %dma_start3A_772, %dma_start3A_773, %dma_start3A_774] : memref<2x4x4x8x128xf32, #tpu.memory_space<vmem>> -> memref<1x4x4x8x128xf32, #tpu.memory_space<vmem>>
    %dma_start3A_776 = tpu.memref_squeeze %dma_start3A_775 : memref<1x4x4x8x128xf32, #tpu.memory_space<vmem>> -> memref<4x4x8x128xf32, #tpu.memory_space<vmem>>
    tpu.enqueue_dma source(%dma_start3A_776 : memref<4x4x8x128xf32, #tpu.memory_space<vmem>>) target(%dma_start3A_770 : memref<4x4x8x128xf32, #tpu.memory_space<hbm>>) target_semaphore(%arg13 : memref<!tpu.dma_semaphore, #tpu.memory_space<semaphore_mem>>)
    %dma_wait3A_777 = arith.constant 0 : i32
    %dma_wait3A_778 = arith.constant 0 : i32
    %dma_wait3A_779 = arith.constant 0 : i32
    %dma_wait3A_780 = arith.constant 0 : i32
    %dma_wait3A_781 = arith.constant 0 : i32
    %dma_wait3A_782 = arith.constant 0 : i32
    %dma_wait3A_783 = tpu.memref_slice %arg7[%dma_wait3A_777, %dma_wait3A_779, %dma_wait3A_780, %dma_wait3A_781, %dma_wait3A_782] : memref<2x4x4x8x128xf32, #tpu.memory_space<vmem>> -> memref<1x4x4x8x128xf32, #tpu.memory_space<vmem>>
    %dma_wait3A_784 = tpu.memref_squeeze %dma_wait3A_783 : memref<1x4x4x8x128xf32, #tpu.memory_space<vmem>> -> memref<4x4x8x128xf32, #tpu.memory_space<vmem>>
    %dma_wait3A_785 = arith.constant 0 : i32
    %dma_wait3A_786 = arith.constant 0 : i32
    %dma_wait3A_787 = arith.constant 0 : i32
    %dma_wait3A_788 = arith.constant 0 : i32
    %dma_wait3A_789 = tpu.memref_slice %arg4[%dma_wait3A_778, %dma_wait3A_785, %dma_wait3A_786, %dma_wait3A_787, %dma_wait3A_788] : memref<50x4x128x8x128xf32, #tpu.memory_space<hbm>> -> memref<1x4x128x8x128xf32, #tpu.memory_space<hbm>>
    %dma_wait3A_790 = tpu.memref_squeeze %dma_wait3A_789 : memref<1x4x128x8x128xf32, #tpu.memory_space<hbm>> -> memref<4x128x8x128xf32, #tpu.memory_space<hbm>>
    %dma_wait3A_791 = arith.constant 0 : i32
    %dma_wait3A_792 = arith.constant 0 : i32
    %dma_wait3A_793 = arith.constant 0 : i32
    %dma_wait3A_794 = arith.constant 0 : i32
    %dma_wait3A_795 = tpu.memref_slice %dma_wait3A_790[%dma_wait3A_791, %dma_wait3A_792, %dma_wait3A_793, %dma_wait3A_794] : memref<4x128x8x128xf32, #tpu.memory_space<hbm>> -> memref<4x4x8x128xf32, #tpu.memory_space<hbm>>
    %dma_wait3A_796 = arith.constant 0 : i32
    %dma_wait3A_797 = arith.constant 0 : i32
    %dma_wait3A_798 = arith.constant 0 : i32
    %dma_wait3A_799 = arith.constant 0 : i32
    %dma_wait3A_800 = tpu.memref_slice %arg4[%dma_wait3A_778, %dma_wait3A_796, %dma_wait3A_797, %dma_wait3A_798, %dma_wait3A_799] : memref<50x4x128x8x128xf32, #tpu.memory_space<hbm>> -> memref<1x4x128x8x128xf32, #tpu.memory_space<hbm>>
    %dma_wait3A_801 = tpu.memref_squeeze %dma_wait3A_800 : memref<1x4x128x8x128xf32, #tpu.memory_space<hbm>> -> memref<4x128x8x128xf32, #tpu.memory_space<hbm>>
    %dma_wait3A_802 = arith.constant 0 : i32
    %dma_wait3A_803 = arith.constant 0 : i32
    %dma_wait3A_804 = arith.constant 0 : i32
    %dma_wait3A_805 = arith.constant 0 : i32
    %dma_wait3A_806 = tpu.memref_slice %dma_wait3A_801[%dma_wait3A_802, %dma_wait3A_803, %dma_wait3A_804, %dma_wait3A_805] : memref<4x128x8x128xf32, #tpu.memory_space<hbm>> -> memref<4x4x8x128xf32, #tpu.memory_space<hbm>>
    %dma_wait3A_807 = arith.constant 0 : i32
    %dma_wait3A_808 = arith.constant 0 : i32
    %dma_wait3A_809 = arith.constant 0 : i32
    %dma_wait3A_810 = arith.constant 0 : i32
    %dma_wait3A_811 = tpu.memref_slice %arg7[%dma_wait3A_777, %dma_wait3A_807, %dma_wait3A_808, %dma_wait3A_809, %dma_wait3A_810] : memref<2x4x4x8x128xf32, #tpu.memory_space<vmem>> -> memref<1x4x4x8x128xf32, #tpu.memory_space<vmem>>
    %dma_wait3A_812 = tpu.memref_squeeze %dma_wait3A_811 : memref<1x4x4x8x128xf32, #tpu.memory_space<vmem>> -> memref<4x4x8x128xf32, #tpu.memory_space<vmem>>
    tpu.wait_dma2 semaphore(%arg12 : memref<!tpu.dma_semaphore, #tpu.memory_space<semaphore_mem>>) src(%dma_wait3A_812 : memref<4x4x8x128xf32, #tpu.memory_space<vmem>>) dst(%dma_wait3A_806 : memref<4x4x8x128xf32, #tpu.memory_space<hbm>>)
    %dma_wait3A_813 = arith.constant 1 : i32
    %dma_wait3A_814 = arith.constant 0 : i32
    %dma_wait3A_815 = arith.constant 0 : i32
    %dma_wait3A_816 = arith.constant 0 : i32
    %dma_wait3A_817 = arith.constant 0 : i32
    %dma_wait3A_818 = arith.constant 0 : i32
    %dma_wait3A_819 = tpu.memref_slice %arg7[%dma_wait3A_813, %dma_wait3A_815, %dma_wait3A_816, %dma_wait3A_817, %dma_wait3A_818] : memref<2x4x4x8x128xf32, #tpu.memory_space<vmem>> -> memref<1x4x4x8x128xf32, #tpu.memory_space<vmem>>
    %dma_wait3A_820 = tpu.memref_squeeze %dma_wait3A_819 : memref<1x4x4x8x128xf32, #tpu.memory_space<vmem>> -> memref<4x4x8x128xf32, #tpu.memory_space<vmem>>
    %dma_wait3A_821 = arith.constant 0 : i32
    %dma_wait3A_822 = arith.constant 0 : i32
    %dma_wait3A_823 = arith.constant 0 : i32
    %dma_wait3A_824 = arith.constant 0 : i32
    %dma_wait3A_825 = tpu.memref_slice %arg4[%dma_wait3A_814, %dma_wait3A_821, %dma_wait3A_822, %dma_wait3A_823, %dma_wait3A_824] : memref<50x4x128x8x128xf32, #tpu.memory_space<hbm>> -> memref<1x4x128x8x128xf32, #tpu.memory_space<hbm>>
    %dma_wait3A_826 = tpu.memref_squeeze %dma_wait3A_825 : memref<1x4x128x8x128xf32, #tpu.memory_space<hbm>> -> memref<4x128x8x128xf32, #tpu.memory_space<hbm>>
    %dma_wait3A_827 = arith.constant 0 : i32
    %dma_wait3A_828 = arith.constant 0 : i32
    %dma_wait3A_829 = arith.constant 0 : i32
    %dma_wait3A_830 = arith.constant 0 : i32
    %dma_wait3A_831 = tpu.memref_slice %dma_wait3A_826[%dma_wait3A_827, %dma_wait3A_828, %dma_wait3A_829, %dma_wait3A_830] : memref<4x128x8x128xf32, #tpu.memory_space<hbm>> -> memref<4x4x8x128xf32, #tpu.memory_space<hbm>>
    %dma_wait3A_832 = arith.constant 0 : i32
    %dma_wait3A_833 = arith.constant 0 : i32
    %dma_wait3A_834 = arith.constant 0 : i32
    %dma_wait3A_835 = arith.constant 0 : i32
    %dma_wait3A_836 = tpu.memref_slice %arg4[%dma_wait3A_814, %dma_wait3A_832, %dma_wait3A_833, %dma_wait3A_834, %dma_wait3A_835] : memref<50x4x128x8x128xf32, #tpu.memory_space<hbm>> -> memref<1x4x128x8x128xf32, #tpu.memory_space<hbm>>
    %dma_wait3A_837 = tpu.memref_squeeze %dma_wait3A_836 : memref<1x4x128x8x128xf32, #tpu.memory_space<hbm>> -> memref<4x128x8x128xf32, #tpu.memory_space<hbm>>
    %dma_wait3A_838 = arith.constant 0 : i32
    %dma_wait3A_839 = arith.constant 0 : i32
    %dma_wait3A_840 = arith.constant 0 : i32
    %dma_wait3A_841 = arith.constant 0 : i32
    %dma_wait3A_842 = tpu.memref_slice %dma_wait3A_837[%dma_wait3A_838, %dma_wait3A_839, %dma_wait3A_840, %dma_wait3A_841] : memref<4x128x8x128xf32, #tpu.memory_space<hbm>> -> memref<4x4x8x128xf32, #tpu.memory_space<hbm>>
    %dma_wait3A_843 = arith.constant 0 : i32
    %dma_wait3A_844 = arith.constant 0 : i32
    %dma_wait3A_845 = arith.constant 0 : i32
    %dma_wait3A_846 = arith.constant 0 : i32
    %dma_wait3A_847 = tpu.memref_slice %arg7[%dma_wait3A_813, %dma_wait3A_843, %dma_wait3A_844, %dma_wait3A_845, %dma_wait3A_846] : memref<2x4x4x8x128xf32, #tpu.memory_space<vmem>> -> memref<1x4x4x8x128xf32, #tpu.memory_space<vmem>>
    %dma_wait3A_848 = tpu.memref_squeeze %dma_wait3A_847 : memref<1x4x4x8x128xf32, #tpu.memory_space<vmem>> -> memref<4x4x8x128xf32, #tpu.memory_space<vmem>>
    tpu.wait_dma2 semaphore(%arg13 : memref<!tpu.dma_semaphore, #tpu.memory_space<semaphore_mem>>) src(%dma_wait3A_848 : memref<4x4x8x128xf32, #tpu.memory_space<vmem>>) dst(%dma_wait3A_842 : memref<4x4x8x128xf32, #tpu.memory_space<hbm>>)
    return
  }
}

</mosaic_0001>

<sc_bundles>
// kernel: kernel.3.cloned.1.call-start
scs
__scs_entry_jumppad:
0x0: {  	(pc) =	sbr.rel $0x88, $3  }
0x1: {  	(tag) =	ssettag $0x0;
	lr =	simm.s32 $0x1  }
0x2: {  	[smem:$0x3F9F] =	sst lr;
	_ =	strace $0xD0000000  }
0x3: {  	_ = 	snop  }
0x4: {  	_ = 	snop  }
0x5: {  	_ = 	snop  }
0x6: {  	_ = 	snop  }
0x7: {  	_ = 	snop  }
__scs_overlays_trampoline_lowered:
0x8: {  	[smem:$0x3FAE] =	sst s0  }
0x9: {  	[smem:$0x3FAF] =	sst s1  }
0xa: {  	[smem:$0x3FB0] =	sst s2  }
0xb: {  	[smem:$0x3FB1] =	sst s3  }
0xc: {  	[smem:$0x3FB2] =	sst s4  }
0xd: {  	[smem:$0x3FB3] =	sst s5  }
0xe: {  	[smem:$0x3FB4] =	sst s6  }
0xf: {  	[smem:$0x3FB5] =	sst s7  }
0x10: {  	[smem:$0x3FB6] =	sst s8  }
0x11: {  	[smem:$0x3FB7] =	sst s9;
	s0 =	simm.s32 @!p0 $0x0  }
0x12: {  	s1 =	sld [smem:$0x3F9D];
	s0 =	simm.s32 @p0 $0x1  }
0x13: {  	[smem:$0x3FB8] =	sst s0;
	s0 =	simm.s32 @!p1 $0x0  }
0x14: {  	s2 =	sld [smem:$0x3F9C];
	s0 =	simm.s32 @p1 $0x1  }
0x15: {  	[smem:$0x3FB9] =	sst s0;
	s0 =	simm.s32 @!p2 $0x0  }
0x16: {  	s3 =	sld [smem:$0x3FDB];
	s0 =	simm.s32 @p2 $0x1  }
0x17: {  	s4 =	simm.s32 $0x1BF5;
	[smem:$0x3FBB] =	sst s0  }
0x18: {  	s0 =	sld [smem:$0x3F9E];
	_ =	swait.ge [sflag:s4], $0x0  }
0x19: {  	s7 =	sld [smem:$0x3F9F]  }
0x1a: {  	s8 =	sadd.s32 $0xFFFFE003, lr  }
0x1b: {  	s9 =	sadd.s32 $0xFFFFFEF7, lr;
	s5 =	simm.s32 $0xFFFFFFFF;
	p2 =	slt.u32 s8, $0xFFFFF086  }
0x1c: {  	p1 =	slt.u32 s9, $0xF7A;
	s5 =	simm.s32 @!p2 $0x0  }
0x1d: {  	s5 =	simm.s32 @p1 $0x1;
	p0 =	seq.s32 s7, s2  }
0x1e: {  	s7 =	smul.u32 @!p0 $0xF7A, s2;
	p2 =	seq.s32 @!p0 s5, $0x0  }
0x1f: {  	s9 =	smul.u32 $0xF7A, s1;
	s8 =	simm.s32 @!p0 $0x1BF5;
	p2 =	por !p2, p0  }
0x20: {  	[sflag:s8] =	ssyncset.s32 @!p0 $0xFFFFF086;
	s6 =	sadd.s32 @!p0 s3, s7;
	s7 =	simm.s32 @!p0 $0x108  }
0x21: {  	s3 =	sadd.s32 s3, s9;
	s6 =	sadd.s32 @!p0 $0x88, s6;
	s7 =	simm.s32 @p2 $0x1082  }
0x22: {  	[simem:s7], [sflag:s8] =	dma.local @!p0 [hbm:s6], $0xF7A  }
0x23: {  	s9 =	sor.u32 $0xD0000000, s2;
	s6 =	simm.s32 $0x108;
	_ =	swait.ge @!p0 [sflag:s8], $0x0  }
0x24: {  	s3 =	sadd.s32 $0x88, s3;
	s6 =	simm.s32 @!p1 $0x1082;
	[sflag:s4] =	ssyncset.s32 $0xFFFFF086  }
0x25: {  	[simem:s6], [sflag:s4] =	dma.local [hbm:s3], $0xF7A  }
0x26: {  	[smem:$0x3F9F] =	sst s1;
	(tag) =	ssettag s2;
	_ =	strace s9  }
0x27: {  	s1 =	sld [smem:$0x3FAF]  }
0x28: {  	s2 =	sld [smem:$0x3FB0]  }
0x29: {  	s4 =	sld [smem:$0x3FB2]  }
0x2a: {  	p0 =	seq.s32 s5, $0x0;
	s5 =	sld [smem:$0x3FB3]  }
0x2b: {  	s6 =	sld [smem:$0x3FB4]  }
0x2c: {  	s7 =	sld [smem:$0x3FB5]  }
0x2d: {  	s3 =	simm.s32 $0x108;
	s8 =	sld [smem:$0x3FB6]  }
0x2e: {  	s3 =	simm.s32 @!p0 $0x1082;
	s9 =	sld [smem:$0x3FB7]  }
0x2f: {  	lr =	sadd.s32 s0, s3;
	s0 =	sld [smem:$0x3FAE]  }
0x30: {  	s3 =	sld [smem:$0x3FB1]  }
0x31: {  	[smem:$0x3FBA] =	sst s10  }
0x32: {  	s10 =	sld [smem:$0x3FB8];
	_ =	sdelay $0x3  }
0x33: {  	p0 =	seq.s32 s10, $0x1;
	s10 =	sld [smem:$0x3FBA];
	_ =	sdelay $0x3  }
0x34: {  	[smem:$0x3FBA] =	sst s10  }
0x35: {  	s10 =	sld [smem:$0x3FB9];
	_ =	sdelay $0x3  }
0x36: {  	p1 =	seq.s32 s10, $0x1;
	s10 =	sld [smem:$0x3FBA];
	_ =	sdelay $0x3  }
0x37: {  	[smem:$0x3FBA] =	sst s10  }
0x38: {  	s10 =	sld [smem:$0x3FBB]  }
0x39: {  	_ = 	snop;
	(pc) =	sbr.ind lr, $3  }
0x3a: {  	_ = 	snop  }
0x3b: {  	_ = 	snop  }
0x3c: {  	p2 =	seq.s32 s10, $0x1;
	s10 =	sld [smem:$0x3FBA]  }
0x3d: {  	_ =	shalt  }
0x3e: {  	_ =	shalt  }
0x3f: {  	_ =	shalt  }
0x40: {  	_ =	shalt  }
0x41: {  	_ =	shalt  }
0x42: {  	_ =	shalt  }
0x43: {  	_ =	shalt  }
0x44: {  	_ =	shalt  }
0x45: {  	_ =	shalt  }
0x46: {  	_ =	shalt  }
0x47: {  	_ =	shalt  }
0x48: {  	_ =	shalt  }
0x49: {  	_ =	shalt  }
0x4a: {  	_ =	shalt  }
0x4b: {  	_ =	shalt  }
0x4c: {  	_ =	shalt  }
0x4d: {  	_ =	shalt  }
0x4e: {  	_ =	shalt  }
0x4f: {  	_ =	shalt  }
0x50: {  	_ =	shalt  }
0x51: {  	_ =	shalt  }
0x52: {  	_ =	shalt  }
0x53: {  	_ =	shalt  }
0x54: {  	_ =	shalt  }
0x55: {  	_ =	shalt  }
0x56: {  	_ =	shalt  }
0x57: {  	_ =	shalt  }
0x58: {  	_ =	shalt  }
0x59: {  	_ =	shalt  }
0x5a: {  	_ =	shalt  }
0x5b: {  	_ =	shalt  }
0x5c: {  	_ =	shalt  }
0x5d: {  	_ =	shalt  }
0x5e: {  	_ =	shalt  }
0x5f: {  	_ =	shalt  }
0x60: {  	_ =	shalt  }
0x61: {  	_ =	shalt  }
0x62: {  	_ =	shalt  }
0x63: {  	_ =	shalt  }
0x64: {  	_ =	shalt  }
0x65: {  	_ =	shalt  }
0x66: {  	_ =	shalt  }
0x67: {  	_ =	shalt  }
0x68: {  	_ =	shalt  }
0x69: {  	_ =	shalt  }
0x6a: {  	_ =	shalt  }
0x6b: {  	_ =	shalt  }
0x6c: {  	_ =	shalt  }
0x6d: {  	_ =	shalt  }
0x6e: {  	_ =	shalt  }
0x6f: {  	_ =	shalt  }
0x70: {  	_ =	shalt  }
0x71: {  	_ =	shalt  }
0x72: {  	_ =	shalt  }
0x73: {  	_ =	shalt  }
0x74: {  	_ =	shalt  }
0x75: {  	_ =	shalt  }
0x76: {  	_ =	shalt  }
0x77: {  	_ =	shalt  }
0x78: {  	_ =	shalt  }
0x79: {  	_ =	shalt  }
0x7a: {  	_ =	shalt  }
0x7b: {  	_ =	shalt  }
0x7c: {  	_ =	shalt  }
0x7d: {  	_ =	shalt  }
0x7e: {  	_ =	shalt  }
0x7f: {  	_ =	shalt  }
0x80: {  	_ =	shalt  }
0x81: {  	_ =	shalt  }
0x82: {  	_ =	shalt  }
0x83: {  	_ =	shalt  }
0x84: {  	_ =	shalt  }
0x85: {  	_ =	shalt  }
0x86: {  	_ =	shalt  }
0x87: {  	_ =	shalt  }
.Lfunc_end0:
.L_simem_size_0:
called_computation_lowered:
.L_overlay_start_0:
0x88: {  	s2 =	sld [smem:$0x3FD9]  }
0x89: {  	s3 =	sld [smem:$0x3FFE];
	_ =	sdelay $0x1  }
0x8a: {  	s1 =	srdreg.scid  }
0x8b: {  	s0 =	sand.u32 $0x1, s1  }
0x8c: {  	s17 =	sshll.u32 s0, $0xA;
	s2 =	sadd.s32 s3, s2  }
0x8d: {  	s2 =	sadd.s32 s2, s17  }
0x8e: {  	[smem:$0x3FC6] =	sst s2  }
0x8f: {  	_ = 	snop  }
0x90: {  	s2 =	sld [smem:$0x3FD0];
	(tm) =	ssettm $0x1  }
0x91: {  	s18 =	sld [smem:$0x3FFB];
	_ =	sdelay $0x3  }
0x92: {  	_ =	strace s18  }
0x93: {  	s3 =	sld [smem:$0x3FFC];
	_ =	sdelay $0x3  }
0x94: {  	_ =	strace s3  }
0x95: {  	s3 =	sld [smem:$0x3FFD];
	_ =	sdelay $0x3  }
0x96: {  	_ =	strace s3  }
0x97: {  	_ =	strace $0x8FFFFFFF  }
0x98: {  	s19 =	sld [smem:$0x3FDB];
	_ =	sdelay $0x1  }
0x99: {  	s4 =	simm.s32 $_scs_section_size  }
0x9a: {  	s5 =	simm.s32 $_size__tile_overlayer_lowered;
	s6 =	simm.s32 $_tile_overlayer_lowered  }
0x9b: {  	s22 =	simm.s32 $0x1BFF;
	s21 =	sshll.u32 s6, $0x1;
	s3 =	sadd.s32 s4, s19  }
0x9c: {  	s7 =	simm.s32 $0x0;
	s20 =	sshll.u32 s5, $0x1;
	s5 =	sadd.s32 s21, s3  }
0x9d: {  	[timem:s7], [sflag:s22] =	dma.local [hbm:s5], s20  }
0x9e: {  	_ =	swait.ge [sflag:s22], s20  }
0x9f: {  	s4 =	ssub.s32 $0x0, s20;
	[sflag:s22] =	ssyncset.done $0x0  }
0xa0: {  	[sflag:s22] =	ssyncadd.s32 s4;
	_ =	sdelay $0x1  }
0xa1: {  	s23 =	simm.s32 $0x1B8B  }
0xa2: {  	_ =	swait.ge [sflag:s23], $0x1  }
0xa3: {  	[sflag:s23] =	ssyncset.done $0x0  }
0xa4: {  	s25 =	simm.s32 $0x1B8E;
	s24 =	sld [smem:$0x3FFE];
	[sflag:s23] =	ssyncadd.s32 $0xFFFFFFFF  }
0xa5: {  	s26 =	simm.s32 $execute0_lowered;
	[smem:$0x3FD2] =	sst s25  }
0xa6: {  	s5 =	sshll.u32 s26, $0x1;
	_ =	strace $0x80000046;
	[dreg:$0x1] =	wrdreg $0xFFFFFFFF  }
0xa7: {  	s28 =	simm.s32 $_size_execute0_lowered;
	s3 =	sadd.s32 s3, s5;
	[dreg:$0x0] =	wrdreg $0x0  }
0xa8: {  	s5 =	sshll.u32 s28, $0x1;
	[dreg:$0x2] =	wrdreg s3  }
0xa9: {  	[dreg:$0x3] =	wrdreg s5  }
0xaa: {  	[dreg:$0x4] =	wrdreg $0xC0  }
0xab: {  	_ =	task [dreg:s7], $0x5FFFF  }
0xac: {  	[dreg:$0x1] =	wrdreg $0xFFFFFFFF  }
0xad: {  	[dreg:$0x0] =	wrdreg $0x60  }
0xae: {  	[dreg:$0x2] =	wrdreg s24  }
0xaf: {  	[dreg:$0x3] =	wrdreg s2  }
0xb0: {  	[dreg:$0x4] =	wrdreg $0x9  }
0xb1: {  	_ =	task.clear_ibuf [dreg:s7], $0x5FFFF;
	_ =	strace $0x90000046  }
0xb2: {  	s29 =	simm.s32 $0x9;
	_ =	strace $0x80000048  }
0xb3: {  	_ =	swait.ge [sflag:s29], $0x1  }
0xb4: {  	[sflag:s29] =	ssyncadd.s32 $0xFFFFFFFF  }
0xb5: {  	_ =	strace $0x90000048  }
0xb6: {  	_ =	sfence  }
0xb7: {  	s30 =	sld [smem:$0x0];
	_ =	sdelay $0x2  }
0xb8: {  	s31 =	sshll.u32 s1, $0xD;
	s1 =	sshrl.u32 s1, $0x2  }
0xb9: {  	s3 =	sand.u32 $0x4000, s31;
	s1 =	sadd.s32 s1, s30  }
0xba: {  	s0 =	sor.u32 s3, s0;
	s1 =	sshll.u32 s1, $0x11  }
0xbb: {  	s0 =	sor.u32 s1, s0  }
0xbc: {  	s0 =	sadd.s32 $0x8F2B, s0  }
0xbd: {  	[sflag:s0] =	ssyncadd.remote.s32 $0x1  }
0xbe: {  	_ =	sfence.sel $0xFFFF  }
0xbf: {  	[dreg:$0x0] =	wrdreg $0xFFFFFFFF;
	(pc) =	sbr.abs _section_cstart, $3  }
0xc0: {  	[dreg:$0x1] =	wrdreg $0xFFFFFFFF  }
0xc1: {  	_ =	task.clear_ibuf [dreg:s7], $0x2FFFF;
	_ =	strace $0x9FFFFFFF  }
0xc2: {  	(tm) =	ssettm $0x7FFFFFFF  }
0xc3: {  	_ =	shalt  }
tec
execute0_lowered:
.L_overlay_start_1:
0x0: {  	(tag) =	ssettag $0x1  }
0x1: {  	vm15 =	vcmask $0x300  }
0x2: {  	v0 =	vimm.s32 $0x1387;
	vm14 =	vcmask $0x704;
	vm13 =	vcmask $0xB08  }
0x3: {  	vm12 =	vcmask $0xF0C;
	vm11 =	vcmask $0x1310;
	vm10 =	vcmask $0x1714  }
0x4: {  	vm9 =	vcmask $0x1B18;
	vm8 =	vcmask $0x1F1C;
	v33 =	vlaneseq.u32  }
0x5: {  	vm7 =	vcmask $0x2320;
	vm6 =	vcmask $0x2724;
	v1 =	vimm.s32 $0x7  }
0x6: {  	vm4 =	vcmask $0x2B28;
	vm2 =	vcmask $0x2F2C;
	vm1 =	vcmask $0x3330  }
0x7: {  	v2 =	vimm.s32 $0xFEDCBA9;
	v3 =	vimm.s32 $0x87654321;
	vm3 =	vcmask $0x3734  }
0x8: {  	vm5 =	vcmask $0x3B38;
	v7 =	vimm.s32 $0x3210FEDC;
	v8 =	vimm.s32 $0xBA987654  }
0x9: {  	v10 =	vimm.s32 $0xCBA98765;
	v12 =	vimm.s32 $0xDCBA9876;
	v13 =	vimm.s32 $0x307  }
0xa: {  	v14 =	vimm.s32 $0xEDCBA987;
	v16 =	vimm.s32 $0x76543210;
	v47 =	vimm.s32 $0x1107  }
0xb: {  	v51 =	vimm.s32 $0x1187;
	vm0 =	vcmask $0x1F10;
	v0 =	vsel vm15, $0x0, v0  }
0xc: {  	v1 =	vsel vm15, $0x80, v1;
	v2 =	vunpack.c.l.s4.s8 v2;
	v3 =	vunpack.c.l.s4.s8 v3  }
0xd: {  	v8 =	vunpack.c.l.s4.s8 v8;
	v10 =	vunpack.c.l.s4.s8 v10;
	v0 =	vsel vm14, $0x81, v0  }
0xe: {  	v12 =	vunpack.c.l.s4.s8 v12;
	v13 =	vsel vm15, $0x380, v13;
	v0 =	vsel vm13, $0x102, v0  }
0xf: {  	v14 =	vunpack.c.l.s4.s8 v14;
	v1 =	vsel vm14, $0x101, v1;
	v0 =	vsel vm12, $0x183, v0  }
0x10: {  	v39 =	vunpack.c.l.s4.s8 v16;
	v1 =	vsel vm13, $0x182, v1;
	v0 =	vsel vm11, $0x204, v0  }
0x11: {  	v53 =	vunpack.c.0.s8.s32 v2;
	v54 =	vunpack.c.0.s8.s32 v3;
	v0 =	vsel vm10, $0x285, v0  }
0x12: {  	v24 =	vunpack.c.0.s8.s32 v8;
	v1 =	vsel vm12, $0x203, v1;
	v0 =	vsel vm9, $0x306, v0  }
0x13: {  	v27 =	vunpack.c.0.s8.s32 v10;
	v1 =	vsel vm11, $0x284, v1;
	v0 =	vsel vm8, $0x387, v0  }
0x14: {  	v31 =	vunpack.c.0.s8.s32 v12;
	v5 =	vsel vm10, $0x305, v1;
	v0 =	vsel vm7, $0x1000, v0  }
0x15: {  	v30 =	vunpack.c.0.s8.s32 v14;
	v55 =	vsel vm9, $0x386, v5;
	v0 =	vsel vm6, $0x1081, v0  }
0x16: {  	v5 =	vimm.s32 $0x87;
	v2 =	vsel vm8, $0x1007, v55;
	v0 =	vsel vm4, $0x1102, v0  }
0x17: {  	v57 =	vsel vm15, $0x100, v5;
	v5 =	vimm.s32 $0x98765432;
	v0 =	vsel vm2, $0x1183, v0  }
0x18: {  	v2 =	vsel vm7, $0x1080, v2;
	v5 =	vunpack.c.l.s4.s8 v5;
	v4 =	vsel vm1, $0x1204, v0  }
0x19: {  	v2 =	vsel vm6, $0x1101, v2;
	v56 =	vsel vm3, $0x1285, v4;
	v4 =	vcombine.low v54, v53  }
0x1a: {  	v55 =	vimm.s32 $0x1207;
	v2 =	vsel vm4, $0x1182, v2;
	v3 =	vsel vm5, $0x1306, v56  }
0x1b: {  	v20 =	vunpack.c.0.s8.s32 v5;
	[tilespmem:$0x1FE40] =	vst v3;
	v4 =	vand.u32 $0xF, v4;
	v3 =	vsel vm14, $0x181, v57  }
0x1c: {  	v2 =	vsel vm2, $0x1203, v2;
	[tilespmem:$0x1FE50] =	vst v4;
	v4 =	vimm.s32 $0x10FEDCBA;
	v3 =	vsel vm13, $0x202, v3  }
0x1d: {  	v2 =	vsel vm1, $0x1284, v2;
	v4 =	vunpack.c.l.s4.s8 v4;
	v3 =	vsel vm12, $0x283, v3  }
0x1e: {  	v0 =	vcombine.low v53, v54;
	v2 =	vsel vm3, $0x1305, v2;
	v3 =	vsel vm11, $0x304, v3  }
0x1f: {  	v19 =	vunpack.c.0.s8.s32 v4;
	v3 =	vsel vm10, $0x385, v3;
	v4 =	vimm.s32 $0x107  }
0x20: {  	v2 =	vsel vm5, $0x1386, v2;
	v3 =	vsel vm9, $0x1006, v3;
	v4 =	vsel vm15, $0x180, v4  }
0x21: {  	v3 =	vsel vm8, $0x1087, v3;
	v4 =	vsel vm14, $0x201, v4;
	v5 =	vcombine.low v20, v19  }
0x22: {  	v48 =	vcombine.low v19, v20;
	v3 =	vsel vm7, $0x1100, v3;
	v4 =	vsel vm13, $0x282, v4  }
0x23: {  	v18 =	vand.u32 $0xF, v0;
	v58 =	vsel vm6, $0x1181, v3;
	v59 =	vsel vm12, $0x303, v4  }
0x24: {  	v4 =	vand.u32 $0xF, v5;
	v5 =	vimm.s32 $0x210FEDCB;
	v20 =	vand.u32 $0xF, v48  }
0x25: {  	[tilespmem:$0x1FE60] =	vst v2;
	v2 =	vsel vm4, $0x1202, v58;
	v3 =	vsel vm11, $0x384, v59;
	v5 =	vunpack.c.l.s4.s8 v5  }
0x26: {  	[tilespmem:$0x1FE70] =	vst v4;
	v4 =	vimm.s32 $0xA9876543;
	v59 =	vimm.s32 $0x1287;
	v3 =	vsel vm10, $0x1005, v3  }
0x27: {  	v2 =	vsel vm2, $0x1283, v2;
	v4 =	vunpack.c.l.s4.s8 v4;
	v3 =	vsel vm9, $0x1086, v3  }
0x28: {  	v2 =	vsel vm1, $0x1304, v2;
	v21 =	vunpack.c.0.s8.s32 v5;
	v5 =	vunpack.c.l.s4.s8 v7  }
0x29: {  	v3 =	vsel vm8, $0x1107, v3;
	v2 =	vsel vm3, $0x1385, v2;
	v22 =	vunpack.c.0.s8.s32 v4  }
0x2a: {  	v4 =	vimm.s32 $0x187;
	v3 =	vsel vm7, $0x1180, v3;
	v2 =	vsel vm5, $0x6, v2  }
0x2b: {  	v61 =	vsel vm15, $0x200, v4;
	v23 =	vunpack.c.0.s8.s32 v5;
	v3 =	vsel vm6, $0x1201, v3  }
0x2c: {  	v4 =	vcombine.low v22, v21;
	v52 =	vcombine.low v21, v22;
	v60 =	vsel vm4, $0x1282, v3  }
0x2d: {  	v3 =	vsel vm14, $0x281, v61;
	v5 =	vcombine.low v24, v23;
	v56 =	vcombine.low v23, v24  }
0x2e: {  	[tilespmem:$0x1FE80] =	vst v2;
	v2 =	vsel vm2, $0x1303, v60;
	v3 =	vsel vm13, $0x302, v3;
	v7 =	vand.u32 $0xF, v4  }
0x2f: {  	v4 =	vimm.s32 $0x207;
	v22 =	vand.u32 $0xF, v52;
	v52 =	vimm.s32 $0x19181716  }
0x30: {  	v3 =	vsel vm12, $0x383, v3;
	v2 =	vsel vm1, $0x1384, v2;
	v9 =	vsel vm15, $0x280, v4  }
0x31: {  	v6 =	vand.u32 $0xF, v5;
	v24 =	vand.u32 $0xF, v56;
	v3 =	vsel vm11, $0x1004, v3  }
0x32: {  	v63 =	vsel vm14, $0x301, v9;
	v9 =	vimm.s32 $0x43210FED;
	v3 =	vsel vm10, $0x1085, v3  }
0x33: {  	v2 =	vsel vm3, $0x5, v2;
	v9 =	vunpack.c.l.s4.s8 v9;
	v3 =	vsel vm9, $0x1106, v3  }
0x34: {  	v56 =	vimm.s32 $0x1A191817;
	v8 =	vsel vm5, $0x86, v2;
	v3 =	vsel vm8, $0x1187, v3  }
0x35: {  	v26 =	vunpack.c.0.s8.s32 v9;
	v9 =	vimm.s32 $0x287;
	v62 =	vsel vm7, $0x1200, v3  }
0x36: {  	v3 =	vsel vm13, $0x382, v63;
	v9 =	vsel vm15, $0x300, v9;
	v2 =	vsel vm6, $0x1281, v62  }
0x37: {  	v3 =	vsel vm12, $0x1003, v3;
	v10 =	vcombine.low v27, v26;
	v11 =	vsel vm14, $0x381, v9  }
0x38: {  	v62 =	vcombine.low v26, v27;
	v2 =	vsel vm4, $0x1302, v2;
	v3 =	vsel vm11, $0x1084, v3  }
0x39: {  	v34 =	vsel vm13, $0x1002, v11;
	v11 =	vimm.s32 $0x543210FE;
	v2 =	vsel vm2, $0x1383, v2  }
0x3a: {  	v3 =	vsel vm10, $0x1105, v3;
	v10 =	vand.u32 $0xF, v10;
	v11 =	vunpack.c.l.s4.s8 v11  }
0x3b: {  	v26 =	vand.u32 $0xF, v62;
	v2 =	vsel vm1, $0x4, v2;
	v3 =	vsel vm9, $0x1186, v3  }
0x3c: {  	v62 =	vimm.s32 $0x1B1A1918;
	v3 =	vsel vm8, $0x1207, v3;
	v2 =	vsel vm3, $0x85, v2  }
0x3d: {  	v28 =	vunpack.c.0.s8.s32 v11;
	v11 =	vsel vm14, $0x1001, v13;
	v13 =	vimm.s32 $0x6543210F  }
0x3e: {  	v3 =	vsel vm7, $0x1280, v3;
	v9 =	vsel vm5, $0x106, v2;
	v12 =	vsel vm13, $0x1082, v11  }
0x3f: {  	v13 =	vunpack.c.l.s4.s8 v13;
	v3 =	vsel vm6, $0x1301, v3;
	v36 =	vsel vm12, $0x1103, v12  }
0x40: {  	v12 =	vcombine.low v31, v28;
	v63 =	vcombine.low v28, v31;
	v32 =	vsel vm4, $0x1382, v3  }
0x41: {  	v3 =	vsel vm12, $0x1083, v34;
	v29 =	vunpack.c.0.s8.s32 v13;
	v13 =	vimm.s32 $0x387  }
0x42: {  	v34 =	vimm.s32 $0x1307;
	v2 =	vsel vm2, $0x3, v32;
	v3 =	vsel vm11, $0x1104, v3  }
0x43: {  	v12 =	vand.u32 $0xF, v12;
	v15 =	vsel vm15, $0x1000, v13;
	v28 =	vand.u32 $0xF, v63  }
0x44: {  	v63 =	vunpack.c.0.s8.s32 v62;
	v62 =	vimm.s32 $0x3187;
	v3 =	vsel vm10, $0x1185, v3  }
0x45: {  	v38 =	vsel vm14, $0x1081, v15;
	v15 =	vimm.s32 $0xFEDCBA98;
	v3 =	vsel vm9, $0x1206, v3  }
0x46: {  	v2 =	vsel vm1, $0x84, v2;
	v17 =	vunpack.c.l.s4.s8 v15;
	v3 =	vsel vm8, $0x1287, v3  }
0x47: {  	v14 =	vcombine.low v30, v29;
	v2 =	vsel vm3, $0x105, v2;
	v3 =	vsel vm7, $0x1300, v3  }
0x48: {  	v11 =	vsel vm5, $0x186, v2;
	v16 =	vunpack.c.0.s8.s32 v17;
	v3 =	vsel vm6, $0x1381, v3  }
0x49: {  	v17 =	vimm.s32 $0x1007;
	v35 =	vsel vm4, $0x2, v3;
	v3 =	vsel vm11, $0x1184, v36  }
0x4a: {  	v14 =	vand.u32 $0xF, v14;
	v17 =	vsel vm15, $0x1080, v17;
	v3 =	vsel vm10, $0x1205, v3  }
0x4b: {  	v16 =	vand.u32 $0xF, v16;
	v17 =	vsel vm14, $0x1101, v17;
	v3 =	vsel vm9, $0x1286, v3  }
0x4c: {  	v36 =	vcombine.low v29, v30;
	v2 =	vsel vm2, $0x83, v35;
	v3 =	vsel vm8, $0x1307, v3  }
0x4d: {  	v41 =	vsel vm13, $0x1182, v17;
	v17 =	vimm.s32 $0x1087;
	v3 =	vsel vm7, $0x1380, v3  }
0x4e: {  	v35 =	vimm.s32 $0x3387;
	v2 =	vsel vm1, $0x104, v2;
	v3 =	vsel vm6, $0x1, v3  }
0x4f: {  	v17 =	vsel vm15, $0x1100, v17;
	v30 =	vand.u32 $0xF, v36;
	v3 =	vsel vm4, $0x82, v3  }
0x50: {  	v17 =	vsel vm14, $0x1181, v17;
	v37 =	vsel vm2, $0x103, v3;
	v3 =	vsel vm13, $0x1102, v38  }
0x51: {  	v2 =	vsel vm3, $0x185, v2;
	v17 =	vsel vm13, $0x1202, v17;
	v3 =	vsel vm12, $0x1183, v3  }
0x52: {  	v13 =	vsel vm5, $0x206, v2;
	v43 =	vsel vm12, $0x1283, v17;
	v3 =	vsel vm11, $0x1204, v3  }
0x53: {  	v44 =	vsel vm11, $0x1304, v43;
	v43 =	vimm.s32 $0x2087;
	v3 =	vsel vm10, $0x1285, v3  }
0x54: {  	v46 =	vsel vm10, $0x1385, v44;
	v2 =	vsel vm1, $0x184, v37;
	v3 =	vsel vm9, $0x1306, v3  }
0x55: {  	v44 =	vimm.s32 $0x14131211;
	v2 =	vsel vm3, $0x205, v2;
	v3 =	vsel vm8, $0x1387, v3  }
0x56: {  	v15 =	vsel vm5, $0x286, v2;
	v2 =	vunpack.c.0.s8.s32 v39;
	v3 =	vsel vm7, $0x0, v3  }
0x57: {  	v5 =	vunpack.c.0.s8.s32 v44;
	v40 =	vsel vm6, $0x81, v3;
	v3 =	vsel vm12, $0x1203, v41  }
0x58: {  	v16 =	vcombine.low v16, v2;
	v2 =	vsel vm4, $0x102, v40;
	v3 =	vsel vm11, $0x1284, v3  }
0x59: {  	v39 =	vimm.s32 $0x2007;
	v2 =	vsel vm2, $0x183, v2;
	v3 =	vsel vm10, $0x1305, v3  }
0x5a: {  	v41 =	vimm.s32 $0x1C1B1A19;
	v2 =	vsel vm1, $0x204, v2;
	v3 =	vsel vm9, $0x1386, v3  }
0x5b: {  	v2 =	vsel vm3, $0x285, v2;
	v42 =	vsel vm8, $0x7, v3;
	v3 =	vunpack.c.0.s8.s32 v41  }
0x5c: {  	v41 =	vimm.s32 $0x2207;
	v17 =	vsel vm5, $0x306, v2;
	v1 =	vsel vm7, $0x80, v42  }
0x5d: {  	v2 =	vsel vm15, $0x1180, v47;
	v42 =	vimm.s32 $0x101F1E1D;
	v45 =	vsel vm6, $0x101, v1  }
0x5e: {  	v1 =	vsel vm9, $0x6, v46;
	v2 =	vsel vm14, $0x1201, v2;
	v4 =	vunpack.c.0.s8.s32 v42  }
0x5f: {  	v46 =	vimm.s32 $0x2107;
	v0 =	vsel vm4, $0x182, v45;
	v1 =	vsel vm8, $0x87, v1  }
0x60: {  	v2 =	vsel vm13, $0x1282, v2;
	v45 =	vimm.s32 $0x18171615;
	v48 =	vsel vm15, $0x2180, v46  }
0x61: {  	v46 =	vimm.s32 $0x2307;
	v0 =	vsel vm2, $0x203, v0;
	v1 =	vsel vm7, $0x100, v1  }
0x62: {  	v2 =	vsel vm12, $0x1303, v2;
	v0 =	vsel vm1, $0x284, v0;
	v1 =	vsel vm6, $0x181, v1  }
0x63: {  	v50 =	vsel vm11, $0x1384, v2;
	v2 =	vsel vm15, $0x1200, v51;
	v51 =	vimm.s32 $0x15141312  }
0x64: {  	v0 =	vsel vm3, $0x305, v0;
	v1 =	vsel vm4, $0x202, v1;
	v54 =	vsel vm14, $0x1281, v2  }
0x65: {  	v2 =	vsel vm15, $0x1280, v55;
	v49 =	vsel vm2, $0x283, v1;
	v1 =	vsel vm10, $0x5, v50  }
0x66: {  	v55 =	vimm.s32 $0x16151413;
	v19 =	vsel vm5, $0x386, v0;
	v1 =	vsel vm9, $0x86, v1  }
0x67: {  	v2 =	vsel vm14, $0x1301, v2;
	v50 =	vimm.s32 $0x11101F1E;
	v1 =	vsel vm8, $0x107, v1  }
0x68: {  	v0 =	vsel vm1, $0x304, v49;
	v53 =	vsel vm7, $0x180, v1;
	v1 =	vsel vm13, $0x1302, v54  }
0x69: {  	v2 =	vsel vm13, $0x1382, v2;
	v0 =	vsel vm3, $0x385, v0;
	v1 =	vsel vm12, $0x1383, v1  }
0x6a: {  	v21 =	vsel vm5, $0x1006, v0;
	v0 =	vsel vm6, $0x201, v53;
	v1 =	vsel vm11, $0x4, v1  }
0x6b: {  	v2 =	vsel vm12, $0x3, v2;
	v0 =	vsel vm4, $0x282, v0;
	v1 =	vsel vm10, $0x85, v1  }
0x6c: {  	v58 =	vsel vm11, $0x84, v2;
	v0 =	vsel vm2, $0x303, v0;
	v1 =	vsel vm9, $0x106, v1  }
0x6d: {  	v2 =	vsel vm15, $0x1300, v59;
	v0 =	vsel vm1, $0x384, v0;
	v1 =	vsel vm8, $0x187, v1  }
0x6e: {  	v0 =	vsel vm3, $0x1005, v0;
	v57 =	vsel vm7, $0x200, v1;
	v1 =	vsel vm10, $0x105, v58  }
0x6f: {  	v23 =	vsel vm5, $0x1086, v0;
	v0 =	vsel vm6, $0x281, v57;
	v1 =	vsel vm9, $0x186, v1  }
0x70: {  	v2 =	vsel vm14, $0x1381, v2;
	v0 =	vsel vm4, $0x302, v0;
	v1 =	vsel vm8, $0x207, v1  }
0x71: {  	v2 =	vsel vm13, $0x2, v2;
	v0 =	vsel vm2, $0x383, v0;
	v1 =	vsel vm7, $0x280, v1  }
0x72: {  	v61 =	vsel vm12, $0x83, v2;
	v0 =	vsel vm1, $0x1004, v0;
	v1 =	vsel vm6, $0x301, v1  }
0x73: {  	v0 =	vsel vm3, $0x1085, v0;
	v60 =	vsel vm4, $0x382, v1;
	v1 =	vsel vm11, $0x104, v61  }
0x74: {  	v25 =	vsel vm5, $0x1106, v0;
	v0 =	vsel vm2, $0x1003, v60;
	v1 =	vsel vm10, $0x185, v1  }
0x75: {  	v49 =	vimm.s32 $0x1D1C1B1A;
	v0 =	vsel vm1, $0x1084, v0;
	v1 =	vsel vm9, $0x206, v1  }
0x76: {  	v0 =	vsel vm3, $0x1105, v0;
	v32 =	vsel vm8, $0x287, v1;
	v1 =	vsel vm15, $0x1380, v34  }
0x77: {  	v27 =	vsel vm5, $0x1186, v0;
	v0 =	vsel vm7, $0x300, v32;
	v1 =	vsel vm14, $0x1, v1  }
0x78: {  	v2 =	vsel vm15, $0x2000, v35;
	v0 =	vsel vm6, $0x381, v0;
	v1 =	vsel vm13, $0x82, v1  }
0x79: {  	v2 =	vsel vm14, $0x2081, v2;
	v0 =	vsel vm4, $0x1002, v0;
	v1 =	vsel vm12, $0x103, v1  }
0x7a: {  	v2 =	vsel vm13, $0x2102, v2;
	v0 =	vsel vm2, $0x1083, v0;
	v1 =	vsel vm11, $0x184, v1  }
0x7b: {  	v2 =	vsel vm12, $0x2183, v2;
	v0 =	vsel vm1, $0x1104, v0;
	v1 =	vsel vm10, $0x205, v1  }
0x7c: {  	v2 =	vsel vm11, $0x2204, v2;
	v0 =	vsel vm3, $0x1185, v0;
	v37 =	vsel vm9, $0x286, v1  }
0x7d: {  	v2 =	vsel vm10, $0x2285, v2;
	v29 =	vsel vm5, $0x1206, v0;
	v0 =	vsel vm8, $0x307, v37  }
0x7e: {  	v38 =	vsel vm9, $0x2306, v2;
	v2 =	vsel vm15, $0x2080, v39;
	v0 =	vsel vm7, $0x380, v0  }
0x7f: {  	v2 =	vsel vm14, $0x2101, v2;
	v1 =	vsel vm8, $0x2387, v38;
	v0 =	vsel vm6, $0x1001, v0  }
0x80: {  	v2 =	vsel vm13, $0x2182, v2;
	v1 =	vsel vm7, $0x3000, v1;
	v0 =	vsel vm4, $0x1082, v0  }
0x81: {  	v2 =	vsel vm12, $0x2203, v2;
	v1 =	vsel vm6, $0x3081, v1;
	v0 =	vsel vm2, $0x1103, v0  }
0x82: {  	v2 =	vsel vm11, $0x2284, v2;
	v1 =	vsel vm4, $0x3102, v1;
	v0 =	vsel vm1, $0x1184, v0  }
0x83: {  	v40 =	vsel vm10, $0x2305, v2;
	v1 =	vsel vm2, $0x3183, v1;
	v0 =	vsel vm3, $0x1205, v0  }
0x84: {  	v1 =	vsel vm1, $0x3204, v1;
	v31 =	vsel vm5, $0x1286, v0;
	v0 =	vsel vm9, $0x2386, v40  }
0x85: {  	v36 =	vunpack.c.0.s8.s32 v50;
	v1 =	vsel vm3, $0x3285, v1;
	v0 =	vsel vm8, $0x3007, v0  }
0x86: {  	v32 =	vsel vm5, $0x3306, v1;
	v1 =	vsel vm15, $0x2100, v43;
	v0 =	vsel vm7, $0x3080, v0  }
0x87: {  	v54 =	vimm.s32 $0x1211101F;
	v1 =	vsel vm14, $0x2181, v1;
	v0 =	vsel vm6, $0x3101, v0  }
0x88: {  	v53 =	vimm.s32 $0x1E1D1C1B;
	v1 =	vsel vm13, $0x2202, v1;
	v0 =	vsel vm4, $0x3182, v0  }
0x89: {  	v35 =	vunpack.c.0.s8.s32 v49;
	v1 =	vsel vm12, $0x2283, v1;
	v0 =	vsel vm2, $0x3203, v0  }
0x8a: {  	v49 =	vimm.s32 $0x3007;
	v1 =	vsel vm11, $0x2304, v1;
	v0 =	vsel vm1, $0x3284, v0  }
0x8b: {  	v58 =	vimm.s32 $0x1F1E1D1C;
	v47 =	vsel vm10, $0x2385, v1;
	v0 =	vsel vm3, $0x3305, v0  }
0x8c: {  	v59 =	vunpack.c.0.s8.s32 v58;
	v37 =	vsel vm5, $0x3386, v0;
	v0 =	vsel vm9, $0x3006, v47  }
0x8d: {  	v39 =	vunpack.c.0.s8.s32 v52;
	v43 =	vimm.s32 $0x2287;
	v0 =	vsel vm8, $0x3087, v0  }
0x8e: {  	v61 =	vimm.s32 $0x17161514;
	v2 =	vsel vm15, $0x2300, v43;
	v0 =	vsel vm7, $0x3100, v0  }
0x8f: {  	v60 =	vimm.s32 $0x13121110;
	v2 =	vsel vm14, $0x2381, v2;
	v0 =	vsel vm6, $0x3181, v0  }
0x90: {  	v34 =	vunpack.c.0.s8.s32 v45;
	v2 =	vsel vm13, $0x3002, v2;
	v0 =	vsel vm4, $0x3202, v0  }
0x91: {  	v2 =	vsel vm12, $0x3083, v2;
	v1 =	vsel vm14, $0x2201, v48;
	v0 =	vsel vm2, $0x3283, v0  }
0x92: {  	v2 =	vsel vm11, $0x3104, v2;
	v1 =	vsel vm13, $0x2282, v1;
	v0 =	vsel vm1, $0x3304, v0  }
0x93: {  	v2 =	vsel vm10, $0x3185, v2;
	v1 =	vsel vm12, $0x2303, v1;
	v0 =	vsel vm3, $0x3385, v0  }
0x94: {  	v2 =	vsel vm9, $0x3206, v2;
	v42 =	vsel vm5, $0x2006, v0;
	v0 =	vunpack.c.0.s8.s32 v53  }
0x95: {  	v38 =	vunpack.c.0.s8.s32 v51;
	v1 =	vsel vm11, $0x2384, v1;
	v2 =	vsel vm8, $0x3287, v2  }
0x96: {  	v1 =	vsel vm10, $0x3005, v1;
	v2 =	vsel vm7, $0x3300, v2;
	[tilespmem:$0x1FE90] =	vst v0;
	v0 =	vunpack.c.0.s8.s32 v54  }
0x97: {  	v40 =	vimm.s32 $0x2187;
	v1 =	vsel vm9, $0x3086, v1;
	v2 =	vsel vm6, $0x3381, v2  }
0x98: {  	v1 =	vsel vm8, $0x3107, v1;
	v2 =	vsel vm4, $0x2002, v2;
	[tilespmem:$0x1FEA0] =	vst v0;
	v0 =	vunpack.c.0.s8.s32 v55  }
0x99: {  	v43 =	vimm.s32 $0x3287;
	v1 =	vsel vm7, $0x3180, v1;
	v2 =	vsel vm2, $0x2083, v2  }
0x9a: {  	v1 =	vsel vm6, $0x3201, v1;
	v2 =	vsel vm1, $0x2104, v2;
	[tilespmem:$0x1FEB0] =	vst v0;
	v0 =	vunpack.c.0.s8.s32 v56  }
0x9b: {  	v48 =	vimm.s32 $0x2387;
	v1 =	vsel vm4, $0x3282, v1;
	v45 =	vsel vm3, $0x2185, v2  }
0x9c: {  	v2 =	vsel vm15, $0x3080, v49;
	v1 =	vsel vm2, $0x3303, v1;
	[tilespmem:$0x1FEC0] =	vst v0;
	v0 =	vunpack.c.0.s8.s32 v60  }
0x9d: {  	v49 =	vsel vm0, v34, v5;
	v2 =	vsel vm14, $0x3101, v2;
	v1 =	vsel vm1, $0x3384, v1  }
0x9e: {  	v2 =	vsel vm13, $0x3182, v2;
	v57 =	vsel vm3, $0x2005, v1;
	[tilespmem:$0x1FEE0] =	vst v0;
	v0 =	vunpack.c.0.s8.s32 v61  }
0x9f: {  	v1 =	vsel vm15, $0x2280, v41;
	v2 =	vsel vm12, $0x3203, v2;
	v41 =	vimm.s32 $0x3207  }
0xa0: {  	v47 =	vsel vm5, $0x2086, v57;
	v1 =	vsel vm14, $0x2301, v1;
	[tilespmem:$0x1FEF0] =	vst v0;
	v0 =	vsel vm15, $0x2200, v40  }
0xa1: {  	v2 =	vsel vm11, $0x3284, v2;
	v1 =	vsel vm13, $0x2382, v1;
	v0 =	vsel vm14, $0x2281, v0  }
0xa2: {  	v54 =	vsel vm5, $0x2206, v45;
	v2 =	vsel vm10, $0x3305, v2;
	v0 =	vsel vm13, $0x2302, v0  }
0xa3: {  	v1 =	vsel vm12, $0x3003, v1;
	v2 =	vsel vm9, $0x3386, v2;
	v0 =	vsel vm12, $0x2383, v0  }
0xa4: {  	v1 =	vsel vm11, $0x3084, v1;
	v2 =	vsel vm8, $0x2007, v2;
	v0 =	vsel vm11, $0x3004, v0  }
0xa5: {  	v1 =	vsel vm10, $0x3105, v1;
	v2 =	vsel vm7, $0x2080, v2;
	v0 =	vsel vm10, $0x3085, v0  }
0xa6: {  	v1 =	vsel vm9, $0x3186, v1;
	v2 =	vsel vm6, $0x2101, v2;
	v0 =	vsel vm9, $0x3106, v0  }
0xa7: {  	v1 =	vsel vm8, $0x3207, v1;
	v2 =	vsel vm4, $0x2182, v2;
	v0 =	vsel vm8, $0x3187, v0  }
0xa8: {  	v1 =	vsel vm7, $0x3280, v1;
	v2 =	vsel vm2, $0x2203, v2;
	v0 =	vsel vm7, $0x3200, v0  }
0xa9: {  	v60 =	vimm.s32 $0x3087;
	v1 =	vsel vm6, $0x3301, v1;
	v0 =	vsel vm6, $0x3281, v0  }
0xaa: {  	v2 =	vsel vm1, $0x2284, v2;
	v1 =	vsel vm4, $0x3382, v1;
	v0 =	vsel vm4, $0x3302, v0  }
0xab: {  	v51 =	vsel vm3, $0x2305, v2;
	v1 =	vsel vm2, $0x2003, v1;
	v0 =	vsel vm2, $0x3383, v0  }
0xac: {  	v61 =	vimm.s32 $0x3107;
	v1 =	vsel vm1, $0x2084, v1;
	v0 =	vsel vm1, $0x2004, v0  }
0xad: {  	v2 =	vsel vm15, $0x3200, v62;
	v44 =	vsel vm3, $0x2105, v1;
	v0 =	vsel vm3, $0x2085, v0  }
0xae: {  	v1 =	vsel vm15, $0x3000, v48;
	v52 =	vsel vm5, $0x2106, v0;
	v0 =	vsel vm15, $0x2380, v46  }
0xaf: {  	v57 =	vsel vm5, $0x2386, v51;
	v1 =	vsel vm14, $0x3081, v1;
	v0 =	vsel vm14, $0x3001, v0  }
0xb0: {  	v2 =	vsel vm14, $0x3281, v2;
	v1 =	vsel vm13, $0x3102, v1;
	v0 =	vsel vm13, $0x3082, v0  }
0xb1: {  	v51 =	vsel vm0, v39, v38;
	v1 =	vsel vm12, $0x3183, v1;
	v0 =	vsel vm12, $0x3103, v0  }
0xb2: {  	s3 =	stileid.u32;
	v2 =	vsel vm13, $0x3302, v2;
	v1 =	vsel vm11, $0x3204, v1;
	v0 =	vsel vm11, $0x3184, v0  }
0xb3: {  	s0 =	rddreg [dreg:$0x0];
	s4 =	sshll.u32 s3, $0x1;
	s3 =	simm.s32 $0x0;
	[tilespmem:$0x1FF00] =	vst v63;
	v2 =	vsel vm12, $0x3383, v2;
	v1 =	vsel vm10, $0x3285, v1;
	v0 =	vsel vm10, $0x3205, v0  }
0xb4: {  	[smem:$0x7FF] =	sst s3;
	[tilespmem:$0x1FED0] =	vst v59;
	v48 =	vsel vm0, v4, v3;
	v1 =	vsel vm9, $0x3306, v1;
	v0 =	vsel vm9, $0x3286, v0  }
0xb5: {  	s2 =	rddreg [dreg:$0x1];
	_ =	strace $0x80000047;
	[tilespmem:$0x1FF70] =	vst v38;
	v38 =	vor.u32 $0x10, v33;
	v1 =	vsel vm8, $0x3387, v1;
	v0 =	vsel vm8, $0x3307, v0  }
0xb6: {  	v53 =	vsel vm5, $0x2186, v44;
	v1 =	vsel vm7, $0x2000, v1;
	v0 =	vsel vm7, $0x3380, v0  }
0xb7: {  	v2 =	vsel vm11, $0x2004, v2;
	v1 =	vsel vm6, $0x2081, v1;
	v0 =	vsel vm6, $0x2001, v0  }
0xb8: {  	v44 =	vimm.s32 $0x3307;
	v1 =	vsel vm4, $0x2102, v1;
	v0 =	vsel vm4, $0x2082, v0  }
0xb9: {  	[tilespmem:$0x1FF80] =	vst v39;
	v39 =	vcombine.low v49, v48;
	v1 =	vsel vm2, $0x2183, v1;
	v0 =	vsel vm2, $0x2103, v0  }
0xba: {  	v2 =	vsel vm10, $0x2085, v2;
	v1 =	vsel vm1, $0x2204, v1;
	v0 =	vsel vm1, $0x2184, v0  }
0xbb: {  	v2 =	vsel vm9, $0x2106, v2;
	v50 =	vsel vm3, $0x2285, v1;
	v0 =	vsel vm3, $0x2205, v0  }
0xbc: {  	v1 =	vsel vm15, $0x3180, v61;
	v55 =	vsel vm5, $0x2286, v0;
	v0 =	vsel vm15, $0x3100, v60  }
0xbd: {  	v2 =	vsel vm8, $0x2187, v2;
	v1 =	vsel vm14, $0x3201, v1;
	v0 =	vsel vm14, $0x3181, v0  }
0xbe: {  	v2 =	vsel vm7, $0x2200, v2;
	v1 =	vsel vm13, $0x3282, v1;
	v0 =	vsel vm13, $0x3202, v0  }
0xbf: {  	v2 =	vsel vm6, $0x2281, v2;
	v1 =	vsel vm12, $0x3303, v1;
	v0 =	vsel vm12, $0x3283, v0  }
0xc0: {  	v2 =	vsel vm4, $0x2302, v2;
	v1 =	vsel vm11, $0x3384, v1;
	v0 =	vsel vm11, $0x3304, v0  }
0xc1: {  	v2 =	vsel vm2, $0x2383, v2;
	v1 =	vsel vm10, $0x2005, v1;
	v0 =	vsel vm10, $0x3385, v0  }
0xc2: {  	v2 =	vsel vm1, $0x3004, v2;
	v1 =	vsel vm9, $0x2086, v1;
	v0 =	vsel vm9, $0x2006, v0  }
0xc3: {  	v40 =	vsel vm3, $0x3085, v2;
	v1 =	vsel vm8, $0x2107, v1;
	v0 =	vsel vm8, $0x2087, v0  }
0xc4: {  	v2 =	vsel vm15, $0x3380, v44;
	v1 =	vsel vm7, $0x2180, v1;
	v0 =	vsel vm7, $0x2100, v0  }
0xc5: {  	v2 =	vsel vm14, $0x2001, v2;
	v1 =	vsel vm6, $0x2201, v1;
	v0 =	vsel vm6, $0x2181, v0  }
0xc6: {  	v2 =	vsel vm13, $0x2082, v2;
	v1 =	vsel vm4, $0x2282, v1;
	v0 =	vsel vm4, $0x2202, v0  }
0xc7: {  	v2 =	vsel vm12, $0x2103, v2;
	v1 =	vsel vm2, $0x2303, v1;
	v0 =	vsel vm2, $0x2283, v0  }
0xc8: {  	s1 =	srdreg.scid;
	v56 =	vsel vm5, $0x2306, v50;
	v1 =	vsel vm1, $0x2384, v1;
	v0 =	vsel vm1, $0x2304, v0  }
0xc9: {  	s14 =	simm.s32 $0x200;
	s15 =	simm.s32 $0x1;
	s16 =	simm.s32 $0x400;
	v2 =	vsel vm11, $0x2184, v2;
	v63 =	vsel vm3, $0x3005, v1;
	v0 =	vsel vm3, $0x2385, v0  }
0xca: {  	s17 =	simm.s32 $0x2;
	s18 =	simm.s32 $0x4400;
	s1 =	sand.u32 $0x1, s1;
	v1 =	vsel vm15, $0x3300, v43;
	v58 =	vsel vm5, $0x3006, v0;
	v0 =	vsel vm15, $0x3280, v41  }
0xcb: {  	s20 =	simm.s32 $0x8400;
	s5 =	sadd.s32 $0xF42A00, s0;
	s8 =	sor.u32 s1, s4;
	v50 =	vsel vm0, v36, v35;
	v1 =	vsel vm14, $0x3381, v1;
	v0 =	vsel vm14, $0x3301, v0  }
0xcc: {  	s19 =	simm.s32 $0x3;
	s22 =	simm.s32 $0x1000;
	s7 =	smul.u32 $0xC80, s8;
	[tilespmem:$0x1FF10] =	vst v3;
	v2 =	vsel vm10, $0x2205, v2;
	v1 =	vsel vm13, $0x2002, v1;
	v0 =	vsel vm13, $0x3382, v0  }
0xcd: {  	s28 =	simm.s32 $0x5;
	s29 =	simm.s32 $0x6;
	s4 =	smul.u32 $0x6400, s8;
	[tilespmem:$0x1FF20] =	vst v4;
	v2 =	vsel vm9, $0x2286, v2;
	v1 =	vsel vm12, $0x2083, v1;
	v0 =	vsel vm12, $0x2003, v0  }
0xce: {  	s30 =	simm.s32 $0x0;
	s1 =	ssub.s32 $0x2, s1;
	s25 =	smul.u32 $0x19000, s8;
	[tilespmem:$0x1FF30] =	vst v5;
	v2 =	vsel vm8, $0x2307, v2;
	v1 =	vsel vm11, $0x2104, v1;
	v0 =	vsel vm11, $0x2084, v0  }
0xcf: {  	s6 =	sadd.s32 $0x600, s0;
	s9 =	sshrl.u32 s1, $0x1;
	s12 =	smul.u32 $0x32, s8;
	[tilespmem:$0x1FF40] =	vst v34;
	v2 =	vsel vm7, $0x2380, v2;
	v1 =	vsel vm10, $0x2185, v1;
	v0 =	vsel vm10, $0x2105, v0  }
0xd0: {  	s8 =	smul.u32 $0x2400, s8;
	s23 =	ssub.s32 s1, s9;
	s7 =	sadd.s32 s6, s7;
	[tilespmem:$0x1FF50] =	vst v35;
	v2 =	vsel vm6, $0x3001, v2;
	v1 =	vsel vm9, $0x2206, v1;
	v0 =	vsel vm9, $0x2186, v0  }
0xd1: {  	s24 =	sshrl.u32 s4, $0x3;
	s9 =	sand.u32 $0x3F0000, s25;
	s13 =	sadd.s32 $0x6200, s4;
	[tilespmem:$0x1FF60] =	vst v36;
	v2 =	vsel vm4, $0x3082, v2;
	v1 =	vsel vm8, $0x2287, v1;
	v0 =	vsel vm8, $0x2207, v0  }
0xd2: {  	s8 =	sand.u32 $0x3C00, s8;
	s11 =	sadd.s32 $0xFFFFFE00, s4;
	s0 =	smax.u32 s23, $0x1;
	[tilespmem:$0x1FFA0] =	vst v49;
	v2 =	vsel vm2, $0x3103, v2;
	v1 =	vsel vm7, $0x2300, v1;
	v0 =	vsel vm7, $0x2280, v0  }
0xd3: {  	s23 =	simm.s32 $0x20000;
	s25 =	simm.s32 $0x4;
	s10 =	sadd.s32 $0x40, s7;
	[tilespmem:$0x1FFC0] =	vst v51;
	v2 =	vsel vm1, $0x3184, v2;
	v1 =	vsel vm6, $0x2381, v1;
	v0 =	vsel vm6, $0x2301, v0  }
0xd4: {  	s1 =	sadd.s32 s6, s24;
	s26 =	sadd.s32 s2, s9;
	s31 =	sshll.u32 s13, $0x2;
	[tilespmem:$0x1FFD0] =	vst v8;
	v46 =	vsel vm3, $0x3205, v2;
	v1 =	vsel vm4, $0x3002, v1;
	v0 =	vsel vm4, $0x2382, v0  }
0xd5: {  	s13 =	sand.u32 $0x3E00, s13;
	s1 =	sadd.s32 $0x80, s1;
	s9 =	sand.u32 $0x7F0000, s31;
	[tilespmem:$0x1FFE0] =	vst v7;
	v59 =	vsel vm5, $0x3086, v63;
	v1 =	vsel vm2, $0x3083, v1;
	v0 =	vsel vm2, $0x3003, v0  }
0xd6: {  	s21 =	sadd.s32 s8, s26;
	s9 =	sadd.s32 s2, s9;
	[dreg:$0x3] =	wrdreg s10;
	[tilespmem:$0x1FFF0] =	vst v6;
	v60 =	vsel vm5, $0x3106, v40;
	v1 =	vsel vm1, $0x3104, v1;
	v0 =	vsel vm1, $0x3084, v0  }
0xd7: {  	s26 =	simm.s32 $0xC400;
	s24 =	sadd.s32 s13, s9;
	[dreg:$0x4] =	wrdreg s1;
	[tilespmem:$0x1FF90] =	vst v48;
	v63 =	vsel vm5, $0x3286, v46;
	v45 =	vsel vm3, $0x3185, v1;
	v0 =	vsel vm3, $0x3105, v0  }
0xd8: {  	s10 =	sor.u32 $0x1, s12;
	s12 =	sadd.s32 $0x2, s12;
	[dreg:$0x5] =	wrdreg s0;
	[tilespmem:$0x1FFB0] =	vst v50;
	v40 =	vcombine.low v51, v50;
	v62 =	vsel vm5, $0x3206, v45;
	v61 =	vsel vm5, $0x3186, v0  }
.LBB2_1:
0xd9: {  	[tilespmem:s3], [sflag:$0x1] =	stream.linear.gather [hbm4b:s7+s3], $0x200, $0x38;
	[tilespmem:$0x10400] =	vst v63  }
0xda: {  	s0 =	rddreg [dreg:$0x3]  }
0xdb: {  	[tilespmem:s14], [sflag:$0x2] =	stream.linear.gather [hbm4b:s0+s3], $0x200, $0x38;
	[tilespmem:$0x10400] =	vst v63  }
0xdc: {  	_ =	swait.ge [sflag:s15], $0x200  }
0xdd: {  	[sflag:s15] =	ssyncset.done $0x0  }
0xde: {  	[sflag:s15] =	ssyncadd.s32 $0xFFFFFE00  }
0xdf: {  	[tilespmem:s16], [sflag:$0x3] =	stream.indirect.gather [hbm4b:s5+s14], $0x20, s3, s14, $0xb8;
	[tilespmem:$0x10400] =	vst v63  }
0xe0: {  	_ =	swait.ge [sflag:s17], $0x200  }
0xe1: {  	s9 =	sand.u32 $0x70, s3;
	v2 =	vlaneseq.u32;
	[sflag:s17] =	ssyncset.done $0x0  }
0xe2: {  	s13 =	simm.s32 $0x0;
	v0 =	vor.u32 s9, v2;
	[sflag:s17] =	ssyncadd.s32 $0xFFFFFE00  }
0xe3: {  	v1 =	vor.u32 s13, v0;
	[tilespmem:s18], [sflag:$0x4] =	stream.indirect.gather [hbm4b:s5+s14], $0x20, s14, s14, $0xb8;
	[tilespmem:$0x10400] =	vst v63  }
0xe4: {  	v1 =	vshll.u32 v1, $0x5;
	_ =	swait.ge [sflag:s19], $0x4000  }
0xe5: {  	v2 =	vor.u32 v2, v1;
	v3 =	vld [tilespmem:$0x1FE40];
	_ =	sdelay $0x1  }
0xe6: {  	[sflag:s19] =	ssyncset.done $0x0  }
0xe7: {  	s31 =	simm.s32 $0x0;
	v0 =	vand.u32 $0x78, v0;
	s1 =	rddreg [dreg:$0x4];
	[sflag:s19] =	ssyncadd.s32 $0xFFFFC000  }
0xe8: {  	v0 =	vor.u32 s31, v0;
	v4 =	vld [tilespmem:$0x1FE50];
	[tilespmem:s3], [sflag:$0x1] =	stream.linear.gather [hbm4b:s1+s3], $0x200, $0x38  }
0xe9: {  	v2 =	vld.idx.msk [tilespmem:v2+s16+$0x0], $0xffff;
	v3 =	vor.u32 v3, v0;
	_ =	sdelay $0x4  }
0xea: {  	v33 =	vor.u32 v4, v1;
	[tilespmem:v3+s20+$0x0] =	vst.idx.msk $0xffff, v2;
	v3 =	vld [tilespmem:$0x1FE60];
	_ =	sdelay $0x3  }
0xeb: {  	v4 =	vld [tilespmem:$0x1FE70]  }
0xec: {  	v2 =	vld.idx.msk [tilespmem:v33+s16+$0x0], $0xffff;
	v3 =	vor.u32 v3, v0;
	_ =	sdelay $0x4  }
0xed: {  	v45 =	vor.u32 v4, v1;
	[tilespmem:v3+s20+$0x0] =	vst.idx.msk $0xffff, v2;
	v3 =	vld [tilespmem:$0x1FE80];
	_ =	sdelay $0x4  }
0xee: {  	v2 =	vld.idx.msk [tilespmem:v45+s16+$0x0], $0xffff;
	v3 =	vor.u32 v3, v0  }
0xef: {  	v46 =	vor.u32 v7, v1;
	_ =	sdelay $0x3  }
0xf0: {  	[tilespmem:v3+s20+$0x0] =	vst.idx.msk $0xffff, v2  }
0xf1: {  	v3 =	vor.u32 v8, v0;
	v2 =	vld.idx.msk [tilespmem:v46+s16+$0x0], $0xffff  }
0xf2: {  	v48 =	vor.u32 v6, v1;
	_ =	sdelay $0x3  }
0xf3: {  	[tilespmem:v3+s20+$0x0] =	vst.idx.msk $0xffff, v2  }
0xf4: {  	v3 =	vor.u32 v9, v0;
	v2 =	vld.idx.msk [tilespmem:v48+s16+$0x0], $0xffff  }
0xf5: {  	v49 =	vor.u32 v10, v1;
	_ =	sdelay $0x3  }
0xf6: {  	[tilespmem:v3+s20+$0x0] =	vst.idx.msk $0xffff, v2  }
0xf7: {  	v3 =	vor.u32 v11, v0;
	v2 =	vld.idx.msk [tilespmem:v49+s16+$0x0], $0xffff  }
0xf8: {  	v50 =	vor.u32 v12, v1;
	_ =	sdelay $0x3  }
0xf9: {  	[tilespmem:v3+s20+$0x0] =	vst.idx.msk $0xffff, v2  }
0xfa: {  	v3 =	vor.u32 v13, v0;
	v2 =	vld.idx.msk [tilespmem:v50+s16+$0x0], $0xffff  }
0xfb: {  	v51 =	vor.u32 v14, v1;
	_ =	sdelay $0x3  }
0xfc: {  	[tilespmem:v3+s20+$0x0] =	vst.idx.msk $0xffff, v2  }
0xfd: {  	v3 =	vor.u32 v15, v0;
	v2 =	vld.idx.msk [tilespmem:v51+s16+$0x0], $0xffff  }
0xfe: {  	v36 =	vor.u32 v16, v1;
	_ =	sdelay $0x3  }
0xff: {  	[tilespmem:v3+s20+$0x0] =	vst.idx.msk $0xffff, v2  }
0x100: {  	v3 =	vor.u32 v17, v0;
	v2 =	vld.idx.msk [tilespmem:v36+s16+$0x0], $0xffff  }
0x101: {  	v41 =	vor.u32 v18, v1;
	_ =	sdelay $0x3  }
0x102: {  	[tilespmem:v3+s20+$0x0] =	vst.idx.msk $0xffff, v2  }
0x103: {  	v3 =	vor.u32 v19, v0;
	v2 =	vld.idx.msk [tilespmem:v41+s16+$0x0], $0xffff  }
0x104: {  	v43 =	vor.u32 v20, v1;
	_ =	sdelay $0x3  }
0x105: {  	[tilespmem:v3+s20+$0x0] =	vst.idx.msk $0xffff, v2  }
0x106: {  	v3 =	vor.u32 v21, v0;
	v2 =	vld.idx.msk [tilespmem:v43+s16+$0x0], $0xffff  }
0x107: {  	v44 =	vor.u32 v22, v1;
	_ =	sdelay $0x3  }
0x108: {  	[tilespmem:v3+s20+$0x0] =	vst.idx.msk $0xffff, v2  }
0x109: {  	v3 =	vor.u32 v23, v0;
	v2 =	vld.idx.msk [tilespmem:v44+s16+$0x0], $0xffff  }
0x10a: {  	v45 =	vor.u32 v24, v1;
	_ =	sdelay $0x3  }
0x10b: {  	[tilespmem:v3+s20+$0x0] =	vst.idx.msk $0xffff, v2  }
0x10c: {  	v3 =	vor.u32 v25, v0;
	v2 =	vld.idx.msk [tilespmem:v45+s16+$0x0], $0xffff  }
0x10d: {  	v46 =	vor.u32 v26, v1;
	_ =	sdelay $0x3  }
0x10e: {  	[tilespmem:v3+s20+$0x0] =	vst.idx.msk $0xffff, v2  }
0x10f: {  	v3 =	vor.u32 v27, v0;
	v2 =	vld.idx.msk [tilespmem:v46+s16+$0x0], $0xffff  }
0x110: {  	v48 =	vor.u32 v28, v1;
	_ =	sdelay $0x3  }
0x111: {  	[tilespmem:v3+s20+$0x0] =	vst.idx.msk $0xffff, v2  }
0x112: {  	v3 =	vor.u32 v29, v0;
	v2 =	vld.idx.msk [tilespmem:v48+s16+$0x0], $0xffff  }
0x113: {  	v49 =	vor.u32 v30, v1;
	_ =	sdelay $0x3  }
0x114: {  	v44 =	vld [tilespmem:$0x1FE90];
	[tilespmem:v3+s20+$0x0] =	vst.idx.msk $0xffff, v2  }
0x115: {  	v3 =	vor.u32 v31, v0;
	v2 =	vld.idx.msk [tilespmem:v49+s16+$0x0], $0xffff  }
0x116: {  	v50 =	vor.u32 v38, v1;
	v45 =	vld [tilespmem:$0x1FEA0]  }
0x117: {  	v46 =	vld [tilespmem:$0x1FEB0]  }
0x118: {  	v48 =	vld [tilespmem:$0x1FEC0];
	_ =	sdelay $0x1  }
0x119: {  	[tilespmem:v3+s20+$0x0] =	vst.idx.msk $0xffff, v2  }
0x11a: {  	v3 =	vor.u32 v32, v0;
	v2 =	vld.idx.msk [tilespmem:v50+s16+$0x0], $0xffff  }
0x11b: {  	v51 =	vor.u32 v39, v1  }
0x11c: {  	v4 =	vsel vm0, v45, v44;
	v5 =	vsel vm0, v48, v46  }
0x11d: {  	[tilespmem:$0x1FDC0] =	vst v4;
	v41 =	vcombine.low v5, v4;
	v4 =	vld [tilespmem:$0x1FED0]  }
0x11e: {  	v49 =	vld [tilespmem:$0x1FF00]  }
0x11f: {  	v50 =	vld [tilespmem:$0x1FEE0];
	[tilespmem:v3+s20+$0x0] =	vst.idx.msk $0xffff, v2  }
0x120: {  	v2 =	vld.idx.msk [tilespmem:v51+s16+$0x0], $0xffff  }
0x121: {  	v51 =	vld [tilespmem:$0x1FEF0];
	_ =	sdelay $0x4  }
0x122: {  	[tilespmem:$0x1FDB0] =	vst v5;
	v3 =	vor.u32 v37, v0;
	v4 =	vsel vm0, v50, v4;
	v5 =	vsel vm0, v49, v51  }
0x123: {  	v36 =	vor.u32 v40, v1;
	[tilespmem:$0x1FDE0] =	vst v4;
	v33 =	vcombine.low v5, v4;
	v4 =	vld [tilespmem:$0x1FF20]  }
0x124: {  	[tilespmem:$0x1FDD0] =	vst v5;
	v5 =	vld [tilespmem:$0x1FF30];
	_ =	sdelay $0x2  }
0x125: {  	[tilespmem:v3+s20+$0x0] =	vst.idx.msk $0xffff, v2  }
0x126: {  	v3 =	vor.u32 v42, v0;
	v2 =	vld.idx.msk [tilespmem:v36+s16+$0x0], $0xffff  }
0x127: {  	v34 =	vor.u32 v41, v1;
	v36 =	vsel vm0, v5, v4;
	v4 =	vld [tilespmem:$0x1FF10]  }
0x128: {  	v5 =	vld [tilespmem:$0x1FF40];
	_ =	sdelay $0x2  }
0x129: {  	[tilespmem:v3+s20+$0x0] =	vst.idx.msk $0xffff, v2  }
0x12a: {  	v2 =	vld.idx.msk [tilespmem:v34+s16+$0x0], $0xffff  }
0x12b: {  	v4 =	vsel vm0, v4, v5;
	v5 =	vld [tilespmem:$0x1FF70]  }
0x12c: {  	[tilespmem:$0x1FDF0] =	vst v4;
	v34 =	vcombine.low v4, v36;
	v4 =	vld [tilespmem:$0x1FF60]  }
0x12d: {  	v3 =	vor.u32 v47, v0  }
0x12e: {  	v35 =	vor.u32 v33, v1;
	_ =	sdelay $0x2  }
0x12f: {  	v43 =	vsel vm0, v5, v4;
	v4 =	vld [tilespmem:$0x1FF50]  }
0x130: {  	[tilespmem:v3+s20+$0x0] =	vst.idx.msk $0xffff, v2;
	v5 =	vld [tilespmem:$0x1FF80]  }
0x131: {  	v3 =	vor.u32 v52, v0;
	v2 =	vld.idx.msk [tilespmem:v35+s16+$0x0], $0xffff  }
0x132: {  	[tilespmem:$0x1FE00] =	vst v36;
	v36 =	vor.u32 v34, v1;
	_ =	sdelay $0x2  }
0x133: {  	v5 =	vsel vm0, v4, v5  }
0x134: {  	[tilespmem:v3+s20+$0x0] =	vst.idx.msk $0xffff, v2;
	v35 =	vcombine.low v5, v43  }
0x135: {  	v3 =	vor.u32 v53, v0;
	v2 =	vld.idx.msk [tilespmem:v36+s16+$0x0], $0xffff  }
0x136: {  	[tilespmem:$0x1FE10] =	vst v43;
	v43 =	vor.u32 v35, v1;
	_ =	sdelay $0x2  }
0x137: {  	v45 =	vsel vm0, v46, v45;
	v4 =	vsel vm0, v44, v48  }
0x138: {  	v36 =	vcombine.low v4, v45;
	[tilespmem:v3+s20+$0x0] =	vst.idx.msk $0xffff, v2  }
0x139: {  	v3 =	vor.u32 v54, v0;
	v2 =	vld.idx.msk [tilespmem:v43+s16+$0x0], $0xffff  }
0x13a: {  	v44 =	vor.u32 v36, v1;
	_ =	sdelay $0x2  }
0x13b: {  	v48 =	vsel vm0, v51, v50;
	v50 =	vld [tilespmem:$0x1FED0]  }
0x13c: {  	[tilespmem:v3+s20+$0x0] =	vst.idx.msk $0xffff, v2  }
0x13d: {  	v3 =	vor.u32 v55, v0;
	v2 =	vld.idx.msk [tilespmem:v44+s16+$0x0], $0xffff;
	_ =	sdelay $0x2  }
0x13e: {  	[tilespmem:$0x1FE20] =	vst v4;
	v4 =	vmov v45;
	v45 =	vsel vm0, v50, v49  }
0x13f: {  	v43 =	vcombine.low v45, v48  }
0x140: {  	[tilespmem:v3+s20+$0x0] =	vst.idx.msk $0xffff, v2;
	v2 =	vld [tilespmem:$0x1FF90]  }
0x141: {  	v45 =	vor.u32 v43, v1;
	v3 =	vld [tilespmem:$0x1FFA0];
	_ =	sdelay $0x4  }
0x142: {  	v44 =	vcombine.low v2, v3;
	v2 =	vld.idx.msk [tilespmem:v45+s16+$0x0], $0xffff;
	v3 =	vor.u32 v56, v0;
	_ =	sdelay $0x4  }
0x143: {  	[tilespmem:v3+s20+$0x0] =	vst.idx.msk $0xffff, v2;
	v2 =	vld [tilespmem:$0x1FFB0]  }
0x144: {  	v51 =	vor.u32 v44, v1;
	v3 =	vld [tilespmem:$0x1FFC0];
	_ =	sdelay $0x4  }
0x145: {  	v45 =	vcombine.low v2, v3;
	v2 =	vld.idx.msk [tilespmem:v51+s16+$0x0], $0xffff;
	v3 =	vor.u32 v57, v0;
	_ =	sdelay $0x4  }
0x146: {  	[tilespmem:v3+s20+$0x0] =	vst.idx.msk $0xffff, v2;
	v2 =	vld [tilespmem:$0x1FDB0]  }
0x147: {  	v48 =	vor.u32 v45, v1;
	v3 =	vld [tilespmem:$0x1FDC0];
	_ =	sdelay $0x4  }
0x148: {  	v46 =	vcombine.low v3, v2;
	v2 =	vld.idx.msk [tilespmem:v48+s16+$0x0], $0xffff;
	v3 =	vor.u32 v58, v0;
	_ =	sdelay $0x4  }
0x149: {  	[tilespmem:v3+s20+$0x0] =	vst.idx.msk $0xffff, v2;
	v2 =	vld [tilespmem:$0x1FDD0]  }
0x14a: {  	v49 =	vor.u32 v46, v1;
	v3 =	vld [tilespmem:$0x1FDE0];
	_ =	sdelay $0x4  }
0x14b: {  	v48 =	vcombine.low v3, v2;
	v2 =	vld.idx.msk [tilespmem:v49+s16+$0x0], $0xffff;
	v3 =	vor.u32 v59, v0;
	_ =	sdelay $0x4  }
0x14c: {  	[tilespmem:v3+s20+$0x0] =	vst.idx.msk $0xffff, v2;
	v2 =	vld [tilespmem:$0x1FDF0]  }
0x14d: {  	v50 =	vor.u32 v48, v1;
	v3 =	vld [tilespmem:$0x1FE00];
	_ =	sdelay $0x4  }
0x14e: {  	v49 =	vcombine.low v3, v2;
	v2 =	vld.idx.msk [tilespmem:v50+s16+$0x0], $0xffff;
	v3 =	vor.u32 v60, v0;
	_ =	sdelay $0x4  }
0x14f: {  	v51 =	vor.u32 v49, v1;
	[tilespmem:v3+s20+$0x0] =	vst.idx.msk $0xffff, v2;
	v2 =	vld [tilespmem:$0x1FE10];
	_ =	sdelay $0x4  }
0x150: {  	v3 =	vor.u32 v61, v0;
	v50 =	vcombine.low v2, v5;
	v2 =	vld.idx.msk [tilespmem:v51+s16+$0x0], $0xffff;
	_ =	sdelay $0x2  }
0x151: {  	v5 =	vor.u32 v50, v1  }
0x152: {  	[tilespmem:$0x1FE30] =	vst v5  }
0x153: {  	[tilespmem:v3+s20+$0x0] =	vst.idx.msk $0xffff, v2;
	v2 =	vld [tilespmem:$0x1FE30]  }
0x154: {  	v5 =	vld [tilespmem:$0x1FE20];
	_ =	sdelay $0x4  }
0x155: {  	v51 =	vcombine.low v4, v5  }
0x156: {  	s0 =	simm.s32 $0x10  }
0x157: {  	s8 =	simm.s32 $0x0;
	s9 =	sand.u32 $0x70, s0;
	s1 =	simm.s32 $0x2;
	v3 =	vor.u32 v62, v0;
	v1 =	vor.u32 v51, v1;
	v2 =	vld.idx.msk [tilespmem:v2+s16+$0x0], $0xffff  }
.LBB2_2:
0x158: {  	_ =	sdelay $0x3  }
0x159: {  	[tilespmem:v3+s20+$0x0] =	vst.idx.msk $0xffff, v2  }
0x15a: {  	v0 =	vor.u32 v63, v0;
	v3 =	vld.idx.msk [tilespmem:v1+s16+$0x0], $0xffff  }
0x15b: {  	v5 =	vlaneseq.u32  }
0x15c: {  	s13 =	sshll.u32 s8, $0x7;
	v4 =	vor.u32 s9, v5  }
0x15d: {  	v2 =	vor.u32 s13, v4  }
0x15e: {  	v1 =	vshll.u32 v2, $0x5  }
0x15f: {  	v2 =	vor.u32 v5, v1;
	[tilespmem:v0+s20+$0x0] =	vst.idx.msk $0xffff, v3;
	v3 =	vld [tilespmem:$0x1FE40];
	_ =	sdelay $0x2  }
0x160: {  	s31 =	sshll.u32 s8, $0xA;
	v4 =	vand.u32 $0x78, v4  }
0x161: {  	v0 =	vor.u32 s31, v4;
	v4 =	vld [tilespmem:$0x1FE50]  }
0x162: {  	v2 =	vld.idx.msk [tilespmem:v2+s16+$0x0], $0xffff;
	v3 =	vor.u32 v3, v0;
	_ =	sdelay $0x3  }
0x163: {  	v4 =	vor.u32 v4, v1  }
0x164: {  	[tilespmem:v3+s20+$0x0] =	vst.idx.msk $0xffff, v2;
	v3 =	vld [tilespmem:$0x1FE60];
	_ =	sdelay $0x3  }
0x165: {  	v2 =	vld.idx.msk [tilespmem:v4+s16+$0x0], $0xffff  }
0x166: {  	v4 =	vld [tilespmem:$0x1FE70];
	v3 =	vor.u32 v3, v0;
	_ =	sdelay $0x4  }
0x167: {  	v4 =	vor.u32 v4, v1;
	[tilespmem:v3+s20+$0x0] =	vst.idx.msk $0xffff, v2;
	v3 =	vld [tilespmem:$0x1FE80];
	_ =	sdelay $0x4  }
0x168: {  	v2 =	vld.idx.msk [tilespmem:v4+s16+$0x0], $0xffff;
	v3 =	vor.u32 v3, v0  }
0x169: {  	v4 =	vor.u32 v7, v1;
	_ =	sdelay $0x3  }
0x16a: {  	[tilespmem:v3+s20+$0x0] =	vst.idx.msk $0xffff, v2  }
0x16b: {  	v3 =	vor.u32 v8, v0;
	v2 =	vld.idx.msk [tilespmem:v4+s16+$0x0], $0xffff  }
0x16c: {  	v4 =	vor.u32 v6, v1;
	_ =	sdelay $0x3  }
0x16d: {  	[tilespmem:v3+s20+$0x0] =	vst.idx.msk $0xffff, v2  }
0x16e: {  	v3 =	vor.u32 v9, v0;
	v2 =	vld.idx.msk [tilespmem:v4+s16+$0x0], $0xffff  }
0x16f: {  	v4 =	vor.u32 v10, v1;
	_ =	sdelay $0x3  }
0x170: {  	[tilespmem:v3+s20+$0x0] =	vst.idx.msk $0xffff, v2  }
0x171: {  	v3 =	vor.u32 v11, v0;
	v2 =	vld.idx.msk [tilespmem:v4+s16+$0x0], $0xffff  }
0x172: {  	v4 =	vor.u32 v12, v1;
	_ =	sdelay $0x3  }
0x173: {  	[tilespmem:v3+s20+$0x0] =	vst.idx.msk $0xffff, v2  }
0x174: {  	v3 =	vor.u32 v13, v0;
	v2 =	vld.idx.msk [tilespmem:v4+s16+$0x0], $0xffff  }
0x175: {  	v4 =	vor.u32 v14, v1;
	_ =	sdelay $0x3  }
0x176: {  	[tilespmem:v3+s20+$0x0] =	vst.idx.msk $0xffff, v2  }
0x177: {  	v3 =	vor.u32 v15, v0;
	v2 =	vld.idx.msk [tilespmem:v4+s16+$0x0], $0xffff  }
0x178: {  	v4 =	vor.u32 v16, v1;
	_ =	sdelay $0x3  }
0x179: {  	[tilespmem:v3+s20+$0x0] =	vst.idx.msk $0xffff, v2  }
0x17a: {  	v3 =	vor.u32 v17, v0;
	v2 =	vld.idx.msk [tilespmem:v4+s16+$0x0], $0xffff  }
0x17b: {  	v4 =	vor.u32 v18, v1;
	_ =	sdelay $0x3  }
0x17c: {  	[tilespmem:v3+s20+$0x0] =	vst.idx.msk $0xffff, v2  }
0x17d: {  	v3 =	vor.u32 v19, v0;
	v2 =	vld.idx.msk [tilespmem:v4+s16+$0x0], $0xffff  }
0x17e: {  	v4 =	vor.u32 v20, v1;
	_ =	sdelay $0x3  }
0x17f: {  	[tilespmem:v3+s20+$0x0] =	vst.idx.msk $0xffff, v2  }
0x180: {  	v3 =	vor.u32 v21, v0;
	v2 =	vld.idx.msk [tilespmem:v4+s16+$0x0], $0xffff  }
0x181: {  	v4 =	vor.u32 v22, v1;
	_ =	sdelay $0x3  }
0x182: {  	[tilespmem:v3+s20+$0x0] =	vst.idx.msk $0xffff, v2  }
0x183: {  	v3 =	vor.u32 v23, v0;
	v2 =	vld.idx.msk [tilespmem:v4+s16+$0x0], $0xffff  }
0x184: {  	v4 =	vor.u32 v24, v1;
	_ =	sdelay $0x3  }
0x185: {  	[tilespmem:v3+s20+$0x0] =	vst.idx.msk $0xffff, v2  }
0x186: {  	v3 =	vor.u32 v25, v0;
	v2 =	vld.idx.msk [tilespmem:v4+s16+$0x0], $0xffff  }
0x187: {  	v4 =	vor.u32 v26, v1;
	_ =	sdelay $0x3  }
0x188: {  	[tilespmem:v3+s20+$0x0] =	vst.idx.msk $0xffff, v2  }
0x189: {  	v3 =	vor.u32 v27, v0;
	v2 =	vld.idx.msk [tilespmem:v4+s16+$0x0], $0xffff  }
0x18a: {  	v4 =	vor.u32 v28, v1;
	_ =	sdelay $0x3  }
0x18b: {  	[tilespmem:v3+s20+$0x0] =	vst.idx.msk $0xffff, v2  }
0x18c: {  	v3 =	vor.u32 v29, v0;
	v2 =	vld.idx.msk [tilespmem:v4+s16+$0x0], $0xffff  }
0x18d: {  	v4 =	vor.u32 v30, v1;
	_ =	sdelay $0x3  }
0x18e: {  	[tilespmem:v3+s20+$0x0] =	vst.idx.msk $0xffff, v2  }
0x18f: {  	v3 =	vor.u32 v31, v0;
	v2 =	vld.idx.msk [tilespmem:v4+s16+$0x0], $0xffff  }
0x190: {  	v4 =	vor.u32 v38, v1;
	_ =	sdelay $0x3  }
0x191: {  	[tilespmem:v3+s20+$0x0] =	vst.idx.msk $0xffff, v2  }
0x192: {  	v3 =	vor.u32 v32, v0;
	v2 =	vld.idx.msk [tilespmem:v4+s16+$0x0], $0xffff  }
0x193: {  	v4 =	vor.u32 v39, v1;
	_ =	sdelay $0x3  }
0x194: {  	[tilespmem:v3+s20+$0x0] =	vst.idx.msk $0xffff, v2  }
0x195: {  	v3 =	vor.u32 v37, v0;
	v2 =	vld.idx.msk [tilespmem:v4+s16+$0x0], $0xffff  }
0x196: {  	v4 =	vor.u32 v40, v1;
	_ =	sdelay $0x3  }
0x197: {  	[tilespmem:v3+s20+$0x0] =	vst.idx.msk $0xffff, v2  }
0x198: {  	v3 =	vor.u32 v42, v0;
	v2 =	vld.idx.msk [tilespmem:v4+s16+$0x0], $0xffff  }
0x199: {  	v4 =	vor.u32 v41, v1;
	_ =	sdelay $0x3  }
0x19a: {  	[tilespmem:v3+s20+$0x0] =	vst.idx.msk $0xffff, v2  }
0x19b: {  	v3 =	vor.u32 v47, v0;
	v2 =	vld.idx.msk [tilespmem:v4+s16+$0x0], $0xffff  }
0x19c: {  	v4 =	vor.u32 v33, v1;
	_ =	sdelay $0x3  }
0x19d: {  	[tilespmem:v3+s20+$0x0] =	vst.idx.msk $0xffff, v2  }
0x19e: {  	v3 =	vor.u32 v52, v0;
	v2 =	vld.idx.msk [tilespmem:v4+s16+$0x0], $0xffff  }
0x19f: {  	v4 =	vor.u32 v34, v1;
	_ =	sdelay $0x3  }
0x1a0: {  	[tilespmem:v3+s20+$0x0] =	vst.idx.msk $0xffff, v2  }
0x1a1: {  	v3 =	vor.u32 v53, v0;
	v2 =	vld.idx.msk [tilespmem:v4+s16+$0x0], $0xffff  }
0x1a2: {  	v4 =	vor.u32 v35, v1;
	_ =	sdelay $0x3  }
0x1a3: {  	[tilespmem:v3+s20+$0x0] =	vst.idx.msk $0xffff, v2  }
0x1a4: {  	v3 =	vor.u32 v54, v0;
	v2 =	vld.idx.msk [tilespmem:v4+s16+$0x0], $0xffff  }
0x1a5: {  	v4 =	vor.u32 v36, v1;
	_ =	sdelay $0x3  }
0x1a6: {  	[tilespmem:v3+s20+$0x0] =	vst.idx.msk $0xffff, v2  }
0x1a7: {  	v3 =	vor.u32 v55, v0;
	v2 =	vld.idx.msk [tilespmem:v4+s16+$0x0], $0xffff  }
0x1a8: {  	v4 =	vor.u32 v43, v1;
	_ =	sdelay $0x3  }
0x1a9: {  	[tilespmem:v3+s20+$0x0] =	vst.idx.msk $0xffff, v2  }
0x1aa: {  	v3 =	vor.u32 v56, v0;
	v2 =	vld.idx.msk [tilespmem:v4+s16+$0x0], $0xffff  }
0x1ab: {  	v4 =	vor.u32 v44, v1;
	_ =	sdelay $0x3  }
0x1ac: {  	[tilespmem:v3+s20+$0x0] =	vst.idx.msk $0xffff, v2  }
0x1ad: {  	v3 =	vor.u32 v57, v0;
	v2 =	vld.idx.msk [tilespmem:v4+s16+$0x0], $0xffff  }
0x1ae: {  	v4 =	vor.u32 v45, v1;
	_ =	sdelay $0x3  }
0x1af: {  	[tilespmem:v3+s20+$0x0] =	vst.idx.msk $0xffff, v2  }
0x1b0: {  	v3 =	vor.u32 v58, v0;
	v2 =	vld.idx.msk [tilespmem:v4+s16+$0x0], $0xffff  }
0x1b1: {  	v4 =	vor.u32 v46, v1;
	_ =	sdelay $0x3  }
0x1b2: {  	[tilespmem:v3+s20+$0x0] =	vst.idx.msk $0xffff, v2  }
0x1b3: {  	v3 =	vor.u32 v59, v0;
	v2 =	vld.idx.msk [tilespmem:v4+s16+$0x0], $0xffff  }
0x1b4: {  	v4 =	vor.u32 v48, v1;
	_ =	sdelay $0x3  }
0x1b5: {  	[tilespmem:v3+s20+$0x0] =	vst.idx.msk $0xffff, v2  }
0x1b6: {  	v3 =	vor.u32 v60, v0;
	v2 =	vld.idx.msk [tilespmem:v4+s16+$0x0], $0xffff  }
0x1b7: {  	v4 =	vor.u32 v49, v1;
	_ =	sdelay $0x3  }
0x1b8: {  	[tilespmem:v3+s20+$0x0] =	vst.idx.msk $0xffff, v2  }
0x1b9: {  	v3 =	vor.u32 v61, v0;
	v2 =	vld.idx.msk [tilespmem:v4+s16+$0x0], $0xffff  }
0x1ba: {  	p0 =	sne.s32 s1, $0x1F;
	v4 =	vor.u32 v50, v1  }
.Ltmp0:
0x1bb: {  	_ = 	snop;
	(pc) =	sbr.rel @p0 .LBB2_2-.Ltmp0, $3  }
0x1bc: {  	_ =	sdelay $0x1  }
0x1bd: {  	s0 =	sadd.s32 $0x10, s0;
	[tilespmem:v3+s20+$0x0] =	vst.idx.msk $0xffff, v2  }
0x1be: {  	s8 =	sshrl.u32 s1, $0x3;
	s1 =	sadd.s32 $0x1, s1;
	s9 =	sand.u32 $0x70, s0;
	v1 =	vor.u32 v51, v1;
	v3 =	vor.u32 v62, v0;
	v2 =	vld.idx.msk [tilespmem:v4+s16+$0x0], $0xffff  }
0x1bf: {  	_ =	sdelay $0x3  }
0x1c0: {  	[tilespmem:v3+s20+$0x0] =	vst.idx.msk $0xffff, v2  }
0x1c1: {  	v0 =	vor.u32 v63, v0;
	v3 =	vld.idx.msk [tilespmem:v1+s16+$0x0], $0xffff  }
0x1c2: {  	v5 =	vlaneseq.u32  }
0x1c3: {  	s0 =	sshll.u32 s8, $0x7;
	v4 =	vor.u32 s9, v5  }
0x1c4: {  	v2 =	vor.u32 s0, v4  }
0x1c5: {  	v1 =	vshll.u32 v2, $0x5  }
0x1c6: {  	v2 =	vor.u32 v5, v1;
	[tilespmem:v0+s20+$0x0] =	vst.idx.msk $0xffff, v3;
	v3 =	vld [tilespmem:$0x1FE40];
	_ =	sdelay $0x2  }
0x1c7: {  	s13 =	sshll.u32 s8, $0xA;
	v4 =	vand.u32 $0x78, v4  }
0x1c8: {  	v0 =	vor.u32 s13, v4;
	v4 =	vld [tilespmem:$0x1FE50]  }
0x1c9: {  	v2 =	vld.idx.msk [tilespmem:v2+s16+$0x0], $0xffff;
	v3 =	vor.u32 v3, v0;
	_ =	sdelay $0x3  }
0x1ca: {  	v4 =	vor.u32 v4, v1  }
0x1cb: {  	[tilespmem:v3+s20+$0x0] =	vst.idx.msk $0xffff, v2;
	v3 =	vld [tilespmem:$0x1FE60];
	_ =	sdelay $0x3  }
0x1cc: {  	v2 =	vld.idx.msk [tilespmem:v4+s16+$0x0], $0xffff  }
0x1cd: {  	v4 =	vld [tilespmem:$0x1FE70];
	v3 =	vor.u32 v3, v0;
	_ =	sdelay $0x4  }
0x1ce: {  	v4 =	vor.u32 v4, v1;
	[tilespmem:v3+s20+$0x0] =	vst.idx.msk $0xffff, v2;
	v3 =	vld [tilespmem:$0x1FE80];
	_ =	sdelay $0x4  }
0x1cf: {  	v2 =	vld.idx.msk [tilespmem:v4+s16+$0x0], $0xffff;
	v3 =	vor.u32 v3, v0  }
0x1d0: {  	v4 =	vor.u32 v7, v1;
	_ =	sdelay $0x3  }
0x1d1: {  	[tilespmem:v3+s20+$0x0] =	vst.idx.msk $0xffff, v2  }
0x1d2: {  	v3 =	vor.u32 v8, v0;
	v2 =	vld.idx.msk [tilespmem:v4+s16+$0x0], $0xffff  }
0x1d3: {  	v4 =	vor.u32 v6, v1;
	_ =	sdelay $0x3  }
0x1d4: {  	[tilespmem:v3+s20+$0x0] =	vst.idx.msk $0xffff, v2  }
0x1d5: {  	v3 =	vor.u32 v9, v0;
	v2 =	vld.idx.msk [tilespmem:v4+s16+$0x0], $0xffff  }
0x1d6: {  	v4 =	vor.u32 v10, v1;
	_ =	sdelay $0x3  }
0x1d7: {  	[tilespmem:v3+s20+$0x0] =	vst.idx.msk $0xffff, v2  }
0x1d8: {  	v3 =	vor.u32 v11, v0;
	v2 =	vld.idx.msk [tilespmem:v4+s16+$0x0], $0xffff  }
0x1d9: {  	v4 =	vor.u32 v12, v1;
	_ =	sdelay $0x3  }
0x1da: {  	[tilespmem:v3+s20+$0x0] =	vst.idx.msk $0xffff, v2  }
0x1db: {  	v3 =	vor.u32 v13, v0;
	v2 =	vld.idx.msk [tilespmem:v4+s16+$0x0], $0xffff  }
0x1dc: {  	v4 =	vor.u32 v14, v1;
	_ =	sdelay $0x3  }
0x1dd: {  	[tilespmem:v3+s20+$0x0] =	vst.idx.msk $0xffff, v2  }
0x1de: {  	v3 =	vor.u32 v15, v0;
	v2 =	vld.idx.msk [tilespmem:v4+s16+$0x0], $0xffff  }
0x1df: {  	v4 =	vor.u32 v16, v1;
	_ =	sdelay $0x3  }
0x1e0: {  	[tilespmem:v3+s20+$0x0] =	vst.idx.msk $0xffff, v2  }
0x1e1: {  	v3 =	vor.u32 v17, v0;
	v2 =	vld.idx.msk [tilespmem:v4+s16+$0x0], $0xffff  }
0x1e2: {  	v4 =	vor.u32 v18, v1;
	_ =	sdelay $0x3  }
0x1e3: {  	[tilespmem:v3+s20+$0x0] =	vst.idx.msk $0xffff, v2  }
0x1e4: {  	v3 =	vor.u32 v19, v0;
	v2 =	vld.idx.msk [tilespmem:v4+s16+$0x0], $0xffff  }
0x1e5: {  	v4 =	vor.u32 v20, v1;
	_ =	sdelay $0x3  }
0x1e6: {  	[tilespmem:v3+s20+$0x0] =	vst.idx.msk $0xffff, v2  }
0x1e7: {  	v3 =	vor.u32 v21, v0;
	v2 =	vld.idx.msk [tilespmem:v4+s16+$0x0], $0xffff  }
0x1e8: {  	v4 =	vor.u32 v22, v1;
	_ =	sdelay $0x3  }
0x1e9: {  	[tilespmem:v3+s20+$0x0] =	vst.idx.msk $0xffff, v2  }
0x1ea: {  	v3 =	vor.u32 v23, v0;
	v2 =	vld.idx.msk [tilespmem:v4+s16+$0x0], $0xffff  }
0x1eb: {  	v4 =	vor.u32 v24, v1;
	_ =	sdelay $0x3  }
0x1ec: {  	[tilespmem:v3+s20+$0x0] =	vst.idx.msk $0xffff, v2  }
0x1ed: {  	v3 =	vor.u32 v25, v0;
	v2 =	vld.idx.msk [tilespmem:v4+s16+$0x0], $0xffff  }
0x1ee: {  	v4 =	vor.u32 v26, v1;
	_ =	sdelay $0x3  }
0x1ef: {  	[tilespmem:v3+s20+$0x0] =	vst.idx.msk $0xffff, v2  }
0x1f0: {  	v3 =	vor.u32 v27, v0;
	v2 =	vld.idx.msk [tilespmem:v4+s16+$0x0], $0xffff  }
0x1f1: {  	v4 =	vor.u32 v28, v1;
	_ =	sdelay $0x3  }
0x1f2: {  	[tilespmem:v3+s20+$0x0] =	vst.idx.msk $0xffff, v2  }
0x1f3: {  	v3 =	vor.u32 v29, v0;
	v2 =	vld.idx.msk [tilespmem:v4+s16+$0x0], $0xffff  }
0x1f4: {  	v4 =	vor.u32 v30, v1;
	_ =	sdelay $0x3  }
0x1f5: {  	[tilespmem:v3+s20+$0x0] =	vst.idx.msk $0xffff, v2  }
0x1f6: {  	v3 =	vor.u32 v31, v0;
	v2 =	vld.idx.msk [tilespmem:v4+s16+$0x0], $0xffff  }
0x1f7: {  	v4 =	vor.u32 v38, v1;
	_ =	sdelay $0x3  }
0x1f8: {  	[tilespmem:v3+s20+$0x0] =	vst.idx.msk $0xffff, v2  }
0x1f9: {  	v3 =	vor.u32 v32, v0;
	v2 =	vld.idx.msk [tilespmem:v4+s16+$0x0], $0xffff  }
0x1fa: {  	v4 =	vor.u32 v39, v1;
	_ =	sdelay $0x3  }
0x1fb: {  	[tilespmem:v3+s20+$0x0] =	vst.idx.msk $0xffff, v2  }
0x1fc: {  	v3 =	vor.u32 v37, v0;
	v2 =	vld.idx.msk [tilespmem:v4+s16+$0x0], $0xffff  }
0x1fd: {  	v4 =	vor.u32 v40, v1;
	_ =	sdelay $0x3  }
0x1fe: {  	[tilespmem:v3+s20+$0x0] =	vst.idx.msk $0xffff, v2  }
0x1ff: {  	v3 =	vor.u32 v42, v0;
	v2 =	vld.idx.msk [tilespmem:v4+s16+$0x0], $0xffff  }
0x200: {  	v4 =	vor.u32 v41, v1;
	_ =	sdelay $0x3  }
0x201: {  	[tilespmem:v3+s20+$0x0] =	vst.idx.msk $0xffff, v2  }
0x202: {  	v3 =	vor.u32 v47, v0;
	v2 =	vld.idx.msk [tilespmem:v4+s16+$0x0], $0xffff  }
0x203: {  	v4 =	vor.u32 v33, v1;
	_ =	sdelay $0x3  }
0x204: {  	[tilespmem:v3+s20+$0x0] =	vst.idx.msk $0xffff, v2  }
0x205: {  	v3 =	vor.u32 v52, v0;
	v2 =	vld.idx.msk [tilespmem:v4+s16+$0x0], $0xffff  }
0x206: {  	v4 =	vor.u32 v34, v1;
	_ =	sdelay $0x3  }
0x207: {  	[tilespmem:v3+s20+$0x0] =	vst.idx.msk $0xffff, v2  }
0x208: {  	v3 =	vor.u32 v53, v0;
	v2 =	vld.idx.msk [tilespmem:v4+s16+$0x0], $0xffff  }
0x209: {  	v4 =	vor.u32 v35, v1;
	_ =	sdelay $0x3  }
0x20a: {  	[tilespmem:v3+s20+$0x0] =	vst.idx.msk $0xffff, v2  }
0x20b: {  	v3 =	vor.u32 v54, v0;
	v2 =	vld.idx.msk [tilespmem:v4+s16+$0x0], $0xffff  }
0x20c: {  	v4 =	vor.u32 v36, v1;
	_ =	sdelay $0x3  }
0x20d: {  	[tilespmem:v3+s20+$0x0] =	vst.idx.msk $0xffff, v2  }
0x20e: {  	v3 =	vor.u32 v55, v0;
	v2 =	vld.idx.msk [tilespmem:v4+s16+$0x0], $0xffff  }
0x20f: {  	v4 =	vor.u32 v43, v1;
	_ =	sdelay $0x3  }
0x210: {  	[tilespmem:v3+s20+$0x0] =	vst.idx.msk $0xffff, v2  }
0x211: {  	v3 =	vor.u32 v56, v0;
	v2 =	vld.idx.msk [tilespmem:v4+s16+$0x0], $0xffff  }
0x212: {  	v4 =	vor.u32 v44, v1;
	_ =	sdelay $0x3  }
0x213: {  	[tilespmem:v3+s20+$0x0] =	vst.idx.msk $0xffff, v2  }
0x214: {  	v3 =	vor.u32 v57, v0;
	v2 =	vld.idx.msk [tilespmem:v4+s16+$0x0], $0xffff  }
0x215: {  	v4 =	vor.u32 v45, v1;
	_ =	sdelay $0x3  }
0x216: {  	[tilespmem:v3+s20+$0x0] =	vst.idx.msk $0xffff, v2  }
0x217: {  	v3 =	vor.u32 v58, v0;
	v2 =	vld.idx.msk [tilespmem:v4+s16+$0x0], $0xffff  }
0x218: {  	v4 =	vor.u32 v46, v1;
	_ =	sdelay $0x3  }
0x219: {  	[tilespmem:v3+s20+$0x0] =	vst.idx.msk $0xffff, v2  }
0x21a: {  	v3 =	vor.u32 v59, v0;
	v2 =	vld.idx.msk [tilespmem:v4+s16+$0x0], $0xffff  }
0x21b: {  	v4 =	vor.u32 v48, v1;
	_ =	sdelay $0x3  }
0x21c: {  	[tilespmem:v3+s20+$0x0] =	vst.idx.msk $0xffff, v2  }
0x21d: {  	v3 =	vor.u32 v60, v0;
	v2 =	vld.idx.msk [tilespmem:v4+s16+$0x0], $0xffff  }
0x21e: {  	v4 =	vor.u32 v49, v1;
	_ =	sdelay $0x3  }
0x21f: {  	[tilespmem:v3+s20+$0x0] =	vst.idx.msk $0xffff, v2  }
0x220: {  	v3 =	vor.u32 v61, v0;
	v2 =	vld.idx.msk [tilespmem:v4+s16+$0x0], $0xffff  }
0x221: {  	v4 =	vor.u32 v50, v1;
	_ =	sdelay $0x3  }
0x222: {  	[tilespmem:v3+s20+$0x0] =	vst.idx.msk $0xffff, v2  }
0x223: {  	v3 =	vor.u32 v62, v0;
	v2 =	vld.idx.msk [tilespmem:v4+s16+$0x0], $0xffff  }
0x224: {  	v1 =	vor.u32 v51, v1;
	_ =	sdelay $0x3  }
0x225: {  	[tilespmem:v3+s20+$0x0] =	vst.idx.msk $0xffff, v2  }
0x226: {  	v0 =	vor.u32 v63, v0;
	v1 =	vld.idx.msk [tilespmem:v1+s16+$0x0], $0xffff;
	_ =	sdelay $0x4  }
0x227: {  	s31 =	simm.s32 $0x1;
	[tilespmem:v0+s20+$0x0] =	vst.idx.msk $0xffff, v1  }
0x228: {  	[hbm4b:s21+s22] =	stream.strided.scatter [tilespmem:s20], [sflag:$0x5], $0x4000, s23, s22, $0x38;
	[tilespmem:$0x10400] =	vst v63  }
.LBB2_4:
0x229: {  	_ =	swait.ge [sflag:s15], $0x200  }
0x22a: {  	s1 =	sshll.u32 s31, $0x1;
	[sflag:s15] =	ssyncset.done $0x0  }
0x22b: {  	s8 =	simm.s32 $0x0;
	s0 =	sadd.s32 s1, s10;
	[sflag:s15] =	ssyncadd.s32 $0xFFFFFE00  }
0x22c: {  	[tilespmem:s16], [sflag:$0x3] =	stream.indirect.gather [hbm4b:s5+s14], $0x20, s3, s14, $0xb8;
	[tilespmem:$0x10400] =	vst v63  }
0x22d: {  	s9 =	simm.s32 $0x0;
	s0 =	sshll.u32 s0, $0x6;
	_ =	swait.ge [sflag:s25], $0x4000  }
0x22e: {  	p0 =	slt.u32 s31, $0x2;
	s0 =	sand.u32 $0x1FFFFFC0, s0;
	[sflag:s25] =	ssyncset.done $0x0  }
0x22f: {  	v2 =	vlaneseq.u32;
	s8 =	sand.u32 $0x70, s8;
	s0 =	sadd.s32 s6, s0;
	[sflag:s25] =	ssyncadd.s32 $0xFFFFC000  }
0x230: {  	v0 =	vor.u32 s8, v2;
	[tilespmem:s14], [sflag:$0x2] =	stream.linear.gather [hbm4b:s0+s3], $0x200, $0x38;
	[tilespmem:$0x10400] =	vst v63  }
0x231: {  	v1 =	vor.u32 s9, v0;
	s0 =	simm.s32 @!p0 $0x6  }
0x232: {  	v1 =	vshll.u32 v1, $0x5;
	_ =	swait.ge @!p0 [sflag:s0], $0x4000  }
0x233: {  	v2 =	vor.u32 v2, v1;
	v3 =	vld [tilespmem:$0x1FE40];
	_ =	sdelay $0x2  }
0x234: {  	s13 =	simm.s32 $0x0;
	v0 =	vand.u32 $0x78, v0;
	[sflag:s0] =	ssyncset.done @!p0 $0x0  }
0x235: {  	v0 =	vor.u32 s13, v0;
	v4 =	vld [tilespmem:$0x1FE50];
	[sflag:s0] =	ssyncadd.s32 @!p0 $0xFFFFC000  }
0x236: {  	v2 =	vld.idx.msk [tilespmem:v2+s18+$0x0], $0xffff;
	v3 =	vor.u32 v3, v0;
	_ =	sdelay $0x3  }
0x237: {  	v4 =	vor.u32 v4, v1  }
0x238: {  	[tilespmem:v3+s26+$0x0] =	vst.idx.msk $0xffff, v2;
	v3 =	vld [tilespmem:$0x1FE60];
	_ =	sdelay $0x3  }
0x239: {  	v2 =	vld.idx.msk [tilespmem:v4+s18+$0x0], $0xffff  }
0x23a: {  	v4 =	vld [tilespmem:$0x1FE70];
	v3 =	vor.u32 v3, v0;
	_ =	sdelay $0x4  }
0x23b: {  	v4 =	vor.u32 v4, v1;
	[tilespmem:v3+s26+$0x0] =	vst.idx.msk $0xffff, v2;
	v3 =	vld [tilespmem:$0x1FE80];
	_ =	sdelay $0x4  }
0x23c: {  	v2 =	vld.idx.msk [tilespmem:v4+s18+$0x0], $0xffff;
	v3 =	vor.u32 v3, v0  }
0x23d: {  	v4 =	vor.u32 v7, v1;
	_ =	sdelay $0x3  }
0x23e: {  	[tilespmem:v3+s26+$0x0] =	vst.idx.msk $0xffff, v2  }
0x23f: {  	v3 =	vor.u32 v8, v0;
	v2 =	vld.idx.msk [tilespmem:v4+s18+$0x0], $0xffff  }
0x240: {  	v4 =	vor.u32 v6, v1;
	_ =	sdelay $0x3  }
0x241: {  	[tilespmem:v3+s26+$0x0] =	vst.idx.msk $0xffff, v2  }
0x242: {  	v3 =	vor.u32 v9, v0;
	v2 =	vld.idx.msk [tilespmem:v4+s18+$0x0], $0xffff  }
0x243: {  	v4 =	vor.u32 v10, v1;
	_ =	sdelay $0x3  }
0x244: {  	[tilespmem:v3+s26+$0x0] =	vst.idx.msk $0xffff, v2  }
0x245: {  	v3 =	vor.u32 v11, v0;
	v2 =	vld.idx.msk [tilespmem:v4+s18+$0x0], $0xffff  }
0x246: {  	v4 =	vor.u32 v12, v1;
	_ =	sdelay $0x3  }
0x247: {  	[tilespmem:v3+s26+$0x0] =	vst.idx.msk $0xffff, v2  }
0x248: {  	v3 =	vor.u32 v13, v0;
	v2 =	vld.idx.msk [tilespmem:v4+s18+$0x0], $0xffff  }
0x249: {  	v4 =	vor.u32 v14, v1;
	_ =	sdelay $0x3  }
0x24a: {  	[tilespmem:v3+s26+$0x0] =	vst.idx.msk $0xffff, v2  }
0x24b: {  	v3 =	vor.u32 v15, v0;
	v2 =	vld.idx.msk [tilespmem:v4+s18+$0x0], $0xffff  }
0x24c: {  	v4 =	vor.u32 v16, v1;
	_ =	sdelay $0x3  }
0x24d: {  	[tilespmem:v3+s26+$0x0] =	vst.idx.msk $0xffff, v2  }
0x24e: {  	v3 =	vor.u32 v17, v0;
	v2 =	vld.idx.msk [tilespmem:v4+s18+$0x0], $0xffff  }
0x24f: {  	v4 =	vor.u32 v18, v1;
	_ =	sdelay $0x3  }
0x250: {  	[tilespmem:v3+s26+$0x0] =	vst.idx.msk $0xffff, v2  }
0x251: {  	v3 =	vor.u32 v19, v0;
	v2 =	vld.idx.msk [tilespmem:v4+s18+$0x0], $0xffff  }
0x252: {  	v4 =	vor.u32 v20, v1;
	_ =	sdelay $0x3  }
0x253: {  	[tilespmem:v3+s26+$0x0] =	vst.idx.msk $0xffff, v2  }
0x254: {  	v3 =	vor.u32 v21, v0;
	v2 =	vld.idx.msk [tilespmem:v4+s18+$0x0], $0xffff  }
0x255: {  	v4 =	vor.u32 v22, v1;
	_ =	sdelay $0x3  }
0x256: {  	[tilespmem:v3+s26+$0x0] =	vst.idx.msk $0xffff, v2  }
0x257: {  	v3 =	vor.u32 v23, v0;
	v2 =	vld.idx.msk [tilespmem:v4+s18+$0x0], $0xffff  }
0x258: {  	v4 =	vor.u32 v24, v1;
	_ =	sdelay $0x3  }
0x259: {  	[tilespmem:v3+s26+$0x0] =	vst.idx.msk $0xffff, v2  }
0x25a: {  	v3 =	vor.u32 v25, v0;
	v2 =	vld.idx.msk [tilespmem:v4+s18+$0x0], $0xffff  }
0x25b: {  	v4 =	vor.u32 v26, v1;
	_ =	sdelay $0x3  }
0x25c: {  	[tilespmem:v3+s26+$0x0] =	vst.idx.msk $0xffff, v2  }
0x25d: {  	v3 =	vor.u32 v27, v0;
	v2 =	vld.idx.msk [tilespmem:v4+s18+$0x0], $0xffff  }
0x25e: {  	v4 =	vor.u32 v28, v1;
	_ =	sdelay $0x3  }
0x25f: {  	[tilespmem:v3+s26+$0x0] =	vst.idx.msk $0xffff, v2  }
0x260: {  	v3 =	vor.u32 v29, v0;
	v2 =	vld.idx.msk [tilespmem:v4+s18+$0x0], $0xffff  }
0x261: {  	v4 =	vor.u32 v30, v1;
	_ =	sdelay $0x3  }
0x262: {  	[tilespmem:v3+s26+$0x0] =	vst.idx.msk $0xffff, v2  }
0x263: {  	v3 =	vor.u32 v31, v0;
	v2 =	vld.idx.msk [tilespmem:v4+s18+$0x0], $0xffff  }
0x264: {  	v4 =	vor.u32 v38, v1;
	_ =	sdelay $0x3  }
0x265: {  	[tilespmem:v3+s26+$0x0] =	vst.idx.msk $0xffff, v2  }
0x266: {  	v3 =	vor.u32 v32, v0;
	v2 =	vld.idx.msk [tilespmem:v4+s18+$0x0], $0xffff  }
0x267: {  	v4 =	vor.u32 v39, v1;
	_ =	sdelay $0x3  }
0x268: {  	[tilespmem:v3+s26+$0x0] =	vst.idx.msk $0xffff, v2  }
0x269: {  	v3 =	vor.u32 v37, v0;
	v2 =	vld.idx.msk [tilespmem:v4+s18+$0x0], $0xffff  }
0x26a: {  	v4 =	vor.u32 v40, v1;
	_ =	sdelay $0x3  }
0x26b: {  	[tilespmem:v3+s26+$0x0] =	vst.idx.msk $0xffff, v2  }
0x26c: {  	v3 =	vor.u32 v42, v0;
	v2 =	vld.idx.msk [tilespmem:v4+s18+$0x0], $0xffff  }
0x26d: {  	v4 =	vor.u32 v41, v1;
	_ =	sdelay $0x3  }
0x26e: {  	[tilespmem:v3+s26+$0x0] =	vst.idx.msk $0xffff, v2  }
0x26f: {  	v3 =	vor.u32 v47, v0;
	v2 =	vld.idx.msk [tilespmem:v4+s18+$0x0], $0xffff  }
0x270: {  	v4 =	vor.u32 v33, v1;
	_ =	sdelay $0x3  }
0x271: {  	[tilespmem:v3+s26+$0x0] =	vst.idx.msk $0xffff, v2  }
0x272: {  	v3 =	vor.u32 v52, v0;
	v2 =	vld.idx.msk [tilespmem:v4+s18+$0x0], $0xffff  }
0x273: {  	v4 =	vor.u32 v34, v1;
	_ =	sdelay $0x3  }
0x274: {  	[tilespmem:v3+s26+$0x0] =	vst.idx.msk $0xffff, v2  }
0x275: {  	v3 =	vor.u32 v53, v0;
	v2 =	vld.idx.msk [tilespmem:v4+s18+$0x0], $0xffff  }
0x276: {  	v4 =	vor.u32 v35, v1;
	_ =	sdelay $0x3  }
0x277: {  	[tilespmem:v3+s26+$0x0] =	vst.idx.msk $0xffff, v2  }
0x278: {  	v3 =	vor.u32 v54, v0;
	v2 =	vld.idx.msk [tilespmem:v4+s18+$0x0], $0xffff  }
0x279: {  	v4 =	vor.u32 v36, v1;
	_ =	sdelay $0x3  }
0x27a: {  	[tilespmem:v3+s26+$0x0] =	vst.idx.msk $0xffff, v2  }
0x27b: {  	v3 =	vor.u32 v55, v0;
	v2 =	vld.idx.msk [tilespmem:v4+s18+$0x0], $0xffff  }
0x27c: {  	v4 =	vor.u32 v43, v1;
	_ =	sdelay $0x3  }
0x27d: {  	[tilespmem:v3+s26+$0x0] =	vst.idx.msk $0xffff, v2  }
0x27e: {  	v3 =	vor.u32 v56, v0;
	v2 =	vld.idx.msk [tilespmem:v4+s18+$0x0], $0xffff  }
0x27f: {  	v4 =	vor.u32 v44, v1;
	_ =	sdelay $0x3  }
0x280: {  	[tilespmem:v3+s26+$0x0] =	vst.idx.msk $0xffff, v2  }
0x281: {  	v3 =	vor.u32 v57, v0;
	v2 =	vld.idx.msk [tilespmem:v4+s18+$0x0], $0xffff  }
0x282: {  	v4 =	vor.u32 v45, v1;
	_ =	sdelay $0x3  }
0x283: {  	[tilespmem:v3+s26+$0x0] =	vst.idx.msk $0xffff, v2  }
0x284: {  	v3 =	vor.u32 v58, v0;
	v2 =	vld.idx.msk [tilespmem:v4+s18+$0x0], $0xffff  }
0x285: {  	v4 =	vor.u32 v46, v1;
	_ =	sdelay $0x3  }
0x286: {  	[tilespmem:v3+s26+$0x0] =	vst.idx.msk $0xffff, v2  }
0x287: {  	v3 =	vor.u32 v59, v0;
	v2 =	vld.idx.msk [tilespmem:v4+s18+$0x0], $0xffff  }
0x288: {  	v4 =	vor.u32 v48, v1;
	_ =	sdelay $0x3  }
0x289: {  	[tilespmem:v3+s26+$0x0] =	vst.idx.msk $0xffff, v2  }
0x28a: {  	v3 =	vor.u32 v60, v0;
	v2 =	vld.idx.msk [tilespmem:v4+s18+$0x0], $0xffff  }
0x28b: {  	v4 =	vor.u32 v49, v1;
	_ =	sdelay $0x3  }
0x28c: {  	[tilespmem:v3+s26+$0x0] =	vst.idx.msk $0xffff, v2  }
0x28d: {  	v3 =	vor.u32 v61, v0;
	v2 =	vld.idx.msk [tilespmem:v4+s18+$0x0], $0xffff  }
0x28e: {  	v4 =	vor.u32 v50, v1;
	_ =	sdelay $0x3  }
0x28f: {  	s0 =	simm.s32 $0x10;
	[tilespmem:v3+s26+$0x0] =	vst.idx.msk $0xffff, v2  }
0x290: {  	s8 =	simm.s32 $0x2;
	s9 =	simm.s32 $0x0;
	s13 =	sand.u32 $0x70, s0;
	v1 =	vor.u32 v51, v1;
	v3 =	vor.u32 v62, v0;
	v2 =	vld.idx.msk [tilespmem:v4+s18+$0x0], $0xffff  }
.LBB2_5:
0x291: {  	_ =	sdelay $0x3  }
0x292: {  	[tilespmem:v3+s26+$0x0] =	vst.idx.msk $0xffff, v2  }
0x293: {  	v0 =	vor.u32 v63, v0;
	v3 =	vld.idx.msk [tilespmem:v1+s18+$0x0], $0xffff  }
0x294: {  	v5 =	vlaneseq.u32  }
0x295: {  	v4 =	vor.u32 s13, v5;
	s13 =	sshll.u32 s9, $0x7  }
0x296: {  	v2 =	vor.u32 s13, v4  }
0x297: {  	v1 =	vshll.u32 v2, $0x5  }
0x298: {  	v2 =	vor.u32 v5, v1;
	[tilespmem:v0+s26+$0x0] =	vst.idx.msk $0xffff, v3;
	v3 =	vld [tilespmem:$0x1FE40];
	_ =	sdelay $0x2  }
0x299: {  	v4 =	vand.u32 $0x78, v4;
	s13 =	sshll.u32 s9, $0xA  }
0x29a: {  	v0 =	vor.u32 s13, v4;
	v4 =	vld [tilespmem:$0x1FE50]  }
0x29b: {  	v2 =	vld.idx.msk [tilespmem:v2+s18+$0x0], $0xffff;
	v3 =	vor.u32 v3, v0;
	_ =	sdelay $0x3  }
0x29c: {  	v4 =	vor.u32 v4, v1  }
0x29d: {  	[tilespmem:v3+s26+$0x0] =	vst.idx.msk $0xffff, v2;
	v3 =	vld [tilespmem:$0x1FE60];
	_ =	sdelay $0x3  }
0x29e: {  	v2 =	vld.idx.msk [tilespmem:v4+s18+$0x0], $0xffff  }
0x29f: {  	v4 =	vld [tilespmem:$0x1FE70];
	v3 =	vor.u32 v3, v0;
	_ =	sdelay $0x4  }
0x2a0: {  	v4 =	vor.u32 v4, v1;
	[tilespmem:v3+s26+$0x0] =	vst.idx.msk $0xffff, v2;
	v3 =	vld [tilespmem:$0x1FE80];
	_ =	sdelay $0x4  }
0x2a1: {  	v2 =	vld.idx.msk [tilespmem:v4+s18+$0x0], $0xffff;
	v3 =	vor.u32 v3, v0  }
0x2a2: {  	v4 =	vor.u32 v7, v1;
	_ =	sdelay $0x3  }
0x2a3: {  	[tilespmem:v3+s26+$0x0] =	vst.idx.msk $0xffff, v2  }
0x2a4: {  	v3 =	vor.u32 v8, v0;
	v2 =	vld.idx.msk [tilespmem:v4+s18+$0x0], $0xffff  }
0x2a5: {  	v4 =	vor.u32 v6, v1;
	_ =	sdelay $0x3  }
0x2a6: {  	[tilespmem:v3+s26+$0x0] =	vst.idx.msk $0xffff, v2  }
0x2a7: {  	v3 =	vor.u32 v9, v0;
	v2 =	vld.idx.msk [tilespmem:v4+s18+$0x0], $0xffff  }
0x2a8: {  	v4 =	vor.u32 v10, v1;
	_ =	sdelay $0x3  }
0x2a9: {  	[tilespmem:v3+s26+$0x0] =	vst.idx.msk $0xffff, v2  }
0x2aa: {  	v3 =	vor.u32 v11, v0;
	v2 =	vld.idx.msk [tilespmem:v4+s18+$0x0], $0xffff  }
0x2ab: {  	v4 =	vor.u32 v12, v1;
	_ =	sdelay $0x3  }
0x2ac: {  	[tilespmem:v3+s26+$0x0] =	vst.idx.msk $0xffff, v2  }
0x2ad: {  	v3 =	vor.u32 v13, v0;
	v2 =	vld.idx.msk [tilespmem:v4+s18+$0x0], $0xffff  }
0x2ae: {  	v4 =	vor.u32 v14, v1;
	_ =	sdelay $0x3  }
0x2af: {  	[tilespmem:v3+s26+$0x0] =	vst.idx.msk $0xffff, v2  }
0x2b0: {  	v3 =	vor.u32 v15, v0;
	v2 =	vld.idx.msk [tilespmem:v4+s18+$0x0], $0xffff  }
0x2b1: {  	v4 =	vor.u32 v16, v1;
	_ =	sdelay $0x3  }
0x2b2: {  	[tilespmem:v3+s26+$0x0] =	vst.idx.msk $0xffff, v2  }
0x2b3: {  	v3 =	vor.u32 v17, v0;
	v2 =	vld.idx.msk [tilespmem:v4+s18+$0x0], $0xffff  }
0x2b4: {  	v4 =	vor.u32 v18, v1;
	_ =	sdelay $0x3  }
0x2b5: {  	[tilespmem:v3+s26+$0x0] =	vst.idx.msk $0xffff, v2  }
0x2b6: {  	v3 =	vor.u32 v19, v0;
	v2 =	vld.idx.msk [tilespmem:v4+s18+$0x0], $0xffff  }
0x2b7: {  	v4 =	vor.u32 v20, v1;
	_ =	sdelay $0x3  }
0x2b8: {  	[tilespmem:v3+s26+$0x0] =	vst.idx.msk $0xffff, v2  }
0x2b9: {  	v3 =	vor.u32 v21, v0;
	v2 =	vld.idx.msk [tilespmem:v4+s18+$0x0], $0xffff  }
0x2ba: {  	v4 =	vor.u32 v22, v1;
	_ =	sdelay $0x3  }
0x2bb: {  	[tilespmem:v3+s26+$0x0] =	vst.idx.msk $0xffff, v2  }
0x2bc: {  	v3 =	vor.u32 v23, v0;
	v2 =	vld.idx.msk [tilespmem:v4+s18+$0x0], $0xffff  }
0x2bd: {  	v4 =	vor.u32 v24, v1;
	_ =	sdelay $0x3  }
0x2be: {  	[tilespmem:v3+s26+$0x0] =	vst.idx.msk $0xffff, v2  }
0x2bf: {  	v3 =	vor.u32 v25, v0;
	v2 =	vld.idx.msk [tilespmem:v4+s18+$0x0], $0xffff  }
0x2c0: {  	v4 =	vor.u32 v26, v1;
	_ =	sdelay $0x3  }
0x2c1: {  	[tilespmem:v3+s26+$0x0] =	vst.idx.msk $0xffff, v2  }
0x2c2: {  	v3 =	vor.u32 v27, v0;
	v2 =	vld.idx.msk [tilespmem:v4+s18+$0x0], $0xffff  }
0x2c3: {  	v4 =	vor.u32 v28, v1;
	_ =	sdelay $0x3  }
0x2c4: {  	[tilespmem:v3+s26+$0x0] =	vst.idx.msk $0xffff, v2  }
0x2c5: {  	v3 =	vor.u32 v29, v0;
	v2 =	vld.idx.msk [tilespmem:v4+s18+$0x0], $0xffff  }
0x2c6: {  	v4 =	vor.u32 v30, v1;
	_ =	sdelay $0x3  }
0x2c7: {  	[tilespmem:v3+s26+$0x0] =	vst.idx.msk $0xffff, v2  }
0x2c8: {  	v3 =	vor.u32 v31, v0;
	v2 =	vld.idx.msk [tilespmem:v4+s18+$0x0], $0xffff  }
0x2c9: {  	v4 =	vor.u32 v38, v1;
	_ =	sdelay $0x3  }
0x2ca: {  	[tilespmem:v3+s26+$0x0] =	vst.idx.msk $0xffff, v2  }
0x2cb: {  	v3 =	vor.u32 v32, v0;
	v2 =	vld.idx.msk [tilespmem:v4+s18+$0x0], $0xffff  }
0x2cc: {  	v4 =	vor.u32 v39, v1;
	_ =	sdelay $0x3  }
0x2cd: {  	[tilespmem:v3+s26+$0x0] =	vst.idx.msk $0xffff, v2  }
0x2ce: {  	v3 =	vor.u32 v37, v0;
	v2 =	vld.idx.msk [tilespmem:v4+s18+$0x0], $0xffff  }
0x2cf: {  	v4 =	vor.u32 v40, v1;
	_ =	sdelay $0x3  }
0x2d0: {  	[tilespmem:v3+s26+$0x0] =	vst.idx.msk $0xffff, v2  }
0x2d1: {  	v3 =	vor.u32 v42, v0;
	v2 =	vld.idx.msk [tilespmem:v4+s18+$0x0], $0xffff  }
0x2d2: {  	v4 =	vor.u32 v41, v1;
	_ =	sdelay $0x3  }
0x2d3: {  	[tilespmem:v3+s26+$0x0] =	vst.idx.msk $0xffff, v2  }
0x2d4: {  	v3 =	vor.u32 v47, v0;
	v2 =	vld.idx.msk [tilespmem:v4+s18+$0x0], $0xffff  }
0x2d5: {  	v4 =	vor.u32 v33, v1;
	_ =	sdelay $0x3  }
0x2d6: {  	[tilespmem:v3+s26+$0x0] =	vst.idx.msk $0xffff, v2  }
0x2d7: {  	v3 =	vor.u32 v52, v0;
	v2 =	vld.idx.msk [tilespmem:v4+s18+$0x0], $0xffff  }
0x2d8: {  	v4 =	vor.u32 v34, v1;
	_ =	sdelay $0x3  }
0x2d9: {  	[tilespmem:v3+s26+$0x0] =	vst.idx.msk $0xffff, v2  }
0x2da: {  	v3 =	vor.u32 v53, v0;
	v2 =	vld.idx.msk [tilespmem:v4+s18+$0x0], $0xffff  }
0x2db: {  	v4 =	vor.u32 v35, v1;
	_ =	sdelay $0x3  }
0x2dc: {  	[tilespmem:v3+s26+$0x0] =	vst.idx.msk $0xffff, v2  }
0x2dd: {  	v3 =	vor.u32 v54, v0;
	v2 =	vld.idx.msk [tilespmem:v4+s18+$0x0], $0xffff  }
0x2de: {  	v4 =	vor.u32 v36, v1;
	_ =	sdelay $0x3  }
0x2df: {  	[tilespmem:v3+s26+$0x0] =	vst.idx.msk $0xffff, v2  }
0x2e0: {  	v3 =	vor.u32 v55, v0;
	v2 =	vld.idx.msk [tilespmem:v4+s18+$0x0], $0xffff  }
0x2e1: {  	v4 =	vor.u32 v43, v1;
	_ =	sdelay $0x3  }
0x2e2: {  	[tilespmem:v3+s26+$0x0] =	vst.idx.msk $0xffff, v2  }
0x2e3: {  	v3 =	vor.u32 v56, v0;
	v2 =	vld.idx.msk [tilespmem:v4+s18+$0x0], $0xffff  }
0x2e4: {  	v4 =	vor.u32 v44, v1;
	_ =	sdelay $0x3  }
0x2e5: {  	[tilespmem:v3+s26+$0x0] =	vst.idx.msk $0xffff, v2  }
0x2e6: {  	v3 =	vor.u32 v57, v0;
	v2 =	vld.idx.msk [tilespmem:v4+s18+$0x0], $0xffff  }
0x2e7: {  	v4 =	vor.u32 v45, v1;
	_ =	sdelay $0x3  }
0x2e8: {  	[tilespmem:v3+s26+$0x0] =	vst.idx.msk $0xffff, v2  }
0x2e9: {  	v3 =	vor.u32 v58, v0;
	v2 =	vld.idx.msk [tilespmem:v4+s18+$0x0], $0xffff  }
0x2ea: {  	v4 =	vor.u32 v46, v1;
	_ =	sdelay $0x3  }
0x2eb: {  	[tilespmem:v3+s26+$0x0] =	vst.idx.msk $0xffff, v2  }
0x2ec: {  	v3 =	vor.u32 v59, v0;
	v2 =	vld.idx.msk [tilespmem:v4+s18+$0x0], $0xffff  }
0x2ed: {  	v4 =	vor.u32 v48, v1;
	_ =	sdelay $0x3  }
0x2ee: {  	[tilespmem:v3+s26+$0x0] =	vst.idx.msk $0xffff, v2  }
0x2ef: {  	v3 =	vor.u32 v60, v0;
	v2 =	vld.idx.msk [tilespmem:v4+s18+$0x0], $0xffff  }
0x2f0: {  	v4 =	vor.u32 v49, v1;
	_ =	sdelay $0x3  }
0x2f1: {  	[tilespmem:v3+s26+$0x0] =	vst.idx.msk $0xffff, v2  }
0x2f2: {  	v3 =	vor.u32 v61, v0;
	v2 =	vld.idx.msk [tilespmem:v4+s18+$0x0], $0xffff  }
0x2f3: {  	p0 =	sne.s32 s8, $0x1F;
	v4 =	vor.u32 v50, v1  }
.Ltmp1:
0x2f4: {  	_ = 	snop;
	(pc) =	sbr.rel @p0 .LBB2_5-.Ltmp1, $3  }
0x2f5: {  	_ =	sdelay $0x1  }
0x2f6: {  	s0 =	sadd.s32 $0x10, s0;
	[tilespmem:v3+s26+$0x0] =	vst.idx.msk $0xffff, v2  }
0x2f7: {  	s9 =	sshrl.u32 s8, $0x3;
	s8 =	sadd.s32 $0x1, s8;
	s13 =	sand.u32 $0x70, s0;
	v1 =	vor.u32 v51, v1;
	v3 =	vor.u32 v62, v0;
	v2 =	vld.idx.msk [tilespmem:v4+s18+$0x0], $0xffff  }
0x2f8: {  	_ =	sdelay $0x1  }
0x2f9: {  	v5 =	vlaneseq.u32  }
0x2fa: {  	s0 =	sshll.u32 s9, $0x7;
	v4 =	vor.u32 s13, v5  }
0x2fb: {  	[tilespmem:v3+s26+$0x0] =	vst.idx.msk $0xffff, v2;
	v2 =	vor.u32 s0, v4  }
0x2fc: {  	v0 =	vor.u32 v63, v0;
	v3 =	vld.idx.msk [tilespmem:v1+s18+$0x0], $0xffff;
	v1 =	vshll.u32 v2, $0x5  }
0x2fd: {  	v2 =	vor.u32 v5, v1;
	_ =	sdelay $0x3  }
0x2fe: {  	[tilespmem:v0+s26+$0x0] =	vst.idx.msk $0xffff, v3  }
0x2ff: {  	v5 =	vld.idx.msk [tilespmem:v2+s18+$0x0], $0xffff  }
0x300: {  	v2 =	vld [tilespmem:$0x1FE40];
	_ =	sdelay $0x2  }
0x301: {  	s9 =	sshll.u32 s9, $0xA;
	v4 =	vand.u32 $0x78, v4  }
0x302: {  	v0 =	vor.u32 s9, v4  }
0x303: {  	v3 =	vor.u32 v2, v0;
	v2 =	vld [tilespmem:$0x1FE50];
	_ =	sdelay $0x4  }
0x304: {  	v4 =	vor.u32 v2, v1;
	v2 =	vld [tilespmem:$0x1FE60];
	_ =	sdelay $0x4  }
0x305: {  	[tilespmem:v3+s26+$0x0] =	vst.idx.msk $0xffff, v5;
	v3 =	vor.u32 v2, v0;
	v2 =	vld [tilespmem:$0x1FE70];
	_ =	sdelay $0x3  }
0x306: {  	v5 =	vld.idx.msk [tilespmem:v4+s18+$0x0], $0xffff  }
0x307: {  	v4 =	vor.u32 v2, v1;
	v2 =	vld [tilespmem:$0x1FE80];
	_ =	sdelay $0x3  }
0x308: {  	[tilespmem:v3+s26+$0x0] =	vst.idx.msk $0xffff, v5  }
0x309: {  	v5 =	vld.idx.msk [tilespmem:v4+s18+$0x0], $0xffff;
	v3 =	vor.u32 v2, v0  }
0x30a: {  	v4 =	vor.u32 v7, v1;
	_ =	sdelay $0x3  }
0x30b: {  	[tilespmem:v3+s26+$0x0] =	vst.idx.msk $0xffff, v5  }
0x30c: {  	v3 =	vor.u32 v8, v0;
	v5 =	vld.idx.msk [tilespmem:v4+s18+$0x0], $0xffff  }
0x30d: {  	v4 =	vor.u32 v6, v1;
	_ =	sdelay $0x3  }
0x30e: {  	[tilespmem:v3+s26+$0x0] =	vst.idx.msk $0xffff, v5  }
0x30f: {  	v3 =	vor.u32 v9, v0;
	v2 =	vld.idx.msk [tilespmem:v4+s18+$0x0], $0xffff  }
0x310: {  	v4 =	vor.u32 v10, v1;
	_ =	sdelay $0x3  }
0x311: {  	[tilespmem:v3+s26+$0x0] =	vst.idx.msk $0xffff, v2  }
0x312: {  	v3 =	vor.u32 v11, v0;
	v2 =	vld.idx.msk [tilespmem:v4+s18+$0x0], $0xffff  }
0x313: {  	v4 =	vor.u32 v12, v1;
	_ =	sdelay $0x3  }
0x314: {  	[tilespmem:v3+s26+$0x0] =	vst.idx.msk $0xffff, v2  }
0x315: {  	v3 =	vor.u32 v13, v0;
	v2 =	vld.idx.msk [tilespmem:v4+s18+$0x0], $0xffff  }
0x316: {  	v4 =	vor.u32 v14, v1;
	_ =	sdelay $0x3  }
0x317: {  	[tilespmem:v3+s26+$0x0] =	vst.idx.msk $0xffff, v2  }
0x318: {  	v3 =	vor.u32 v15, v0;
	v2 =	vld.idx.msk [tilespmem:v4+s18+$0x0], $0xffff  }
0x319: {  	v4 =	vor.u32 v16, v1;
	_ =	sdelay $0x3  }
0x31a: {  	[tilespmem:v3+s26+$0x0] =	vst.idx.msk $0xffff, v2  }
0x31b: {  	v3 =	vor.u32 v17, v0;
	v2 =	vld.idx.msk [tilespmem:v4+s18+$0x0], $0xffff  }
0x31c: {  	v4 =	vor.u32 v18, v1;
	_ =	sdelay $0x3  }
0x31d: {  	[tilespmem:v3+s26+$0x0] =	vst.idx.msk $0xffff, v2  }
0x31e: {  	v3 =	vor.u32 v19, v0;
	v2 =	vld.idx.msk [tilespmem:v4+s18+$0x0], $0xffff  }
0x31f: {  	v4 =	vor.u32 v20, v1;
	_ =	sdelay $0x3  }
0x320: {  	[tilespmem:v3+s26+$0x0] =	vst.idx.msk $0xffff, v2  }
0x321: {  	v3 =	vor.u32 v21, v0;
	v2 =	vld.idx.msk [tilespmem:v4+s18+$0x0], $0xffff  }
0x322: {  	v4 =	vor.u32 v22, v1;
	_ =	sdelay $0x3  }
0x323: {  	[tilespmem:v3+s26+$0x0] =	vst.idx.msk $0xffff, v2  }
0x324: {  	v3 =	vor.u32 v23, v0;
	v2 =	vld.idx.msk [tilespmem:v4+s18+$0x0], $0xffff  }
0x325: {  	v4 =	vor.u32 v24, v1;
	_ =	sdelay $0x3  }
0x326: {  	[tilespmem:v3+s26+$0x0] =	vst.idx.msk $0xffff, v2  }
0x327: {  	v3 =	vor.u32 v25, v0;
	v2 =	vld.idx.msk [tilespmem:v4+s18+$0x0], $0xffff  }
0x328: {  	v4 =	vor.u32 v26, v1;
	_ =	sdelay $0x3  }
0x329: {  	[tilespmem:v3+s26+$0x0] =	vst.idx.msk $0xffff, v2  }
0x32a: {  	v3 =	vor.u32 v27, v0;
	v2 =	vld.idx.msk [tilespmem:v4+s18+$0x0], $0xffff  }
0x32b: {  	v4 =	vor.u32 v28, v1;
	_ =	sdelay $0x3  }
0x32c: {  	[tilespmem:v3+s26+$0x0] =	vst.idx.msk $0xffff, v2  }
0x32d: {  	v3 =	vor.u32 v29, v0;
	v2 =	vld.idx.msk [tilespmem:v4+s18+$0x0], $0xffff  }
0x32e: {  	v4 =	vor.u32 v30, v1;
	_ =	sdelay $0x3  }
0x32f: {  	[tilespmem:v3+s26+$0x0] =	vst.idx.msk $0xffff, v2  }
0x330: {  	v3 =	vor.u32 v31, v0;
	v2 =	vld.idx.msk [tilespmem:v4+s18+$0x0], $0xffff  }
0x331: {  	v4 =	vor.u32 v38, v1;
	_ =	sdelay $0x3  }
0x332: {  	[tilespmem:v3+s26+$0x0] =	vst.idx.msk $0xffff, v2  }
0x333: {  	v3 =	vor.u32 v32, v0;
	v2 =	vld.idx.msk [tilespmem:v4+s18+$0x0], $0xffff  }
0x334: {  	v4 =	vor.u32 v39, v1;
	_ =	sdelay $0x3  }
0x335: {  	[tilespmem:v3+s26+$0x0] =	vst.idx.msk $0xffff, v2  }
0x336: {  	v3 =	vor.u32 v37, v0;
	v2 =	vld.idx.msk [tilespmem:v4+s18+$0x0], $0xffff  }
0x337: {  	v4 =	vor.u32 v40, v1;
	_ =	sdelay $0x3  }
0x338: {  	[tilespmem:v3+s26+$0x0] =	vst.idx.msk $0xffff, v2  }
0x339: {  	v3 =	vor.u32 v42, v0;
	v2 =	vld.idx.msk [tilespmem:v4+s18+$0x0], $0xffff  }
0x33a: {  	v4 =	vor.u32 v41, v1;
	_ =	sdelay $0x3  }
0x33b: {  	[tilespmem:v3+s26+$0x0] =	vst.idx.msk $0xffff, v2  }
0x33c: {  	v3 =	vor.u32 v47, v0;
	v2 =	vld.idx.msk [tilespmem:v4+s18+$0x0], $0xffff  }
0x33d: {  	v4 =	vor.u32 v33, v1;
	_ =	sdelay $0x3  }
0x33e: {  	[tilespmem:v3+s26+$0x0] =	vst.idx.msk $0xffff, v2  }
0x33f: {  	v3 =	vor.u32 v52, v0;
	v2 =	vld.idx.msk [tilespmem:v4+s18+$0x0], $0xffff  }
0x340: {  	v4 =	vor.u32 v34, v1;
	_ =	sdelay $0x3  }
0x341: {  	[tilespmem:v3+s26+$0x0] =	vst.idx.msk $0xffff, v2  }
0x342: {  	v3 =	vor.u32 v53, v0;
	v2 =	vld.idx.msk [tilespmem:v4+s18+$0x0], $0xffff  }
0x343: {  	v4 =	vor.u32 v35, v1;
	_ =	sdelay $0x3  }
0x344: {  	[tilespmem:v3+s26+$0x0] =	vst.idx.msk $0xffff, v2  }
0x345: {  	v3 =	vor.u32 v54, v0;
	v2 =	vld.idx.msk [tilespmem:v4+s18+$0x0], $0xffff  }
0x346: {  	v4 =	vor.u32 v36, v1;
	_ =	sdelay $0x3  }
0x347: {  	[tilespmem:v3+s26+$0x0] =	vst.idx.msk $0xffff, v2  }
0x348: {  	v3 =	vor.u32 v55, v0;
	v2 =	vld.idx.msk [tilespmem:v4+s18+$0x0], $0xffff  }
0x349: {  	v4 =	vor.u32 v43, v1;
	_ =	sdelay $0x3  }
0x34a: {  	[tilespmem:v3+s26+$0x0] =	vst.idx.msk $0xffff, v2  }
0x34b: {  	v3 =	vor.u32 v56, v0;
	v2 =	vld.idx.msk [tilespmem:v4+s18+$0x0], $0xffff  }
0x34c: {  	v4 =	vor.u32 v44, v1;
	_ =	sdelay $0x3  }
0x34d: {  	[tilespmem:v3+s26+$0x0] =	vst.idx.msk $0xffff, v2  }
0x34e: {  	v3 =	vor.u32 v57, v0;
	v2 =	vld.idx.msk [tilespmem:v4+s18+$0x0], $0xffff  }
0x34f: {  	v4 =	vor.u32 v45, v1;
	_ =	sdelay $0x3  }
0x350: {  	[tilespmem:v3+s26+$0x0] =	vst.idx.msk $0xffff, v2  }
0x351: {  	v3 =	vor.u32 v58, v0;
	v2 =	vld.idx.msk [tilespmem:v4+s18+$0x0], $0xffff  }
0x352: {  	v4 =	vor.u32 v46, v1;
	_ =	sdelay $0x3  }
0x353: {  	[tilespmem:v3+s26+$0x0] =	vst.idx.msk $0xffff, v2  }
0x354: {  	v3 =	vor.u32 v59, v0;
	v2 =	vld.idx.msk [tilespmem:v4+s18+$0x0], $0xffff  }
0x355: {  	v4 =	vor.u32 v48, v1;
	_ =	sdelay $0x3  }
0x356: {  	[tilespmem:v3+s26+$0x0] =	vst.idx.msk $0xffff, v2  }
0x357: {  	v3 =	vor.u32 v60, v0;
	v2 =	vld.idx.msk [tilespmem:v4+s18+$0x0], $0xffff  }
0x358: {  	v4 =	vor.u32 v49, v1;
	_ =	sdelay $0x3  }
0x359: {  	[tilespmem:v3+s26+$0x0] =	vst.idx.msk $0xffff, v2  }
0x35a: {  	v3 =	vor.u32 v61, v0;
	v2 =	vld.idx.msk [tilespmem:v4+s18+$0x0], $0xffff  }
0x35b: {  	v4 =	vor.u32 v50, v1;
	_ =	sdelay $0x3  }
0x35c: {  	[tilespmem:v3+s26+$0x0] =	vst.idx.msk $0xffff, v2  }
0x35d: {  	v3 =	vor.u32 v62, v0;
	v2 =	vld.idx.msk [tilespmem:v4+s18+$0x0], $0xffff  }
0x35e: {  	v1 =	vor.u32 v51, v1;
	_ =	sdelay $0x3  }
0x35f: {  	[tilespmem:v3+s26+$0x0] =	vst.idx.msk $0xffff, v2  }
0x360: {  	s0 =	sshll.u32 s31, $0xA;
	v0 =	vor.u32 v63, v0;
	v1 =	vld.idx.msk [tilespmem:v1+s18+$0x0], $0xffff  }
0x361: {  	s8 =	sadd.s32 s0, s11  }
0x362: {  	s13 =	sshll.u32 s8, $0x2  }
0x363: {  	s9 =	sand.u32 $0xFFF0000, s13  }
0x364: {  	s8 =	sand.u32 $0x3E00, s8;
	s9 =	sadd.s32 s2, s9  }
0x365: {  	s8 =	sadd.s32 s8, s9;
	[tilespmem:v0+s26+$0x0] =	vst.idx.msk $0xffff, v1  }
0x366: {  	[hbm4b:s8+s22] =	stream.strided.scatter [tilespmem:s26], [sflag:$0x6], $0x4000, s23, s22, $0x38;
	[tilespmem:$0x10400] =	vst v63  }
0x367: {  	p0 =	seq.s32 s31, $0x18;
	_ =	swait.ge [sflag:s17], $0x200  }
0x368: {  	s1 =	sadd.s32 @!p0 s1, s12;
	[sflag:s17] =	ssyncset.done $0x0  }
0x369: {  	s1 =	sshll.u32 @!p0 s1, $0x6;
	[sflag:s17] =	ssyncadd.s32 $0xFFFFFE00  }
0x36a: {  	[tilespmem:s18], [sflag:$0x4] =	stream.indirect.gather [hbm4b:s5+s14], $0x20, s14, s14, $0xb8;
	[tilespmem:$0x10400] =	vst v63  }
0x36b: {  	s1 =	sand.u32 @!p0 $0x1FFFFF80, s1;
	s13 =	simm.s32 $0x0;
	_ =	swait.ge [sflag:s19], $0x4000  }
0x36c: {  	s1 =	sadd.s32 @!p0 s6, s1;
	v2 =	vlaneseq.u32;
	s8 =	sand.u32 $0x70, s13;
	[sflag:s19] =	ssyncset.done $0x0  }
0x36d: {  	s9 =	simm.s32 $0x0;
	v0 =	vor.u32 s8, v2;
	s8 =	simm.s32 @!p0 $0x0;
	[sflag:s19] =	ssyncadd.s32 $0xFFFFC000  }
0x36e: {  	v1 =	vor.u32 s9, v0;
	[tilespmem:s8], [sflag:$0x1] =	stream.linear.gather @!p0 [hbm4b:s1+s8], $0x200, $0x38;
	[tilespmem:$0x10400] =	vst v63  }
0x36f: {  	v1 =	vshll.u32 v1, $0x5;
	_ =	swait.ge [sflag:s28], $0x4000  }
0x370: {  	v2 =	vor.u32 v2, v1;
	v3 =	vld [tilespmem:$0x1FE40]  }
0x371: {  	v4 =	vld [tilespmem:$0x1FE50];
	_ =	sdelay $0x1  }
0x372: {  	s13 =	simm.s32 $0x0;
	v0 =	vand.u32 $0x78, v0;
	[sflag:s28] =	ssyncset.done $0x0  }
0x373: {  	v0 =	vor.u32 s13, v0;
	[sflag:s28] =	ssyncadd.s32 $0xFFFFC000  }
0x374: {  	v2 =	vld.idx.msk [tilespmem:v2+s16+$0x0], $0xffff;
	v3 =	vor.u32 v3, v0  }
0x375: {  	v4 =	vor.u32 v4, v1;
	_ =	sdelay $0x3  }
0x376: {  	[tilespmem:v3+s20+$0x0] =	vst.idx.msk $0xffff, v2;
	v3 =	vld [tilespmem:$0x1FE60]  }
0x377: {  	v2 =	vld.idx.msk [tilespmem:v4+s16+$0x0], $0xffff  }
0x378: {  	v4 =	vld [tilespmem:$0x1FE70];
	_ =	sdelay $0x3  }
0x379: {  	v3 =	vor.u32 v3, v0  }
0x37a: {  	v4 =	vor.u32 v4, v1;
	_ =	sdelay $0x3  }
0x37b: {  	[tilespmem:v3+s20+$0x0] =	vst.idx.msk $0xffff, v2;
	v3 =	vld [tilespmem:$0x1FE80]  }
0x37c: {  	v2 =	vld.idx.msk [tilespmem:v4+s16+$0x0], $0xffff  }
0x37d: {  	v4 =	vld [tilespmem:$0x1FFE0];
	_ =	sdelay $0x3  }
0x37e: {  	v3 =	vor.u32 v3, v0  }
0x37f: {  	v4 =	vor.u32 v4, v1;
	_ =	sdelay $0x3  }
0x380: {  	[tilespmem:v3+s20+$0x0] =	vst.idx.msk $0xffff, v2;
	v3 =	vld [tilespmem:$0x1FFD0]  }
0x381: {  	v2 =	vld.idx.msk [tilespmem:v4+s16+$0x0], $0xffff  }
0x382: {  	v4 =	vld [tilespmem:$0x1FFF0];
	_ =	sdelay $0x3  }
0x383: {  	v3 =	vor.u32 v3, v0  }
0x384: {  	v4 =	vor.u32 v4, v1;
	_ =	sdelay $0x3  }
0x385: {  	[tilespmem:v3+s20+$0x0] =	vst.idx.msk $0xffff, v2  }
0x386: {  	v3 =	vor.u32 v9, v0;
	v2 =	vld.idx.msk [tilespmem:v4+s16+$0x0], $0xffff  }
0x387: {  	v4 =	vor.u32 v10, v1;
	_ =	sdelay $0x3  }
0x388: {  	[tilespmem:v3+s20+$0x0] =	vst.idx.msk $0xffff, v2  }
0x389: {  	v3 =	vor.u32 v11, v0;
	v2 =	vld.idx.msk [tilespmem:v4+s16+$0x0], $0xffff  }
0x38a: {  	v4 =	vor.u32 v12, v1;
	_ =	sdelay $0x3  }
0x38b: {  	[tilespmem:v3+s20+$0x0] =	vst.idx.msk $0xffff, v2  }
0x38c: {  	v3 =	vor.u32 v13, v0;
	v2 =	vld.idx.msk [tilespmem:v4+s16+$0x0], $0xffff  }
0x38d: {  	v4 =	vor.u32 v14, v1;
	_ =	sdelay $0x3  }
0x38e: {  	[tilespmem:v3+s20+$0x0] =	vst.idx.msk $0xffff, v2  }
0x38f: {  	v3 =	vor.u32 v15, v0;
	v2 =	vld.idx.msk [tilespmem:v4+s16+$0x0], $0xffff  }
0x390: {  	v4 =	vor.u32 v16, v1;
	_ =	sdelay $0x3  }
0x391: {  	[tilespmem:v3+s20+$0x0] =	vst.idx.msk $0xffff, v2  }
0x392: {  	v3 =	vor.u32 v17, v0;
	v2 =	vld.idx.msk [tilespmem:v4+s16+$0x0], $0xffff  }
0x393: {  	v4 =	vor.u32 v18, v1;
	_ =	sdelay $0x3  }
0x394: {  	[tilespmem:v3+s20+$0x0] =	vst.idx.msk $0xffff, v2  }
0x395: {  	v3 =	vor.u32 v19, v0;
	v2 =	vld.idx.msk [tilespmem:v4+s16+$0x0], $0xffff  }
0x396: {  	v4 =	vor.u32 v20, v1;
	_ =	sdelay $0x3  }
0x397: {  	[tilespmem:v3+s20+$0x0] =	vst.idx.msk $0xffff, v2  }
0x398: {  	v3 =	vor.u32 v21, v0;
	v2 =	vld.idx.msk [tilespmem:v4+s16+$0x0], $0xffff  }
0x399: {  	v4 =	vor.u32 v22, v1;
	_ =	sdelay $0x3  }
0x39a: {  	[tilespmem:v3+s20+$0x0] =	vst.idx.msk $0xffff, v2  }
0x39b: {  	v3 =	vor.u32 v23, v0;
	v2 =	vld.idx.msk [tilespmem:v4+s16+$0x0], $0xffff  }
0x39c: {  	v4 =	vor.u32 v24, v1;
	_ =	sdelay $0x3  }
0x39d: {  	[tilespmem:v3+s20+$0x0] =	vst.idx.msk $0xffff, v2  }
0x39e: {  	v3 =	vor.u32 v25, v0;
	v2 =	vld.idx.msk [tilespmem:v4+s16+$0x0], $0xffff  }
0x39f: {  	v4 =	vor.u32 v26, v1;
	_ =	sdelay $0x3  }
0x3a0: {  	[tilespmem:v3+s20+$0x0] =	vst.idx.msk $0xffff, v2  }
0x3a1: {  	v3 =	vor.u32 v27, v0;
	v2 =	vld.idx.msk [tilespmem:v4+s16+$0x0], $0xffff  }
0x3a2: {  	v4 =	vor.u32 v28, v1;
	_ =	sdelay $0x3  }
0x3a3: {  	[tilespmem:v3+s20+$0x0] =	vst.idx.msk $0xffff, v2  }
0x3a4: {  	v3 =	vor.u32 v29, v0;
	v2 =	vld.idx.msk [tilespmem:v4+s16+$0x0], $0xffff  }
0x3a5: {  	v4 =	vor.u32 v30, v1;
	_ =	sdelay $0x3  }
0x3a6: {  	[tilespmem:v3+s20+$0x0] =	vst.idx.msk $0xffff, v2  }
0x3a7: {  	v3 =	vor.u32 v31, v0;
	v2 =	vld.idx.msk [tilespmem:v4+s16+$0x0], $0xffff  }
0x3a8: {  	v4 =	vor.u32 v38, v1;
	_ =	sdelay $0x3  }
0x3a9: {  	[tilespmem:v3+s20+$0x0] =	vst.idx.msk $0xffff, v2  }
0x3aa: {  	v3 =	vor.u32 v32, v0;
	v2 =	vld.idx.msk [tilespmem:v4+s16+$0x0], $0xffff  }
0x3ab: {  	v4 =	vor.u32 v39, v1;
	_ =	sdelay $0x3  }
0x3ac: {  	[tilespmem:v3+s20+$0x0] =	vst.idx.msk $0xffff, v2  }
0x3ad: {  	v3 =	vor.u32 v37, v0;
	v2 =	vld.idx.msk [tilespmem:v4+s16+$0x0], $0xffff  }
0x3ae: {  	v4 =	vor.u32 v40, v1;
	_ =	sdelay $0x3  }
0x3af: {  	[tilespmem:v3+s20+$0x0] =	vst.idx.msk $0xffff, v2  }
0x3b0: {  	v3 =	vor.u32 v42, v0;
	v2 =	vld.idx.msk [tilespmem:v4+s16+$0x0], $0xffff  }
0x3b1: {  	v4 =	vor.u32 v41, v1;
	_ =	sdelay $0x3  }
0x3b2: {  	[tilespmem:v3+s20+$0x0] =	vst.idx.msk $0xffff, v2  }
0x3b3: {  	v3 =	vor.u32 v47, v0;
	v2 =	vld.idx.msk [tilespmem:v4+s16+$0x0], $0xffff  }
0x3b4: {  	v4 =	vor.u32 v33, v1;
	_ =	sdelay $0x3  }
0x3b5: {  	[tilespmem:v3+s20+$0x0] =	vst.idx.msk $0xffff, v2  }
0x3b6: {  	v3 =	vor.u32 v52, v0;
	v2 =	vld.idx.msk [tilespmem:v4+s16+$0x0], $0xffff  }
0x3b7: {  	v4 =	vor.u32 v34, v1;
	_ =	sdelay $0x3  }
0x3b8: {  	[tilespmem:v3+s20+$0x0] =	vst.idx.msk $0xffff, v2  }
0x3b9: {  	v3 =	vor.u32 v53, v0;
	v2 =	vld.idx.msk [tilespmem:v4+s16+$0x0], $0xffff  }
0x3ba: {  	v4 =	vor.u32 v35, v1;
	_ =	sdelay $0x3  }
0x3bb: {  	[tilespmem:v3+s20+$0x0] =	vst.idx.msk $0xffff, v2  }
0x3bc: {  	v3 =	vor.u32 v54, v0;
	v2 =	vld.idx.msk [tilespmem:v4+s16+$0x0], $0xffff  }
0x3bd: {  	v4 =	vor.u32 v36, v1;
	_ =	sdelay $0x3  }
0x3be: {  	[tilespmem:v3+s20+$0x0] =	vst.idx.msk $0xffff, v2  }
0x3bf: {  	v3 =	vor.u32 v55, v0;
	v2 =	vld.idx.msk [tilespmem:v4+s16+$0x0], $0xffff  }
0x3c0: {  	v4 =	vor.u32 v43, v1;
	_ =	sdelay $0x3  }
0x3c1: {  	[tilespmem:v3+s20+$0x0] =	vst.idx.msk $0xffff, v2  }
0x3c2: {  	v3 =	vor.u32 v56, v0;
	v2 =	vld.idx.msk [tilespmem:v4+s16+$0x0], $0xffff  }
0x3c3: {  	v4 =	vor.u32 v44, v1;
	_ =	sdelay $0x3  }
0x3c4: {  	[tilespmem:v3+s20+$0x0] =	vst.idx.msk $0xffff, v2  }
0x3c5: {  	v3 =	vor.u32 v57, v0;
	v2 =	vld.idx.msk [tilespmem:v4+s16+$0x0], $0xffff  }
0x3c6: {  	v4 =	vor.u32 v45, v1;
	_ =	sdelay $0x3  }
0x3c7: {  	[tilespmem:v3+s20+$0x0] =	vst.idx.msk $0xffff, v2  }
0x3c8: {  	v3 =	vor.u32 v58, v0;
	v2 =	vld.idx.msk [tilespmem:v4+s16+$0x0], $0xffff  }
0x3c9: {  	v4 =	vor.u32 v46, v1;
	_ =	sdelay $0x3  }
0x3ca: {  	[tilespmem:v3+s20+$0x0] =	vst.idx.msk $0xffff, v2  }
0x3cb: {  	v3 =	vor.u32 v59, v0;
	v2 =	vld.idx.msk [tilespmem:v4+s16+$0x0], $0xffff  }
0x3cc: {  	v4 =	vor.u32 v48, v1;
	_ =	sdelay $0x3  }
0x3cd: {  	[tilespmem:v3+s20+$0x0] =	vst.idx.msk $0xffff, v2  }
0x3ce: {  	v3 =	vor.u32 v60, v0;
	v2 =	vld.idx.msk [tilespmem:v4+s16+$0x0], $0xffff  }
0x3cf: {  	v4 =	vor.u32 v49, v1;
	_ =	sdelay $0x3  }
0x3d0: {  	[tilespmem:v3+s20+$0x0] =	vst.idx.msk $0xffff, v2  }
0x3d1: {  	v3 =	vor.u32 v61, v0;
	v2 =	vld.idx.msk [tilespmem:v4+s16+$0x0], $0xffff  }
0x3d2: {  	v4 =	vor.u32 v50, v1;
	_ =	sdelay $0x3  }
0x3d3: {  	s1 =	simm.s32 $0x10;
	[tilespmem:v3+s20+$0x0] =	vst.idx.msk $0xffff, v2  }
0x3d4: {  	s9 =	simm.s32 $0x0;
	s8 =	simm.s32 $0x2;
	s13 =	sand.u32 $0x70, s1;
	v1 =	vor.u32 v51, v1;
	v3 =	vor.u32 v62, v0;
	v2 =	vld.idx.msk [tilespmem:v4+s16+$0x0], $0xffff  }
.LBB2_7:
0x3d5: {  	_ =	sdelay $0x3  }
0x3d6: {  	[tilespmem:v3+s20+$0x0] =	vst.idx.msk $0xffff, v2  }
0x3d7: {  	v0 =	vor.u32 v63, v0;
	v3 =	vld.idx.msk [tilespmem:v1+s16+$0x0], $0xffff  }
0x3d8: {  	v5 =	vlaneseq.u32  }
0x3d9: {  	v4 =	vor.u32 s13, v5;
	s13 =	sshll.u32 s9, $0x7  }
0x3da: {  	v2 =	vor.u32 s13, v4  }
0x3db: {  	v1 =	vshll.u32 v2, $0x5  }
0x3dc: {  	v2 =	vor.u32 v5, v1;
	[tilespmem:v0+s20+$0x0] =	vst.idx.msk $0xffff, v3;
	v3 =	vld [tilespmem:$0x1FE40];
	_ =	sdelay $0x2  }
0x3dd: {  	v4 =	vand.u32 $0x78, v4;
	s13 =	sshll.u32 s9, $0xA  }
0x3de: {  	v0 =	vor.u32 s13, v4;
	v4 =	vld [tilespmem:$0x1FE50]  }
0x3df: {  	v2 =	vld.idx.msk [tilespmem:v2+s16+$0x0], $0xffff;
	v3 =	vor.u32 v3, v0;
	_ =	sdelay $0x3  }
0x3e0: {  	v4 =	vor.u32 v4, v1  }
0x3e1: {  	[tilespmem:v3+s20+$0x0] =	vst.idx.msk $0xffff, v2;
	v3 =	vld [tilespmem:$0x1FE60];
	_ =	sdelay $0x3  }
0x3e2: {  	v2 =	vld.idx.msk [tilespmem:v4+s16+$0x0], $0xffff  }
0x3e3: {  	v4 =	vld [tilespmem:$0x1FE70];
	v3 =	vor.u32 v3, v0;
	_ =	sdelay $0x4  }
0x3e4: {  	v4 =	vor.u32 v4, v1;
	[tilespmem:v3+s20+$0x0] =	vst.idx.msk $0xffff, v2;
	v3 =	vld [tilespmem:$0x1FE80];
	_ =	sdelay $0x4  }
0x3e5: {  	v2 =	vld.idx.msk [tilespmem:v4+s16+$0x0], $0xffff;
	v3 =	vor.u32 v3, v0  }
0x3e6: {  	v4 =	vor.u32 v7, v1;
	_ =	sdelay $0x3  }
0x3e7: {  	[tilespmem:v3+s20+$0x0] =	vst.idx.msk $0xffff, v2  }
0x3e8: {  	v3 =	vor.u32 v8, v0;
	v2 =	vld.idx.msk [tilespmem:v4+s16+$0x0], $0xffff  }
0x3e9: {  	v4 =	vor.u32 v6, v1;
	_ =	sdelay $0x3  }
0x3ea: {  	[tilespmem:v3+s20+$0x0] =	vst.idx.msk $0xffff, v2  }
0x3eb: {  	v3 =	vor.u32 v9, v0;
	v2 =	vld.idx.msk [tilespmem:v4+s16+$0x0], $0xffff  }
0x3ec: {  	v4 =	vor.u32 v10, v1;
	_ =	sdelay $0x3  }
0x3ed: {  	[tilespmem:v3+s20+$0x0] =	vst.idx.msk $0xffff, v2  }
0x3ee: {  	v3 =	vor.u32 v11, v0;
	v2 =	vld.idx.msk [tilespmem:v4+s16+$0x0], $0xffff  }
0x3ef: {  	v4 =	vor.u32 v12, v1;
	_ =	sdelay $0x3  }
0x3f0: {  	[tilespmem:v3+s20+$0x0] =	vst.idx.msk $0xffff, v2  }
0x3f1: {  	v3 =	vor.u32 v13, v0;
	v2 =	vld.idx.msk [tilespmem:v4+s16+$0x0], $0xffff  }
0x3f2: {  	v4 =	vor.u32 v14, v1;
	_ =	sdelay $0x3  }
0x3f3: {  	[tilespmem:v3+s20+$0x0] =	vst.idx.msk $0xffff, v2  }
0x3f4: {  	v3 =	vor.u32 v15, v0;
	v2 =	vld.idx.msk [tilespmem:v4+s16+$0x0], $0xffff  }
0x3f5: {  	v4 =	vor.u32 v16, v1;
	_ =	sdelay $0x3  }
0x3f6: {  	[tilespmem:v3+s20+$0x0] =	vst.idx.msk $0xffff, v2  }
0x3f7: {  	v3 =	vor.u32 v17, v0;
	v2 =	vld.idx.msk [tilespmem:v4+s16+$0x0], $0xffff  }
0x3f8: {  	v4 =	vor.u32 v18, v1;
	_ =	sdelay $0x3  }
0x3f9: {  	[tilespmem:v3+s20+$0x0] =	vst.idx.msk $0xffff, v2  }
0x3fa: {  	v3 =	vor.u32 v19, v0;
	v2 =	vld.idx.msk [tilespmem:v4+s16+$0x0], $0xffff  }
0x3fb: {  	v4 =	vor.u32 v20, v1;
	_ =	sdelay $0x3  }
0x3fc: {  	[tilespmem:v3+s20+$0x0] =	vst.idx.msk $0xffff, v2  }
0x3fd: {  	v3 =	vor.u32 v21, v0;
	v2 =	vld.idx.msk [tilespmem:v4+s16+$0x0], $0xffff  }
0x3fe: {  	v4 =	vor.u32 v22, v1;
	_ =	sdelay $0x3  }
0x3ff: {  	[tilespmem:v3+s20+$0x0] =	vst.idx.msk $0xffff, v2  }
0x400: {  	v3 =	vor.u32 v23, v0;
	v2 =	vld.idx.msk [tilespmem:v4+s16+$0x0], $0xffff  }
0x401: {  	v4 =	vor.u32 v24, v1;
	_ =	sdelay $0x3  }
0x402: {  	[tilespmem:v3+s20+$0x0] =	vst.idx.msk $0xffff, v2  }
0x403: {  	v3 =	vor.u32 v25, v0;
	v2 =	vld.idx.msk [tilespmem:v4+s16+$0x0], $0xffff  }
0x404: {  	v4 =	vor.u32 v26, v1;
	_ =	sdelay $0x3  }
0x405: {  	[tilespmem:v3+s20+$0x0] =	vst.idx.msk $0xffff, v2  }
0x406: {  	v3 =	vor.u32 v27, v0;
	v2 =	vld.idx.msk [tilespmem:v4+s16+$0x0], $0xffff  }
0x407: {  	v4 =	vor.u32 v28, v1;
	_ =	sdelay $0x3  }
0x408: {  	[tilespmem:v3+s20+$0x0] =	vst.idx.msk $0xffff, v2  }
0x409: {  	v3 =	vor.u32 v29, v0;
	v2 =	vld.idx.msk [tilespmem:v4+s16+$0x0], $0xffff  }
0x40a: {  	v4 =	vor.u32 v30, v1;
	_ =	sdelay $0x3  }
0x40b: {  	[tilespmem:v3+s20+$0x0] =	vst.idx.msk $0xffff, v2  }
0x40c: {  	v3 =	vor.u32 v31, v0;
	v2 =	vld.idx.msk [tilespmem:v4+s16+$0x0], $0xffff  }
0x40d: {  	v4 =	vor.u32 v38, v1;
	_ =	sdelay $0x3  }
0x40e: {  	[tilespmem:v3+s20+$0x0] =	vst.idx.msk $0xffff, v2  }
0x40f: {  	v3 =	vor.u32 v32, v0;
	v2 =	vld.idx.msk [tilespmem:v4+s16+$0x0], $0xffff  }
0x410: {  	v4 =	vor.u32 v39, v1;
	_ =	sdelay $0x3  }
0x411: {  	[tilespmem:v3+s20+$0x0] =	vst.idx.msk $0xffff, v2  }
0x412: {  	v3 =	vor.u32 v37, v0;
	v2 =	vld.idx.msk [tilespmem:v4+s16+$0x0], $0xffff  }
0x413: {  	v4 =	vor.u32 v40, v1;
	_ =	sdelay $0x3  }
0x414: {  	[tilespmem:v3+s20+$0x0] =	vst.idx.msk $0xffff, v2  }
0x415: {  	v3 =	vor.u32 v42, v0;
	v2 =	vld.idx.msk [tilespmem:v4+s16+$0x0], $0xffff  }
0x416: {  	v4 =	vor.u32 v41, v1;
	_ =	sdelay $0x3  }
0x417: {  	[tilespmem:v3+s20+$0x0] =	vst.idx.msk $0xffff, v2  }
0x418: {  	v3 =	vor.u32 v47, v0;
	v2 =	vld.idx.msk [tilespmem:v4+s16+$0x0], $0xffff  }
0x419: {  	v4 =	vor.u32 v33, v1;
	_ =	sdelay $0x3  }
0x41a: {  	[tilespmem:v3+s20+$0x0] =	vst.idx.msk $0xffff, v2  }
0x41b: {  	v3 =	vor.u32 v52, v0;
	v2 =	vld.idx.msk [tilespmem:v4+s16+$0x0], $0xffff  }
0x41c: {  	v4 =	vor.u32 v34, v1;
	_ =	sdelay $0x3  }
0x41d: {  	[tilespmem:v3+s20+$0x0] =	vst.idx.msk $0xffff, v2  }
0x41e: {  	v3 =	vor.u32 v53, v0;
	v2 =	vld.idx.msk [tilespmem:v4+s16+$0x0], $0xffff  }
0x41f: {  	v4 =	vor.u32 v35, v1;
	_ =	sdelay $0x3  }
0x420: {  	[tilespmem:v3+s20+$0x0] =	vst.idx.msk $0xffff, v2  }
0x421: {  	v3 =	vor.u32 v54, v0;
	v2 =	vld.idx.msk [tilespmem:v4+s16+$0x0], $0xffff  }
0x422: {  	v4 =	vor.u32 v36, v1;
	_ =	sdelay $0x3  }
0x423: {  	[tilespmem:v3+s20+$0x0] =	vst.idx.msk $0xffff, v2  }
0x424: {  	v3 =	vor.u32 v55, v0;
	v2 =	vld.idx.msk [tilespmem:v4+s16+$0x0], $0xffff  }
0x425: {  	v4 =	vor.u32 v43, v1;
	_ =	sdelay $0x3  }
0x426: {  	[tilespmem:v3+s20+$0x0] =	vst.idx.msk $0xffff, v2  }
0x427: {  	v3 =	vor.u32 v56, v0;
	v2 =	vld.idx.msk [tilespmem:v4+s16+$0x0], $0xffff  }
0x428: {  	v4 =	vor.u32 v44, v1;
	_ =	sdelay $0x3  }
0x429: {  	[tilespmem:v3+s20+$0x0] =	vst.idx.msk $0xffff, v2  }
0x42a: {  	v3 =	vor.u32 v57, v0;
	v2 =	vld.idx.msk [tilespmem:v4+s16+$0x0], $0xffff  }
0x42b: {  	v4 =	vor.u32 v45, v1;
	_ =	sdelay $0x3  }
0x42c: {  	[tilespmem:v3+s20+$0x0] =	vst.idx.msk $0xffff, v2  }
0x42d: {  	v3 =	vor.u32 v58, v0;
	v2 =	vld.idx.msk [tilespmem:v4+s16+$0x0], $0xffff  }
0x42e: {  	v4 =	vor.u32 v46, v1;
	_ =	sdelay $0x3  }
0x42f: {  	[tilespmem:v3+s20+$0x0] =	vst.idx.msk $0xffff, v2  }
0x430: {  	v3 =	vor.u32 v59, v0;
	v2 =	vld.idx.msk [tilespmem:v4+s16+$0x0], $0xffff  }
0x431: {  	v4 =	vor.u32 v48, v1;
	_ =	sdelay $0x3  }
0x432: {  	[tilespmem:v3+s20+$0x0] =	vst.idx.msk $0xffff, v2  }
0x433: {  	v3 =	vor.u32 v60, v0;
	v2 =	vld.idx.msk [tilespmem:v4+s16+$0x0], $0xffff  }
0x434: {  	v4 =	vor.u32 v49, v1;
	_ =	sdelay $0x3  }
0x435: {  	[tilespmem:v3+s20+$0x0] =	vst.idx.msk $0xffff, v2  }
0x436: {  	v3 =	vor.u32 v61, v0;
	v2 =	vld.idx.msk [tilespmem:v4+s16+$0x0], $0xffff  }
0x437: {  	p0 =	sne.s32 s8, $0x1F;
	v4 =	vor.u32 v50, v1  }
.Ltmp2:
0x438: {  	_ = 	snop;
	(pc) =	sbr.rel @p0 .LBB2_7-.Ltmp2, $3  }
0x439: {  	_ =	sdelay $0x1  }
0x43a: {  	s1 =	sadd.s32 $0x10, s1;
	[tilespmem:v3+s20+$0x0] =	vst.idx.msk $0xffff, v2  }
0x43b: {  	s9 =	sshrl.u32 s8, $0x3;
	s8 =	sadd.s32 $0x1, s8;
	s13 =	sand.u32 $0x70, s1;
	v1 =	vor.u32 v51, v1;
	v3 =	vor.u32 v62, v0;
	v2 =	vld.idx.msk [tilespmem:v4+s16+$0x0], $0xffff  }
0x43c: {  	_ =	sdelay $0x3  }
0x43d: {  	[tilespmem:v3+s20+$0x0] =	vst.idx.msk $0xffff, v2  }
0x43e: {  	v0 =	vor.u32 v63, v0;
	v3 =	vld.idx.msk [tilespmem:v1+s16+$0x0], $0xffff  }
0x43f: {  	v5 =	vlaneseq.u32  }
0x440: {  	s1 =	sshll.u32 s9, $0x7;
	v4 =	vor.u32 s13, v5  }
0x441: {  	v2 =	vor.u32 s1, v4  }
0x442: {  	v1 =	vshll.u32 v2, $0x5  }
0x443: {  	v2 =	vor.u32 v5, v1;
	[tilespmem:v0+s20+$0x0] =	vst.idx.msk $0xffff, v3;
	v3 =	vld [tilespmem:$0x1FE40];
	_ =	sdelay $0x2  }
0x444: {  	s9 =	sshll.u32 s9, $0xA;
	v4 =	vand.u32 $0x78, v4  }
0x445: {  	v0 =	vor.u32 s9, v4;
	v4 =	vld [tilespmem:$0x1FE50]  }
0x446: {  	v2 =	vld.idx.msk [tilespmem:v2+s16+$0x0], $0xffff;
	v3 =	vor.u32 v3, v0;
	_ =	sdelay $0x3  }
0x447: {  	v4 =	vor.u32 v4, v1  }
0x448: {  	[tilespmem:v3+s20+$0x0] =	vst.idx.msk $0xffff, v2;
	v3 =	vld [tilespmem:$0x1FE60];
	_ =	sdelay $0x3  }
0x449: {  	v2 =	vld.idx.msk [tilespmem:v4+s16+$0x0], $0xffff  }
0x44a: {  	v4 =	vld [tilespmem:$0x1FE70];
	v3 =	vor.u32 v3, v0;
	_ =	sdelay $0x4  }
0x44b: {  	v4 =	vor.u32 v4, v1;
	[tilespmem:v3+s20+$0x0] =	vst.idx.msk $0xffff, v2;
	v3 =	vld [tilespmem:$0x1FE80];
	_ =	sdelay $0x4  }
0x44c: {  	v2 =	vld.idx.msk [tilespmem:v4+s16+$0x0], $0xffff;
	v3 =	vor.u32 v3, v0  }
0x44d: {  	v4 =	vor.u32 v7, v1;
	_ =	sdelay $0x3  }
0x44e: {  	[tilespmem:v3+s20+$0x0] =	vst.idx.msk $0xffff, v2  }
0x44f: {  	v3 =	vor.u32 v8, v0;
	v2 =	vld.idx.msk [tilespmem:v4+s16+$0x0], $0xffff  }
0x450: {  	v4 =	vor.u32 v6, v1;
	_ =	sdelay $0x3  }
0x451: {  	[tilespmem:v3+s20+$0x0] =	vst.idx.msk $0xffff, v2  }
0x452: {  	v3 =	vor.u32 v9, v0;
	v2 =	vld.idx.msk [tilespmem:v4+s16+$0x0], $0xffff  }
0x453: {  	v4 =	vor.u32 v10, v1;
	_ =	sdelay $0x3  }
0x454: {  	[tilespmem:v3+s20+$0x0] =	vst.idx.msk $0xffff, v2  }
0x455: {  	v3 =	vor.u32 v11, v0;
	v2 =	vld.idx.msk [tilespmem:v4+s16+$0x0], $0xffff  }
0x456: {  	v4 =	vor.u32 v12, v1;
	_ =	sdelay $0x3  }
0x457: {  	[tilespmem:v3+s20+$0x0] =	vst.idx.msk $0xffff, v2  }
0x458: {  	v3 =	vor.u32 v13, v0;
	v2 =	vld.idx.msk [tilespmem:v4+s16+$0x0], $0xffff  }
0x459: {  	v4 =	vor.u32 v14, v1;
	_ =	sdelay $0x3  }
0x45a: {  	[tilespmem:v3+s20+$0x0] =	vst.idx.msk $0xffff, v2  }
0x45b: {  	v3 =	vor.u32 v15, v0;
	v2 =	vld.idx.msk [tilespmem:v4+s16+$0x0], $0xffff  }
0x45c: {  	v4 =	vor.u32 v16, v1;
	_ =	sdelay $0x3  }
0x45d: {  	[tilespmem:v3+s20+$0x0] =	vst.idx.msk $0xffff, v2  }
0x45e: {  	v3 =	vor.u32 v17, v0;
	v2 =	vld.idx.msk [tilespmem:v4+s16+$0x0], $0xffff  }
0x45f: {  	v4 =	vor.u32 v18, v1;
	_ =	sdelay $0x3  }
0x460: {  	[tilespmem:v3+s20+$0x0] =	vst.idx.msk $0xffff, v2  }
0x461: {  	v3 =	vor.u32 v19, v0;
	v2 =	vld.idx.msk [tilespmem:v4+s16+$0x0], $0xffff  }
0x462: {  	v4 =	vor.u32 v20, v1;
	_ =	sdelay $0x3  }
0x463: {  	[tilespmem:v3+s20+$0x0] =	vst.idx.msk $0xffff, v2  }
0x464: {  	v3 =	vor.u32 v21, v0;
	v2 =	vld.idx.msk [tilespmem:v4+s16+$0x0], $0xffff  }
0x465: {  	v4 =	vor.u32 v22, v1;
	_ =	sdelay $0x3  }
0x466: {  	[tilespmem:v3+s20+$0x0] =	vst.idx.msk $0xffff, v2  }
0x467: {  	v3 =	vor.u32 v23, v0;
	v2 =	vld.idx.msk [tilespmem:v4+s16+$0x0], $0xffff  }
0x468: {  	v4 =	vor.u32 v24, v1;
	_ =	sdelay $0x3  }
0x469: {  	[tilespmem:v3+s20+$0x0] =	vst.idx.msk $0xffff, v2  }
0x46a: {  	v3 =	vor.u32 v25, v0;
	v2 =	vld.idx.msk [tilespmem:v4+s16+$0x0], $0xffff  }
0x46b: {  	v4 =	vor.u32 v26, v1;
	_ =	sdelay $0x3  }
0x46c: {  	[tilespmem:v3+s20+$0x0] =	vst.idx.msk $0xffff, v2  }
0x46d: {  	v3 =	vor.u32 v27, v0;
	v2 =	vld.idx.msk [tilespmem:v4+s16+$0x0], $0xffff  }
0x46e: {  	v4 =	vor.u32 v28, v1;
	_ =	sdelay $0x3  }
0x46f: {  	[tilespmem:v3+s20+$0x0] =	vst.idx.msk $0xffff, v2  }
0x470: {  	v3 =	vor.u32 v29, v0;
	v2 =	vld.idx.msk [tilespmem:v4+s16+$0x0], $0xffff  }
0x471: {  	v4 =	vor.u32 v30, v1;
	_ =	sdelay $0x3  }
0x472: {  	[tilespmem:v3+s20+$0x0] =	vst.idx.msk $0xffff, v2  }
0x473: {  	v3 =	vor.u32 v31, v0;
	v2 =	vld.idx.msk [tilespmem:v4+s16+$0x0], $0xffff  }
0x474: {  	v4 =	vor.u32 v38, v1;
	_ =	sdelay $0x3  }
0x475: {  	[tilespmem:v3+s20+$0x0] =	vst.idx.msk $0xffff, v2  }
0x476: {  	v3 =	vor.u32 v32, v0;
	v2 =	vld.idx.msk [tilespmem:v4+s16+$0x0], $0xffff  }
0x477: {  	v4 =	vor.u32 v39, v1;
	_ =	sdelay $0x3  }
0x478: {  	[tilespmem:v3+s20+$0x0] =	vst.idx.msk $0xffff, v2  }
0x479: {  	v3 =	vor.u32 v37, v0;
	v2 =	vld.idx.msk [tilespmem:v4+s16+$0x0], $0xffff  }
0x47a: {  	v4 =	vor.u32 v40, v1;
	_ =	sdelay $0x3  }
0x47b: {  	[tilespmem:v3+s20+$0x0] =	vst.idx.msk $0xffff, v2  }
0x47c: {  	v3 =	vor.u32 v42, v0;
	v2 =	vld.idx.msk [tilespmem:v4+s16+$0x0], $0xffff  }
0x47d: {  	v4 =	vor.u32 v41, v1;
	_ =	sdelay $0x3  }
0x47e: {  	[tilespmem:v3+s20+$0x0] =	vst.idx.msk $0xffff, v2  }
0x47f: {  	v3 =	vor.u32 v47, v0;
	v2 =	vld.idx.msk [tilespmem:v4+s16+$0x0], $0xffff  }
0x480: {  	v4 =	vor.u32 v33, v1;
	_ =	sdelay $0x3  }
0x481: {  	[tilespmem:v3+s20+$0x0] =	vst.idx.msk $0xffff, v2  }
0x482: {  	v3 =	vor.u32 v52, v0;
	v2 =	vld.idx.msk [tilespmem:v4+s16+$0x0], $0xffff  }
0x483: {  	v4 =	vor.u32 v34, v1;
	_ =	sdelay $0x3  }
0x484: {  	[tilespmem:v3+s20+$0x0] =	vst.idx.msk $0xffff, v2  }
0x485: {  	v3 =	vor.u32 v53, v0;
	v2 =	vld.idx.msk [tilespmem:v4+s16+$0x0], $0xffff  }
0x486: {  	v4 =	vor.u32 v35, v1;
	_ =	sdelay $0x3  }
0x487: {  	[tilespmem:v3+s20+$0x0] =	vst.idx.msk $0xffff, v2  }
0x488: {  	v3 =	vor.u32 v54, v0;
	v2 =	vld.idx.msk [tilespmem:v4+s16+$0x0], $0xffff  }
0x489: {  	v4 =	vor.u32 v36, v1;
	_ =	sdelay $0x3  }
0x48a: {  	[tilespmem:v3+s20+$0x0] =	vst.idx.msk $0xffff, v2  }
0x48b: {  	v3 =	vor.u32 v55, v0;
	v2 =	vld.idx.msk [tilespmem:v4+s16+$0x0], $0xffff  }
0x48c: {  	v4 =	vor.u32 v43, v1;
	_ =	sdelay $0x3  }
0x48d: {  	[tilespmem:v3+s20+$0x0] =	vst.idx.msk $0xffff, v2  }
0x48e: {  	v3 =	vor.u32 v56, v0;
	v2 =	vld.idx.msk [tilespmem:v4+s16+$0x0], $0xffff  }
0x48f: {  	v4 =	vor.u32 v44, v1;
	_ =	sdelay $0x3  }
0x490: {  	[tilespmem:v3+s20+$0x0] =	vst.idx.msk $0xffff, v2  }
0x491: {  	v3 =	vor.u32 v57, v0;
	v2 =	vld.idx.msk [tilespmem:v4+s16+$0x0], $0xffff  }
0x492: {  	v4 =	vor.u32 v45, v1;
	_ =	sdelay $0x3  }
0x493: {  	[tilespmem:v3+s20+$0x0] =	vst.idx.msk $0xffff, v2  }
0x494: {  	v3 =	vor.u32 v58, v0;
	v2 =	vld.idx.msk [tilespmem:v4+s16+$0x0], $0xffff  }
0x495: {  	v4 =	vor.u32 v46, v1;
	_ =	sdelay $0x3  }
0x496: {  	[tilespmem:v3+s20+$0x0] =	vst.idx.msk $0xffff, v2  }
0x497: {  	v3 =	vor.u32 v59, v0;
	v2 =	vld.idx.msk [tilespmem:v4+s16+$0x0], $0xffff  }
0x498: {  	v4 =	vor.u32 v48, v1;
	_ =	sdelay $0x3  }
0x499: {  	[tilespmem:v3+s20+$0x0] =	vst.idx.msk $0xffff, v2  }
0x49a: {  	v3 =	vor.u32 v60, v0;
	v2 =	vld.idx.msk [tilespmem:v4+s16+$0x0], $0xffff  }
0x49b: {  	v4 =	vor.u32 v49, v1;
	_ =	sdelay $0x3  }
0x49c: {  	[tilespmem:v3+s20+$0x0] =	vst.idx.msk $0xffff, v2  }
0x49d: {  	v3 =	vor.u32 v61, v0;
	v2 =	vld.idx.msk [tilespmem:v4+s16+$0x0], $0xffff  }
0x49e: {  	v4 =	vor.u32 v50, v1;
	_ =	sdelay $0x3  }
0x49f: {  	[tilespmem:v3+s20+$0x0] =	vst.idx.msk $0xffff, v2  }
0x4a0: {  	v3 =	vor.u32 v62, v0;
	v2 =	vld.idx.msk [tilespmem:v4+s16+$0x0], $0xffff  }
0x4a1: {  	v1 =	vor.u32 v51, v1;
	_ =	sdelay $0x3  }
0x4a2: {  	[tilespmem:v3+s20+$0x0] =	vst.idx.msk $0xffff, v2  }
0x4a3: {  	s31 =	sadd.s32 $0x1, s31;
	v0 =	vor.u32 v63, v0;
	v1 =	vld.idx.msk [tilespmem:v1+s16+$0x0], $0xffff  }
0x4a4: {  	s0 =	sadd.s32 s4, s0;
	p0 =	sne.s32 s31, $0x19  }
.Ltmp3:
0x4a5: {  	s13 =	sshll.u32 s0, $0x2;
	(pc) =	sbr.rel @p0 .LBB2_4-.Ltmp3, $4  }
0x4a6: {  	s1 =	sand.u32 $0xFFF0000, s13  }
0x4a7: {  	s0 =	sand.u32 $0x3C00, s0;
	s1 =	sadd.s32 s2, s1  }
0x4a8: {  	s0 =	sadd.s32 s0, s1;
	[tilespmem:v0+s20+$0x0] =	vst.idx.msk $0xffff, v1  }
0x4a9: {  	[hbm4b:s0+s22] =	stream.strided.scatter [tilespmem:s20], [sflag:$0x5], $0x4000, s23, s22, $0x38;
	[tilespmem:$0x10400] =	vst v63  }
0x4aa: {  	s0 =	simm.s32 $0x0  }
0x4ab: {  	v2 =	vlaneseq.u32;
	_ =	swait.ge [sflag:s25], $0x4000;
	s0 =	sand.u32 $0x70, s0  }
0x4ac: {  	s13 =	simm.s32 $0x0;
	[sflag:s25] =	ssyncset.done $0x0;
	v0 =	vor.u32 s0, v2  }
0x4ad: {  	[sflag:s25] =	ssyncadd.s32 $0xFFFFC000;
	v1 =	vor.u32 s13, v0  }
0x4ae: {  	_ =	swait.ge [sflag:s29], $0x4000;
	v1 =	vshll.u32 v1, $0x5  }
0x4af: {  	v3 =	vld [tilespmem:$0x1FE40];
	v2 =	vor.u32 v2, v1;
	_ =	sdelay $0x2  }
0x4b0: {  	s31 =	simm.s32 $0x0;
	v0 =	vand.u32 $0x78, v0;
	[sflag:s29] =	ssyncset.done $0x0  }
0x4b1: {  	v0 =	vor.u32 s31, v0;
	v4 =	vld [tilespmem:$0x1FE50];
	[sflag:s29] =	ssyncadd.s32 $0xFFFFC000  }
0x4b2: {  	v3 =	vor.u32 v3, v0;
	v2 =	vld.idx.msk [tilespmem:v2+s18+$0x0], $0xffff;
	_ =	sdelay $0x3  }
0x4b3: {  	v4 =	vor.u32 v4, v1  }
0x4b4: {  	[tilespmem:v3+s26+$0x0] =	vst.idx.msk $0xffff, v2;
	v3 =	vld [tilespmem:$0x1FE60];
	_ =	sdelay $0x3  }
0x4b5: {  	v2 =	vld.idx.msk [tilespmem:v4+s18+$0x0], $0xffff  }
0x4b6: {  	v4 =	vld [tilespmem:$0x1FE70];
	v3 =	vor.u32 v3, v0;
	_ =	sdelay $0x4  }
0x4b7: {  	v4 =	vor.u32 v4, v1;
	[tilespmem:v3+s26+$0x0] =	vst.idx.msk $0xffff, v2;
	v3 =	vld [tilespmem:$0x1FE80];
	_ =	sdelay $0x4  }
0x4b8: {  	v2 =	vld.idx.msk [tilespmem:v4+s18+$0x0], $0xffff;
	v3 =	vor.u32 v3, v0  }
0x4b9: {  	v4 =	vor.u32 v7, v1;
	_ =	sdelay $0x3  }
0x4ba: {  	[tilespmem:v3+s26+$0x0] =	vst.idx.msk $0xffff, v2  }
0x4bb: {  	v3 =	vor.u32 v8, v0;
	v2 =	vld.idx.msk [tilespmem:v4+s18+$0x0], $0xffff  }
0x4bc: {  	v4 =	vor.u32 v6, v1;
	_ =	sdelay $0x3  }
0x4bd: {  	[tilespmem:v3+s26+$0x0] =	vst.idx.msk $0xffff, v2  }
0x4be: {  	v3 =	vor.u32 v9, v0;
	v2 =	vld.idx.msk [tilespmem:v4+s18+$0x0], $0xffff  }
0x4bf: {  	v4 =	vor.u32 v10, v1;
	_ =	sdelay $0x3  }
0x4c0: {  	[tilespmem:v3+s26+$0x0] =	vst.idx.msk $0xffff, v2  }
0x4c1: {  	v3 =	vor.u32 v11, v0;
	v2 =	vld.idx.msk [tilespmem:v4+s18+$0x0], $0xffff  }
0x4c2: {  	v4 =	vor.u32 v12, v1;
	_ =	sdelay $0x3  }
0x4c3: {  	[tilespmem:v3+s26+$0x0] =	vst.idx.msk $0xffff, v2  }
0x4c4: {  	v3 =	vor.u32 v13, v0;
	v2 =	vld.idx.msk [tilespmem:v4+s18+$0x0], $0xffff  }
0x4c5: {  	v4 =	vor.u32 v14, v1;
	_ =	sdelay $0x3  }
0x4c6: {  	[tilespmem:v3+s26+$0x0] =	vst.idx.msk $0xffff, v2  }
0x4c7: {  	v3 =	vor.u32 v15, v0;
	v2 =	vld.idx.msk [tilespmem:v4+s18+$0x0], $0xffff  }
0x4c8: {  	v4 =	vor.u32 v16, v1;
	_ =	sdelay $0x3  }
0x4c9: {  	[tilespmem:v3+s26+$0x0] =	vst.idx.msk $0xffff, v2  }
0x4ca: {  	v3 =	vor.u32 v17, v0;
	v2 =	vld.idx.msk [tilespmem:v4+s18+$0x0], $0xffff  }
0x4cb: {  	v4 =	vor.u32 v18, v1;
	_ =	sdelay $0x3  }
0x4cc: {  	[tilespmem:v3+s26+$0x0] =	vst.idx.msk $0xffff, v2  }
0x4cd: {  	v3 =	vor.u32 v19, v0;
	v2 =	vld.idx.msk [tilespmem:v4+s18+$0x0], $0xffff  }
0x4ce: {  	v4 =	vor.u32 v20, v1;
	_ =	sdelay $0x3  }
0x4cf: {  	[tilespmem:v3+s26+$0x0] =	vst.idx.msk $0xffff, v2  }
0x4d0: {  	v3 =	vor.u32 v21, v0;
	v2 =	vld.idx.msk [tilespmem:v4+s18+$0x0], $0xffff  }
0x4d1: {  	v4 =	vor.u32 v22, v1;
	_ =	sdelay $0x3  }
0x4d2: {  	[tilespmem:v3+s26+$0x0] =	vst.idx.msk $0xffff, v2  }
0x4d3: {  	v3 =	vor.u32 v23, v0;
	v2 =	vld.idx.msk [tilespmem:v4+s18+$0x0], $0xffff  }
0x4d4: {  	v4 =	vor.u32 v24, v1;
	_ =	sdelay $0x3  }
0x4d5: {  	[tilespmem:v3+s26+$0x0] =	vst.idx.msk $0xffff, v2  }
0x4d6: {  	v3 =	vor.u32 v25, v0;
	v2 =	vld.idx.msk [tilespmem:v4+s18+$0x0], $0xffff  }
0x4d7: {  	v4 =	vor.u32 v26, v1;
	_ =	sdelay $0x3  }
0x4d8: {  	[tilespmem:v3+s26+$0x0] =	vst.idx.msk $0xffff, v2  }
0x4d9: {  	v3 =	vor.u32 v27, v0;
	v2 =	vld.idx.msk [tilespmem:v4+s18+$0x0], $0xffff  }
0x4da: {  	v4 =	vor.u32 v28, v1;
	_ =	sdelay $0x3  }
0x4db: {  	[tilespmem:v3+s26+$0x0] =	vst.idx.msk $0xffff, v2  }
0x4dc: {  	v3 =	vor.u32 v29, v0;
	v2 =	vld.idx.msk [tilespmem:v4+s18+$0x0], $0xffff  }
0x4dd: {  	v4 =	vor.u32 v30, v1;
	_ =	sdelay $0x3  }
0x4de: {  	[tilespmem:v3+s26+$0x0] =	vst.idx.msk $0xffff, v2  }
0x4df: {  	v3 =	vor.u32 v31, v0;
	v2 =	vld.idx.msk [tilespmem:v4+s18+$0x0], $0xffff  }
0x4e0: {  	v4 =	vor.u32 v38, v1;
	_ =	sdelay $0x3  }
0x4e1: {  	[tilespmem:v3+s26+$0x0] =	vst.idx.msk $0xffff, v2  }
0x4e2: {  	v3 =	vor.u32 v32, v0;
	v2 =	vld.idx.msk [tilespmem:v4+s18+$0x0], $0xffff  }
0x4e3: {  	v4 =	vor.u32 v39, v1;
	_ =	sdelay $0x3  }
0x4e4: {  	[tilespmem:v3+s26+$0x0] =	vst.idx.msk $0xffff, v2  }
0x4e5: {  	v3 =	vor.u32 v37, v0;
	v2 =	vld.idx.msk [tilespmem:v4+s18+$0x0], $0xffff  }
0x4e6: {  	v4 =	vor.u32 v40, v1;
	_ =	sdelay $0x3  }
0x4e7: {  	[tilespmem:v3+s26+$0x0] =	vst.idx.msk $0xffff, v2  }
0x4e8: {  	v3 =	vor.u32 v42, v0;
	v2 =	vld.idx.msk [tilespmem:v4+s18+$0x0], $0xffff  }
0x4e9: {  	v4 =	vor.u32 v41, v1;
	_ =	sdelay $0x3  }
0x4ea: {  	[tilespmem:v3+s26+$0x0] =	vst.idx.msk $0xffff, v2  }
0x4eb: {  	v3 =	vor.u32 v47, v0;
	v2 =	vld.idx.msk [tilespmem:v4+s18+$0x0], $0xffff  }
0x4ec: {  	v4 =	vor.u32 v33, v1;
	_ =	sdelay $0x3  }
0x4ed: {  	[tilespmem:v3+s26+$0x0] =	vst.idx.msk $0xffff, v2  }
0x4ee: {  	v3 =	vor.u32 v52, v0;
	v2 =	vld.idx.msk [tilespmem:v4+s18+$0x0], $0xffff  }
0x4ef: {  	v4 =	vor.u32 v34, v1;
	_ =	sdelay $0x3  }
0x4f0: {  	[tilespmem:v3+s26+$0x0] =	vst.idx.msk $0xffff, v2  }
0x4f1: {  	v3 =	vor.u32 v53, v0;
	v2 =	vld.idx.msk [tilespmem:v4+s18+$0x0], $0xffff  }
0x4f2: {  	v4 =	vor.u32 v35, v1;
	_ =	sdelay $0x3  }
0x4f3: {  	[tilespmem:v3+s26+$0x0] =	vst.idx.msk $0xffff, v2  }
0x4f4: {  	v3 =	vor.u32 v54, v0;
	v2 =	vld.idx.msk [tilespmem:v4+s18+$0x0], $0xffff  }
0x4f5: {  	v4 =	vor.u32 v36, v1;
	_ =	sdelay $0x3  }
0x4f6: {  	[tilespmem:v3+s26+$0x0] =	vst.idx.msk $0xffff, v2  }
0x4f7: {  	v3 =	vor.u32 v55, v0;
	v2 =	vld.idx.msk [tilespmem:v4+s18+$0x0], $0xffff  }
0x4f8: {  	v4 =	vor.u32 v43, v1;
	_ =	sdelay $0x3  }
0x4f9: {  	[tilespmem:v3+s26+$0x0] =	vst.idx.msk $0xffff, v2  }
0x4fa: {  	v3 =	vor.u32 v56, v0;
	v2 =	vld.idx.msk [tilespmem:v4+s18+$0x0], $0xffff  }
0x4fb: {  	v4 =	vor.u32 v44, v1;
	_ =	sdelay $0x3  }
0x4fc: {  	[tilespmem:v3+s26+$0x0] =	vst.idx.msk $0xffff, v2  }
0x4fd: {  	v3 =	vor.u32 v57, v0;
	v2 =	vld.idx.msk [tilespmem:v4+s18+$0x0], $0xffff  }
0x4fe: {  	v4 =	vor.u32 v45, v1;
	_ =	sdelay $0x3  }
0x4ff: {  	[tilespmem:v3+s26+$0x0] =	vst.idx.msk $0xffff, v2  }
0x500: {  	v3 =	vor.u32 v58, v0;
	v2 =	vld.idx.msk [tilespmem:v4+s18+$0x0], $0xffff  }
0x501: {  	v4 =	vor.u32 v46, v1;
	_ =	sdelay $0x3  }
0x502: {  	[tilespmem:v3+s26+$0x0] =	vst.idx.msk $0xffff, v2  }
0x503: {  	v3 =	vor.u32 v59, v0;
	v2 =	vld.idx.msk [tilespmem:v4+s18+$0x0], $0xffff  }
0x504: {  	v4 =	vor.u32 v48, v1;
	_ =	sdelay $0x3  }
0x505: {  	[tilespmem:v3+s26+$0x0] =	vst.idx.msk $0xffff, v2  }
0x506: {  	v3 =	vor.u32 v60, v0;
	v2 =	vld.idx.msk [tilespmem:v4+s18+$0x0], $0xffff  }
0x507: {  	v4 =	vor.u32 v49, v1;
	_ =	sdelay $0x3  }
0x508: {  	[tilespmem:v3+s26+$0x0] =	vst.idx.msk $0xffff, v2  }
0x509: {  	v3 =	vor.u32 v61, v0;
	v2 =	vld.idx.msk [tilespmem:v4+s18+$0x0], $0xffff  }
0x50a: {  	v4 =	vor.u32 v50, v1;
	_ =	sdelay $0x3  }
0x50b: {  	s0 =	simm.s32 $0x10;
	[tilespmem:v3+s26+$0x0] =	vst.idx.msk $0xffff, v2  }
0x50c: {  	s8 =	simm.s32 $0x0;
	s1 =	simm.s32 $0x2;
	s9 =	sand.u32 $0x70, s0;
	v1 =	vor.u32 v51, v1;
	v3 =	vor.u32 v62, v0;
	v2 =	vld.idx.msk [tilespmem:v4+s18+$0x0], $0xffff  }
.LBB2_10:
0x50d: {  	_ =	sdelay $0x3  }
0x50e: {  	[tilespmem:v3+s26+$0x0] =	vst.idx.msk $0xffff, v2  }
0x50f: {  	v0 =	vor.u32 v63, v0;
	v3 =	vld.idx.msk [tilespmem:v1+s18+$0x0], $0xffff  }
0x510: {  	v5 =	vlaneseq.u32  }
0x511: {  	s13 =	sshll.u32 s8, $0x7;
	v4 =	vor.u32 s9, v5  }
0x512: {  	v2 =	vor.u32 s13, v4  }
0x513: {  	v1 =	vshll.u32 v2, $0x5  }
0x514: {  	v2 =	vor.u32 v5, v1;
	[tilespmem:v0+s26+$0x0] =	vst.idx.msk $0xffff, v3;
	v3 =	vld [tilespmem:$0x1FE40];
	_ =	sdelay $0x2  }
0x515: {  	s31 =	sshll.u32 s8, $0xA;
	v4 =	vand.u32 $0x78, v4  }
0x516: {  	v0 =	vor.u32 s31, v4;
	v4 =	vld [tilespmem:$0x1FE50]  }
0x517: {  	v2 =	vld.idx.msk [tilespmem:v2+s18+$0x0], $0xffff;
	v3 =	vor.u32 v3, v0;
	_ =	sdelay $0x3  }
0x518: {  	v4 =	vor.u32 v4, v1  }
0x519: {  	[tilespmem:v3+s26+$0x0] =	vst.idx.msk $0xffff, v2;
	v3 =	vld [tilespmem:$0x1FE60];
	_ =	sdelay $0x3  }
0x51a: {  	v2 =	vld.idx.msk [tilespmem:v4+s18+$0x0], $0xffff  }
0x51b: {  	v4 =	vld [tilespmem:$0x1FE70];
	v3 =	vor.u32 v3, v0;
	_ =	sdelay $0x4  }
0x51c: {  	v4 =	vor.u32 v4, v1;
	[tilespmem:v3+s26+$0x0] =	vst.idx.msk $0xffff, v2;
	v3 =	vld [tilespmem:$0x1FE80];
	_ =	sdelay $0x4  }
0x51d: {  	v2 =	vld.idx.msk [tilespmem:v4+s18+$0x0], $0xffff;
	v3 =	vor.u32 v3, v0  }
0x51e: {  	v4 =	vor.u32 v7, v1;
	_ =	sdelay $0x3  }
0x51f: {  	[tilespmem:v3+s26+$0x0] =	vst.idx.msk $0xffff, v2  }
0x520: {  	v3 =	vor.u32 v8, v0;
	v2 =	vld.idx.msk [tilespmem:v4+s18+$0x0], $0xffff  }
0x521: {  	v4 =	vor.u32 v6, v1;
	_ =	sdelay $0x3  }
0x522: {  	[tilespmem:v3+s26+$0x0] =	vst.idx.msk $0xffff, v2  }
0x523: {  	v3 =	vor.u32 v9, v0;
	v2 =	vld.idx.msk [tilespmem:v4+s18+$0x0], $0xffff  }
0x524: {  	v4 =	vor.u32 v10, v1;
	_ =	sdelay $0x3  }
0x525: {  	[tilespmem:v3+s26+$0x0] =	vst.idx.msk $0xffff, v2  }
0x526: {  	v3 =	vor.u32 v11, v0;
	v2 =	vld.idx.msk [tilespmem:v4+s18+$0x0], $0xffff  }
0x527: {  	v4 =	vor.u32 v12, v1;
	_ =	sdelay $0x3  }
0x528: {  	[tilespmem:v3+s26+$0x0] =	vst.idx.msk $0xffff, v2  }
0x529: {  	v3 =	vor.u32 v13, v0;
	v2 =	vld.idx.msk [tilespmem:v4+s18+$0x0], $0xffff  }
0x52a: {  	v4 =	vor.u32 v14, v1;
	_ =	sdelay $0x3  }
0x52b: {  	[tilespmem:v3+s26+$0x0] =	vst.idx.msk $0xffff, v2  }
0x52c: {  	v3 =	vor.u32 v15, v0;
	v2 =	vld.idx.msk [tilespmem:v4+s18+$0x0], $0xffff  }
0x52d: {  	v4 =	vor.u32 v16, v1;
	_ =	sdelay $0x3  }
0x52e: {  	[tilespmem:v3+s26+$0x0] =	vst.idx.msk $0xffff, v2  }
0x52f: {  	v3 =	vor.u32 v17, v0;
	v2 =	vld.idx.msk [tilespmem:v4+s18+$0x0], $0xffff  }
0x530: {  	v4 =	vor.u32 v18, v1;
	_ =	sdelay $0x3  }
0x531: {  	[tilespmem:v3+s26+$0x0] =	vst.idx.msk $0xffff, v2  }
0x532: {  	v3 =	vor.u32 v19, v0;
	v2 =	vld.idx.msk [tilespmem:v4+s18+$0x0], $0xffff  }
0x533: {  	v4 =	vor.u32 v20, v1;
	_ =	sdelay $0x3  }
0x534: {  	[tilespmem:v3+s26+$0x0] =	vst.idx.msk $0xffff, v2  }
0x535: {  	v3 =	vor.u32 v21, v0;
	v2 =	vld.idx.msk [tilespmem:v4+s18+$0x0], $0xffff  }
0x536: {  	v4 =	vor.u32 v22, v1;
	_ =	sdelay $0x3  }
0x537: {  	[tilespmem:v3+s26+$0x0] =	vst.idx.msk $0xffff, v2  }
0x538: {  	v3 =	vor.u32 v23, v0;
	v2 =	vld.idx.msk [tilespmem:v4+s18+$0x0], $0xffff  }
0x539: {  	v4 =	vor.u32 v24, v1;
	_ =	sdelay $0x3  }
0x53a: {  	[tilespmem:v3+s26+$0x0] =	vst.idx.msk $0xffff, v2  }
0x53b: {  	v3 =	vor.u32 v25, v0;
	v2 =	vld.idx.msk [tilespmem:v4+s18+$0x0], $0xffff  }
0x53c: {  	v4 =	vor.u32 v26, v1;
	_ =	sdelay $0x3  }
0x53d: {  	[tilespmem:v3+s26+$0x0] =	vst.idx.msk $0xffff, v2  }
0x53e: {  	v3 =	vor.u32 v27, v0;
	v2 =	vld.idx.msk [tilespmem:v4+s18+$0x0], $0xffff  }
0x53f: {  	v4 =	vor.u32 v28, v1;
	_ =	sdelay $0x3  }
0x540: {  	[tilespmem:v3+s26+$0x0] =	vst.idx.msk $0xffff, v2  }
0x541: {  	v3 =	vor.u32 v29, v0;
	v2 =	vld.idx.msk [tilespmem:v4+s18+$0x0], $0xffff  }
0x542: {  	v4 =	vor.u32 v30, v1;
	_ =	sdelay $0x3  }
0x543: {  	[tilespmem:v3+s26+$0x0] =	vst.idx.msk $0xffff, v2  }
0x544: {  	v3 =	vor.u32 v31, v0;
	v2 =	vld.idx.msk [tilespmem:v4+s18+$0x0], $0xffff  }
0x545: {  	v4 =	vor.u32 v38, v1;
	_ =	sdelay $0x3  }
0x546: {  	[tilespmem:v3+s26+$0x0] =	vst.idx.msk $0xffff, v2  }
0x547: {  	v3 =	vor.u32 v32, v0;
	v2 =	vld.idx.msk [tilespmem:v4+s18+$0x0], $0xffff  }
0x548: {  	v4 =	vor.u32 v39, v1;
	_ =	sdelay $0x3  }
0x549: {  	[tilespmem:v3+s26+$0x0] =	vst.idx.msk $0xffff, v2  }
0x54a: {  	v3 =	vor.u32 v37, v0;
	v2 =	vld.idx.msk [tilespmem:v4+s18+$0x0], $0xffff  }
0x54b: {  	v4 =	vor.u32 v40, v1;
	_ =	sdelay $0x3  }
0x54c: {  	[tilespmem:v3+s26+$0x0] =	vst.idx.msk $0xffff, v2  }
0x54d: {  	v3 =	vor.u32 v42, v0;
	v2 =	vld.idx.msk [tilespmem:v4+s18+$0x0], $0xffff  }
0x54e: {  	v4 =	vor.u32 v41, v1;
	_ =	sdelay $0x3  }
0x54f: {  	[tilespmem:v3+s26+$0x0] =	vst.idx.msk $0xffff, v2  }
0x550: {  	v3 =	vor.u32 v47, v0;
	v2 =	vld.idx.msk [tilespmem:v4+s18+$0x0], $0xffff  }
0x551: {  	v4 =	vor.u32 v33, v1;
	_ =	sdelay $0x3  }
0x552: {  	[tilespmem:v3+s26+$0x0] =	vst.idx.msk $0xffff, v2  }
0x553: {  	v3 =	vor.u32 v52, v0;
	v2 =	vld.idx.msk [tilespmem:v4+s18+$0x0], $0xffff  }
0x554: {  	v4 =	vor.u32 v34, v1;
	_ =	sdelay $0x3  }
0x555: {  	[tilespmem:v3+s26+$0x0] =	vst.idx.msk $0xffff, v2  }
0x556: {  	v3 =	vor.u32 v53, v0;
	v2 =	vld.idx.msk [tilespmem:v4+s18+$0x0], $0xffff  }
0x557: {  	v4 =	vor.u32 v35, v1;
	_ =	sdelay $0x3  }
0x558: {  	[tilespmem:v3+s26+$0x0] =	vst.idx.msk $0xffff, v2  }
0x559: {  	v3 =	vor.u32 v54, v0;
	v2 =	vld.idx.msk [tilespmem:v4+s18+$0x0], $0xffff  }
0x55a: {  	v4 =	vor.u32 v36, v1;
	_ =	sdelay $0x3  }
0x55b: {  	[tilespmem:v3+s26+$0x0] =	vst.idx.msk $0xffff, v2  }
0x55c: {  	v3 =	vor.u32 v55, v0;
	v2 =	vld.idx.msk [tilespmem:v4+s18+$0x0], $0xffff  }
0x55d: {  	v4 =	vor.u32 v43, v1;
	_ =	sdelay $0x3  }
0x55e: {  	[tilespmem:v3+s26+$0x0] =	vst.idx.msk $0xffff, v2  }
0x55f: {  	v3 =	vor.u32 v56, v0;
	v2 =	vld.idx.msk [tilespmem:v4+s18+$0x0], $0xffff  }
0x560: {  	v4 =	vor.u32 v44, v1;
	_ =	sdelay $0x3  }
0x561: {  	[tilespmem:v3+s26+$0x0] =	vst.idx.msk $0xffff, v2  }
0x562: {  	v3 =	vor.u32 v57, v0;
	v2 =	vld.idx.msk [tilespmem:v4+s18+$0x0], $0xffff  }
0x563: {  	v4 =	vor.u32 v45, v1;
	_ =	sdelay $0x3  }
0x564: {  	[tilespmem:v3+s26+$0x0] =	vst.idx.msk $0xffff, v2  }
0x565: {  	v3 =	vor.u32 v58, v0;
	v2 =	vld.idx.msk [tilespmem:v4+s18+$0x0], $0xffff  }
0x566: {  	v4 =	vor.u32 v46, v1;
	_ =	sdelay $0x3  }
0x567: {  	[tilespmem:v3+s26+$0x0] =	vst.idx.msk $0xffff, v2  }
0x568: {  	v3 =	vor.u32 v59, v0;
	v2 =	vld.idx.msk [tilespmem:v4+s18+$0x0], $0xffff  }
0x569: {  	v4 =	vor.u32 v48, v1;
	_ =	sdelay $0x3  }
0x56a: {  	[tilespmem:v3+s26+$0x0] =	vst.idx.msk $0xffff, v2  }
0x56b: {  	v3 =	vor.u32 v60, v0;
	v2 =	vld.idx.msk [tilespmem:v4+s18+$0x0], $0xffff  }
0x56c: {  	v4 =	vor.u32 v49, v1;
	_ =	sdelay $0x3  }
0x56d: {  	[tilespmem:v3+s26+$0x0] =	vst.idx.msk $0xffff, v2  }
0x56e: {  	v3 =	vor.u32 v61, v0;
	v2 =	vld.idx.msk [tilespmem:v4+s18+$0x0], $0xffff  }
0x56f: {  	p0 =	sne.s32 s1, $0x1F;
	v4 =	vor.u32 v50, v1  }
.Ltmp4:
0x570: {  	_ = 	snop;
	(pc) =	sbr.rel @p0 .LBB2_10-.Ltmp4, $3  }
0x571: {  	_ =	sdelay $0x1  }
0x572: {  	s0 =	sadd.s32 $0x10, s0;
	[tilespmem:v3+s26+$0x0] =	vst.idx.msk $0xffff, v2  }
0x573: {  	s8 =	sshrl.u32 s1, $0x3;
	s1 =	sadd.s32 $0x1, s1;
	s9 =	sand.u32 $0x70, s0;
	v1 =	vor.u32 v51, v1;
	v3 =	vor.u32 v62, v0;
	v2 =	vld.idx.msk [tilespmem:v4+s18+$0x0], $0xffff  }
0x574: {  	_ =	sdelay $0x3  }
0x575: {  	[tilespmem:v3+s26+$0x0] =	vst.idx.msk $0xffff, v2  }
0x576: {  	v0 =	vor.u32 v63, v0;
	v3 =	vld.idx.msk [tilespmem:v1+s18+$0x0], $0xffff  }
0x577: {  	v5 =	vlaneseq.u32  }
0x578: {  	s0 =	sshll.u32 s8, $0x7;
	v4 =	vor.u32 s9, v5  }
0x579: {  	v2 =	vor.u32 s0, v4  }
0x57a: {  	v1 =	vshll.u32 v2, $0x5  }
0x57b: {  	v2 =	vor.u32 v5, v1;
	[tilespmem:v0+s26+$0x0] =	vst.idx.msk $0xffff, v3;
	v3 =	vld [tilespmem:$0x1FE40];
	_ =	sdelay $0x2  }
0x57c: {  	s13 =	sshll.u32 s8, $0xA;
	v4 =	vand.u32 $0x78, v4  }
0x57d: {  	v0 =	vor.u32 s13, v4;
	v4 =	vld [tilespmem:$0x1FE50]  }
0x57e: {  	v2 =	vld.idx.msk [tilespmem:v2+s18+$0x0], $0xffff;
	v3 =	vor.u32 v3, v0;
	_ =	sdelay $0x3  }
0x57f: {  	v4 =	vor.u32 v4, v1  }
0x580: {  	[tilespmem:v3+s26+$0x0] =	vst.idx.msk $0xffff, v2;
	v3 =	vld [tilespmem:$0x1FE60];
	_ =	sdelay $0x3  }
0x581: {  	v2 =	vld.idx.msk [tilespmem:v4+s18+$0x0], $0xffff  }
0x582: {  	v4 =	vld [tilespmem:$0x1FE70];
	v3 =	vor.u32 v3, v0;
	_ =	sdelay $0x4  }
0x583: {  	v4 =	vor.u32 v4, v1;
	[tilespmem:v3+s26+$0x0] =	vst.idx.msk $0xffff, v2;
	v3 =	vld [tilespmem:$0x1FE80];
	_ =	sdelay $0x4  }
0x584: {  	v2 =	vld.idx.msk [tilespmem:v4+s18+$0x0], $0xffff;
	v3 =	vor.u32 v3, v0  }
0x585: {  	v4 =	vor.u32 v7, v1;
	_ =	sdelay $0x3  }
0x586: {  	[tilespmem:v3+s26+$0x0] =	vst.idx.msk $0xffff, v2  }
0x587: {  	v3 =	vor.u32 v8, v0;
	v2 =	vld.idx.msk [tilespmem:v4+s18+$0x0], $0xffff  }
0x588: {  	v4 =	vor.u32 v6, v1;
	_ =	sdelay $0x3  }
0x589: {  	[tilespmem:v3+s26+$0x0] =	vst.idx.msk $0xffff, v2  }
0x58a: {  	v3 =	vor.u32 v9, v0;
	v2 =	vld.idx.msk [tilespmem:v4+s18+$0x0], $0xffff  }
0x58b: {  	v4 =	vor.u32 v10, v1;
	_ =	sdelay $0x3  }
0x58c: {  	[tilespmem:v3+s26+$0x0] =	vst.idx.msk $0xffff, v2  }
0x58d: {  	v3 =	vor.u32 v11, v0;
	v2 =	vld.idx.msk [tilespmem:v4+s18+$0x0], $0xffff  }
0x58e: {  	v4 =	vor.u32 v12, v1;
	_ =	sdelay $0x3  }
0x58f: {  	[tilespmem:v3+s26+$0x0] =	vst.idx.msk $0xffff, v2  }
0x590: {  	v3 =	vor.u32 v13, v0;
	v2 =	vld.idx.msk [tilespmem:v4+s18+$0x0], $0xffff  }
0x591: {  	v4 =	vor.u32 v14, v1;
	_ =	sdelay $0x3  }
0x592: {  	[tilespmem:v3+s26+$0x0] =	vst.idx.msk $0xffff, v2  }
0x593: {  	v3 =	vor.u32 v15, v0;
	v2 =	vld.idx.msk [tilespmem:v4+s18+$0x0], $0xffff  }
0x594: {  	v4 =	vor.u32 v16, v1;
	_ =	sdelay $0x3  }
0x595: {  	[tilespmem:v3+s26+$0x0] =	vst.idx.msk $0xffff, v2  }
0x596: {  	v3 =	vor.u32 v17, v0;
	v2 =	vld.idx.msk [tilespmem:v4+s18+$0x0], $0xffff  }
0x597: {  	v4 =	vor.u32 v18, v1;
	_ =	sdelay $0x3  }
0x598: {  	[tilespmem:v3+s26+$0x0] =	vst.idx.msk $0xffff, v2  }
0x599: {  	v3 =	vor.u32 v19, v0;
	v2 =	vld.idx.msk [tilespmem:v4+s18+$0x0], $0xffff  }
0x59a: {  	v4 =	vor.u32 v20, v1;
	_ =	sdelay $0x3  }
0x59b: {  	[tilespmem:v3+s26+$0x0] =	vst.idx.msk $0xffff, v2  }
0x59c: {  	v3 =	vor.u32 v21, v0;
	v2 =	vld.idx.msk [tilespmem:v4+s18+$0x0], $0xffff  }
0x59d: {  	v4 =	vor.u32 v22, v1;
	_ =	sdelay $0x3  }
0x59e: {  	[tilespmem:v3+s26+$0x0] =	vst.idx.msk $0xffff, v2  }
0x59f: {  	v3 =	vor.u32 v23, v0;
	v2 =	vld.idx.msk [tilespmem:v4+s18+$0x0], $0xffff  }
0x5a0: {  	v4 =	vor.u32 v24, v1;
	_ =	sdelay $0x3  }
0x5a1: {  	[tilespmem:v3+s26+$0x0] =	vst.idx.msk $0xffff, v2  }
0x5a2: {  	v3 =	vor.u32 v25, v0;
	v2 =	vld.idx.msk [tilespmem:v4+s18+$0x0], $0xffff  }
0x5a3: {  	v4 =	vor.u32 v26, v1;
	_ =	sdelay $0x3  }
0x5a4: {  	[tilespmem:v3+s26+$0x0] =	vst.idx.msk $0xffff, v2  }
0x5a5: {  	v3 =	vor.u32 v27, v0;
	v2 =	vld.idx.msk [tilespmem:v4+s18+$0x0], $0xffff  }
0x5a6: {  	v4 =	vor.u32 v28, v1;
	_ =	sdelay $0x3  }
0x5a7: {  	[tilespmem:v3+s26+$0x0] =	vst.idx.msk $0xffff, v2  }
0x5a8: {  	v3 =	vor.u32 v29, v0;
	v2 =	vld.idx.msk [tilespmem:v4+s18+$0x0], $0xffff  }
0x5a9: {  	v4 =	vor.u32 v30, v1;
	_ =	sdelay $0x3  }
0x5aa: {  	[tilespmem:v3+s26+$0x0] =	vst.idx.msk $0xffff, v2  }
0x5ab: {  	v3 =	vor.u32 v31, v0;
	v2 =	vld.idx.msk [tilespmem:v4+s18+$0x0], $0xffff  }
0x5ac: {  	v4 =	vor.u32 v38, v1;
	_ =	sdelay $0x3  }
0x5ad: {  	[tilespmem:v3+s26+$0x0] =	vst.idx.msk $0xffff, v2  }
0x5ae: {  	v3 =	vor.u32 v32, v0;
	v2 =	vld.idx.msk [tilespmem:v4+s18+$0x0], $0xffff  }
0x5af: {  	v4 =	vor.u32 v39, v1;
	_ =	sdelay $0x3  }
0x5b0: {  	[tilespmem:v3+s26+$0x0] =	vst.idx.msk $0xffff, v2  }
0x5b1: {  	v3 =	vor.u32 v37, v0;
	v2 =	vld.idx.msk [tilespmem:v4+s18+$0x0], $0xffff  }
0x5b2: {  	v4 =	vor.u32 v40, v1;
	_ =	sdelay $0x3  }
0x5b3: {  	[tilespmem:v3+s26+$0x0] =	vst.idx.msk $0xffff, v2  }
0x5b4: {  	v3 =	vor.u32 v42, v0;
	v2 =	vld.idx.msk [tilespmem:v4+s18+$0x0], $0xffff  }
0x5b5: {  	v4 =	vor.u32 v41, v1;
	_ =	sdelay $0x3  }
0x5b6: {  	[tilespmem:v3+s26+$0x0] =	vst.idx.msk $0xffff, v2  }
0x5b7: {  	v41 =	vor.u32 v47, v0;
	v2 =	vld.idx.msk [tilespmem:v4+s18+$0x0], $0xffff  }
0x5b8: {  	v4 =	vor.u32 v33, v1;
	_ =	sdelay $0x3  }
0x5b9: {  	[tilespmem:v41+s26+$0x0] =	vst.idx.msk $0xffff, v2  }
0x5ba: {  	v33 =	vor.u32 v52, v0;
	v2 =	vld.idx.msk [tilespmem:v4+s18+$0x0], $0xffff  }
0x5bb: {  	v4 =	vor.u32 v34, v1;
	_ =	sdelay $0x3  }
0x5bc: {  	[tilespmem:v33+s26+$0x0] =	vst.idx.msk $0xffff, v2  }
0x5bd: {  	v34 =	vor.u32 v53, v0;
	v2 =	vld.idx.msk [tilespmem:v4+s18+$0x0], $0xffff  }
0x5be: {  	v4 =	vor.u32 v35, v1;
	_ =	sdelay $0x3  }
0x5bf: {  	[tilespmem:v34+s26+$0x0] =	vst.idx.msk $0xffff, v2  }
0x5c0: {  	v35 =	vor.u32 v54, v0;
	v2 =	vld.idx.msk [tilespmem:v4+s18+$0x0], $0xffff  }
0x5c1: {  	v4 =	vor.u32 v36, v1;
	_ =	sdelay $0x3  }
0x5c2: {  	[tilespmem:v35+s26+$0x0] =	vst.idx.msk $0xffff, v2  }
0x5c3: {  	v41 =	vor.u32 v55, v0;
	v2 =	vld.idx.msk [tilespmem:v4+s18+$0x0], $0xffff  }
0x5c4: {  	v4 =	vor.u32 v43, v1;
	_ =	sdelay $0x3  }
0x5c5: {  	[tilespmem:v41+s26+$0x0] =	vst.idx.msk $0xffff, v2  }
0x5c6: {  	v43 =	vor.u32 v56, v0;
	v2 =	vld.idx.msk [tilespmem:v4+s18+$0x0], $0xffff  }
0x5c7: {  	v4 =	vor.u32 v44, v1;
	_ =	sdelay $0x3  }
0x5c8: {  	[tilespmem:v43+s26+$0x0] =	vst.idx.msk $0xffff, v2  }
0x5c9: {  	v44 =	vor.u32 v57, v0;
	v2 =	vld.idx.msk [tilespmem:v4+s18+$0x0], $0xffff  }
0x5ca: {  	v4 =	vor.u32 v45, v1;
	_ =	sdelay $0x3  }
0x5cb: {  	[tilespmem:v44+s26+$0x0] =	vst.idx.msk $0xffff, v2  }
0x5cc: {  	v45 =	vor.u32 v58, v0;
	v2 =	vld.idx.msk [tilespmem:v4+s18+$0x0], $0xffff  }
0x5cd: {  	v4 =	vor.u32 v46, v1;
	_ =	sdelay $0x3  }
0x5ce: {  	[tilespmem:v45+s26+$0x0] =	vst.idx.msk $0xffff, v2  }
0x5cf: {  	v46 =	vor.u32 v59, v0;
	v2 =	vld.idx.msk [tilespmem:v4+s18+$0x0], $0xffff  }
0x5d0: {  	v4 =	vor.u32 v48, v1;
	_ =	sdelay $0x3  }
0x5d1: {  	[tilespmem:v46+s26+$0x0] =	vst.idx.msk $0xffff, v2  }
0x5d2: {  	v48 =	vor.u32 v60, v0;
	v2 =	vld.idx.msk [tilespmem:v4+s18+$0x0], $0xffff  }
0x5d3: {  	v4 =	vor.u32 v49, v1;
	_ =	sdelay $0x3  }
0x5d4: {  	[tilespmem:v48+s26+$0x0] =	vst.idx.msk $0xffff, v2  }
0x5d5: {  	v49 =	vor.u32 v61, v0;
	v2 =	vld.idx.msk [tilespmem:v4+s18+$0x0], $0xffff  }
0x5d6: {  	v4 =	vor.u32 v50, v1;
	_ =	sdelay $0x3  }
0x5d7: {  	[tilespmem:v49+s26+$0x0] =	vst.idx.msk $0xffff, v2  }
0x5d8: {  	v50 =	vor.u32 v62, v0;
	v2 =	vld.idx.msk [tilespmem:v4+s18+$0x0], $0xffff  }
0x5d9: {  	v1 =	vor.u32 v51, v1;
	_ =	sdelay $0x3  }
0x5da: {  	[tilespmem:v50+s26+$0x0] =	vst.idx.msk $0xffff, v2  }
0x5db: {  	v0 =	vor.u32 v63, v0;
	v1 =	vld.idx.msk [tilespmem:v1+s18+$0x0], $0xffff;
	_ =	sdelay $0x4  }
0x5dc: {  	[tilespmem:v0+s26+$0x0] =	vst.idx.msk $0xffff, v1  }
0x5dd: {  	[hbm4b:s24+s22] =	stream.strided.scatter [tilespmem:s26], [sflag:$0x6], $0x4000, s23, s22, $0x38;
	[tilespmem:$0x10400] =	vst v63  }
0x5de: {  	_ =	swait.ge [sflag:s28], $0x4000  }
0x5df: {  	[sflag:s28] =	ssyncset.done $0x0  }
0x5e0: {  	[sflag:s28] =	ssyncadd.s32 $0xFFFFC000  }
0x5e1: {  	_ =	swait.ge [sflag:s29], $0x4000  }
0x5e2: {  	s30 =	sadd.s32 $0x1, s30;
	s31 =	rddreg [dreg:$0x5]  }
0x5e3: {  	p0 =	sne.s32 s30, s31  }
.Ltmp5:
0x5e4: {  	_ = 	snop;
	(pc) =	sbr.rel @p0 .LBB2_1-.Ltmp5, $3  }
0x5e5: {  	_ =	sdelay $0x1  }
0x5e6: {  	[sflag:s29] =	ssyncset.done $0x0  }
0x5e7: {  	[sflag:s29] =	ssyncadd.s32 $0xFFFFC000  }
0x5e8: {  	_ =	sfence.sel $0x180000  }
0x5e9: {  	[bflag:$0x0] =	sbarrier.arrive $0xFFFF  }
0x5ea: {  	_ =	strace $0x90000047  }
0x5eb: {  	s0 =	stileid.u32;
	[bflag:$0x2] =	sbarrier.arrive $0xFFFF  }
0x5ec: {  	p0 =	sne.s32 s0, $0x0;
	s0 =	rddreg [dreg:$0x2]  }
0x5ed: {  	s0 =	sadd.s32 @!p0 $0x100000, s0  }
0x5ee: {  	[sflag:s0] =	ssyncadd.tile.s32 @!p0 $0x1;
	_ =	shalt  }
.Lfunc_end2:
_tile_overlayer_lowered:
.L_overlay_start_2:
0x5ef: {  	(tag) =	ssettag $0x2  }
0x5f0: {  	s0 =	rddreg [dreg:$0x0];
	s2 =	stileid.u32  }
0x5f1: {  	s1 =	rddreg [dreg:$0x1];
	p0 =	sne.s32 s2, $0x0  }
0x5f2: {  	s3 =	rddreg [dreg:$0x2];
	[bflag:$0x3] =	sbarrier.arrive $0xFFFF;
	s2 =	simm.s32 @!p0 $0x1C07  }
0x5f3: {  	[timem:s3], [sflag:s2] =	dma.local @!p0 [hbm:s0], s1  }
0x5f4: {  	s0 =	simm.s32 @!p0 $0x7  }
0x5f5: {  	_ =	swait.ge @!p0 [sflag:s0], s1  }
0x5f6: {  	s1 =	ssub.s32 @!p0 $0x0, s1;
	[sflag:s0] =	ssyncset.done @!p0 $0x0  }
0x5f7: {  	[sflag:s0] =	ssyncadd.s32 @!p0 s1  }
0x5f8: {  	[bflag:$0x3] =	sbarrier.arrive $0xFFFF  }
0x5f9: {  	_ =	shalt  }

</sc_bundles>
